<compile_context>
chip_gen: v7x
topology: tpu7x:2x2x1
jax: 0.10.2.dev20260603
libtpu: 0.0.44.dev20260713+nightly
codegen_flags: <defaults>
</compile_context>

<pallas_src>
import functools

import jax
import jax.numpy as jnp
from jax import lax
from jax.experimental import pallas as pl
from jax.experimental.pallas import tpu as pltpu
from jax.experimental.pallas import tpu_sc as plsc

B = 64
N = 131072
XMAX = 2048
YMAX = 64

NW = 32
GB = 8
NG = B // GB
NS = NW // NG
SLICE = N // NS
CH = 4096
NCH = SLICE // CH
L = 16


def _sc_body(x_hbm, xc_hbm, psums_hbm, pcnt_hbm,
             idx_v, vals_v, acc_v, cnt_v, sem_i, sem_v, sem_o):
    cid = lax.axis_index("c")
    sid = lax.axis_index("s")
    wid = sid * 2 + cid
    g = wid % NG
    s = wid // NG

    zf = jnp.zeros((L,), jnp.float32)

    @plsc.parallel_loop(0, XMAX, L, unroll=8)
    def _(i):
        cnt_v[pl.ds(i, L)] = zf

    @plsc.parallel_loop(0, GB * XMAX, L, unroll=8)
    def _(i):
        acc_v[pl.ds(i, L)] = zf

    def start(c, buf):
        base = s * SLICE + c * CH
        pltpu.make_async_copy(
            xc_hbm.at[pl.ds(base, CH)], idx_v.at[buf], sem_i.at[buf]).start()
        pltpu.make_async_copy(
            x_hbm.at[pl.ds(g * GB, GB), 0, 0, pl.ds(base, CH)],
            vals_v.at[buf], sem_v.at[buf]).start()

    def wait(c, buf):
        base = s * SLICE + c * CH
        pltpu.make_async_copy(
            xc_hbm.at[pl.ds(base, CH)], idx_v.at[buf], sem_i.at[buf]).wait()
        pltpu.make_async_copy(
            x_hbm.at[pl.ds(g * GB, GB), 0, 0, pl.ds(base, CH)],
            vals_v.at[buf], sem_v.at[buf]).wait()

    ones = jnp.full((L,), 1.0, jnp.float32)
    start(0, 0)
    for c in range(NCH):
        buf = c & 1
        if c + 1 < NCH:
            start(c + 1, (c + 1) & 1)
        wait(c, buf)

        @plsc.parallel_loop(0, CH, L, unroll=4)
        def _(i):
            iv = idx_v[buf, pl.ds(i, L)]
            for b in range(GB):
                v = vals_v[buf, b, pl.ds(i, L)]
                plsc.addupdate_scatter(acc_v, [iv + jnp.int32(b * XMAX)], v)

        @pl.when(g == c)
        def _():
            @plsc.parallel_loop(0, CH, L, unroll=4)
            def _(i):
                iv = idx_v[buf, pl.ds(i, L)]
                plsc.addupdate_scatter(cnt_v, [iv], ones)

    outs = [pltpu.make_async_copy(acc_v.at[pl.ds(b * XMAX, XMAX)],
                                  psums_hbm.at[g * GB + b, s], sem_o)
            for b in range(GB)]
    outs.append(pltpu.make_async_copy(cnt_v, pcnt_hbm.at[wid], sem_o))
    for o in outs:
        o.start()
    for o in outs:
        o.wait()


_sc_segsum = functools.partial(
    pl.kernel,
    out_type=(
        jax.ShapeDtypeStruct((B, NS, XMAX), jnp.float32),
        jax.ShapeDtypeStruct((NW, XMAX), jnp.float32),
    ),
    mesh=plsc.VectorSubcoreMesh(core_axis_name="c", subcore_axis_name="s"),
    compiler_params=pltpu.CompilerParams(
        needs_layout_passes=False, use_tc_tiling_on_sc=True,
        disable_bounds_checks=True),
    scratch_types=[
        pltpu.VMEM((2, CH), jnp.int32),
        pltpu.VMEM((2, GB, CH), jnp.float32),
        pltpu.VMEM((GB * XMAX,), jnp.float32),
        pltpu.VMEM((XMAX,), jnp.float32),
        pltpu.SemaphoreType.DMA((2,)),
        pltpu.SemaphoreType.DMA((2,)),
        pltpu.SemaphoreType.DMA,
    ],
)(_sc_body)


BT = 16


def _tc_body(psums_ref, pcnt_ref, y_ref, out_ref):
    cnt = jnp.maximum(
        jnp.sum(pcnt_ref[...], axis=0, keepdims=True), 1.0)
    inv = 1.0 / cnt
    yv = y_ref[0:1, :]
    yi = lax.broadcasted_iota(jnp.int32, (YMAX, XMAX), 0)
    m = yi == yv
    for b in range(BT):
        srow = jnp.sum(psums_ref[b], axis=0, keepdims=True)
        out_ref[b] = jnp.where(m, srow * inv, 0.0)


def _tc_expand(psums, pcnt, y2):
    return pl.pallas_call(
        _tc_body,
        grid=(B // BT,),
        in_specs=[
            pl.BlockSpec((BT, NS, XMAX), lambda b: (b, 0, 0)),
            pl.BlockSpec((NW, XMAX), lambda b: (0, 0)),
            pl.BlockSpec((8, XMAX), lambda b: (0, 0)),
        ],
        out_specs=pl.BlockSpec((BT, YMAX, XMAX), lambda b: (b, 0, 0)),
        out_shape=jax.ShapeDtypeStruct((B, YMAX, XMAX), jnp.float32),
    )(psums, pcnt, y2)


def kernel(x, x_coord, y_coord):
    psums, pcnt = _sc_segsum(x, x_coord)
    y2 = jnp.broadcast_to(y_coord.reshape(1, XMAX), (8, XMAX))
    return _tc_expand(psums, pcnt, y2)

# --- scband reference (transcript-rebuilt; emitter-appended) ---
"""Pipeline reference for scband-scatter2-d-80874234184357 (READ-ONLY COPY).

The authoritative reference and input builder live on the scoring server;
editing this copy changes nothing except your own understanding.
"""

import jax, jax.numpy as jnp
import numpy as np

PI = np.pi
H, W = 64, 2048
Y_MAX, X_MAX = 64, 2048
B = 64
N = H * W


def _build_coords():
    key = jax.random.key(1)
    k1, k2 = jax.random.split(key)
    theta = jax.random.uniform(k1, (H, W), minval=-PI, maxval=PI, dtype=jnp.float32)
    phi = jax.random.uniform(k2, (H, W), minval=-PI / 2.0, maxval=PI / 2.0, dtype=jnp.float32)
    # __init__ precomputation of Scatter2D (buffers)
    x_coord = jnp.round((theta / PI + 1.0) * (X_MAX - 1) / 2.0).astype(jnp.int32).reshape(-1)
    y_pix = jnp.round((-phi / PI + 0.5) * (Y_MAX - 1)).astype(jnp.int32).reshape(-1)
    # scatter_mean on integer tensors: torch_scatter uses floor division
    sums = jax.ops.segment_sum(y_pix, x_coord, num_segments=X_MAX)
    cnt = jax.ops.segment_sum(jnp.ones_like(y_pix), x_coord, num_segments=X_MAX)
    cnt = jnp.maximum(cnt, 1)
    y_coord = jnp.floor_divide(sums, cnt).astype(jnp.int32)
    return x_coord, y_coord


def setup_inputs(seed: int = 0) -> dict:
    key = jax.random.key(seed)
    x = jax.random.normal(key, (B, 1, 1, N), dtype=jnp.float32)
    x_coord, y_coord = _build_coords()
    return {"x": x, "x_coord": x_coord, "y_coord": y_coord}


def reference(x, x_coord, y_coord):
    # x.flatten(-3, -2)
    xf = x.reshape(x.shape[:-3] + (x.shape[-3] * x.shape[-2], x.shape[-1]))  # [B, M, N]
    Bd, M, Nn = xf.shape
    # scatter_mean along dim=-1 with index x_coord (broadcast over B, M)
    sums = jax.ops.segment_sum(jnp.moveaxis(xf, -1, 0), x_coord, num_segments=X_MAX)  # [X_MAX, B, M]
    cnt = jax.ops.segment_sum(jnp.ones((Nn,), xf.dtype), x_coord, num_segments=X_MAX)
    cnt = jnp.maximum(cnt, 1.0)
    x1 = jnp.moveaxis(sums / cnt[:, None, None], 0, -1)  # [B, M, X_MAX]
    # scatter_mean along dim=-2 with index y_coord (varies along last dim, broadcast over B, M)
    colsum = x1.sum(axis=-2)  # [B, X_MAX]
    j = jnp.arange(X_MAX)
    sums2 = jnp.zeros((Bd, Y_MAX, X_MAX), x1.dtype).at[:, y_coord, j].add(colsum)
    cnt2 = jnp.zeros((Y_MAX, X_MAX), x1.dtype).at[y_coord, j].add(jnp.float32(M))
    cnt2 = jnp.maximum(cnt2, 1.0)
    out = sums2 / cnt2  # [B, Y_MAX, X_MAX]
    # torch .squeeze(1): only squeezes if that dim has size 1
    if out.shape[1] == 1:
        out = jnp.squeeze(out, axis=1)
    return out

if __name__ == "__main__":
    import jax
    _d = setup_inputs()
    print(jax.jit(kernel)(*tuple(_d.values())))

</pallas_src>

<mosaic_0001>
#map = affine_map<(d0, d1) -> (0, 0, 0, 0)>
#map1 = affine_map<(d0, d1) -> (0)>
#map2 = affine_map<(d0, d1) -> (0, 0, 0)>
#map3 = affine_map<(d0, d1) -> (0, 0)>
module attributes {stable_mosaic.version = 14 : i64} {
  func.func @_sc_body(%arg0: i32, %arg1: i32, %arg2: memref<64x1x1x131072xf32, #tpu.memory_space<hbm>>, %arg3: memref<131072xi32, #tpu.memory_space<hbm>>, %arg4: memref<64x4x2048xf32, #tpu.memory_space<hbm>>, %arg5: memref<32x2048xf32, #tpu.memory_space<hbm>>, %arg6: memref<2x4096xi32, #tpu.memory_space<vmem>>, %arg7: memref<2x8x4096xf32, #tpu.memory_space<vmem>>, %arg8: memref<16384xf32, #tpu.memory_space<vmem>>, %arg9: memref<2048xf32, #tpu.memory_space<vmem>>, %arg10: memref<2x!tpu.dma_semaphore, #tpu.memory_space<semaphore_mem>>, %arg11: memref<2x!tpu.dma_semaphore, #tpu.memory_space<semaphore_mem>>, %arg12: memref<!tpu.dma_semaphore, #tpu.memory_space<semaphore_mem>>) attributes {dimension_semantics = [#tpu.dimension_semantics<core_parallel>, #tpu.dimension_semantics<subcore_parallel>], iteration_bounds = array<i64: 2, 16>, scalar_prefetch = 0 : i64, scratch_operands = 7 : i64, tpu.core_type = #tpu.core_type<sc_vector_subcore>, window_params = [{transform_indices = #map}, {transform_indices = #map1}, {transform_indices = #map2}, {transform_indices = #map3}]} {
    %mul3A = arith.constant 2 : i32
    %mul3A_0 = arith.muli %arg1, %mul3A : i32
    %add3A = arith.addi %mul3A_0, %arg0 : i32
    %jit3A = arith.constant 8 : i32
    %eq3A = arith.constant 0 : i32
    %eq3A_1 = arith.cmpi eq, %jit3A, %eq3A : i32
    %jit3A_2 = arith.constant 1 : i32
    %select_n3A = arith.select %eq3A_1, %jit3A_2, %jit3A : i32
    %rem3A = arith.remsi %add3A, %select_n3A : i32
    %ne3A = arith.constant 0 : i32
    %ne3A_3 = arith.cmpi ne, %rem3A, %ne3A : i32
    %lt3A = arith.constant 0 : i32
    %lt3A_4 = arith.cmpi slt, %rem3A, %lt3A : i32
    %lt3A_5 = arith.constant 0 : i32
    %lt3A_6 = arith.cmpi slt, %select_n3A, %lt3A_5 : i32
    %ne3A_7 = arith.xori %lt3A_4, %lt3A_6 : i1
    %and3A = arith.andi %ne3A_7, %ne3A_3 : i1
    %add3A_8 = arith.addi %rem3A, %select_n3A : i32
    %select_n3A_9 = arith.select %and3A, %add3A_8, %rem3A : i32
    %jit3A_10 = arith.constant 8 : i32
    %div3A = arith.divsi %add3A, %jit3A_10 : i32
    %sign3A = arith.constant 0 : i32
    %sign3A_11 = arith.cmpi sgt, %add3A, %sign3A : i32
    %sign3A_12 = arith.extui %sign3A_11 : i1 to i32
    %sign3A_13 = arith.constant 0 : i32
    %sign3A_14 = arith.cmpi slt, %add3A, %sign3A_13 : i32
    %sign3A_15 = arith.extui %sign3A_14 : i1 to i32
    %sign3A_16 = arith.subi %sign3A_12, %sign3A_15 : i32
    %sign3A_17 = arith.constant 0 : i32
    %sign3A_18 = arith.cmpi sgt, %jit3A_10, %sign3A_17 : i32
    %sign3A_19 = arith.extui %sign3A_18 : i1 to i32
    %sign3A_20 = arith.constant 0 : i32
    %sign3A_21 = arith.cmpi slt, %jit3A_10, %sign3A_20 : i32
    %sign3A_22 = arith.extui %sign3A_21 : i1 to i32
    %sign3A_23 = arith.subi %sign3A_19, %sign3A_22 : i32
    %ne3A_24 = arith.cmpi ne, %sign3A_16, %sign3A_23 : i32
    %rem3A_25 = arith.remsi %add3A, %jit3A_10 : i32
    %ne3A_26 = arith.constant 0 : i32
    %ne3A_27 = arith.cmpi ne, %rem3A_25, %ne3A_26 : i32
    %and3A_28 = arith.andi %ne3A_24, %ne3A_27 : i1
    %sub3A = arith.constant 1 : i32
    %sub3A_29 = arith.subi %div3A, %sub3A : i32
    %select_n3A_30 = arith.select %and3A_28, %sub3A_29, %div3A : i32
    %broadcast_in_dim3A = arith.constant 0.000000e+00 : f32
    %broadcast_in_dim3A_31 = vector.broadcast %broadcast_in_dim3A : f32 to vector<16xf32>
    %parallel_loop3A = arith.constant 0 : i32
    %parallel_loop3A_32 = arith.constant 2048 : i32
    %parallel_loop3A_33 = arith.constant 16 : i32
    scf.for %parallel_loop3A_879 = %parallel_loop3A to %parallel_loop3A_32 step %parallel_loop3A_33  : i32 {
      %parallel_loop3A_880 = arith.index_cast %parallel_loop3A_879 : i32 to index
      %parallel_loop3A_881 = tpu.vector_load %arg9[%parallel_loop3A_880] {strides = array<i32>} : memref<2048xf32, #tpu.memory_space<vmem>>, vector<16xf32>,
      tpu.vector_store %arg9[%parallel_loop3A_880], %broadcast_in_dim3A_31 {strides = array<i32>} : memref<2048xf32, #tpu.memory_space<vmem>>, vector<16xf32>,
    } {sc.loop_unroll_factor = 8 : i64, sc.parallel_access}
    %parallel_loop3A_34 = arith.constant 0 : i32
    %parallel_loop3A_35 = arith.constant 16384 : i32
    %parallel_loop3A_36 = arith.constant 16 : i32
    scf.for %parallel_loop3A_879 = %parallel_loop3A_34 to %parallel_loop3A_35 step %parallel_loop3A_36  : i32 {
      %parallel_loop3A_880 = arith.index_cast %parallel_loop3A_879 : i32 to index
      %parallel_loop3A_881 = tpu.vector_load %arg8[%parallel_loop3A_880] {strides = array<i32>} : memref<16384xf32, #tpu.memory_space<vmem>>, vector<16xf32>,
      tpu.vector_store %arg8[%parallel_loop3A_880], %broadcast_in_dim3A_31 {strides = array<i32>} : memref<16384xf32, #tpu.memory_space<vmem>>, vector<16xf32>,
    } {sc.loop_unroll_factor = 8 : i64, sc.parallel_access}
    %broadcast_in_dim3A_37 = arith.constant 1.000000e+00 : f32
    %broadcast_in_dim3A_38 = vector.broadcast %broadcast_in_dim3A_37 : f32 to vector<16xf32>
    %mul3A_39 = arith.constant 32768 : i32
    %mul3A_40 = arith.muli %select_n3A_30, %mul3A_39 : i32
    %add3A_41 = arith.constant 0 : i32
    %add3A_42 = arith.addi %mul3A_40, %add3A_41 : i32
    %dma_start3A = arith.constant 0 : i32
    %dma_start3A_43 = arith.constant 0 : i32
    %dma_start3A_44 = arith.constant 0 : i32
    %dma_start3A_45 = tpu.memref_slice %arg6[%dma_start3A, %dma_start3A_44] : memref<2x4096xi32, #tpu.memory_space<vmem>> -> memref<1x4096xi32, #tpu.memory_space<vmem>>
    %dma_start3A_46 = tpu.memref_squeeze %dma_start3A_45 : memref<1x4096xi32, #tpu.memory_space<vmem>> -> memref<4096xi32, #tpu.memory_space<vmem>>
    %dma_start3A_47 = tpu.memref_slice %arg3[%add3A_42] : memref<131072xi32, #tpu.memory_space<hbm>> -> memref<4096xi32, #tpu.memory_space<hbm>>
    %dma_start3A_48 = tpu.memref_slice %arg10[%dma_start3A_43] : memref<2x!tpu.dma_semaphore, #tpu.memory_space<semaphore_mem>> -> memref<1x!tpu.dma_semaphore, #tpu.memory_space<semaphore_mem>>
    %dma_start3A_49 = tpu.memref_squeeze %dma_start3A_48 : memref<1x!tpu.dma_semaphore, #tpu.memory_space<semaphore_mem>> -> memref<!tpu.dma_semaphore, #tpu.memory_space<semaphore_mem>>
    %dma_start3A_50 = arith.constant 0 : i32
    %dma_start3A_51 = tpu.memref_slice %arg6[%dma_start3A, %dma_start3A_50] : memref<2x4096xi32, #tpu.memory_space<vmem>> -> memref<1x4096xi32, #tpu.memory_space<vmem>>
    %dma_start3A_52 = tpu.memref_squeeze %dma_start3A_51 : memref<1x4096xi32, #tpu.memory_space<vmem>> -> memref<4096xi32, #tpu.memory_space<vmem>>
    %dma_start3A_53 = tpu.memref_slice %arg3[%add3A_42] : memref<131072xi32, #tpu.memory_space<hbm>> -> memref<4096xi32, #tpu.memory_space<hbm>>
    tpu.enqueue_dma source(%dma_start3A_53 : memref<4096xi32, #tpu.memory_space<hbm>>) target(%dma_start3A_52 : memref<4096xi32, #tpu.memory_space<vmem>>) target_semaphore(%dma_start3A_49 : memref<!tpu.dma_semaphore, #tpu.memory_space<semaphore_mem>>)
    %mul3A_54 = arith.constant 8 : i32
    %mul3A_55 = arith.muli %select_n3A_9, %mul3A_54 : i32
    %dma_start3A_56 = arith.constant 0 : i32
    %dma_start3A_57 = arith.constant 0 : i32
    %dma_start3A_58 = arith.constant 0 : i32
    %dma_start3A_59 = arith.constant 0 : i32
    %dma_start3A_60 = arith.constant 0 : i32
    %dma_start3A_61 = arith.constant 0 : i32
    %dma_start3A_62 = tpu.memref_slice %arg7[%dma_start3A_58, %dma_start3A_60, %dma_start3A_61] : memref<2x8x4096xf32, #tpu.memory_space<vmem>> -> memref<1x8x4096xf32, #tpu.memory_space<vmem>>
    %dma_start3A_63 = tpu.memref_squeeze %dma_start3A_62 : memref<1x8x4096xf32, #tpu.memory_space<vmem>> -> memref<8x4096xf32, #tpu.memory_space<vmem>>
    %dma_start3A_64 = tpu.memref_slice %arg2[%mul3A_55, %dma_start3A_56, %dma_start3A_57, %add3A_42] : memref<64x1x1x131072xf32, #tpu.memory_space<hbm>> -> memref<8x1x1x4096xf32, #tpu.memory_space<hbm>>
    %dma_start3A_65 = tpu.memref_squeeze %dma_start3A_64 : memref<8x1x1x4096xf32, #tpu.memory_space<hbm>> -> memref<8x4096xf32, #tpu.memory_space<hbm>>
    %dma_start3A_66 = tpu.memref_slice %arg11[%dma_start3A_59] : memref<2x!tpu.dma_semaphore, #tpu.memory_space<semaphore_mem>> -> memref<1x!tpu.dma_semaphore, #tpu.memory_space<semaphore_mem>>
    %dma_start3A_67 = tpu.memref_squeeze %dma_start3A_66 : memref<1x!tpu.dma_semaphore, #tpu.memory_space<semaphore_mem>> -> memref<!tpu.dma_semaphore, #tpu.memory_space<semaphore_mem>>
    %dma_start3A_68 = arith.constant 0 : i32
    %dma_start3A_69 = arith.constant 0 : i32
    %dma_start3A_70 = tpu.memref_slice %arg7[%dma_start3A_58, %dma_start3A_68, %dma_start3A_69] : memref<2x8x4096xf32, #tpu.memory_space<vmem>> -> memref<1x8x4096xf32, #tpu.memory_space<vmem>>
    %dma_start3A_71 = tpu.memref_squeeze %dma_start3A_70 : memref<1x8x4096xf32, #tpu.memory_space<vmem>> -> memref<8x4096xf32, #tpu.memory_space<vmem>>
    %dma_start3A_72 = tpu.memref_slice %arg2[%mul3A_55, %dma_start3A_56, %dma_start3A_57, %add3A_42] : memref<64x1x1x131072xf32, #tpu.memory_space<hbm>> -> memref<8x1x1x4096xf32, #tpu.memory_space<hbm>>
    %dma_start3A_73 = tpu.memref_squeeze %dma_start3A_72 : memref<8x1x1x4096xf32, #tpu.memory_space<hbm>> -> memref<8x4096xf32, #tpu.memory_space<hbm>>
    tpu.enqueue_dma source(%dma_start3A_73 : memref<8x4096xf32, #tpu.memory_space<hbm>>) target(%dma_start3A_71 : memref<8x4096xf32, #tpu.memory_space<vmem>>) target_semaphore(%dma_start3A_67 : memref<!tpu.dma_semaphore, #tpu.memory_space<semaphore_mem>>)
    %mul3A_74 = arith.constant 32768 : i32
    %mul3A_75 = arith.muli %select_n3A_30, %mul3A_74 : i32
    %add3A_76 = arith.constant 4096 : i32
    %add3A_77 = arith.addi %mul3A_75, %add3A_76 : i32
    %dma_start3A_78 = arith.constant 1 : i32
    %dma_start3A_79 = arith.constant 1 : i32
    %dma_start3A_80 = arith.constant 0 : i32
    %dma_start3A_81 = tpu.memref_slice %arg6[%dma_start3A_78, %dma_start3A_80] : memref<2x4096xi32, #tpu.memory_space<vmem>> -> memref<1x4096xi32, #tpu.memory_space<vmem>>
    %dma_start3A_82 = tpu.memref_squeeze %dma_start3A_81 : memref<1x4096xi32, #tpu.memory_space<vmem>> -> memref<4096xi32, #tpu.memory_space<vmem>>
    %dma_start3A_83 = tpu.memref_slice %arg3[%add3A_77] : memref<131072xi32, #tpu.memory_space<hbm>> -> memref<4096xi32, #tpu.memory_space<hbm>>
    %dma_start3A_84 = tpu.memref_slice %arg10[%dma_start3A_79] : memref<2x!tpu.dma_semaphore, #tpu.memory_space<semaphore_mem>> -> memref<1x!tpu.dma_semaphore, #tpu.memory_space<semaphore_mem>>
    %dma_start3A_85 = tpu.memref_squeeze %dma_start3A_84 : memref<1x!tpu.dma_semaphore, #tpu.memory_space<semaphore_mem>> -> memref<!tpu.dma_semaphore, #tpu.memory_space<semaphore_mem>>
    %dma_start3A_86 = arith.constant 0 : i32
    %dma_start3A_87 = tpu.memref_slice %arg6[%dma_start3A_78, %dma_start3A_86] : memref<2x4096xi32, #tpu.memory_space<vmem>> -> memref<1x4096xi32, #tpu.memory_space<vmem>>
    %dma_start3A_88 = tpu.memref_squeeze %dma_start3A_87 : memref<1x4096xi32, #tpu.memory_space<vmem>> -> memref<4096xi32, #tpu.memory_space<vmem>>
    %dma_start3A_89 = tpu.memref_slice %arg3[%add3A_77] : memref<131072xi32, #tpu.memory_space<hbm>> -> memref<4096xi32, #tpu.memory_space<hbm>>
    tpu.enqueue_dma source(%dma_start3A_89 : memref<4096xi32, #tpu.memory_space<hbm>>) target(%dma_start3A_88 : memref<4096xi32, #tpu.memory_space<vmem>>) target_semaphore(%dma_start3A_85 : memref<!tpu.dma_semaphore, #tpu.memory_space<semaphore_mem>>)
    %mul3A_90 = arith.constant 8 : i32
    %mul3A_91 = arith.muli %select_n3A_9, %mul3A_90 : i32
    %dma_start3A_92 = arith.constant 0 : i32
    %dma_start3A_93 = arith.constant 0 : i32
    %dma_start3A_94 = arith.constant 1 : i32
    %dma_start3A_95 = arith.constant 1 : i32
    %dma_start3A_96 = arith.constant 0 : i32
    %dma_start3A_97 = arith.constant 0 : i32
    %dma_start3A_98 = tpu.memref_slice %arg7[%dma_start3A_94, %dma_start3A_96, %dma_start3A_97] : memref<2x8x4096xf32, #tpu.memory_space<vmem>> -> memref<1x8x4096xf32, #tpu.memory_space<vmem>>
    %dma_start3A_99 = tpu.memref_squeeze %dma_start3A_98 : memref<1x8x4096xf32, #tpu.memory_space<vmem>> -> memref<8x4096xf32, #tpu.memory_space<vmem>>
    %dma_start3A_100 = tpu.memref_slice %arg2[%mul3A_91, %dma_start3A_92, %dma_start3A_93, %add3A_77] : memref<64x1x1x131072xf32, #tpu.memory_space<hbm>> -> memref<8x1x1x4096xf32, #tpu.memory_space<hbm>>
    %dma_start3A_101 = tpu.memref_squeeze %dma_start3A_100 : memref<8x1x1x4096xf32, #tpu.memory_space<hbm>> -> memref<8x4096xf32, #tpu.memory_space<hbm>>
    %dma_start3A_102 = tpu.memref_slice %arg11[%dma_start3A_95] : memref<2x!tpu.dma_semaphore, #tpu.memory_space<semaphore_mem>> -> memref<1x!tpu.dma_semaphore, #tpu.memory_space<semaphore_mem>>
    %dma_start3A_103 = tpu.memref_squeeze %dma_start3A_102 : memref<1x!tpu.dma_semaphore, #tpu.memory_space<semaphore_mem>> -> memref<!tpu.dma_semaphore, #tpu.memory_space<semaphore_mem>>
    %dma_start3A_104 = arith.constant 0 : i32
    %dma_start3A_105 = arith.constant 0 : i32
    %dma_start3A_106 = tpu.memref_slice %arg7[%dma_start3A_94, %dma_start3A_104, %dma_start3A_105] : memref<2x8x4096xf32, #tpu.memory_space<vmem>> -> memref<1x8x4096xf32, #tpu.memory_space<vmem>>
    %dma_start3A_107 = tpu.memref_squeeze %dma_start3A_106 : memref<1x8x4096xf32, #tpu.memory_space<vmem>> -> memref<8x4096xf32, #tpu.memory_space<vmem>>
    %dma_start3A_108 = tpu.memref_slice %arg2[%mul3A_91, %dma_start3A_92, %dma_start3A_93, %add3A_77] : memref<64x1x1x131072xf32, #tpu.memory_space<hbm>> -> memref<8x1x1x4096xf32, #tpu.memory_space<hbm>>
    %dma_start3A_109 = tpu.memref_squeeze %dma_start3A_108 : memref<8x1x1x4096xf32, #tpu.memory_space<hbm>> -> memref<8x4096xf32, #tpu.memory_space<hbm>>
    tpu.enqueue_dma source(%dma_start3A_109 : memref<8x4096xf32, #tpu.memory_space<hbm>>) target(%dma_start3A_107 : memref<8x4096xf32, #tpu.memory_space<vmem>>) target_semaphore(%dma_start3A_103 : memref<!tpu.dma_semaphore, #tpu.memory_space<semaphore_mem>>)
    %mul3A_110 = arith.constant 32768 : i32
    %mul3A_111 = arith.muli %select_n3A_30, %mul3A_110 : i32
    %add3A_112 = arith.constant 0 : i32
    %add3A_113 = arith.addi %mul3A_111, %add3A_112 : i32
    %dma_wait3A = arith.constant 0 : i32
    %dma_wait3A_114 = arith.constant 0 : i32
    %dma_wait3A_115 = arith.constant 0 : i32
    %dma_wait3A_116 = tpu.memref_slice %arg6[%dma_wait3A, %dma_wait3A_115] : memref<2x4096xi32, #tpu.memory_space<vmem>> -> memref<1x4096xi32, #tpu.memory_space<vmem>>
    %dma_wait3A_117 = tpu.memref_squeeze %dma_wait3A_116 : memref<1x4096xi32, #tpu.memory_space<vmem>> -> memref<4096xi32, #tpu.memory_space<vmem>>
    %dma_wait3A_118 = tpu.memref_slice %arg3[%add3A_113] : memref<131072xi32, #tpu.memory_space<hbm>> -> memref<4096xi32, #tpu.memory_space<hbm>>
    %dma_wait3A_119 = tpu.memref_slice %arg10[%dma_wait3A_114] : memref<2x!tpu.dma_semaphore, #tpu.memory_space<semaphore_mem>> -> memref<1x!tpu.dma_semaphore, #tpu.memory_space<semaphore_mem>>
    %dma_wait3A_120 = tpu.memref_squeeze %dma_wait3A_119 : memref<1x!tpu.dma_semaphore, #tpu.memory_space<semaphore_mem>> -> memref<!tpu.dma_semaphore, #tpu.memory_space<semaphore_mem>>
    %dma_wait3A_121 = arith.constant 0 : i32
    %dma_wait3A_122 = tpu.memref_slice %arg6[%dma_wait3A, %dma_wait3A_121] : memref<2x4096xi32, #tpu.memory_space<vmem>> -> memref<1x4096xi32, #tpu.memory_space<vmem>>
    %dma_wait3A_123 = tpu.memref_squeeze %dma_wait3A_122 : memref<1x4096xi32, #tpu.memory_space<vmem>> -> memref<4096xi32, #tpu.memory_space<vmem>>
    %dma_wait3A_124 = tpu.memref_slice %arg3[%add3A_113] : memref<131072xi32, #tpu.memory_space<hbm>> -> memref<4096xi32, #tpu.memory_space<hbm>>
    tpu.wait_dma2 semaphore(%dma_wait3A_120 : memref<!tpu.dma_semaphore, #tpu.memory_space<semaphore_mem>>) src(%dma_wait3A_124 : memref<4096xi32, #tpu.memory_space<hbm>>) dst(%dma_wait3A_123 : memref<4096xi32, #tpu.memory_space<vmem>>)
    %mul3A_125 = arith.constant 8 : i32
    %mul3A_126 = arith.muli %select_n3A_9, %mul3A_125 : i32
    %dma_wait3A_127 = arith.constant 0 : i32
    %dma_wait3A_128 = arith.constant 0 : i32
    %dma_wait3A_129 = arith.constant 0 : i32
    %dma_wait3A_130 = arith.constant 0 : i32
    %dma_wait3A_131 = arith.constant 0 : i32
    %dma_wait3A_132 = arith.constant 0 : i32
    %dma_wait3A_133 = tpu.memref_slice %arg7[%dma_wait3A_129, %dma_wait3A_131, %dma_wait3A_132] : memref<2x8x4096xf32, #tpu.memory_space<vmem>> -> memref<1x8x4096xf32, #tpu.memory_space<vmem>>
    %dma_wait3A_134 = tpu.memref_squeeze %dma_wait3A_133 : memref<1x8x4096xf32, #tpu.memory_space<vmem>> -> memref<8x4096xf32, #tpu.memory_space<vmem>>
    %dma_wait3A_135 = tpu.memref_slice %arg2[%mul3A_126, %dma_wait3A_127, %dma_wait3A_128, %add3A_113] : memref<64x1x1x131072xf32, #tpu.memory_space<hbm>> -> memref<8x1x1x4096xf32, #tpu.memory_space<hbm>>
    %dma_wait3A_136 = tpu.memref_squeeze %dma_wait3A_135 : memref<8x1x1x4096xf32, #tpu.memory_space<hbm>> -> memref<8x4096xf32, #tpu.memory_space<hbm>>
    %dma_wait3A_137 = tpu.memref_slice %arg11[%dma_wait3A_130] : memref<2x!tpu.dma_semaphore, #tpu.memory_space<semaphore_mem>> -> memref<1x!tpu.dma_semaphore, #tpu.memory_space<semaphore_mem>>
    %dma_wait3A_138 = tpu.memref_squeeze %dma_wait3A_137 : memref<1x!tpu.dma_semaphore, #tpu.memory_space<semaphore_mem>> -> memref<!tpu.dma_semaphore, #tpu.memory_space<semaphore_mem>>
    %dma_wait3A_139 = arith.constant 0 : i32
    %dma_wait3A_140 = arith.constant 0 : i32
    %dma_wait3A_141 = tpu.memref_slice %arg7[%dma_wait3A_129, %dma_wait3A_139, %dma_wait3A_140] : memref<2x8x4096xf32, #tpu.memory_space<vmem>> -> memref<1x8x4096xf32, #tpu.memory_space<vmem>>
    %dma_wait3A_142 = tpu.memref_squeeze %dma_wait3A_141 : memref<1x8x4096xf32, #tpu.memory_space<vmem>> -> memref<8x4096xf32, #tpu.memory_space<vmem>>
    %dma_wait3A_143 = tpu.memref_slice %arg2[%mul3A_126, %dma_wait3A_127, %dma_wait3A_128, %add3A_113] : memref<64x1x1x131072xf32, #tpu.memory_space<hbm>> -> memref<8x1x1x4096xf32, #tpu.memory_space<hbm>>
    %dma_wait3A_144 = tpu.memref_squeeze %dma_wait3A_143 : memref<8x1x1x4096xf32, #tpu.memory_space<hbm>> -> memref<8x4096xf32, #tpu.memory_space<hbm>>
    tpu.wait_dma2 semaphore(%dma_wait3A_138 : memref<!tpu.dma_semaphore, #tpu.memory_space<semaphore_mem>>) src(%dma_wait3A_144 : memref<8x4096xf32, #tpu.memory_space<hbm>>) dst(%dma_wait3A_142 : memref<8x4096xf32, #tpu.memory_space<vmem>>)
    %parallel_loop3A_145 = arith.constant 0 : i32
    %parallel_loop3A_146 = arith.constant 4096 : i32
    %parallel_loop3A_147 = arith.constant 16 : i32
    scf.for %parallel_loop3A_879 = %parallel_loop3A_145 to %parallel_loop3A_146 step %parallel_loop3A_147  : i32 {
      %parallel_loop3A_880 = arith.constant 0 : i32
      %parallel_loop3A_881 = arith.index_cast %parallel_loop3A_880 : i32 to index
      %parallel_loop3A_882 = arith.index_cast %parallel_loop3A_879 : i32 to index
      %parallel_loop3A_883 = tpu.vector_load %arg6[%parallel_loop3A_881, %parallel_loop3A_882] {strides = array<i32>} : memref<2x4096xi32, #tpu.memory_space<vmem>>, vector<16xi32>,
      %parallel_loop3A_884 = arith.constant 0 : i32
      %parallel_loop3A_885 = arith.constant 0 : i32
      %parallel_loop3A_886 = arith.index_cast %parallel_loop3A_884 : i32 to index
      %parallel_loop3A_887 = arith.index_cast %parallel_loop3A_885 : i32 to index
      %parallel_loop3A_888 = arith.index_cast %parallel_loop3A_879 : i32 to index
      %parallel_loop3A_889 = tpu.vector_load %arg7[%parallel_loop3A_886, %parallel_loop3A_887, %parallel_loop3A_888] {strides = array<i32>} : memref<2x8x4096xf32, #tpu.memory_space<vmem>>, vector<16xf32>,
      %parallel_loop3A_890 = arith.constant 0 : i32
      %parallel_loop3A_891 = vector.broadcast %parallel_loop3A_890 : i32 to vector<16xi32>
      %parallel_loop3A_892 = arith.addi %parallel_loop3A_883, %parallel_loop3A_891 : vector<16xi32>
      tpu.vector_store_idx %arg8[%parallel_loop3A_892], %parallel_loop3A_889 {add = true} : memref<16384xf32, #tpu.memory_space<vmem>>[vector<16xi32>], vector<16xf32>,
      %parallel_loop3A_893 = arith.constant 0 : i32
      %parallel_loop3A_894 = arith.constant 1 : i32
      %parallel_loop3A_895 = arith.index_cast %parallel_loop3A_893 : i32 to index
      %parallel_loop3A_896 = arith.index_cast %parallel_loop3A_894 : i32 to index
      %parallel_loop3A_897 = arith.index_cast %parallel_loop3A_879 : i32 to index
      %parallel_loop3A_898 = tpu.vector_load %arg7[%parallel_loop3A_895, %parallel_loop3A_896, %parallel_loop3A_897] {strides = array<i32>} : memref<2x8x4096xf32, #tpu.memory_space<vmem>>, vector<16xf32>,
      %parallel_loop3A_899 = arith.constant 2048 : i32
      %parallel_loop3A_900 = vector.broadcast %parallel_loop3A_899 : i32 to vector<16xi32>
      %parallel_loop3A_901 = arith.addi %parallel_loop3A_883, %parallel_loop3A_900 : vector<16xi32>
      tpu.vector_store_idx %arg8[%parallel_loop3A_901], %parallel_loop3A_898 {add = true} : memref<16384xf32, #tpu.memory_space<vmem>>[vector<16xi32>], vector<16xf32>,
      %parallel_loop3A_902 = arith.constant 0 : i32
      %parallel_loop3A_903 = arith.constant 2 : i32
      %parallel_loop3A_904 = arith.index_cast %parallel_loop3A_902 : i32 to index
      %parallel_loop3A_905 = arith.index_cast %parallel_loop3A_903 : i32 to index
      %parallel_loop3A_906 = arith.index_cast %parallel_loop3A_879 : i32 to index
      %parallel_loop3A_907 = tpu.vector_load %arg7[%parallel_loop3A_904, %parallel_loop3A_905, %parallel_loop3A_906] {strides = array<i32>} : memref<2x8x4096xf32, #tpu.memory_space<vmem>>, vector<16xf32>,
      %parallel_loop3A_908 = arith.constant 4096 : i32
      %parallel_loop3A_909 = vector.broadcast %parallel_loop3A_908 : i32 to vector<16xi32>
      %parallel_loop3A_910 = arith.addi %parallel_loop3A_883, %parallel_loop3A_909 : vector<16xi32>
      tpu.vector_store_idx %arg8[%parallel_loop3A_910], %parallel_loop3A_907 {add = true} : memref<16384xf32, #tpu.memory_space<vmem>>[vector<16xi32>], vector<16xf32>,
      %parallel_loop3A_911 = arith.constant 0 : i32
      %parallel_loop3A_912 = arith.constant 3 : i32
      %parallel_loop3A_913 = arith.index_cast %parallel_loop3A_911 : i32 to index
      %parallel_loop3A_914 = arith.index_cast %parallel_loop3A_912 : i32 to index
      %parallel_loop3A_915 = arith.index_cast %parallel_loop3A_879 : i32 to index
      %parallel_loop3A_916 = tpu.vector_load %arg7[%parallel_loop3A_913, %parallel_loop3A_914, %parallel_loop3A_915] {strides = array<i32>} : memref<2x8x4096xf32, #tpu.memory_space<vmem>>, vector<16xf32>,
      %parallel_loop3A_917 = arith.constant 6144 : i32
      %parallel_loop3A_918 = vector.broadcast %parallel_loop3A_917 : i32 to vector<16xi32>
      %parallel_loop3A_919 = arith.addi %parallel_loop3A_883, %parallel_loop3A_918 : vector<16xi32>
      tpu.vector_store_idx %arg8[%parallel_loop3A_919], %parallel_loop3A_916 {add = true} : memref<16384xf32, #tpu.memory_space<vmem>>[vector<16xi32>], vector<16xf32>,
      %parallel_loop3A_920 = arith.constant 0 : i32
      %parallel_loop3A_921 = arith.constant 4 : i32
      %parallel_loop3A_922 = arith.index_cast %parallel_loop3A_920 : i32 to index
      %parallel_loop3A_923 = arith.index_cast %parallel_loop3A_921 : i32 to index
      %parallel_loop3A_924 = arith.index_cast %parallel_loop3A_879 : i32 to index
      %parallel_loop3A_925 = tpu.vector_load %arg7[%parallel_loop3A_922, %parallel_loop3A_923, %parallel_loop3A_924] {strides = array<i32>} : memref<2x8x4096xf32, #tpu.memory_space<vmem>>, vector<16xf32>,
      %parallel_loop3A_926 = arith.constant 8192 : i32
      %parallel_loop3A_927 = vector.broadcast %parallel_loop3A_926 : i32 to vector<16xi32>
      %parallel_loop3A_928 = arith.addi %parallel_loop3A_883, %parallel_loop3A_927 : vector<16xi32>
      tpu.vector_store_idx %arg8[%parallel_loop3A_928], %parallel_loop3A_925 {add = true} : memref<16384xf32, #tpu.memory_space<vmem>>[vector<16xi32>], vector<16xf32>,
      %parallel_loop3A_929 = arith.constant 0 : i32
      %parallel_loop3A_930 = arith.constant 5 : i32
      %parallel_loop3A_931 = arith.index_cast %parallel_loop3A_929 : i32 to index
      %parallel_loop3A_932 = arith.index_cast %parallel_loop3A_930 : i32 to index
      %parallel_loop3A_933 = arith.index_cast %parallel_loop3A_879 : i32 to index
      %parallel_loop3A_934 = tpu.vector_load %arg7[%parallel_loop3A_931, %parallel_loop3A_932, %parallel_loop3A_933] {strides = array<i32>} : memref<2x8x4096xf32, #tpu.memory_space<vmem>>, vector<16xf32>,
      %parallel_loop3A_935 = arith.constant 10240 : i32
      %parallel_loop3A_936 = vector.broadcast %parallel_loop3A_935 : i32 to vector<16xi32>
      %parallel_loop3A_937 = arith.addi %parallel_loop3A_883, %parallel_loop3A_936 : vector<16xi32>
      tpu.vector_store_idx %arg8[%parallel_loop3A_937], %parallel_loop3A_934 {add = true} : memref<16384xf32, #tpu.memory_space<vmem>>[vector<16xi32>], vector<16xf32>,
      %parallel_loop3A_938 = arith.constant 0 : i32
      %parallel_loop3A_939 = arith.constant 6 : i32
      %parallel_loop3A_940 = arith.index_cast %parallel_loop3A_938 : i32 to index
      %parallel_loop3A_941 = arith.index_cast %parallel_loop3A_939 : i32 to index
      %parallel_loop3A_942 = arith.index_cast %parallel_loop3A_879 : i32 to index
      %parallel_loop3A_943 = tpu.vector_load %arg7[%parallel_loop3A_940, %parallel_loop3A_941, %parallel_loop3A_942] {strides = array<i32>} : memref<2x8x4096xf32, #tpu.memory_space<vmem>>, vector<16xf32>,
      %parallel_loop3A_944 = arith.constant 12288 : i32
      %parallel_loop3A_945 = vector.broadcast %parallel_loop3A_944 : i32 to vector<16xi32>
      %parallel_loop3A_946 = arith.addi %parallel_loop3A_883, %parallel_loop3A_945 : vector<16xi32>
      tpu.vector_store_idx %arg8[%parallel_loop3A_946], %parallel_loop3A_943 {add = true} : memref<16384xf32, #tpu.memory_space<vmem>>[vector<16xi32>], vector<16xf32>,
      %parallel_loop3A_947 = arith.constant 0 : i32
      %parallel_loop3A_948 = arith.constant 7 : i32
      %parallel_loop3A_949 = arith.index_cast %parallel_loop3A_947 : i32 to index
      %parallel_loop3A_950 = arith.index_cast %parallel_loop3A_948 : i32 to index
      %parallel_loop3A_951 = arith.index_cast %parallel_loop3A_879 : i32 to index
      %parallel_loop3A_952 = tpu.vector_load %arg7[%parallel_loop3A_949, %parallel_loop3A_950, %parallel_loop3A_951] {strides = array<i32>} : memref<2x8x4096xf32, #tpu.memory_space<vmem>>, vector<16xf32>,
      %parallel_loop3A_953 = arith.constant 14336 : i32
      %parallel_loop3A_954 = vector.broadcast %parallel_loop3A_953 : i32 to vector<16xi32>
      %parallel_loop3A_955 = arith.addi %parallel_loop3A_883, %parallel_loop3A_954 : vector<16xi32>
      tpu.vector_store_idx %arg8[%parallel_loop3A_955], %parallel_loop3A_952 {add = true} : memref<16384xf32, #tpu.memory_space<vmem>>[vector<16xi32>], vector<16xf32>,
    } {sc.loop_unroll_factor = 4 : i64, sc.parallel_access}
    %eq3A_148 = arith.constant 0 : i32
    %eq3A_149 = arith.cmpi eq, %select_n3A_9, %eq3A_148 : i32
    %convert_element_type3A = arith.extui %eq3A_149 : i1 to i32
    %cond3A = arith.constant 0 : i32
    %cond3A_150 = arith.cmpi ne, %convert_element_type3A, %cond3A : i32
    scf.if %cond3A_150 {
      %parallel_loop3A_879 = arith.constant 0 : i32
      %parallel_loop3A_880 = arith.constant 4096 : i32
      %parallel_loop3A_881 = arith.constant 16 : i32
      scf.for %parallel_loop3A_882 = %parallel_loop3A_879 to %parallel_loop3A_880 step %parallel_loop3A_881  : i32 {
        %parallel_loop3A_883 = arith.constant 0 : i32
        %parallel_loop3A_884 = arith.index_cast %parallel_loop3A_883 : i32 to index
        %parallel_loop3A_885 = arith.index_cast %parallel_loop3A_882 : i32 to index
        %parallel_loop3A_886 = tpu.vector_load %arg6[%parallel_loop3A_884, %parallel_loop3A_885] {strides = array<i32>} : memref<2x4096xi32, #tpu.memory_space<vmem>>, vector<16xi32>,
        tpu.vector_store_idx %arg9[%parallel_loop3A_886], %broadcast_in_dim3A_38 {add = true} : memref<2048xf32, #tpu.memory_space<vmem>>[vector<16xi32>], vector<16xf32>,
      } {sc.loop_unroll_factor = 4 : i64, sc.parallel_access}
    } else {
    }
    %mul3A_151 = arith.constant 32768 : i32
    %mul3A_152 = arith.muli %select_n3A_30, %mul3A_151 : i32
    %add3A_153 = arith.constant 8192 : i32
    %add3A_154 = arith.addi %mul3A_152, %add3A_153 : i32
    %dma_start3A_155 = arith.constant 0 : i32
    %dma_start3A_156 = arith.constant 0 : i32
    %dma_start3A_157 = arith.constant 0 : i32
    %dma_start3A_158 = tpu.memref_slice %arg6[%dma_start3A_155, %dma_start3A_157] : memref<2x4096xi32, #tpu.memory_space<vmem>> -> memref<1x4096xi32, #tpu.memory_space<vmem>>
    %dma_start3A_159 = tpu.memref_squeeze %dma_start3A_158 : memref<1x4096xi32, #tpu.memory_space<vmem>> -> memref<4096xi32, #tpu.memory_space<vmem>>
    %dma_start3A_160 = tpu.memref_slice %arg3[%add3A_154] : memref<131072xi32, #tpu.memory_space<hbm>> -> memref<4096xi32, #tpu.memory_space<hbm>>
    %dma_start3A_161 = tpu.memref_slice %arg10[%dma_start3A_156] : memref<2x!tpu.dma_semaphore, #tpu.memory_space<semaphore_mem>> -> memref<1x!tpu.dma_semaphore, #tpu.memory_space<semaphore_mem>>
    %dma_start3A_162 = tpu.memref_squeeze %dma_start3A_161 : memref<1x!tpu.dma_semaphore, #tpu.memory_space<semaphore_mem>> -> memref<!tpu.dma_semaphore, #tpu.memory_space<semaphore_mem>>
    %dma_start3A_163 = arith.constant 0 : i32
    %dma_start3A_164 = tpu.memref_slice %arg6[%dma_start3A_155, %dma_start3A_163] : memref<2x4096xi32, #tpu.memory_space<vmem>> -> memref<1x4096xi32, #tpu.memory_space<vmem>>
    %dma_start3A_165 = tpu.memref_squeeze %dma_start3A_164 : memref<1x4096xi32, #tpu.memory_space<vmem>> -> memref<4096xi32, #tpu.memory_space<vmem>>
    %dma_start3A_166 = tpu.memref_slice %arg3[%add3A_154] : memref<131072xi32, #tpu.memory_space<hbm>> -> memref<4096xi32, #tpu.memory_space<hbm>>
    tpu.enqueue_dma source(%dma_start3A_166 : memref<4096xi32, #tpu.memory_space<hbm>>) target(%dma_start3A_165 : memref<4096xi32, #tpu.memory_space<vmem>>) target_semaphore(%dma_start3A_162 : memref<!tpu.dma_semaphore, #tpu.memory_space<semaphore_mem>>)
    %mul3A_167 = arith.constant 8 : i32
    %mul3A_168 = arith.muli %select_n3A_9, %mul3A_167 : i32
    %dma_start3A_169 = arith.constant 0 : i32
    %dma_start3A_170 = arith.constant 0 : i32
    %dma_start3A_171 = arith.constant 0 : i32
    %dma_start3A_172 = arith.constant 0 : i32
    %dma_start3A_173 = arith.constant 0 : i32
    %dma_start3A_174 = arith.constant 0 : i32
    %dma_start3A_175 = tpu.memref_slice %arg7[%dma_start3A_171, %dma_start3A_173, %dma_start3A_174] : memref<2x8x4096xf32, #tpu.memory_space<vmem>> -> memref<1x8x4096xf32, #tpu.memory_space<vmem>>
    %dma_start3A_176 = tpu.memref_squeeze %dma_start3A_175 : memref<1x8x4096xf32, #tpu.memory_space<vmem>> -> memref<8x4096xf32, #tpu.memory_space<vmem>>
    %dma_start3A_177 = tpu.memref_slice %arg2[%mul3A_168, %dma_start3A_169, %dma_start3A_170, %add3A_154] : memref<64x1x1x131072xf32, #tpu.memory_space<hbm>> -> memref<8x1x1x4096xf32, #tpu.memory_space<hbm>>
    %dma_start3A_178 = tpu.memref_squeeze %dma_start3A_177 : memref<8x1x1x4096xf32, #tpu.memory_space<hbm>> -> memref<8x4096xf32, #tpu.memory_space<hbm>>
    %dma_start3A_179 = tpu.memref_slice %arg11[%dma_start3A_172] : memref<2x!tpu.dma_semaphore, #tpu.memory_space<semaphore_mem>> -> memref<1x!tpu.dma_semaphore, #tpu.memory_space<semaphore_mem>>
    %dma_start3A_180 = tpu.memref_squeeze %dma_start3A_179 : memref<1x!tpu.dma_semaphore, #tpu.memory_space<semaphore_mem>> -> memref<!tpu.dma_semaphore, #tpu.memory_space<semaphore_mem>>
    %dma_start3A_181 = arith.constant 0 : i32
    %dma_start3A_182 = arith.constant 0 : i32
    %dma_start3A_183 = tpu.memref_slice %arg7[%dma_start3A_171, %dma_start3A_181, %dma_start3A_182] : memref<2x8x4096xf32, #tpu.memory_space<vmem>> -> memref<1x8x4096xf32, #tpu.memory_space<vmem>>
    %dma_start3A_184 = tpu.memref_squeeze %dma_start3A_183 : memref<1x8x4096xf32, #tpu.memory_space<vmem>> -> memref<8x4096xf32, #tpu.memory_space<vmem>>
    %dma_start3A_185 = tpu.memref_slice %arg2[%mul3A_168, %dma_start3A_169, %dma_start3A_170, %add3A_154] : memref<64x1x1x131072xf32, #tpu.memory_space<hbm>> -> memref<8x1x1x4096xf32, #tpu.memory_space<hbm>>
    %dma_start3A_186 = tpu.memref_squeeze %dma_start3A_185 : memref<8x1x1x4096xf32, #tpu.memory_space<hbm>> -> memref<8x4096xf32, #tpu.memory_space<hbm>>
    tpu.enqueue_dma source(%dma_start3A_186 : memref<8x4096xf32, #tpu.memory_space<hbm>>) target(%dma_start3A_184 : memref<8x4096xf32, #tpu.memory_space<vmem>>) target_semaphore(%dma_start3A_180 : memref<!tpu.dma_semaphore, #tpu.memory_space<semaphore_mem>>)
    %mul3A_187 = arith.constant 32768 : i32
    %mul3A_188 = arith.muli %select_n3A_30, %mul3A_187 : i32
    %add3A_189 = arith.constant 4096 : i32
    %add3A_190 = arith.addi %mul3A_188, %add3A_189 : i32
    %dma_wait3A_191 = arith.constant 1 : i32
    %dma_wait3A_192 = arith.constant 1 : i32
    %dma_wait3A_193 = arith.constant 0 : i32
    %dma_wait3A_194 = tpu.memref_slice %arg6[%dma_wait3A_191, %dma_wait3A_193] : memref<2x4096xi32, #tpu.memory_space<vmem>> -> memref<1x4096xi32, #tpu.memory_space<vmem>>
    %dma_wait3A_195 = tpu.memref_squeeze %dma_wait3A_194 : memref<1x4096xi32, #tpu.memory_space<vmem>> -> memref<4096xi32, #tpu.memory_space<vmem>>
    %dma_wait3A_196 = tpu.memref_slice %arg3[%add3A_190] : memref<131072xi32, #tpu.memory_space<hbm>> -> memref<4096xi32, #tpu.memory_space<hbm>>
    %dma_wait3A_197 = tpu.memref_slice %arg10[%dma_wait3A_192] : memref<2x!tpu.dma_semaphore, #tpu.memory_space<semaphore_mem>> -> memref<1x!tpu.dma_semaphore, #tpu.memory_space<semaphore_mem>>
    %dma_wait3A_198 = tpu.memref_squeeze %dma_wait3A_197 : memref<1x!tpu.dma_semaphore, #tpu.memory_space<semaphore_mem>> -> memref<!tpu.dma_semaphore, #tpu.memory_space<semaphore_mem>>
    %dma_wait3A_199 = arith.constant 0 : i32
    %dma_wait3A_200 = tpu.memref_slice %arg6[%dma_wait3A_191, %dma_wait3A_199] : memref<2x4096xi32, #tpu.memory_space<vmem>> -> memref<1x4096xi32, #tpu.memory_space<vmem>>
    %dma_wait3A_201 = tpu.memref_squeeze %dma_wait3A_200 : memref<1x4096xi32, #tpu.memory_space<vmem>> -> memref<4096xi32, #tpu.memory_space<vmem>>
    %dma_wait3A_202 = tpu.memref_slice %arg3[%add3A_190] : memref<131072xi32, #tpu.memory_space<hbm>> -> memref<4096xi32, #tpu.memory_space<hbm>>
    tpu.wait_dma2 semaphore(%dma_wait3A_198 : memref<!tpu.dma_semaphore, #tpu.memory_space<semaphore_mem>>) src(%dma_wait3A_202 : memref<4096xi32, #tpu.memory_space<hbm>>) dst(%dma_wait3A_201 : memref<4096xi32, #tpu.memory_space<vmem>>)
    %mul3A_203 = arith.constant 8 : i32
    %mul3A_204 = arith.muli %select_n3A_9, %mul3A_203 : i32
    %dma_wait3A_205 = arith.constant 0 : i32
    %dma_wait3A_206 = arith.constant 0 : i32
    %dma_wait3A_207 = arith.constant 1 : i32
    %dma_wait3A_208 = arith.constant 1 : i32
    %dma_wait3A_209 = arith.constant 0 : i32
    %dma_wait3A_210 = arith.constant 0 : i32
    %dma_wait3A_211 = tpu.memref_slice %arg7[%dma_wait3A_207, %dma_wait3A_209, %dma_wait3A_210] : memref<2x8x4096xf32, #tpu.memory_space<vmem>> -> memref<1x8x4096xf32, #tpu.memory_space<vmem>>
    %dma_wait3A_212 = tpu.memref_squeeze %dma_wait3A_211 : memref<1x8x4096xf32, #tpu.memory_space<vmem>> -> memref<8x4096xf32, #tpu.memory_space<vmem>>
    %dma_wait3A_213 = tpu.memref_slice %arg2[%mul3A_204, %dma_wait3A_205, %dma_wait3A_206, %add3A_190] : memref<64x1x1x131072xf32, #tpu.memory_space<hbm>> -> memref<8x1x1x4096xf32, #tpu.memory_space<hbm>>
    %dma_wait3A_214 = tpu.memref_squeeze %dma_wait3A_213 : memref<8x1x1x4096xf32, #tpu.memory_space<hbm>> -> memref<8x4096xf32, #tpu.memory_space<hbm>>
    %dma_wait3A_215 = tpu.memref_slice %arg11[%dma_wait3A_208] : memref<2x!tpu.dma_semaphore, #tpu.memory_space<semaphore_mem>> -> memref<1x!tpu.dma_semaphore, #tpu.memory_space<semaphore_mem>>
    %dma_wait3A_216 = tpu.memref_squeeze %dma_wait3A_215 : memref<1x!tpu.dma_semaphore, #tpu.memory_space<semaphore_mem>> -> memref<!tpu.dma_semaphore, #tpu.memory_space<semaphore_mem>>
    %dma_wait3A_217 = arith.constant 0 : i32
    %dma_wait3A_218 = arith.constant 0 : i32
    %dma_wait3A_219 = tpu.memref_slice %arg7[%dma_wait3A_207, %dma_wait3A_217, %dma_wait3A_218] : memref<2x8x4096xf32, #tpu.memory_space<vmem>> -> memref<1x8x4096xf32, #tpu.memory_space<vmem>>
    %dma_wait3A_220 = tpu.memref_squeeze %dma_wait3A_219 : memref<1x8x4096xf32, #tpu.memory_space<vmem>> -> memref<8x4096xf32, #tpu.memory_space<vmem>>
    %dma_wait3A_221 = tpu.memref_slice %arg2[%mul3A_204, %dma_wait3A_205, %dma_wait3A_206, %add3A_190] : memref<64x1x1x131072xf32, #tpu.memory_space<hbm>> -> memref<8x1x1x4096xf32, #tpu.memory_space<hbm>>
    %dma_wait3A_222 = tpu.memref_squeeze %dma_wait3A_221 : memref<8x1x1x4096xf32, #tpu.memory_space<hbm>> -> memref<8x4096xf32, #tpu.memory_space<hbm>>
    tpu.wait_dma2 semaphore(%dma_wait3A_216 : memref<!tpu.dma_semaphore, #tpu.memory_space<semaphore_mem>>) src(%dma_wait3A_222 : memref<8x4096xf32, #tpu.memory_space<hbm>>) dst(%dma_wait3A_220 : memref<8x4096xf32, #tpu.memory_space<vmem>>)
    %parallel_loop3A_223 = arith.constant 0 : i32
    %parallel_loop3A_224 = arith.constant 4096 : i32
    %parallel_loop3A_225 = arith.constant 16 : i32
    scf.for %parallel_loop3A_879 = %parallel_loop3A_223 to %parallel_loop3A_224 step %parallel_loop3A_225  : i32 {
      %parallel_loop3A_880 = arith.constant 1 : i32
      %parallel_loop3A_881 = arith.index_cast %parallel_loop3A_880 : i32 to index
      %parallel_loop3A_882 = arith.index_cast %parallel_loop3A_879 : i32 to index
      %parallel_loop3A_883 = tpu.vector_load %arg6[%parallel_loop3A_881, %parallel_loop3A_882] {strides = array<i32>} : memref<2x4096xi32, #tpu.memory_space<vmem>>, vector<16xi32>,
      %parallel_loop3A_884 = arith.constant 1 : i32
      %parallel_loop3A_885 = arith.constant 0 : i32
      %parallel_loop3A_886 = arith.index_cast %parallel_loop3A_884 : i32 to index
      %parallel_loop3A_887 = arith.index_cast %parallel_loop3A_885 : i32 to index
      %parallel_loop3A_888 = arith.index_cast %parallel_loop3A_879 : i32 to index
      %parallel_loop3A_889 = tpu.vector_load %arg7[%parallel_loop3A_886, %parallel_loop3A_887, %parallel_loop3A_888] {strides = array<i32>} : memref<2x8x4096xf32, #tpu.memory_space<vmem>>, vector<16xf32>,
      %parallel_loop3A_890 = arith.constant 0 : i32
      %parallel_loop3A_891 = vector.broadcast %parallel_loop3A_890 : i32 to vector<16xi32>
      %parallel_loop3A_892 = arith.addi %parallel_loop3A_883, %parallel_loop3A_891 : vector<16xi32>
      tpu.vector_store_idx %arg8[%parallel_loop3A_892], %parallel_loop3A_889 {add = true} : memref<16384xf32, #tpu.memory_space<vmem>>[vector<16xi32>], vector<16xf32>,
      %parallel_loop3A_893 = arith.constant 1 : i32
      %parallel_loop3A_894 = arith.constant 1 : i32
      %parallel_loop3A_895 = arith.index_cast %parallel_loop3A_893 : i32 to index
      %parallel_loop3A_896 = arith.index_cast %parallel_loop3A_894 : i32 to index
      %parallel_loop3A_897 = arith.index_cast %parallel_loop3A_879 : i32 to index
      %parallel_loop3A_898 = tpu.vector_load %arg7[%parallel_loop3A_895, %parallel_loop3A_896, %parallel_loop3A_897] {strides = array<i32>} : memref<2x8x4096xf32, #tpu.memory_space<vmem>>, vector<16xf32>,
      %parallel_loop3A_899 = arith.constant 2048 : i32
      %parallel_loop3A_900 = vector.broadcast %parallel_loop3A_899 : i32 to vector<16xi32>
      %parallel_loop3A_901 = arith.addi %parallel_loop3A_883, %parallel_loop3A_900 : vector<16xi32>
      tpu.vector_store_idx %arg8[%parallel_loop3A_901], %parallel_loop3A_898 {add = true} : memref<16384xf32, #tpu.memory_space<vmem>>[vector<16xi32>], vector<16xf32>,
      %parallel_loop3A_902 = arith.constant 1 : i32
      %parallel_loop3A_903 = arith.constant 2 : i32
      %parallel_loop3A_904 = arith.index_cast %parallel_loop3A_902 : i32 to index
      %parallel_loop3A_905 = arith.index_cast %parallel_loop3A_903 : i32 to index
      %parallel_loop3A_906 = arith.index_cast %parallel_loop3A_879 : i32 to index
      %parallel_loop3A_907 = tpu.vector_load %arg7[%parallel_loop3A_904, %parallel_loop3A_905, %parallel_loop3A_906] {strides = array<i32>} : memref<2x8x4096xf32, #tpu.memory_space<vmem>>, vector<16xf32>,
      %parallel_loop3A_908 = arith.constant 4096 : i32
      %parallel_loop3A_909 = vector.broadcast %parallel_loop3A_908 : i32 to vector<16xi32>
      %parallel_loop3A_910 = arith.addi %parallel_loop3A_883, %parallel_loop3A_909 : vector<16xi32>
      tpu.vector_store_idx %arg8[%parallel_loop3A_910], %parallel_loop3A_907 {add = true} : memref<16384xf32, #tpu.memory_space<vmem>>[vector<16xi32>], vector<16xf32>,
      %parallel_loop3A_911 = arith.constant 1 : i32
      %parallel_loop3A_912 = arith.constant 3 : i32
      %parallel_loop3A_913 = arith.index_cast %parallel_loop3A_911 : i32 to index
      %parallel_loop3A_914 = arith.index_cast %parallel_loop3A_912 : i32 to index
      %parallel_loop3A_915 = arith.index_cast %parallel_loop3A_879 : i32 to index
      %parallel_loop3A_916 = tpu.vector_load %arg7[%parallel_loop3A_913, %parallel_loop3A_914, %parallel_loop3A_915] {strides = array<i32>} : memref<2x8x4096xf32, #tpu.memory_space<vmem>>, vector<16xf32>,
      %parallel_loop3A_917 = arith.constant 6144 : i32
      %parallel_loop3A_918 = vector.broadcast %parallel_loop3A_917 : i32 to vector<16xi32>
      %parallel_loop3A_919 = arith.addi %parallel_loop3A_883, %parallel_loop3A_918 : vector<16xi32>
      tpu.vector_store_idx %arg8[%parallel_loop3A_919], %parallel_loop3A_916 {add = true} : memref<16384xf32, #tpu.memory_space<vmem>>[vector<16xi32>], vector<16xf32>,
      %parallel_loop3A_920 = arith.constant 1 : i32
      %parallel_loop3A_921 = arith.constant 4 : i32
      %parallel_loop3A_922 = arith.index_cast %parallel_loop3A_920 : i32 to index
      %parallel_loop3A_923 = arith.index_cast %parallel_loop3A_921 : i32 to index
      %parallel_loop3A_924 = arith.index_cast %parallel_loop3A_879 : i32 to index
      %parallel_loop3A_925 = tpu.vector_load %arg7[%parallel_loop3A_922, %parallel_loop3A_923, %parallel_loop3A_924] {strides = array<i32>} : memref<2x8x4096xf32, #tpu.memory_space<vmem>>, vector<16xf32>,
      %parallel_loop3A_926 = arith.constant 8192 : i32
      %parallel_loop3A_927 = vector.broadcast %parallel_loop3A_926 : i32 to vector<16xi32>
      %parallel_loop3A_928 = arith.addi %parallel_loop3A_883, %parallel_loop3A_927 : vector<16xi32>
      tpu.vector_store_idx %arg8[%parallel_loop3A_928], %parallel_loop3A_925 {add = true} : memref<16384xf32, #tpu.memory_space<vmem>>[vector<16xi32>], vector<16xf32>,
      %parallel_loop3A_929 = arith.constant 1 : i32
      %parallel_loop3A_930 = arith.constant 5 : i32
      %parallel_loop3A_931 = arith.index_cast %parallel_loop3A_929 : i32 to index
      %parallel_loop3A_932 = arith.index_cast %parallel_loop3A_930 : i32 to index
      %parallel_loop3A_933 = arith.index_cast %parallel_loop3A_879 : i32 to index
      %parallel_loop3A_934 = tpu.vector_load %arg7[%parallel_loop3A_931, %parallel_loop3A_932, %parallel_loop3A_933] {strides = array<i32>} : memref<2x8x4096xf32, #tpu.memory_space<vmem>>, vector<16xf32>,
      %parallel_loop3A_935 = arith.constant 10240 : i32
      %parallel_loop3A_936 = vector.broadcast %parallel_loop3A_935 : i32 to vector<16xi32>
      %parallel_loop3A_937 = arith.addi %parallel_loop3A_883, %parallel_loop3A_936 : vector<16xi32>
      tpu.vector_store_idx %arg8[%parallel_loop3A_937], %parallel_loop3A_934 {add = true} : memref<16384xf32, #tpu.memory_space<vmem>>[vector<16xi32>], vector<16xf32>,
      %parallel_loop3A_938 = arith.constant 1 : i32
      %parallel_loop3A_939 = arith.constant 6 : i32
      %parallel_loop3A_940 = arith.index_cast %parallel_loop3A_938 : i32 to index
      %parallel_loop3A_941 = arith.index_cast %parallel_loop3A_939 : i32 to index
      %parallel_loop3A_942 = arith.index_cast %parallel_loop3A_879 : i32 to index
      %parallel_loop3A_943 = tpu.vector_load %arg7[%parallel_loop3A_940, %parallel_loop3A_941, %parallel_loop3A_942] {strides = array<i32>} : memref<2x8x4096xf32, #tpu.memory_space<vmem>>, vector<16xf32>,
      %parallel_loop3A_944 = arith.constant 12288 : i32
      %parallel_loop3A_945 = vector.broadcast %parallel_loop3A_944 : i32 to vector<16xi32>
      %parallel_loop3A_946 = arith.addi %parallel_loop3A_883, %parallel_loop3A_945 : vector<16xi32>
      tpu.vector_store_idx %arg8[%parallel_loop3A_946], %parallel_loop3A_943 {add = true} : memref<16384xf32, #tpu.memory_space<vmem>>[vector<16xi32>], vector<16xf32>,
      %parallel_loop3A_947 = arith.constant 1 : i32
      %parallel_loop3A_948 = arith.constant 7 : i32
      %parallel_loop3A_949 = arith.index_cast %parallel_loop3A_947 : i32 to index
      %parallel_loop3A_950 = arith.index_cast %parallel_loop3A_948 : i32 to index
      %parallel_loop3A_951 = arith.index_cast %parallel_loop3A_879 : i32 to index
      %parallel_loop3A_952 = tpu.vector_load %arg7[%parallel_loop3A_949, %parallel_loop3A_950, %parallel_loop3A_951] {strides = array<i32>} : memref<2x8x4096xf32, #tpu.memory_space<vmem>>, vector<16xf32>,
      %parallel_loop3A_953 = arith.constant 14336 : i32
      %parallel_loop3A_954 = vector.broadcast %parallel_loop3A_953 : i32 to vector<16xi32>
      %parallel_loop3A_955 = arith.addi %parallel_loop3A_883, %parallel_loop3A_954 : vector<16xi32>
      tpu.vector_store_idx %arg8[%parallel_loop3A_955], %parallel_loop3A_952 {add = true} : memref<16384xf32, #tpu.memory_space<vmem>>[vector<16xi32>], vector<16xf32>,
    } {sc.loop_unroll_factor = 4 : i64, sc.parallel_access}
    %eq3A_226 = arith.constant 1 : i32
    %eq3A_227 = arith.cmpi eq, %select_n3A_9, %eq3A_226 : i32
    %convert_element_type3A_228 = arith.extui %eq3A_227 : i1 to i32
    %cond3A_229 = arith.constant 0 : i32
    %cond3A_230 = arith.cmpi ne, %convert_element_type3A_228, %cond3A_229 : i32
    scf.if %cond3A_230 {
      %parallel_loop3A_879 = arith.constant 0 : i32
      %parallel_loop3A_880 = arith.constant 4096 : i32
      %parallel_loop3A_881 = arith.constant 16 : i32
      scf.for %parallel_loop3A_882 = %parallel_loop3A_879 to %parallel_loop3A_880 step %parallel_loop3A_881  : i32 {
        %parallel_loop3A_883 = arith.constant 1 : i32
        %parallel_loop3A_884 = arith.index_cast %parallel_loop3A_883 : i32 to index
        %parallel_loop3A_885 = arith.index_cast %parallel_loop3A_882 : i32 to index
        %parallel_loop3A_886 = tpu.vector_load %arg6[%parallel_loop3A_884, %parallel_loop3A_885] {strides = array<i32>} : memref<2x4096xi32, #tpu.memory_space<vmem>>, vector<16xi32>,
        tpu.vector_store_idx %arg9[%parallel_loop3A_886], %broadcast_in_dim3A_38 {add = true} : memref<2048xf32, #tpu.memory_space<vmem>>[vector<16xi32>], vector<16xf32>,
      } {sc.loop_unroll_factor = 4 : i64, sc.parallel_access}
    } else {
    }
    %mul3A_231 = arith.constant 32768 : i32
    %mul3A_232 = arith.muli %select_n3A_30, %mul3A_231 : i32
    %add3A_233 = arith.constant 12288 : i32
    %add3A_234 = arith.addi %mul3A_232, %add3A_233 : i32
    %dma_start3A_235 = arith.constant 1 : i32
    %dma_start3A_236 = arith.constant 1 : i32
    %dma_start3A_237 = arith.constant 0 : i32
    %dma_start3A_238 = tpu.memref_slice %arg6[%dma_start3A_235, %dma_start3A_237] : memref<2x4096xi32, #tpu.memory_space<vmem>> -> memref<1x4096xi32, #tpu.memory_space<vmem>>
    %dma_start3A_239 = tpu.memref_squeeze %dma_start3A_238 : memref<1x4096xi32, #tpu.memory_space<vmem>> -> memref<4096xi32, #tpu.memory_space<vmem>>
    %dma_start3A_240 = tpu.memref_slice %arg3[%add3A_234] : memref<131072xi32, #tpu.memory_space<hbm>> -> memref<4096xi32, #tpu.memory_space<hbm>>
    %dma_start3A_241 = tpu.memref_slice %arg10[%dma_start3A_236] : memref<2x!tpu.dma_semaphore, #tpu.memory_space<semaphore_mem>> -> memref<1x!tpu.dma_semaphore, #tpu.memory_space<semaphore_mem>>
    %dma_start3A_242 = tpu.memref_squeeze %dma_start3A_241 : memref<1x!tpu.dma_semaphore, #tpu.memory_space<semaphore_mem>> -> memref<!tpu.dma_semaphore, #tpu.memory_space<semaphore_mem>>
    %dma_start3A_243 = arith.constant 0 : i32
    %dma_start3A_244 = tpu.memref_slice %arg6[%dma_start3A_235, %dma_start3A_243] : memref<2x4096xi32, #tpu.memory_space<vmem>> -> memref<1x4096xi32, #tpu.memory_space<vmem>>
    %dma_start3A_245 = tpu.memref_squeeze %dma_start3A_244 : memref<1x4096xi32, #tpu.memory_space<vmem>> -> memref<4096xi32, #tpu.memory_space<vmem>>
    %dma_start3A_246 = tpu.memref_slice %arg3[%add3A_234] : memref<131072xi32, #tpu.memory_space<hbm>> -> memref<4096xi32, #tpu.memory_space<hbm>>
    tpu.enqueue_dma source(%dma_start3A_246 : memref<4096xi32, #tpu.memory_space<hbm>>) target(%dma_start3A_245 : memref<4096xi32, #tpu.memory_space<vmem>>) target_semaphore(%dma_start3A_242 : memref<!tpu.dma_semaphore, #tpu.memory_space<semaphore_mem>>)
    %mul3A_247 = arith.constant 8 : i32
    %mul3A_248 = arith.muli %select_n3A_9, %mul3A_247 : i32
    %dma_start3A_249 = arith.constant 0 : i32
    %dma_start3A_250 = arith.constant 0 : i32
    %dma_start3A_251 = arith.constant 1 : i32
    %dma_start3A_252 = arith.constant 1 : i32
    %dma_start3A_253 = arith.constant 0 : i32
    %dma_start3A_254 = arith.constant 0 : i32
    %dma_start3A_255 = tpu.memref_slice %arg7[%dma_start3A_251, %dma_start3A_253, %dma_start3A_254] : memref<2x8x4096xf32, #tpu.memory_space<vmem>> -> memref<1x8x4096xf32, #tpu.memory_space<vmem>>
    %dma_start3A_256 = tpu.memref_squeeze %dma_start3A_255 : memref<1x8x4096xf32, #tpu.memory_space<vmem>> -> memref<8x4096xf32, #tpu.memory_space<vmem>>
    %dma_start3A_257 = tpu.memref_slice %arg2[%mul3A_248, %dma_start3A_249, %dma_start3A_250, %add3A_234] : memref<64x1x1x131072xf32, #tpu.memory_space<hbm>> -> memref<8x1x1x4096xf32, #tpu.memory_space<hbm>>
    %dma_start3A_258 = tpu.memref_squeeze %dma_start3A_257 : memref<8x1x1x4096xf32, #tpu.memory_space<hbm>> -> memref<8x4096xf32, #tpu.memory_space<hbm>>
    %dma_start3A_259 = tpu.memref_slice %arg11[%dma_start3A_252] : memref<2x!tpu.dma_semaphore, #tpu.memory_space<semaphore_mem>> -> memref<1x!tpu.dma_semaphore, #tpu.memory_space<semaphore_mem>>
    %dma_start3A_260 = tpu.memref_squeeze %dma_start3A_259 : memref<1x!tpu.dma_semaphore, #tpu.memory_space<semaphore_mem>> -> memref<!tpu.dma_semaphore, #tpu.memory_space<semaphore_mem>>
    %dma_start3A_261 = arith.constant 0 : i32
    %dma_start3A_262 = arith.constant 0 : i32
    %dma_start3A_263 = tpu.memref_slice %arg7[%dma_start3A_251, %dma_start3A_261, %dma_start3A_262] : memref<2x8x4096xf32, #tpu.memory_space<vmem>> -> memref<1x8x4096xf32, #tpu.memory_space<vmem>>
    %dma_start3A_264 = tpu.memref_squeeze %dma_start3A_263 : memref<1x8x4096xf32, #tpu.memory_space<vmem>> -> memref<8x4096xf32, #tpu.memory_space<vmem>>
    %dma_start3A_265 = tpu.memref_slice %arg2[%mul3A_248, %dma_start3A_249, %dma_start3A_250, %add3A_234] : memref<64x1x1x131072xf32, #tpu.memory_space<hbm>> -> memref<8x1x1x4096xf32, #tpu.memory_space<hbm>>
    %dma_start3A_266 = tpu.memref_squeeze %dma_start3A_265 : memref<8x1x1x4096xf32, #tpu.memory_space<hbm>> -> memref<8x4096xf32, #tpu.memory_space<hbm>>
    tpu.enqueue_dma source(%dma_start3A_266 : memref<8x4096xf32, #tpu.memory_space<hbm>>) target(%dma_start3A_264 : memref<8x4096xf32, #tpu.memory_space<vmem>>) target_semaphore(%dma_start3A_260 : memref<!tpu.dma_semaphore, #tpu.memory_space<semaphore_mem>>)
    %mul3A_267 = arith.constant 32768 : i32
    %mul3A_268 = arith.muli %select_n3A_30, %mul3A_267 : i32
    %add3A_269 = arith.constant 8192 : i32
    %add3A_270 = arith.addi %mul3A_268, %add3A_269 : i32
    %dma_wait3A_271 = arith.constant 0 : i32
    %dma_wait3A_272 = arith.constant 0 : i32
    %dma_wait3A_273 = arith.constant 0 : i32
    %dma_wait3A_274 = tpu.memref_slice %arg6[%dma_wait3A_271, %dma_wait3A_273] : memref<2x4096xi32, #tpu.memory_space<vmem>> -> memref<1x4096xi32, #tpu.memory_space<vmem>>
    %dma_wait3A_275 = tpu.memref_squeeze %dma_wait3A_274 : memref<1x4096xi32, #tpu.memory_space<vmem>> -> memref<4096xi32, #tpu.memory_space<vmem>>
    %dma_wait3A_276 = tpu.memref_slice %arg3[%add3A_270] : memref<131072xi32, #tpu.memory_space<hbm>> -> memref<4096xi32, #tpu.memory_space<hbm>>
    %dma_wait3A_277 = tpu.memref_slice %arg10[%dma_wait3A_272] : memref<2x!tpu.dma_semaphore, #tpu.memory_space<semaphore_mem>> -> memref<1x!tpu.dma_semaphore, #tpu.memory_space<semaphore_mem>>
    %dma_wait3A_278 = tpu.memref_squeeze %dma_wait3A_277 : memref<1x!tpu.dma_semaphore, #tpu.memory_space<semaphore_mem>> -> memref<!tpu.dma_semaphore, #tpu.memory_space<semaphore_mem>>
    %dma_wait3A_279 = arith.constant 0 : i32
    %dma_wait3A_280 = tpu.memref_slice %arg6[%dma_wait3A_271, %dma_wait3A_279] : memref<2x4096xi32, #tpu.memory_space<vmem>> -> memref<1x4096xi32, #tpu.memory_space<vmem>>
    %dma_wait3A_281 = tpu.memref_squeeze %dma_wait3A_280 : memref<1x4096xi32, #tpu.memory_space<vmem>> -> memref<4096xi32, #tpu.memory_space<vmem>>
    %dma_wait3A_282 = tpu.memref_slice %arg3[%add3A_270] : memref<131072xi32, #tpu.memory_space<hbm>> -> memref<4096xi32, #tpu.memory_space<hbm>>
    tpu.wait_dma2 semaphore(%dma_wait3A_278 : memref<!tpu.dma_semaphore, #tpu.memory_space<semaphore_mem>>) src(%dma_wait3A_282 : memref<4096xi32, #tpu.memory_space<hbm>>) dst(%dma_wait3A_281 : memref<4096xi32, #tpu.memory_space<vmem>>)
    %mul3A_283 = arith.constant 8 : i32
    %mul3A_284 = arith.muli %select_n3A_9, %mul3A_283 : i32
    %dma_wait3A_285 = arith.constant 0 : i32
    %dma_wait3A_286 = arith.constant 0 : i32
    %dma_wait3A_287 = arith.constant 0 : i32
    %dma_wait3A_288 = arith.constant 0 : i32
    %dma_wait3A_289 = arith.constant 0 : i32
    %dma_wait3A_290 = arith.constant 0 : i32
    %dma_wait3A_291 = tpu.memref_slice %arg7[%dma_wait3A_287, %dma_wait3A_289, %dma_wait3A_290] : memref<2x8x4096xf32, #tpu.memory_space<vmem>> -> memref<1x8x4096xf32, #tpu.memory_space<vmem>>
    %dma_wait3A_292 = tpu.memref_squeeze %dma_wait3A_291 : memref<1x8x4096xf32, #tpu.memory_space<vmem>> -> memref<8x4096xf32, #tpu.memory_space<vmem>>
    %dma_wait3A_293 = tpu.memref_slice %arg2[%mul3A_284, %dma_wait3A_285, %dma_wait3A_286, %add3A_270] : memref<64x1x1x131072xf32, #tpu.memory_space<hbm>> -> memref<8x1x1x4096xf32, #tpu.memory_space<hbm>>
    %dma_wait3A_294 = tpu.memref_squeeze %dma_wait3A_293 : memref<8x1x1x4096xf32, #tpu.memory_space<hbm>> -> memref<8x4096xf32, #tpu.memory_space<hbm>>
    %dma_wait3A_295 = tpu.memref_slice %arg11[%dma_wait3A_288] : memref<2x!tpu.dma_semaphore, #tpu.memory_space<semaphore_mem>> -> memref<1x!tpu.dma_semaphore, #tpu.memory_space<semaphore_mem>>
    %dma_wait3A_296 = tpu.memref_squeeze %dma_wait3A_295 : memref<1x!tpu.dma_semaphore, #tpu.memory_space<semaphore_mem>> -> memref<!tpu.dma_semaphore, #tpu.memory_space<semaphore_mem>>
    %dma_wait3A_297 = arith.constant 0 : i32
    %dma_wait3A_298 = arith.constant 0 : i32
    %dma_wait3A_299 = tpu.memref_slice %arg7[%dma_wait3A_287, %dma_wait3A_297, %dma_wait3A_298] : memref<2x8x4096xf32, #tpu.memory_space<vmem>> -> memref<1x8x4096xf32, #tpu.memory_space<vmem>>
    %dma_wait3A_300 = tpu.memref_squeeze %dma_wait3A_299 : memref<1x8x4096xf32, #tpu.memory_space<vmem>> -> memref<8x4096xf32, #tpu.memory_space<vmem>>
    %dma_wait3A_301 = tpu.memref_slice %arg2[%mul3A_284, %dma_wait3A_285, %dma_wait3A_286, %add3A_270] : memref<64x1x1x131072xf32, #tpu.memory_space<hbm>> -> memref<8x1x1x4096xf32, #tpu.memory_space<hbm>>
    %dma_wait3A_302 = tpu.memref_squeeze %dma_wait3A_301 : memref<8x1x1x4096xf32, #tpu.memory_space<hbm>> -> memref<8x4096xf32, #tpu.memory_space<hbm>>
    tpu.wait_dma2 semaphore(%dma_wait3A_296 : memref<!tpu.dma_semaphore, #tpu.memory_space<semaphore_mem>>) src(%dma_wait3A_302 : memref<8x4096xf32, #tpu.memory_space<hbm>>) dst(%dma_wait3A_300 : memref<8x4096xf32, #tpu.memory_space<vmem>>)
    %parallel_loop3A_303 = arith.constant 0 : i32
    %parallel_loop3A_304 = arith.constant 4096 : i32
    %parallel_loop3A_305 = arith.constant 16 : i32
    scf.for %parallel_loop3A_879 = %parallel_loop3A_303 to %parallel_loop3A_304 step %parallel_loop3A_305  : i32 {
      %parallel_loop3A_880 = arith.constant 0 : i32
      %parallel_loop3A_881 = arith.index_cast %parallel_loop3A_880 : i32 to index
      %parallel_loop3A_882 = arith.index_cast %parallel_loop3A_879 : i32 to index
      %parallel_loop3A_883 = tpu.vector_load %arg6[%parallel_loop3A_881, %parallel_loop3A_882] {strides = array<i32>} : memref<2x4096xi32, #tpu.memory_space<vmem>>, vector<16xi32>,
      %parallel_loop3A_884 = arith.constant 0 : i32
      %parallel_loop3A_885 = arith.constant 0 : i32
      %parallel_loop3A_886 = arith.index_cast %parallel_loop3A_884 : i32 to index
      %parallel_loop3A_887 = arith.index_cast %parallel_loop3A_885 : i32 to index
      %parallel_loop3A_888 = arith.index_cast %parallel_loop3A_879 : i32 to index
      %parallel_loop3A_889 = tpu.vector_load %arg7[%parallel_loop3A_886, %parallel_loop3A_887, %parallel_loop3A_888] {strides = array<i32>} : memref<2x8x4096xf32, #tpu.memory_space<vmem>>, vector<16xf32>,
      %parallel_loop3A_890 = arith.constant 0 : i32
      %parallel_loop3A_891 = vector.broadcast %parallel_loop3A_890 : i32 to vector<16xi32>
      %parallel_loop3A_892 = arith.addi %parallel_loop3A_883, %parallel_loop3A_891 : vector<16xi32>
      tpu.vector_store_idx %arg8[%parallel_loop3A_892], %parallel_loop3A_889 {add = true} : memref<16384xf32, #tpu.memory_space<vmem>>[vector<16xi32>], vector<16xf32>,
      %parallel_loop3A_893 = arith.constant 0 : i32
      %parallel_loop3A_894 = arith.constant 1 : i32
      %parallel_loop3A_895 = arith.index_cast %parallel_loop3A_893 : i32 to index
      %parallel_loop3A_896 = arith.index_cast %parallel_loop3A_894 : i32 to index
      %parallel_loop3A_897 = arith.index_cast %parallel_loop3A_879 : i32 to index
      %parallel_loop3A_898 = tpu.vector_load %arg7[%parallel_loop3A_895, %parallel_loop3A_896, %parallel_loop3A_897] {strides = array<i32>} : memref<2x8x4096xf32, #tpu.memory_space<vmem>>, vector<16xf32>,
      %parallel_loop3A_899 = arith.constant 2048 : i32
      %parallel_loop3A_900 = vector.broadcast %parallel_loop3A_899 : i32 to vector<16xi32>
      %parallel_loop3A_901 = arith.addi %parallel_loop3A_883, %parallel_loop3A_900 : vector<16xi32>
      tpu.vector_store_idx %arg8[%parallel_loop3A_901], %parallel_loop3A_898 {add = true} : memref<16384xf32, #tpu.memory_space<vmem>>[vector<16xi32>], vector<16xf32>,
      %parallel_loop3A_902 = arith.constant 0 : i32
      %parallel_loop3A_903 = arith.constant 2 : i32
      %parallel_loop3A_904 = arith.index_cast %parallel_loop3A_902 : i32 to index
      %parallel_loop3A_905 = arith.index_cast %parallel_loop3A_903 : i32 to index
      %parallel_loop3A_906 = arith.index_cast %parallel_loop3A_879 : i32 to index
      %parallel_loop3A_907 = tpu.vector_load %arg7[%parallel_loop3A_904, %parallel_loop3A_905, %parallel_loop3A_906] {strides = array<i32>} : memref<2x8x4096xf32, #tpu.memory_space<vmem>>, vector<16xf32>,
      %parallel_loop3A_908 = arith.constant 4096 : i32
      %parallel_loop3A_909 = vector.broadcast %parallel_loop3A_908 : i32 to vector<16xi32>
      %parallel_loop3A_910 = arith.addi %parallel_loop3A_883, %parallel_loop3A_909 : vector<16xi32>
      tpu.vector_store_idx %arg8[%parallel_loop3A_910], %parallel_loop3A_907 {add = true} : memref<16384xf32, #tpu.memory_space<vmem>>[vector<16xi32>], vector<16xf32>,
      %parallel_loop3A_911 = arith.constant 0 : i32
      %parallel_loop3A_912 = arith.constant 3 : i32
      %parallel_loop3A_913 = arith.index_cast %parallel_loop3A_911 : i32 to index
      %parallel_loop3A_914 = arith.index_cast %parallel_loop3A_912 : i32 to index
      %parallel_loop3A_915 = arith.index_cast %parallel_loop3A_879 : i32 to index
      %parallel_loop3A_916 = tpu.vector_load %arg7[%parallel_loop3A_913, %parallel_loop3A_914, %parallel_loop3A_915] {strides = array<i32>} : memref<2x8x4096xf32, #tpu.memory_space<vmem>>, vector<16xf32>,
      %parallel_loop3A_917 = arith.constant 6144 : i32
      %parallel_loop3A_918 = vector.broadcast %parallel_loop3A_917 : i32 to vector<16xi32>
      %parallel_loop3A_919 = arith.addi %parallel_loop3A_883, %parallel_loop3A_918 : vector<16xi32>
      tpu.vector_store_idx %arg8[%parallel_loop3A_919], %parallel_loop3A_916 {add = true} : memref<16384xf32, #tpu.memory_space<vmem>>[vector<16xi32>], vector<16xf32>,
      %parallel_loop3A_920 = arith.constant 0 : i32
      %parallel_loop3A_921 = arith.constant 4 : i32
      %parallel_loop3A_922 = arith.index_cast %parallel_loop3A_920 : i32 to index
      %parallel_loop3A_923 = arith.index_cast %parallel_loop3A_921 : i32 to index
      %parallel_loop3A_924 = arith.index_cast %parallel_loop3A_879 : i32 to index
      %parallel_loop3A_925 = tpu.vector_load %arg7[%parallel_loop3A_922, %parallel_loop3A_923, %parallel_loop3A_924] {strides = array<i32>} : memref<2x8x4096xf32, #tpu.memory_space<vmem>>, vector<16xf32>,
      %parallel_loop3A_926 = arith.constant 8192 : i32
      %parallel_loop3A_927 = vector.broadcast %parallel_loop3A_926 : i32 to vector<16xi32>
      %parallel_loop3A_928 = arith.addi %parallel_loop3A_883, %parallel_loop3A_927 : vector<16xi32>
      tpu.vector_store_idx %arg8[%parallel_loop3A_928], %parallel_loop3A_925 {add = true} : memref<16384xf32, #tpu.memory_space<vmem>>[vector<16xi32>], vector<16xf32>,
      %parallel_loop3A_929 = arith.constant 0 : i32
      %parallel_loop3A_930 = arith.constant 5 : i32
      %parallel_loop3A_931 = arith.index_cast %parallel_loop3A_929 : i32 to index
      %parallel_loop3A_932 = arith.index_cast %parallel_loop3A_930 : i32 to index
      %parallel_loop3A_933 = arith.index_cast %parallel_loop3A_879 : i32 to index
      %parallel_loop3A_934 = tpu.vector_load %arg7[%parallel_loop3A_931, %parallel_loop3A_932, %parallel_loop3A_933] {strides = array<i32>} : memref<2x8x4096xf32, #tpu.memory_space<vmem>>, vector<16xf32>,
      %parallel_loop3A_935 = arith.constant 10240 : i32
      %parallel_loop3A_936 = vector.broadcast %parallel_loop3A_935 : i32 to vector<16xi32>
      %parallel_loop3A_937 = arith.addi %parallel_loop3A_883, %parallel_loop3A_936 : vector<16xi32>
      tpu.vector_store_idx %arg8[%parallel_loop3A_937], %parallel_loop3A_934 {add = true} : memref<16384xf32, #tpu.memory_space<vmem>>[vector<16xi32>], vector<16xf32>,
      %parallel_loop3A_938 = arith.constant 0 : i32
      %parallel_loop3A_939 = arith.constant 6 : i32
      %parallel_loop3A_940 = arith.index_cast %parallel_loop3A_938 : i32 to index
      %parallel_loop3A_941 = arith.index_cast %parallel_loop3A_939 : i32 to index
      %parallel_loop3A_942 = arith.index_cast %parallel_loop3A_879 : i32 to index
      %parallel_loop3A_943 = tpu.vector_load %arg7[%parallel_loop3A_940, %parallel_loop3A_941, %parallel_loop3A_942] {strides = array<i32>} : memref<2x8x4096xf32, #tpu.memory_space<vmem>>, vector<16xf32>,
      %parallel_loop3A_944 = arith.constant 12288 : i32
      %parallel_loop3A_945 = vector.broadcast %parallel_loop3A_944 : i32 to vector<16xi32>
      %parallel_loop3A_946 = arith.addi %parallel_loop3A_883, %parallel_loop3A_945 : vector<16xi32>
      tpu.vector_store_idx %arg8[%parallel_loop3A_946], %parallel_loop3A_943 {add = true} : memref<16384xf32, #tpu.memory_space<vmem>>[vector<16xi32>], vector<16xf32>,
      %parallel_loop3A_947 = arith.constant 0 : i32
      %parallel_loop3A_948 = arith.constant 7 : i32
      %parallel_loop3A_949 = arith.index_cast %parallel_loop3A_947 : i32 to index
      %parallel_loop3A_950 = arith.index_cast %parallel_loop3A_948 : i32 to index
      %parallel_loop3A_951 = arith.index_cast %parallel_loop3A_879 : i32 to index
      %parallel_loop3A_952 = tpu.vector_load %arg7[%parallel_loop3A_949, %parallel_loop3A_950, %parallel_loop3A_951] {strides = array<i32>} : memref<2x8x4096xf32, #tpu.memory_space<vmem>>, vector<16xf32>,
      %parallel_loop3A_953 = arith.constant 14336 : i32
      %parallel_loop3A_954 = vector.broadcast %parallel_loop3A_953 : i32 to vector<16xi32>
      %parallel_loop3A_955 = arith.addi %parallel_loop3A_883, %parallel_loop3A_954 : vector<16xi32>
      tpu.vector_store_idx %arg8[%parallel_loop3A_955], %parallel_loop3A_952 {add = true} : memref<16384xf32, #tpu.memory_space<vmem>>[vector<16xi32>], vector<16xf32>,
    } {sc.loop_unroll_factor = 4 : i64, sc.parallel_access}
    %eq3A_306 = arith.constant 2 : i32
    %eq3A_307 = arith.cmpi eq, %select_n3A_9, %eq3A_306 : i32
    %convert_element_type3A_308 = arith.extui %eq3A_307 : i1 to i32
    %cond3A_309 = arith.constant 0 : i32
    %cond3A_310 = arith.cmpi ne, %convert_element_type3A_308, %cond3A_309 : i32
    scf.if %cond3A_310 {
      %parallel_loop3A_879 = arith.constant 0 : i32
      %parallel_loop3A_880 = arith.constant 4096 : i32
      %parallel_loop3A_881 = arith.constant 16 : i32
      scf.for %parallel_loop3A_882 = %parallel_loop3A_879 to %parallel_loop3A_880 step %parallel_loop3A_881  : i32 {
        %parallel_loop3A_883 = arith.constant 0 : i32
        %parallel_loop3A_884 = arith.index_cast %parallel_loop3A_883 : i32 to index
        %parallel_loop3A_885 = arith.index_cast %parallel_loop3A_882 : i32 to index
        %parallel_loop3A_886 = tpu.vector_load %arg6[%parallel_loop3A_884, %parallel_loop3A_885] {strides = array<i32>} : memref<2x4096xi32, #tpu.memory_space<vmem>>, vector<16xi32>,
        tpu.vector_store_idx %arg9[%parallel_loop3A_886], %broadcast_in_dim3A_38 {add = true} : memref<2048xf32, #tpu.memory_space<vmem>>[vector<16xi32>], vector<16xf32>,
      } {sc.loop_unroll_factor = 4 : i64, sc.parallel_access}
    } else {
    }
    %mul3A_311 = arith.constant 32768 : i32
    %mul3A_312 = arith.muli %select_n3A_30, %mul3A_311 : i32
    %add3A_313 = arith.constant 16384 : i32
    %add3A_314 = arith.addi %mul3A_312, %add3A_313 : i32
    %dma_start3A_315 = arith.constant 0 : i32
    %dma_start3A_316 = arith.constant 0 : i32
    %dma_start3A_317 = arith.constant 0 : i32
    %dma_start3A_318 = tpu.memref_slice %arg6[%dma_start3A_315, %dma_start3A_317] : memref<2x4096xi32, #tpu.memory_space<vmem>> -> memref<1x4096xi32, #tpu.memory_space<vmem>>
    %dma_start3A_319 = tpu.memref_squeeze %dma_start3A_318 : memref<1x4096xi32, #tpu.memory_space<vmem>> -> memref<4096xi32, #tpu.memory_space<vmem>>
    %dma_start3A_320 = tpu.memref_slice %arg3[%add3A_314] : memref<131072xi32, #tpu.memory_space<hbm>> -> memref<4096xi32, #tpu.memory_space<hbm>>
    %dma_start3A_321 = tpu.memref_slice %arg10[%dma_start3A_316] : memref<2x!tpu.dma_semaphore, #tpu.memory_space<semaphore_mem>> -> memref<1x!tpu.dma_semaphore, #tpu.memory_space<semaphore_mem>>
    %dma_start3A_322 = tpu.memref_squeeze %dma_start3A_321 : memref<1x!tpu.dma_semaphore, #tpu.memory_space<semaphore_mem>> -> memref<!tpu.dma_semaphore, #tpu.memory_space<semaphore_mem>>
    %dma_start3A_323 = arith.constant 0 : i32
    %dma_start3A_324 = tpu.memref_slice %arg6[%dma_start3A_315, %dma_start3A_323] : memref<2x4096xi32, #tpu.memory_space<vmem>> -> memref<1x4096xi32, #tpu.memory_space<vmem>>
    %dma_start3A_325 = tpu.memref_squeeze %dma_start3A_324 : memref<1x4096xi32, #tpu.memory_space<vmem>> -> memref<4096xi32, #tpu.memory_space<vmem>>
    %dma_start3A_326 = tpu.memref_slice %arg3[%add3A_314] : memref<131072xi32, #tpu.memory_space<hbm>> -> memref<4096xi32, #tpu.memory_space<hbm>>
    tpu.enqueue_dma source(%dma_start3A_326 : memref<4096xi32, #tpu.memory_space<hbm>>) target(%dma_start3A_325 : memref<4096xi32, #tpu.memory_space<vmem>>) target_semaphore(%dma_start3A_322 : memref<!tpu.dma_semaphore, #tpu.memory_space<semaphore_mem>>)
    %mul3A_327 = arith.constant 8 : i32
    %mul3A_328 = arith.muli %select_n3A_9, %mul3A_327 : i32
    %dma_start3A_329 = arith.constant 0 : i32
    %dma_start3A_330 = arith.constant 0 : i32
    %dma_start3A_331 = arith.constant 0 : i32
    %dma_start3A_332 = arith.constant 0 : i32
    %dma_start3A_333 = arith.constant 0 : i32
    %dma_start3A_334 = arith.constant 0 : i32
    %dma_start3A_335 = tpu.memref_slice %arg7[%dma_start3A_331, %dma_start3A_333, %dma_start3A_334] : memref<2x8x4096xf32, #tpu.memory_space<vmem>> -> memref<1x8x4096xf32, #tpu.memory_space<vmem>>
    %dma_start3A_336 = tpu.memref_squeeze %dma_start3A_335 : memref<1x8x4096xf32, #tpu.memory_space<vmem>> -> memref<8x4096xf32, #tpu.memory_space<vmem>>
    %dma_start3A_337 = tpu.memref_slice %arg2[%mul3A_328, %dma_start3A_329, %dma_start3A_330, %add3A_314] : memref<64x1x1x131072xf32, #tpu.memory_space<hbm>> -> memref<8x1x1x4096xf32, #tpu.memory_space<hbm>>
    %dma_start3A_338 = tpu.memref_squeeze %dma_start3A_337 : memref<8x1x1x4096xf32, #tpu.memory_space<hbm>> -> memref<8x4096xf32, #tpu.memory_space<hbm>>
    %dma_start3A_339 = tpu.memref_slice %arg11[%dma_start3A_332] : memref<2x!tpu.dma_semaphore, #tpu.memory_space<semaphore_mem>> -> memref<1x!tpu.dma_semaphore, #tpu.memory_space<semaphore_mem>>
    %dma_start3A_340 = tpu.memref_squeeze %dma_start3A_339 : memref<1x!tpu.dma_semaphore, #tpu.memory_space<semaphore_mem>> -> memref<!tpu.dma_semaphore, #tpu.memory_space<semaphore_mem>>
    %dma_start3A_341 = arith.constant 0 : i32
    %dma_start3A_342 = arith.constant 0 : i32
    %dma_start3A_343 = tpu.memref_slice %arg7[%dma_start3A_331, %dma_start3A_341, %dma_start3A_342] : memref<2x8x4096xf32, #tpu.memory_space<vmem>> -> memref<1x8x4096xf32, #tpu.memory_space<vmem>>
    %dma_start3A_344 = tpu.memref_squeeze %dma_start3A_343 : memref<1x8x4096xf32, #tpu.memory_space<vmem>> -> memref<8x4096xf32, #tpu.memory_space<vmem>>
    %dma_start3A_345 = tpu.memref_slice %arg2[%mul3A_328, %dma_start3A_329, %dma_start3A_330, %add3A_314] : memref<64x1x1x131072xf32, #tpu.memory_space<hbm>> -> memref<8x1x1x4096xf32, #tpu.memory_space<hbm>>
    %dma_start3A_346 = tpu.memref_squeeze %dma_start3A_345 : memref<8x1x1x4096xf32, #tpu.memory_space<hbm>> -> memref<8x4096xf32, #tpu.memory_space<hbm>>
    tpu.enqueue_dma source(%dma_start3A_346 : memref<8x4096xf32, #tpu.memory_space<hbm>>) target(%dma_start3A_344 : memref<8x4096xf32, #tpu.memory_space<vmem>>) target_semaphore(%dma_start3A_340 : memref<!tpu.dma_semaphore, #tpu.memory_space<semaphore_mem>>)
    %mul3A_347 = arith.constant 32768 : i32
    %mul3A_348 = arith.muli %select_n3A_30, %mul3A_347 : i32
    %add3A_349 = arith.constant 12288 : i32
    %add3A_350 = arith.addi %mul3A_348, %add3A_349 : i32
    %dma_wait3A_351 = arith.constant 1 : i32
    %dma_wait3A_352 = arith.constant 1 : i32
    %dma_wait3A_353 = arith.constant 0 : i32
    %dma_wait3A_354 = tpu.memref_slice %arg6[%dma_wait3A_351, %dma_wait3A_353] : memref<2x4096xi32, #tpu.memory_space<vmem>> -> memref<1x4096xi32, #tpu.memory_space<vmem>>
    %dma_wait3A_355 = tpu.memref_squeeze %dma_wait3A_354 : memref<1x4096xi32, #tpu.memory_space<vmem>> -> memref<4096xi32, #tpu.memory_space<vmem>>
    %dma_wait3A_356 = tpu.memref_slice %arg3[%add3A_350] : memref<131072xi32, #tpu.memory_space<hbm>> -> memref<4096xi32, #tpu.memory_space<hbm>>
    %dma_wait3A_357 = tpu.memref_slice %arg10[%dma_wait3A_352] : memref<2x!tpu.dma_semaphore, #tpu.memory_space<semaphore_mem>> -> memref<1x!tpu.dma_semaphore, #tpu.memory_space<semaphore_mem>>
    %dma_wait3A_358 = tpu.memref_squeeze %dma_wait3A_357 : memref<1x!tpu.dma_semaphore, #tpu.memory_space<semaphore_mem>> -> memref<!tpu.dma_semaphore, #tpu.memory_space<semaphore_mem>>
    %dma_wait3A_359 = arith.constant 0 : i32
    %dma_wait3A_360 = tpu.memref_slice %arg6[%dma_wait3A_351, %dma_wait3A_359] : memref<2x4096xi32, #tpu.memory_space<vmem>> -> memref<1x4096xi32, #tpu.memory_space<vmem>>
    %dma_wait3A_361 = tpu.memref_squeeze %dma_wait3A_360 : memref<1x4096xi32, #tpu.memory_space<vmem>> -> memref<4096xi32, #tpu.memory_space<vmem>>
    %dma_wait3A_362 = tpu.memref_slice %arg3[%add3A_350] : memref<131072xi32, #tpu.memory_space<hbm>> -> memref<4096xi32, #tpu.memory_space<hbm>>
    tpu.wait_dma2 semaphore(%dma_wait3A_358 : memref<!tpu.dma_semaphore, #tpu.memory_space<semaphore_mem>>) src(%dma_wait3A_362 : memref<4096xi32, #tpu.memory_space<hbm>>) dst(%dma_wait3A_361 : memref<4096xi32, #tpu.memory_space<vmem>>)
    %mul3A_363 = arith.constant 8 : i32
    %mul3A_364 = arith.muli %select_n3A_9, %mul3A_363 : i32
    %dma_wait3A_365 = arith.constant 0 : i32
    %dma_wait3A_366 = arith.constant 0 : i32
    %dma_wait3A_367 = arith.constant 1 : i32
    %dma_wait3A_368 = arith.constant 1 : i32
    %dma_wait3A_369 = arith.constant 0 : i32
    %dma_wait3A_370 = arith.constant 0 : i32
    %dma_wait3A_371 = tpu.memref_slice %arg7[%dma_wait3A_367, %dma_wait3A_369, %dma_wait3A_370] : memref<2x8x4096xf32, #tpu.memory_space<vmem>> -> memref<1x8x4096xf32, #tpu.memory_space<vmem>>
    %dma_wait3A_372 = tpu.memref_squeeze %dma_wait3A_371 : memref<1x8x4096xf32, #tpu.memory_space<vmem>> -> memref<8x4096xf32, #tpu.memory_space<vmem>>
    %dma_wait3A_373 = tpu.memref_slice %arg2[%mul3A_364, %dma_wait3A_365, %dma_wait3A_366, %add3A_350] : memref<64x1x1x131072xf32, #tpu.memory_space<hbm>> -> memref<8x1x1x4096xf32, #tpu.memory_space<hbm>>
    %dma_wait3A_374 = tpu.memref_squeeze %dma_wait3A_373 : memref<8x1x1x4096xf32, #tpu.memory_space<hbm>> -> memref<8x4096xf32, #tpu.memory_space<hbm>>
    %dma_wait3A_375 = tpu.memref_slice %arg11[%dma_wait3A_368] : memref<2x!tpu.dma_semaphore, #tpu.memory_space<semaphore_mem>> -> memref<1x!tpu.dma_semaphore, #tpu.memory_space<semaphore_mem>>
    %dma_wait3A_376 = tpu.memref_squeeze %dma_wait3A_375 : memref<1x!tpu.dma_semaphore, #tpu.memory_space<semaphore_mem>> -> memref<!tpu.dma_semaphore, #tpu.memory_space<semaphore_mem>>
    %dma_wait3A_377 = arith.constant 0 : i32
    %dma_wait3A_378 = arith.constant 0 : i32
    %dma_wait3A_379 = tpu.memref_slice %arg7[%dma_wait3A_367, %dma_wait3A_377, %dma_wait3A_378] : memref<2x8x4096xf32, #tpu.memory_space<vmem>> -> memref<1x8x4096xf32, #tpu.memory_space<vmem>>
    %dma_wait3A_380 = tpu.memref_squeeze %dma_wait3A_379 : memref<1x8x4096xf32, #tpu.memory_space<vmem>> -> memref<8x4096xf32, #tpu.memory_space<vmem>>
    %dma_wait3A_381 = tpu.memref_slice %arg2[%mul3A_364, %dma_wait3A_365, %dma_wait3A_366, %add3A_350] : memref<64x1x1x131072xf32, #tpu.memory_space<hbm>> -> memref<8x1x1x4096xf32, #tpu.memory_space<hbm>>
    %dma_wait3A_382 = tpu.memref_squeeze %dma_wait3A_381 : memref<8x1x1x4096xf32, #tpu.memory_space<hbm>> -> memref<8x4096xf32, #tpu.memory_space<hbm>>
    tpu.wait_dma2 semaphore(%dma_wait3A_376 : memref<!tpu.dma_semaphore, #tpu.memory_space<semaphore_mem>>) src(%dma_wait3A_382 : memref<8x4096xf32, #tpu.memory_space<hbm>>) dst(%dma_wait3A_380 : memref<8x4096xf32, #tpu.memory_space<vmem>>)
    %parallel_loop3A_383 = arith.constant 0 : i32
    %parallel_loop3A_384 = arith.constant 4096 : i32
    %parallel_loop3A_385 = arith.constant 16 : i32
    scf.for %parallel_loop3A_879 = %parallel_loop3A_383 to %parallel_loop3A_384 step %parallel_loop3A_385  : i32 {
      %parallel_loop3A_880 = arith.constant 1 : i32
      %parallel_loop3A_881 = arith.index_cast %parallel_loop3A_880 : i32 to index
      %parallel_loop3A_882 = arith.index_cast %parallel_loop3A_879 : i32 to index
      %parallel_loop3A_883 = tpu.vector_load %arg6[%parallel_loop3A_881, %parallel_loop3A_882] {strides = array<i32>} : memref<2x4096xi32, #tpu.memory_space<vmem>>, vector<16xi32>,
      %parallel_loop3A_884 = arith.constant 1 : i32
      %parallel_loop3A_885 = arith.constant 0 : i32
      %parallel_loop3A_886 = arith.index_cast %parallel_loop3A_884 : i32 to index
      %parallel_loop3A_887 = arith.index_cast %parallel_loop3A_885 : i32 to index
      %parallel_loop3A_888 = arith.index_cast %parallel_loop3A_879 : i32 to index
      %parallel_loop3A_889 = tpu.vector_load %arg7[%parallel_loop3A_886, %parallel_loop3A_887, %parallel_loop3A_888] {strides = array<i32>} : memref<2x8x4096xf32, #tpu.memory_space<vmem>>, vector<16xf32>,
      %parallel_loop3A_890 = arith.constant 0 : i32
      %parallel_loop3A_891 = vector.broadcast %parallel_loop3A_890 : i32 to vector<16xi32>
      %parallel_loop3A_892 = arith.addi %parallel_loop3A_883, %parallel_loop3A_891 : vector<16xi32>
      tpu.vector_store_idx %arg8[%parallel_loop3A_892], %parallel_loop3A_889 {add = true} : memref<16384xf32, #tpu.memory_space<vmem>>[vector<16xi32>], vector<16xf32>,
      %parallel_loop3A_893 = arith.constant 1 : i32
      %parallel_loop3A_894 = arith.constant 1 : i32
      %parallel_loop3A_895 = arith.index_cast %parallel_loop3A_893 : i32 to index
      %parallel_loop3A_896 = arith.index_cast %parallel_loop3A_894 : i32 to index
      %parallel_loop3A_897 = arith.index_cast %parallel_loop3A_879 : i32 to index
      %parallel_loop3A_898 = tpu.vector_load %arg7[%parallel_loop3A_895, %parallel_loop3A_896, %parallel_loop3A_897] {strides = array<i32>} : memref<2x8x4096xf32, #tpu.memory_space<vmem>>, vector<16xf32>,
      %parallel_loop3A_899 = arith.constant 2048 : i32
      %parallel_loop3A_900 = vector.broadcast %parallel_loop3A_899 : i32 to vector<16xi32>
      %parallel_loop3A_901 = arith.addi %parallel_loop3A_883, %parallel_loop3A_900 : vector<16xi32>
      tpu.vector_store_idx %arg8[%parallel_loop3A_901], %parallel_loop3A_898 {add = true} : memref<16384xf32, #tpu.memory_space<vmem>>[vector<16xi32>], vector<16xf32>,
      %parallel_loop3A_902 = arith.constant 1 : i32
      %parallel_loop3A_903 = arith.constant 2 : i32
      %parallel_loop3A_904 = arith.index_cast %parallel_loop3A_902 : i32 to index
      %parallel_loop3A_905 = arith.index_cast %parallel_loop3A_903 : i32 to index
      %parallel_loop3A_906 = arith.index_cast %parallel_loop3A_879 : i32 to index
      %parallel_loop3A_907 = tpu.vector_load %arg7[%parallel_loop3A_904, %parallel_loop3A_905, %parallel_loop3A_906] {strides = array<i32>} : memref<2x8x4096xf32, #tpu.memory_space<vmem>>, vector<16xf32>,
      %parallel_loop3A_908 = arith.constant 4096 : i32
      %parallel_loop3A_909 = vector.broadcast %parallel_loop3A_908 : i32 to vector<16xi32>
      %parallel_loop3A_910 = arith.addi %parallel_loop3A_883, %parallel_loop3A_909 : vector<16xi32>
      tpu.vector_store_idx %arg8[%parallel_loop3A_910], %parallel_loop3A_907 {add = true} : memref<16384xf32, #tpu.memory_space<vmem>>[vector<16xi32>], vector<16xf32>,
      %parallel_loop3A_911 = arith.constant 1 : i32
      %parallel_loop3A_912 = arith.constant 3 : i32
      %parallel_loop3A_913 = arith.index_cast %parallel_loop3A_911 : i32 to index
      %parallel_loop3A_914 = arith.index_cast %parallel_loop3A_912 : i32 to index
      %parallel_loop3A_915 = arith.index_cast %parallel_loop3A_879 : i32 to index
      %parallel_loop3A_916 = tpu.vector_load %arg7[%parallel_loop3A_913, %parallel_loop3A_914, %parallel_loop3A_915] {strides = array<i32>} : memref<2x8x4096xf32, #tpu.memory_space<vmem>>, vector<16xf32>,
      %parallel_loop3A_917 = arith.constant 6144 : i32
      %parallel_loop3A_918 = vector.broadcast %parallel_loop3A_917 : i32 to vector<16xi32>
      %parallel_loop3A_919 = arith.addi %parallel_loop3A_883, %parallel_loop3A_918 : vector<16xi32>
      tpu.vector_store_idx %arg8[%parallel_loop3A_919], %parallel_loop3A_916 {add = true} : memref<16384xf32, #tpu.memory_space<vmem>>[vector<16xi32>], vector<16xf32>,
      %parallel_loop3A_920 = arith.constant 1 : i32
      %parallel_loop3A_921 = arith.constant 4 : i32
      %parallel_loop3A_922 = arith.index_cast %parallel_loop3A_920 : i32 to index
      %parallel_loop3A_923 = arith.index_cast %parallel_loop3A_921 : i32 to index
      %parallel_loop3A_924 = arith.index_cast %parallel_loop3A_879 : i32 to index
      %parallel_loop3A_925 = tpu.vector_load %arg7[%parallel_loop3A_922, %parallel_loop3A_923, %parallel_loop3A_924] {strides = array<i32>} : memref<2x8x4096xf32, #tpu.memory_space<vmem>>, vector<16xf32>,
      %parallel_loop3A_926 = arith.constant 8192 : i32
      %parallel_loop3A_927 = vector.broadcast %parallel_loop3A_926 : i32 to vector<16xi32>
      %parallel_loop3A_928 = arith.addi %parallel_loop3A_883, %parallel_loop3A_927 : vector<16xi32>
      tpu.vector_store_idx %arg8[%parallel_loop3A_928], %parallel_loop3A_925 {add = true} : memref<16384xf32, #tpu.memory_space<vmem>>[vector<16xi32>], vector<16xf32>,
      %parallel_loop3A_929 = arith.constant 1 : i32
      %parallel_loop3A_930 = arith.constant 5 : i32
      %parallel_loop3A_931 = arith.index_cast %parallel_loop3A_929 : i32 to index
      %parallel_loop3A_932 = arith.index_cast %parallel_loop3A_930 : i32 to index
      %parallel_loop3A_933 = arith.index_cast %parallel_loop3A_879 : i32 to index
      %parallel_loop3A_934 = tpu.vector_load %arg7[%parallel_loop3A_931, %parallel_loop3A_932, %parallel_loop3A_933] {strides = array<i32>} : memref<2x8x4096xf32, #tpu.memory_space<vmem>>, vector<16xf32>,
      %parallel_loop3A_935 = arith.constant 10240 : i32
      %parallel_loop3A_936 = vector.broadcast %parallel_loop3A_935 : i32 to vector<16xi32>
      %parallel_loop3A_937 = arith.addi %parallel_loop3A_883, %parallel_loop3A_936 : vector<16xi32>
      tpu.vector_store_idx %arg8[%parallel_loop3A_937], %parallel_loop3A_934 {add = true} : memref<16384xf32, #tpu.memory_space<vmem>>[vector<16xi32>], vector<16xf32>,
      %parallel_loop3A_938 = arith.constant 1 : i32
      %parallel_loop3A_939 = arith.constant 6 : i32
      %parallel_loop3A_940 = arith.index_cast %parallel_loop3A_938 : i32 to index
      %parallel_loop3A_941 = arith.index_cast %parallel_loop3A_939 : i32 to index
      %parallel_loop3A_942 = arith.index_cast %parallel_loop3A_879 : i32 to index
      %parallel_loop3A_943 = tpu.vector_load %arg7[%parallel_loop3A_940, %parallel_loop3A_941, %parallel_loop3A_942] {strides = array<i32>} : memref<2x8x4096xf32, #tpu.memory_space<vmem>>, vector<16xf32>,
      %parallel_loop3A_944 = arith.constant 12288 : i32
      %parallel_loop3A_945 = vector.broadcast %parallel_loop3A_944 : i32 to vector<16xi32>
      %parallel_loop3A_946 = arith.addi %parallel_loop3A_883, %parallel_loop3A_945 : vector<16xi32>
      tpu.vector_store_idx %arg8[%parallel_loop3A_946], %parallel_loop3A_943 {add = true} : memref<16384xf32, #tpu.memory_space<vmem>>[vector<16xi32>], vector<16xf32>,
      %parallel_loop3A_947 = arith.constant 1 : i32
      %parallel_loop3A_948 = arith.constant 7 : i32
      %parallel_loop3A_949 = arith.index_cast %parallel_loop3A_947 : i32 to index
      %parallel_loop3A_950 = arith.index_cast %parallel_loop3A_948 : i32 to index
      %parallel_loop3A_951 = arith.index_cast %parallel_loop3A_879 : i32 to index
      %parallel_loop3A_952 = tpu.vector_load %arg7[%parallel_loop3A_949, %parallel_loop3A_950, %parallel_loop3A_951] {strides = array<i32>} : memref<2x8x4096xf32, #tpu.memory_space<vmem>>, vector<16xf32>,
      %parallel_loop3A_953 = arith.constant 14336 : i32
      %parallel_loop3A_954 = vector.broadcast %parallel_loop3A_953 : i32 to vector<16xi32>
      %parallel_loop3A_955 = arith.addi %parallel_loop3A_883, %parallel_loop3A_954 : vector<16xi32>
      tpu.vector_store_idx %arg8[%parallel_loop3A_955], %parallel_loop3A_952 {add = true} : memref<16384xf32, #tpu.memory_space<vmem>>[vector<16xi32>], vector<16xf32>,
    } {sc.loop_unroll_factor = 4 : i64, sc.parallel_access}
    %eq3A_386 = arith.constant 3 : i32
    %eq3A_387 = arith.cmpi eq, %select_n3A_9, %eq3A_386 : i32
    %convert_element_type3A_388 = arith.extui %eq3A_387 : i1 to i32
    %cond3A_389 = arith.constant 0 : i32
    %cond3A_390 = arith.cmpi ne, %convert_element_type3A_388, %cond3A_389 : i32
    scf.if %cond3A_390 {
      %parallel_loop3A_879 = arith.constant 0 : i32
      %parallel_loop3A_880 = arith.constant 4096 : i32
      %parallel_loop3A_881 = arith.constant 16 : i32
      scf.for %parallel_loop3A_882 = %parallel_loop3A_879 to %parallel_loop3A_880 step %parallel_loop3A_881  : i32 {
        %parallel_loop3A_883 = arith.constant 1 : i32
        %parallel_loop3A_884 = arith.index_cast %parallel_loop3A_883 : i32 to index
        %parallel_loop3A_885 = arith.index_cast %parallel_loop3A_882 : i32 to index
        %parallel_loop3A_886 = tpu.vector_load %arg6[%parallel_loop3A_884, %parallel_loop3A_885] {strides = array<i32>} : memref<2x4096xi32, #tpu.memory_space<vmem>>, vector<16xi32>,
        tpu.vector_store_idx %arg9[%parallel_loop3A_886], %broadcast_in_dim3A_38 {add = true} : memref<2048xf32, #tpu.memory_space<vmem>>[vector<16xi32>], vector<16xf32>,
      } {sc.loop_unroll_factor = 4 : i64, sc.parallel_access}
    } else {
    }
    %mul3A_391 = arith.constant 32768 : i32
    %mul3A_392 = arith.muli %select_n3A_30, %mul3A_391 : i32
    %add3A_393 = arith.constant 20480 : i32
    %add3A_394 = arith.addi %mul3A_392, %add3A_393 : i32
    %dma_start3A_395 = arith.constant 1 : i32
    %dma_start3A_396 = arith.constant 1 : i32
    %dma_start3A_397 = arith.constant 0 : i32
    %dma_start3A_398 = tpu.memref_slice %arg6[%dma_start3A_395, %dma_start3A_397] : memref<2x4096xi32, #tpu.memory_space<vmem>> -> memref<1x4096xi32, #tpu.memory_space<vmem>>
    %dma_start3A_399 = tpu.memref_squeeze %dma_start3A_398 : memref<1x4096xi32, #tpu.memory_space<vmem>> -> memref<4096xi32, #tpu.memory_space<vmem>>
    %dma_start3A_400 = tpu.memref_slice %arg3[%add3A_394] : memref<131072xi32, #tpu.memory_space<hbm>> -> memref<4096xi32, #tpu.memory_space<hbm>>
    %dma_start3A_401 = tpu.memref_slice %arg10[%dma_start3A_396] : memref<2x!tpu.dma_semaphore, #tpu.memory_space<semaphore_mem>> -> memref<1x!tpu.dma_semaphore, #tpu.memory_space<semaphore_mem>>
    %dma_start3A_402 = tpu.memref_squeeze %dma_start3A_401 : memref<1x!tpu.dma_semaphore, #tpu.memory_space<semaphore_mem>> -> memref<!tpu.dma_semaphore, #tpu.memory_space<semaphore_mem>>
    %dma_start3A_403 = arith.constant 0 : i32
    %dma_start3A_404 = tpu.memref_slice %arg6[%dma_start3A_395, %dma_start3A_403] : memref<2x4096xi32, #tpu.memory_space<vmem>> -> memref<1x4096xi32, #tpu.memory_space<vmem>>
    %dma_start3A_405 = tpu.memref_squeeze %dma_start3A_404 : memref<1x4096xi32, #tpu.memory_space<vmem>> -> memref<4096xi32, #tpu.memory_space<vmem>>
    %dma_start3A_406 = tpu.memref_slice %arg3[%add3A_394] : memref<131072xi32, #tpu.memory_space<hbm>> -> memref<4096xi32, #tpu.memory_space<hbm>>
    tpu.enqueue_dma source(%dma_start3A_406 : memref<4096xi32, #tpu.memory_space<hbm>>) target(%dma_start3A_405 : memref<4096xi32, #tpu.memory_space<vmem>>) target_semaphore(%dma_start3A_402 : memref<!tpu.dma_semaphore, #tpu.memory_space<semaphore_mem>>)
    %mul3A_407 = arith.constant 8 : i32
    %mul3A_408 = arith.muli %select_n3A_9, %mul3A_407 : i32
    %dma_start3A_409 = arith.constant 0 : i32
    %dma_start3A_410 = arith.constant 0 : i32
    %dma_start3A_411 = arith.constant 1 : i32
    %dma_start3A_412 = arith.constant 1 : i32
    %dma_start3A_413 = arith.constant 0 : i32
    %dma_start3A_414 = arith.constant 0 : i32
    %dma_start3A_415 = tpu.memref_slice %arg7[%dma_start3A_411, %dma_start3A_413, %dma_start3A_414] : memref<2x8x4096xf32, #tpu.memory_space<vmem>> -> memref<1x8x4096xf32, #tpu.memory_space<vmem>>
    %dma_start3A_416 = tpu.memref_squeeze %dma_start3A_415 : memref<1x8x4096xf32, #tpu.memory_space<vmem>> -> memref<8x4096xf32, #tpu.memory_space<vmem>>
    %dma_start3A_417 = tpu.memref_slice %arg2[%mul3A_408, %dma_start3A_409, %dma_start3A_410, %add3A_394] : memref<64x1x1x131072xf32, #tpu.memory_space<hbm>> -> memref<8x1x1x4096xf32, #tpu.memory_space<hbm>>
    %dma_start3A_418 = tpu.memref_squeeze %dma_start3A_417 : memref<8x1x1x4096xf32, #tpu.memory_space<hbm>> -> memref<8x4096xf32, #tpu.memory_space<hbm>>
    %dma_start3A_419 = tpu.memref_slice %arg11[%dma_start3A_412] : memref<2x!tpu.dma_semaphore, #tpu.memory_space<semaphore_mem>> -> memref<1x!tpu.dma_semaphore, #tpu.memory_space<semaphore_mem>>
    %dma_start3A_420 = tpu.memref_squeeze %dma_start3A_419 : memref<1x!tpu.dma_semaphore, #tpu.memory_space<semaphore_mem>> -> memref<!tpu.dma_semaphore, #tpu.memory_space<semaphore_mem>>
    %dma_start3A_421 = arith.constant 0 : i32
    %dma_start3A_422 = arith.constant 0 : i32
    %dma_start3A_423 = tpu.memref_slice %arg7[%dma_start3A_411, %dma_start3A_421, %dma_start3A_422] : memref<2x8x4096xf32, #tpu.memory_space<vmem>> -> memref<1x8x4096xf32, #tpu.memory_space<vmem>>
    %dma_start3A_424 = tpu.memref_squeeze %dma_start3A_423 : memref<1x8x4096xf32, #tpu.memory_space<vmem>> -> memref<8x4096xf32, #tpu.memory_space<vmem>>
    %dma_start3A_425 = tpu.memref_slice %arg2[%mul3A_408, %dma_start3A_409, %dma_start3A_410, %add3A_394] : memref<64x1x1x131072xf32, #tpu.memory_space<hbm>> -> memref<8x1x1x4096xf32, #tpu.memory_space<hbm>>
    %dma_start3A_426 = tpu.memref_squeeze %dma_start3A_425 : memref<8x1x1x4096xf32, #tpu.memory_space<hbm>> -> memref<8x4096xf32, #tpu.memory_space<hbm>>
    tpu.enqueue_dma source(%dma_start3A_426 : memref<8x4096xf32, #tpu.memory_space<hbm>>) target(%dma_start3A_424 : memref<8x4096xf32, #tpu.memory_space<vmem>>) target_semaphore(%dma_start3A_420 : memref<!tpu.dma_semaphore, #tpu.memory_space<semaphore_mem>>)
    %mul3A_427 = arith.constant 32768 : i32
    %mul3A_428 = arith.muli %select_n3A_30, %mul3A_427 : i32
    %add3A_429 = arith.constant 16384 : i32
    %add3A_430 = arith.addi %mul3A_428, %add3A_429 : i32
    %dma_wait3A_431 = arith.constant 0 : i32
    %dma_wait3A_432 = arith.constant 0 : i32
    %dma_wait3A_433 = arith.constant 0 : i32
    %dma_wait3A_434 = tpu.memref_slice %arg6[%dma_wait3A_431, %dma_wait3A_433] : memref<2x4096xi32, #tpu.memory_space<vmem>> -> memref<1x4096xi32, #tpu.memory_space<vmem>>
    %dma_wait3A_435 = tpu.memref_squeeze %dma_wait3A_434 : memref<1x4096xi32, #tpu.memory_space<vmem>> -> memref<4096xi32, #tpu.memory_space<vmem>>
    %dma_wait3A_436 = tpu.memref_slice %arg3[%add3A_430] : memref<131072xi32, #tpu.memory_space<hbm>> -> memref<4096xi32, #tpu.memory_space<hbm>>
    %dma_wait3A_437 = tpu.memref_slice %arg10[%dma_wait3A_432] : memref<2x!tpu.dma_semaphore, #tpu.memory_space<semaphore_mem>> -> memref<1x!tpu.dma_semaphore, #tpu.memory_space<semaphore_mem>>
    %dma_wait3A_438 = tpu.memref_squeeze %dma_wait3A_437 : memref<1x!tpu.dma_semaphore, #tpu.memory_space<semaphore_mem>> -> memref<!tpu.dma_semaphore, #tpu.memory_space<semaphore_mem>>
    %dma_wait3A_439 = arith.constant 0 : i32
    %dma_wait3A_440 = tpu.memref_slice %arg6[%dma_wait3A_431, %dma_wait3A_439] : memref<2x4096xi32, #tpu.memory_space<vmem>> -> memref<1x4096xi32, #tpu.memory_space<vmem>>
    %dma_wait3A_441 = tpu.memref_squeeze %dma_wait3A_440 : memref<1x4096xi32, #tpu.memory_space<vmem>> -> memref<4096xi32, #tpu.memory_space<vmem>>
    %dma_wait3A_442 = tpu.memref_slice %arg3[%add3A_430] : memref<131072xi32, #tpu.memory_space<hbm>> -> memref<4096xi32, #tpu.memory_space<hbm>>
    tpu.wait_dma2 semaphore(%dma_wait3A_438 : memref<!tpu.dma_semaphore, #tpu.memory_space<semaphore_mem>>) src(%dma_wait3A_442 : memref<4096xi32, #tpu.memory_space<hbm>>) dst(%dma_wait3A_441 : memref<4096xi32, #tpu.memory_space<vmem>>)
    %mul3A_443 = arith.constant 8 : i32
    %mul3A_444 = arith.muli %select_n3A_9, %mul3A_443 : i32
    %dma_wait3A_445 = arith.constant 0 : i32
    %dma_wait3A_446 = arith.constant 0 : i32
    %dma_wait3A_447 = arith.constant 0 : i32
    %dma_wait3A_448 = arith.constant 0 : i32
    %dma_wait3A_449 = arith.constant 0 : i32
    %dma_wait3A_450 = arith.constant 0 : i32
    %dma_wait3A_451 = tpu.memref_slice %arg7[%dma_wait3A_447, %dma_wait3A_449, %dma_wait3A_450] : memref<2x8x4096xf32, #tpu.memory_space<vmem>> -> memref<1x8x4096xf32, #tpu.memory_space<vmem>>
    %dma_wait3A_452 = tpu.memref_squeeze %dma_wait3A_451 : memref<1x8x4096xf32, #tpu.memory_space<vmem>> -> memref<8x4096xf32, #tpu.memory_space<vmem>>
    %dma_wait3A_453 = tpu.memref_slice %arg2[%mul3A_444, %dma_wait3A_445, %dma_wait3A_446, %add3A_430] : memref<64x1x1x131072xf32, #tpu.memory_space<hbm>> -> memref<8x1x1x4096xf32, #tpu.memory_space<hbm>>
    %dma_wait3A_454 = tpu.memref_squeeze %dma_wait3A_453 : memref<8x1x1x4096xf32, #tpu.memory_space<hbm>> -> memref<8x4096xf32, #tpu.memory_space<hbm>>
    %dma_wait3A_455 = tpu.memref_slice %arg11[%dma_wait3A_448] : memref<2x!tpu.dma_semaphore, #tpu.memory_space<semaphore_mem>> -> memref<1x!tpu.dma_semaphore, #tpu.memory_space<semaphore_mem>>
    %dma_wait3A_456 = tpu.memref_squeeze %dma_wait3A_455 : memref<1x!tpu.dma_semaphore, #tpu.memory_space<semaphore_mem>> -> memref<!tpu.dma_semaphore, #tpu.memory_space<semaphore_mem>>
    %dma_wait3A_457 = arith.constant 0 : i32
    %dma_wait3A_458 = arith.constant 0 : i32
    %dma_wait3A_459 = tpu.memref_slice %arg7[%dma_wait3A_447, %dma_wait3A_457, %dma_wait3A_458] : memref<2x8x4096xf32, #tpu.memory_space<vmem>> -> memref<1x8x4096xf32, #tpu.memory_space<vmem>>
    %dma_wait3A_460 = tpu.memref_squeeze %dma_wait3A_459 : memref<1x8x4096xf32, #tpu.memory_space<vmem>> -> memref<8x4096xf32, #tpu.memory_space<vmem>>
    %dma_wait3A_461 = tpu.memref_slice %arg2[%mul3A_444, %dma_wait3A_445, %dma_wait3A_446, %add3A_430] : memref<64x1x1x131072xf32, #tpu.memory_space<hbm>> -> memref<8x1x1x4096xf32, #tpu.memory_space<hbm>>
    %dma_wait3A_462 = tpu.memref_squeeze %dma_wait3A_461 : memref<8x1x1x4096xf32, #tpu.memory_space<hbm>> -> memref<8x4096xf32, #tpu.memory_space<hbm>>
    tpu.wait_dma2 semaphore(%dma_wait3A_456 : memref<!tpu.dma_semaphore, #tpu.memory_space<semaphore_mem>>) src(%dma_wait3A_462 : memref<8x4096xf32, #tpu.memory_space<hbm>>) dst(%dma_wait3A_460 : memref<8x4096xf32, #tpu.memory_space<vmem>>)
    %parallel_loop3A_463 = arith.constant 0 : i32
    %parallel_loop3A_464 = arith.constant 4096 : i32
    %parallel_loop3A_465 = arith.constant 16 : i32
    scf.for %parallel_loop3A_879 = %parallel_loop3A_463 to %parallel_loop3A_464 step %parallel_loop3A_465  : i32 {
      %parallel_loop3A_880 = arith.constant 0 : i32
      %parallel_loop3A_881 = arith.index_cast %parallel_loop3A_880 : i32 to index
      %parallel_loop3A_882 = arith.index_cast %parallel_loop3A_879 : i32 to index
      %parallel_loop3A_883 = tpu.vector_load %arg6[%parallel_loop3A_881, %parallel_loop3A_882] {strides = array<i32>} : memref<2x4096xi32, #tpu.memory_space<vmem>>, vector<16xi32>,
      %parallel_loop3A_884 = arith.constant 0 : i32
      %parallel_loop3A_885 = arith.constant 0 : i32
      %parallel_loop3A_886 = arith.index_cast %parallel_loop3A_884 : i32 to index
      %parallel_loop3A_887 = arith.index_cast %parallel_loop3A_885 : i32 to index
      %parallel_loop3A_888 = arith.index_cast %parallel_loop3A_879 : i32 to index
      %parallel_loop3A_889 = tpu.vector_load %arg7[%parallel_loop3A_886, %parallel_loop3A_887, %parallel_loop3A_888] {strides = array<i32>} : memref<2x8x4096xf32, #tpu.memory_space<vmem>>, vector<16xf32>,
      %parallel_loop3A_890 = arith.constant 0 : i32
      %parallel_loop3A_891 = vector.broadcast %parallel_loop3A_890 : i32 to vector<16xi32>
      %parallel_loop3A_892 = arith.addi %parallel_loop3A_883, %parallel_loop3A_891 : vector<16xi32>
      tpu.vector_store_idx %arg8[%parallel_loop3A_892], %parallel_loop3A_889 {add = true} : memref<16384xf32, #tpu.memory_space<vmem>>[vector<16xi32>], vector<16xf32>,
      %parallel_loop3A_893 = arith.constant 0 : i32
      %parallel_loop3A_894 = arith.constant 1 : i32
      %parallel_loop3A_895 = arith.index_cast %parallel_loop3A_893 : i32 to index
      %parallel_loop3A_896 = arith.index_cast %parallel_loop3A_894 : i32 to index
      %parallel_loop3A_897 = arith.index_cast %parallel_loop3A_879 : i32 to index
      %parallel_loop3A_898 = tpu.vector_load %arg7[%parallel_loop3A_895, %parallel_loop3A_896, %parallel_loop3A_897] {strides = array<i32>} : memref<2x8x4096xf32, #tpu.memory_space<vmem>>, vector<16xf32>,
      %parallel_loop3A_899 = arith.constant 2048 : i32
      %parallel_loop3A_900 = vector.broadcast %parallel_loop3A_899 : i32 to vector<16xi32>
      %parallel_loop3A_901 = arith.addi %parallel_loop3A_883, %parallel_loop3A_900 : vector<16xi32>
      tpu.vector_store_idx %arg8[%parallel_loop3A_901], %parallel_loop3A_898 {add = true} : memref<16384xf32, #tpu.memory_space<vmem>>[vector<16xi32>], vector<16xf32>,
      %parallel_loop3A_902 = arith.constant 0 : i32
      %parallel_loop3A_903 = arith.constant 2 : i32
      %parallel_loop3A_904 = arith.index_cast %parallel_loop3A_902 : i32 to index
      %parallel_loop3A_905 = arith.index_cast %parallel_loop3A_903 : i32 to index
      %parallel_loop3A_906 = arith.index_cast %parallel_loop3A_879 : i32 to index
      %parallel_loop3A_907 = tpu.vector_load %arg7[%parallel_loop3A_904, %parallel_loop3A_905, %parallel_loop3A_906] {strides = array<i32>} : memref<2x8x4096xf32, #tpu.memory_space<vmem>>, vector<16xf32>,
      %parallel_loop3A_908 = arith.constant 4096 : i32
      %parallel_loop3A_909 = vector.broadcast %parallel_loop3A_908 : i32 to vector<16xi32>
      %parallel_loop3A_910 = arith.addi %parallel_loop3A_883, %parallel_loop3A_909 : vector<16xi32>
      tpu.vector_store_idx %arg8[%parallel_loop3A_910], %parallel_loop3A_907 {add = true} : memref<16384xf32, #tpu.memory_space<vmem>>[vector<16xi32>], vector<16xf32>,
      %parallel_loop3A_911 = arith.constant 0 : i32
      %parallel_loop3A_912 = arith.constant 3 : i32
      %parallel_loop3A_913 = arith.index_cast %parallel_loop3A_911 : i32 to index
      %parallel_loop3A_914 = arith.index_cast %parallel_loop3A_912 : i32 to index
      %parallel_loop3A_915 = arith.index_cast %parallel_loop3A_879 : i32 to index
      %parallel_loop3A_916 = tpu.vector_load %arg7[%parallel_loop3A_913, %parallel_loop3A_914, %parallel_loop3A_915] {strides = array<i32>} : memref<2x8x4096xf32, #tpu.memory_space<vmem>>, vector<16xf32>,
      %parallel_loop3A_917 = arith.constant 6144 : i32
      %parallel_loop3A_918 = vector.broadcast %parallel_loop3A_917 : i32 to vector<16xi32>
      %parallel_loop3A_919 = arith.addi %parallel_loop3A_883, %parallel_loop3A_918 : vector<16xi32>
      tpu.vector_store_idx %arg8[%parallel_loop3A_919], %parallel_loop3A_916 {add = true} : memref<16384xf32, #tpu.memory_space<vmem>>[vector<16xi32>], vector<16xf32>,
      %parallel_loop3A_920 = arith.constant 0 : i32
      %parallel_loop3A_921 = arith.constant 4 : i32
      %parallel_loop3A_922 = arith.index_cast %parallel_loop3A_920 : i32 to index
      %parallel_loop3A_923 = arith.index_cast %parallel_loop3A_921 : i32 to index
      %parallel_loop3A_924 = arith.index_cast %parallel_loop3A_879 : i32 to index
      %parallel_loop3A_925 = tpu.vector_load %arg7[%parallel_loop3A_922, %parallel_loop3A_923, %parallel_loop3A_924] {strides = array<i32>} : memref<2x8x4096xf32, #tpu.memory_space<vmem>>, vector<16xf32>,
      %parallel_loop3A_926 = arith.constant 8192 : i32
      %parallel_loop3A_927 = vector.broadcast %parallel_loop3A_926 : i32 to vector<16xi32>
      %parallel_loop3A_928 = arith.addi %parallel_loop3A_883, %parallel_loop3A_927 : vector<16xi32>
      tpu.vector_store_idx %arg8[%parallel_loop3A_928], %parallel_loop3A_925 {add = true} : memref<16384xf32, #tpu.memory_space<vmem>>[vector<16xi32>], vector<16xf32>,
      %parallel_loop3A_929 = arith.constant 0 : i32
      %parallel_loop3A_930 = arith.constant 5 : i32
      %parallel_loop3A_931 = arith.index_cast %parallel_loop3A_929 : i32 to index
      %parallel_loop3A_932 = arith.index_cast %parallel_loop3A_930 : i32 to index
      %parallel_loop3A_933 = arith.index_cast %parallel_loop3A_879 : i32 to index
      %parallel_loop3A_934 = tpu.vector_load %arg7[%parallel_loop3A_931, %parallel_loop3A_932, %parallel_loop3A_933] {strides = array<i32>} : memref<2x8x4096xf32, #tpu.memory_space<vmem>>, vector<16xf32>,
      %parallel_loop3A_935 = arith.constant 10240 : i32
      %parallel_loop3A_936 = vector.broadcast %parallel_loop3A_935 : i32 to vector<16xi32>
      %parallel_loop3A_937 = arith.addi %parallel_loop3A_883, %parallel_loop3A_936 : vector<16xi32>
      tpu.vector_store_idx %arg8[%parallel_loop3A_937], %parallel_loop3A_934 {add = true} : memref<16384xf32, #tpu.memory_space<vmem>>[vector<16xi32>], vector<16xf32>,
      %parallel_loop3A_938 = arith.constant 0 : i32
      %parallel_loop3A_939 = arith.constant 6 : i32
      %parallel_loop3A_940 = arith.index_cast %parallel_loop3A_938 : i32 to index
      %parallel_loop3A_941 = arith.index_cast %parallel_loop3A_939 : i32 to index
      %parallel_loop3A_942 = arith.index_cast %parallel_loop3A_879 : i32 to index
      %parallel_loop3A_943 = tpu.vector_load %arg7[%parallel_loop3A_940, %parallel_loop3A_941, %parallel_loop3A_942] {strides = array<i32>} : memref<2x8x4096xf32, #tpu.memory_space<vmem>>, vector<16xf32>,
      %parallel_loop3A_944 = arith.constant 12288 : i32
      %parallel_loop3A_945 = vector.broadcast %parallel_loop3A_944 : i32 to vector<16xi32>
      %parallel_loop3A_946 = arith.addi %parallel_loop3A_883, %parallel_loop3A_945 : vector<16xi32>
      tpu.vector_store_idx %arg8[%parallel_loop3A_946], %parallel_loop3A_943 {add = true} : memref<16384xf32, #tpu.memory_space<vmem>>[vector<16xi32>], vector<16xf32>,
      %parallel_loop3A_947 = arith.constant 0 : i32
      %parallel_loop3A_948 = arith.constant 7 : i32
      %parallel_loop3A_949 = arith.index_cast %parallel_loop3A_947 : i32 to index
      %parallel_loop3A_950 = arith.index_cast %parallel_loop3A_948 : i32 to index
      %parallel_loop3A_951 = arith.index_cast %parallel_loop3A_879 : i32 to index
      %parallel_loop3A_952 = tpu.vector_load %arg7[%parallel_loop3A_949, %parallel_loop3A_950, %parallel_loop3A_951] {strides = array<i32>} : memref<2x8x4096xf32, #tpu.memory_space<vmem>>, vector<16xf32>,
      %parallel_loop3A_953 = arith.constant 14336 : i32
      %parallel_loop3A_954 = vector.broadcast %parallel_loop3A_953 : i32 to vector<16xi32>
      %parallel_loop3A_955 = arith.addi %parallel_loop3A_883, %parallel_loop3A_954 : vector<16xi32>
      tpu.vector_store_idx %arg8[%parallel_loop3A_955], %parallel_loop3A_952 {add = true} : memref<16384xf32, #tpu.memory_space<vmem>>[vector<16xi32>], vector<16xf32>,
    } {sc.loop_unroll_factor = 4 : i64, sc.parallel_access}
    %eq3A_466 = arith.constant 4 : i32
    %eq3A_467 = arith.cmpi eq, %select_n3A_9, %eq3A_466 : i32
    %convert_element_type3A_468 = arith.extui %eq3A_467 : i1 to i32
    %cond3A_469 = arith.constant 0 : i32
    %cond3A_470 = arith.cmpi ne, %convert_element_type3A_468, %cond3A_469 : i32
    scf.if %cond3A_470 {
      %parallel_loop3A_879 = arith.constant 0 : i32
      %parallel_loop3A_880 = arith.constant 4096 : i32
      %parallel_loop3A_881 = arith.constant 16 : i32
      scf.for %parallel_loop3A_882 = %parallel_loop3A_879 to %parallel_loop3A_880 step %parallel_loop3A_881  : i32 {
        %parallel_loop3A_883 = arith.constant 0 : i32
        %parallel_loop3A_884 = arith.index_cast %parallel_loop3A_883 : i32 to index
        %parallel_loop3A_885 = arith.index_cast %parallel_loop3A_882 : i32 to index
        %parallel_loop3A_886 = tpu.vector_load %arg6[%parallel_loop3A_884, %parallel_loop3A_885] {strides = array<i32>} : memref<2x4096xi32, #tpu.memory_space<vmem>>, vector<16xi32>,
        tpu.vector_store_idx %arg9[%parallel_loop3A_886], %broadcast_in_dim3A_38 {add = true} : memref<2048xf32, #tpu.memory_space<vmem>>[vector<16xi32>], vector<16xf32>,
      } {sc.loop_unroll_factor = 4 : i64, sc.parallel_access}
    } else {
    }
    %mul3A_471 = arith.constant 32768 : i32
    %mul3A_472 = arith.muli %select_n3A_30, %mul3A_471 : i32
    %add3A_473 = arith.constant 24576 : i32
    %add3A_474 = arith.addi %mul3A_472, %add3A_473 : i32
    %dma_start3A_475 = arith.constant 0 : i32
    %dma_start3A_476 = arith.constant 0 : i32
    %dma_start3A_477 = arith.constant 0 : i32
    %dma_start3A_478 = tpu.memref_slice %arg6[%dma_start3A_475, %dma_start3A_477] : memref<2x4096xi32, #tpu.memory_space<vmem>> -> memref<1x4096xi32, #tpu.memory_space<vmem>>
    %dma_start3A_479 = tpu.memref_squeeze %dma_start3A_478 : memref<1x4096xi32, #tpu.memory_space<vmem>> -> memref<4096xi32, #tpu.memory_space<vmem>>
    %dma_start3A_480 = tpu.memref_slice %arg3[%add3A_474] : memref<131072xi32, #tpu.memory_space<hbm>> -> memref<4096xi32, #tpu.memory_space<hbm>>
    %dma_start3A_481 = tpu.memref_slice %arg10[%dma_start3A_476] : memref<2x!tpu.dma_semaphore, #tpu.memory_space<semaphore_mem>> -> memref<1x!tpu.dma_semaphore, #tpu.memory_space<semaphore_mem>>
    %dma_start3A_482 = tpu.memref_squeeze %dma_start3A_481 : memref<1x!tpu.dma_semaphore, #tpu.memory_space<semaphore_mem>> -> memref<!tpu.dma_semaphore, #tpu.memory_space<semaphore_mem>>
    %dma_start3A_483 = arith.constant 0 : i32
    %dma_start3A_484 = tpu.memref_slice %arg6[%dma_start3A_475, %dma_start3A_483] : memref<2x4096xi32, #tpu.memory_space<vmem>> -> memref<1x4096xi32, #tpu.memory_space<vmem>>
    %dma_start3A_485 = tpu.memref_squeeze %dma_start3A_484 : memref<1x4096xi32, #tpu.memory_space<vmem>> -> memref<4096xi32, #tpu.memory_space<vmem>>
    %dma_start3A_486 = tpu.memref_slice %arg3[%add3A_474] : memref<131072xi32, #tpu.memory_space<hbm>> -> memref<4096xi32, #tpu.memory_space<hbm>>
    tpu.enqueue_dma source(%dma_start3A_486 : memref<4096xi32, #tpu.memory_space<hbm>>) target(%dma_start3A_485 : memref<4096xi32, #tpu.memory_space<vmem>>) target_semaphore(%dma_start3A_482 : memref<!tpu.dma_semaphore, #tpu.memory_space<semaphore_mem>>)
    %mul3A_487 = arith.constant 8 : i32
    %mul3A_488 = arith.muli %select_n3A_9, %mul3A_487 : i32
    %dma_start3A_489 = arith.constant 0 : i32
    %dma_start3A_490 = arith.constant 0 : i32
    %dma_start3A_491 = arith.constant 0 : i32
    %dma_start3A_492 = arith.constant 0 : i32
    %dma_start3A_493 = arith.constant 0 : i32
    %dma_start3A_494 = arith.constant 0 : i32
    %dma_start3A_495 = tpu.memref_slice %arg7[%dma_start3A_491, %dma_start3A_493, %dma_start3A_494] : memref<2x8x4096xf32, #tpu.memory_space<vmem>> -> memref<1x8x4096xf32, #tpu.memory_space<vmem>>
    %dma_start3A_496 = tpu.memref_squeeze %dma_start3A_495 : memref<1x8x4096xf32, #tpu.memory_space<vmem>> -> memref<8x4096xf32, #tpu.memory_space<vmem>>
    %dma_start3A_497 = tpu.memref_slice %arg2[%mul3A_488, %dma_start3A_489, %dma_start3A_490, %add3A_474] : memref<64x1x1x131072xf32, #tpu.memory_space<hbm>> -> memref<8x1x1x4096xf32, #tpu.memory_space<hbm>>
    %dma_start3A_498 = tpu.memref_squeeze %dma_start3A_497 : memref<8x1x1x4096xf32, #tpu.memory_space<hbm>> -> memref<8x4096xf32, #tpu.memory_space<hbm>>
    %dma_start3A_499 = tpu.memref_slice %arg11[%dma_start3A_492] : memref<2x!tpu.dma_semaphore, #tpu.memory_space<semaphore_mem>> -> memref<1x!tpu.dma_semaphore, #tpu.memory_space<semaphore_mem>>
    %dma_start3A_500 = tpu.memref_squeeze %dma_start3A_499 : memref<1x!tpu.dma_semaphore, #tpu.memory_space<semaphore_mem>> -> memref<!tpu.dma_semaphore, #tpu.memory_space<semaphore_mem>>
    %dma_start3A_501 = arith.constant 0 : i32
    %dma_start3A_502 = arith.constant 0 : i32
    %dma_start3A_503 = tpu.memref_slice %arg7[%dma_start3A_491, %dma_start3A_501, %dma_start3A_502] : memref<2x8x4096xf32, #tpu.memory_space<vmem>> -> memref<1x8x4096xf32, #tpu.memory_space<vmem>>
    %dma_start3A_504 = tpu.memref_squeeze %dma_start3A_503 : memref<1x8x4096xf32, #tpu.memory_space<vmem>> -> memref<8x4096xf32, #tpu.memory_space<vmem>>
    %dma_start3A_505 = tpu.memref_slice %arg2[%mul3A_488, %dma_start3A_489, %dma_start3A_490, %add3A_474] : memref<64x1x1x131072xf32, #tpu.memory_space<hbm>> -> memref<8x1x1x4096xf32, #tpu.memory_space<hbm>>
    %dma_start3A_506 = tpu.memref_squeeze %dma_start3A_505 : memref<8x1x1x4096xf32, #tpu.memory_space<hbm>> -> memref<8x4096xf32, #tpu.memory_space<hbm>>
    tpu.enqueue_dma source(%dma_start3A_506 : memref<8x4096xf32, #tpu.memory_space<hbm>>) target(%dma_start3A_504 : memref<8x4096xf32, #tpu.memory_space<vmem>>) target_semaphore(%dma_start3A_500 : memref<!tpu.dma_semaphore, #tpu.memory_space<semaphore_mem>>)
    %mul3A_507 = arith.constant 32768 : i32
    %mul3A_508 = arith.muli %select_n3A_30, %mul3A_507 : i32
    %add3A_509 = arith.constant 20480 : i32
    %add3A_510 = arith.addi %mul3A_508, %add3A_509 : i32
    %dma_wait3A_511 = arith.constant 1 : i32
    %dma_wait3A_512 = arith.constant 1 : i32
    %dma_wait3A_513 = arith.constant 0 : i32
    %dma_wait3A_514 = tpu.memref_slice %arg6[%dma_wait3A_511, %dma_wait3A_513] : memref<2x4096xi32, #tpu.memory_space<vmem>> -> memref<1x4096xi32, #tpu.memory_space<vmem>>
    %dma_wait3A_515 = tpu.memref_squeeze %dma_wait3A_514 : memref<1x4096xi32, #tpu.memory_space<vmem>> -> memref<4096xi32, #tpu.memory_space<vmem>>
    %dma_wait3A_516 = tpu.memref_slice %arg3[%add3A_510] : memref<131072xi32, #tpu.memory_space<hbm>> -> memref<4096xi32, #tpu.memory_space<hbm>>
    %dma_wait3A_517 = tpu.memref_slice %arg10[%dma_wait3A_512] : memref<2x!tpu.dma_semaphore, #tpu.memory_space<semaphore_mem>> -> memref<1x!tpu.dma_semaphore, #tpu.memory_space<semaphore_mem>>
    %dma_wait3A_518 = tpu.memref_squeeze %dma_wait3A_517 : memref<1x!tpu.dma_semaphore, #tpu.memory_space<semaphore_mem>> -> memref<!tpu.dma_semaphore, #tpu.memory_space<semaphore_mem>>
    %dma_wait3A_519 = arith.constant 0 : i32
    %dma_wait3A_520 = tpu.memref_slice %arg6[%dma_wait3A_511, %dma_wait3A_519] : memref<2x4096xi32, #tpu.memory_space<vmem>> -> memref<1x4096xi32, #tpu.memory_space<vmem>>
    %dma_wait3A_521 = tpu.memref_squeeze %dma_wait3A_520 : memref<1x4096xi32, #tpu.memory_space<vmem>> -> memref<4096xi32, #tpu.memory_space<vmem>>
    %dma_wait3A_522 = tpu.memref_slice %arg3[%add3A_510] : memref<131072xi32, #tpu.memory_space<hbm>> -> memref<4096xi32, #tpu.memory_space<hbm>>
    tpu.wait_dma2 semaphore(%dma_wait3A_518 : memref<!tpu.dma_semaphore, #tpu.memory_space<semaphore_mem>>) src(%dma_wait3A_522 : memref<4096xi32, #tpu.memory_space<hbm>>) dst(%dma_wait3A_521 : memref<4096xi32, #tpu.memory_space<vmem>>)
    %mul3A_523 = arith.constant 8 : i32
    %mul3A_524 = arith.muli %select_n3A_9, %mul3A_523 : i32
    %dma_wait3A_525 = arith.constant 0 : i32
    %dma_wait3A_526 = arith.constant 0 : i32
    %dma_wait3A_527 = arith.constant 1 : i32
    %dma_wait3A_528 = arith.constant 1 : i32
    %dma_wait3A_529 = arith.constant 0 : i32
    %dma_wait3A_530 = arith.constant 0 : i32
    %dma_wait3A_531 = tpu.memref_slice %arg7[%dma_wait3A_527, %dma_wait3A_529, %dma_wait3A_530] : memref<2x8x4096xf32, #tpu.memory_space<vmem>> -> memref<1x8x4096xf32, #tpu.memory_space<vmem>>
    %dma_wait3A_532 = tpu.memref_squeeze %dma_wait3A_531 : memref<1x8x4096xf32, #tpu.memory_space<vmem>> -> memref<8x4096xf32, #tpu.memory_space<vmem>>
    %dma_wait3A_533 = tpu.memref_slice %arg2[%mul3A_524, %dma_wait3A_525, %dma_wait3A_526, %add3A_510] : memref<64x1x1x131072xf32, #tpu.memory_space<hbm>> -> memref<8x1x1x4096xf32, #tpu.memory_space<hbm>>
    %dma_wait3A_534 = tpu.memref_squeeze %dma_wait3A_533 : memref<8x1x1x4096xf32, #tpu.memory_space<hbm>> -> memref<8x4096xf32, #tpu.memory_space<hbm>>
    %dma_wait3A_535 = tpu.memref_slice %arg11[%dma_wait3A_528] : memref<2x!tpu.dma_semaphore, #tpu.memory_space<semaphore_mem>> -> memref<1x!tpu.dma_semaphore, #tpu.memory_space<semaphore_mem>>
    %dma_wait3A_536 = tpu.memref_squeeze %dma_wait3A_535 : memref<1x!tpu.dma_semaphore, #tpu.memory_space<semaphore_mem>> -> memref<!tpu.dma_semaphore, #tpu.memory_space<semaphore_mem>>
    %dma_wait3A_537 = arith.constant 0 : i32
    %dma_wait3A_538 = arith.constant 0 : i32
    %dma_wait3A_539 = tpu.memref_slice %arg7[%dma_wait3A_527, %dma_wait3A_537, %dma_wait3A_538] : memref<2x8x4096xf32, #tpu.memory_space<vmem>> -> memref<1x8x4096xf32, #tpu.memory_space<vmem>>
    %dma_wait3A_540 = tpu.memref_squeeze %dma_wait3A_539 : memref<1x8x4096xf32, #tpu.memory_space<vmem>> -> memref<8x4096xf32, #tpu.memory_space<vmem>>
    %dma_wait3A_541 = tpu.memref_slice %arg2[%mul3A_524, %dma_wait3A_525, %dma_wait3A_526, %add3A_510] : memref<64x1x1x131072xf32, #tpu.memory_space<hbm>> -> memref<8x1x1x4096xf32, #tpu.memory_space<hbm>>
    %dma_wait3A_542 = tpu.memref_squeeze %dma_wait3A_541 : memref<8x1x1x4096xf32, #tpu.memory_space<hbm>> -> memref<8x4096xf32, #tpu.memory_space<hbm>>
    tpu.wait_dma2 semaphore(%dma_wait3A_536 : memref<!tpu.dma_semaphore, #tpu.memory_space<semaphore_mem>>) src(%dma_wait3A_542 : memref<8x4096xf32, #tpu.memory_space<hbm>>) dst(%dma_wait3A_540 : memref<8x4096xf32, #tpu.memory_space<vmem>>)
    %parallel_loop3A_543 = arith.constant 0 : i32
    %parallel_loop3A_544 = arith.constant 4096 : i32
    %parallel_loop3A_545 = arith.constant 16 : i32
    scf.for %parallel_loop3A_879 = %parallel_loop3A_543 to %parallel_loop3A_544 step %parallel_loop3A_545  : i32 {
      %parallel_loop3A_880 = arith.constant 1 : i32
      %parallel_loop3A_881 = arith.index_cast %parallel_loop3A_880 : i32 to index
      %parallel_loop3A_882 = arith.index_cast %parallel_loop3A_879 : i32 to index
      %parallel_loop3A_883 = tpu.vector_load %arg6[%parallel_loop3A_881, %parallel_loop3A_882] {strides = array<i32>} : memref<2x4096xi32, #tpu.memory_space<vmem>>, vector<16xi32>,
      %parallel_loop3A_884 = arith.constant 1 : i32
      %parallel_loop3A_885 = arith.constant 0 : i32
      %parallel_loop3A_886 = arith.index_cast %parallel_loop3A_884 : i32 to index
      %parallel_loop3A_887 = arith.index_cast %parallel_loop3A_885 : i32 to index
      %parallel_loop3A_888 = arith.index_cast %parallel_loop3A_879 : i32 to index
      %parallel_loop3A_889 = tpu.vector_load %arg7[%parallel_loop3A_886, %parallel_loop3A_887, %parallel_loop3A_888] {strides = array<i32>} : memref<2x8x4096xf32, #tpu.memory_space<vmem>>, vector<16xf32>,
      %parallel_loop3A_890 = arith.constant 0 : i32
      %parallel_loop3A_891 = vector.broadcast %parallel_loop3A_890 : i32 to vector<16xi32>
      %parallel_loop3A_892 = arith.addi %parallel_loop3A_883, %parallel_loop3A_891 : vector<16xi32>
      tpu.vector_store_idx %arg8[%parallel_loop3A_892], %parallel_loop3A_889 {add = true} : memref<16384xf32, #tpu.memory_space<vmem>>[vector<16xi32>], vector<16xf32>,
      %parallel_loop3A_893 = arith.constant 1 : i32
      %parallel_loop3A_894 = arith.constant 1 : i32
      %parallel_loop3A_895 = arith.index_cast %parallel_loop3A_893 : i32 to index
      %parallel_loop3A_896 = arith.index_cast %parallel_loop3A_894 : i32 to index
      %parallel_loop3A_897 = arith.index_cast %parallel_loop3A_879 : i32 to index
      %parallel_loop3A_898 = tpu.vector_load %arg7[%parallel_loop3A_895, %parallel_loop3A_896, %parallel_loop3A_897] {strides = array<i32>} : memref<2x8x4096xf32, #tpu.memory_space<vmem>>, vector<16xf32>,
      %parallel_loop3A_899 = arith.constant 2048 : i32
      %parallel_loop3A_900 = vector.broadcast %parallel_loop3A_899 : i32 to vector<16xi32>
      %parallel_loop3A_901 = arith.addi %parallel_loop3A_883, %parallel_loop3A_900 : vector<16xi32>
      tpu.vector_store_idx %arg8[%parallel_loop3A_901], %parallel_loop3A_898 {add = true} : memref<16384xf32, #tpu.memory_space<vmem>>[vector<16xi32>], vector<16xf32>,
      %parallel_loop3A_902 = arith.constant 1 : i32
      %parallel_loop3A_903 = arith.constant 2 : i32
      %parallel_loop3A_904 = arith.index_cast %parallel_loop3A_902 : i32 to index
      %parallel_loop3A_905 = arith.index_cast %parallel_loop3A_903 : i32 to index
      %parallel_loop3A_906 = arith.index_cast %parallel_loop3A_879 : i32 to index
      %parallel_loop3A_907 = tpu.vector_load %arg7[%parallel_loop3A_904, %parallel_loop3A_905, %parallel_loop3A_906] {strides = array<i32>} : memref<2x8x4096xf32, #tpu.memory_space<vmem>>, vector<16xf32>,
      %parallel_loop3A_908 = arith.constant 4096 : i32
      %parallel_loop3A_909 = vector.broadcast %parallel_loop3A_908 : i32 to vector<16xi32>
      %parallel_loop3A_910 = arith.addi %parallel_loop3A_883, %parallel_loop3A_909 : vector<16xi32>
      tpu.vector_store_idx %arg8[%parallel_loop3A_910], %parallel_loop3A_907 {add = true} : memref<16384xf32, #tpu.memory_space<vmem>>[vector<16xi32>], vector<16xf32>,
      %parallel_loop3A_911 = arith.constant 1 : i32
      %parallel_loop3A_912 = arith.constant 3 : i32
      %parallel_loop3A_913 = arith.index_cast %parallel_loop3A_911 : i32 to index
      %parallel_loop3A_914 = arith.index_cast %parallel_loop3A_912 : i32 to index
      %parallel_loop3A_915 = arith.index_cast %parallel_loop3A_879 : i32 to index
      %parallel_loop3A_916 = tpu.vector_load %arg7[%parallel_loop3A_913, %parallel_loop3A_914, %parallel_loop3A_915] {strides = array<i32>} : memref<2x8x4096xf32, #tpu.memory_space<vmem>>, vector<16xf32>,
      %parallel_loop3A_917 = arith.constant 6144 : i32
      %parallel_loop3A_918 = vector.broadcast %parallel_loop3A_917 : i32 to vector<16xi32>
      %parallel_loop3A_919 = arith.addi %parallel_loop3A_883, %parallel_loop3A_918 : vector<16xi32>
      tpu.vector_store_idx %arg8[%parallel_loop3A_919], %parallel_loop3A_916 {add = true} : memref<16384xf32, #tpu.memory_space<vmem>>[vector<16xi32>], vector<16xf32>,
      %parallel_loop3A_920 = arith.constant 1 : i32
      %parallel_loop3A_921 = arith.constant 4 : i32
      %parallel_loop3A_922 = arith.index_cast %parallel_loop3A_920 : i32 to index
      %parallel_loop3A_923 = arith.index_cast %parallel_loop3A_921 : i32 to index
      %parallel_loop3A_924 = arith.index_cast %parallel_loop3A_879 : i32 to index
      %parallel_loop3A_925 = tpu.vector_load %arg7[%parallel_loop3A_922, %parallel_loop3A_923, %parallel_loop3A_924] {strides = array<i32>} : memref<2x8x4096xf32, #tpu.memory_space<vmem>>, vector<16xf32>,
      %parallel_loop3A_926 = arith.constant 8192 : i32
      %parallel_loop3A_927 = vector.broadcast %parallel_loop3A_926 : i32 to vector<16xi32>
      %parallel_loop3A_928 = arith.addi %parallel_loop3A_883, %parallel_loop3A_927 : vector<16xi32>
      tpu.vector_store_idx %arg8[%parallel_loop3A_928], %parallel_loop3A_925 {add = true} : memref<16384xf32, #tpu.memory_space<vmem>>[vector<16xi32>], vector<16xf32>,
      %parallel_loop3A_929 = arith.constant 1 : i32
      %parallel_loop3A_930 = arith.constant 5 : i32
      %parallel_loop3A_931 = arith.index_cast %parallel_loop3A_929 : i32 to index
      %parallel_loop3A_932 = arith.index_cast %parallel_loop3A_930 : i32 to index
      %parallel_loop3A_933 = arith.index_cast %parallel_loop3A_879 : i32 to index
      %parallel_loop3A_934 = tpu.vector_load %arg7[%parallel_loop3A_931, %parallel_loop3A_932, %parallel_loop3A_933] {strides = array<i32>} : memref<2x8x4096xf32, #tpu.memory_space<vmem>>, vector<16xf32>,
      %parallel_loop3A_935 = arith.constant 10240 : i32
      %parallel_loop3A_936 = vector.broadcast %parallel_loop3A_935 : i32 to vector<16xi32>
      %parallel_loop3A_937 = arith.addi %parallel_loop3A_883, %parallel_loop3A_936 : vector<16xi32>
      tpu.vector_store_idx %arg8[%parallel_loop3A_937], %parallel_loop3A_934 {add = true} : memref<16384xf32, #tpu.memory_space<vmem>>[vector<16xi32>], vector<16xf32>,
      %parallel_loop3A_938 = arith.constant 1 : i32
      %parallel_loop3A_939 = arith.constant 6 : i32
      %parallel_loop3A_940 = arith.index_cast %parallel_loop3A_938 : i32 to index
      %parallel_loop3A_941 = arith.index_cast %parallel_loop3A_939 : i32 to index
      %parallel_loop3A_942 = arith.index_cast %parallel_loop3A_879 : i32 to index
      %parallel_loop3A_943 = tpu.vector_load %arg7[%parallel_loop3A_940, %parallel_loop3A_941, %parallel_loop3A_942] {strides = array<i32>} : memref<2x8x4096xf32, #tpu.memory_space<vmem>>, vector<16xf32>,
      %parallel_loop3A_944 = arith.constant 12288 : i32
      %parallel_loop3A_945 = vector.broadcast %parallel_loop3A_944 : i32 to vector<16xi32>
      %parallel_loop3A_946 = arith.addi %parallel_loop3A_883, %parallel_loop3A_945 : vector<16xi32>
      tpu.vector_store_idx %arg8[%parallel_loop3A_946], %parallel_loop3A_943 {add = true} : memref<16384xf32, #tpu.memory_space<vmem>>[vector<16xi32>], vector<16xf32>,
      %parallel_loop3A_947 = arith.constant 1 : i32
      %parallel_loop3A_948 = arith.constant 7 : i32
      %parallel_loop3A_949 = arith.index_cast %parallel_loop3A_947 : i32 to index
      %parallel_loop3A_950 = arith.index_cast %parallel_loop3A_948 : i32 to index
      %parallel_loop3A_951 = arith.index_cast %parallel_loop3A_879 : i32 to index
      %parallel_loop3A_952 = tpu.vector_load %arg7[%parallel_loop3A_949, %parallel_loop3A_950, %parallel_loop3A_951] {strides = array<i32>} : memref<2x8x4096xf32, #tpu.memory_space<vmem>>, vector<16xf32>,
      %parallel_loop3A_953 = arith.constant 14336 : i32
      %parallel_loop3A_954 = vector.broadcast %parallel_loop3A_953 : i32 to vector<16xi32>
      %parallel_loop3A_955 = arith.addi %parallel_loop3A_883, %parallel_loop3A_954 : vector<16xi32>
      tpu.vector_store_idx %arg8[%parallel_loop3A_955], %parallel_loop3A_952 {add = true} : memref<16384xf32, #tpu.memory_space<vmem>>[vector<16xi32>], vector<16xf32>,
    } {sc.loop_unroll_factor = 4 : i64, sc.parallel_access}
    %eq3A_546 = arith.constant 5 : i32
    %eq3A_547 = arith.cmpi eq, %select_n3A_9, %eq3A_546 : i32
    %convert_element_type3A_548 = arith.extui %eq3A_547 : i1 to i32
    %cond3A_549 = arith.constant 0 : i32
    %cond3A_550 = arith.cmpi ne, %convert_element_type3A_548, %cond3A_549 : i32
    scf.if %cond3A_550 {
      %parallel_loop3A_879 = arith.constant 0 : i32
      %parallel_loop3A_880 = arith.constant 4096 : i32
      %parallel_loop3A_881 = arith.constant 16 : i32
      scf.for %parallel_loop3A_882 = %parallel_loop3A_879 to %parallel_loop3A_880 step %parallel_loop3A_881  : i32 {
        %parallel_loop3A_883 = arith.constant 1 : i32
        %parallel_loop3A_884 = arith.index_cast %parallel_loop3A_883 : i32 to index
        %parallel_loop3A_885 = arith.index_cast %parallel_loop3A_882 : i32 to index
        %parallel_loop3A_886 = tpu.vector_load %arg6[%parallel_loop3A_884, %parallel_loop3A_885] {strides = array<i32>} : memref<2x4096xi32, #tpu.memory_space<vmem>>, vector<16xi32>,
        tpu.vector_store_idx %arg9[%parallel_loop3A_886], %broadcast_in_dim3A_38 {add = true} : memref<2048xf32, #tpu.memory_space<vmem>>[vector<16xi32>], vector<16xf32>,
      } {sc.loop_unroll_factor = 4 : i64, sc.parallel_access}
    } else {
    }
    %mul3A_551 = arith.constant 32768 : i32
    %mul3A_552 = arith.muli %select_n3A_30, %mul3A_551 : i32
    %add3A_553 = arith.constant 28672 : i32
    %add3A_554 = arith.addi %mul3A_552, %add3A_553 : i32
    %dma_start3A_555 = arith.constant 1 : i32
    %dma_start3A_556 = arith.constant 1 : i32
    %dma_start3A_557 = arith.constant 0 : i32
    %dma_start3A_558 = tpu.memref_slice %arg6[%dma_start3A_555, %dma_start3A_557] : memref<2x4096xi32, #tpu.memory_space<vmem>> -> memref<1x4096xi32, #tpu.memory_space<vmem>>
    %dma_start3A_559 = tpu.memref_squeeze %dma_start3A_558 : memref<1x4096xi32, #tpu.memory_space<vmem>> -> memref<4096xi32, #tpu.memory_space<vmem>>
    %dma_start3A_560 = tpu.memref_slice %arg3[%add3A_554] : memref<131072xi32, #tpu.memory_space<hbm>> -> memref<4096xi32, #tpu.memory_space<hbm>>
    %dma_start3A_561 = tpu.memref_slice %arg10[%dma_start3A_556] : memref<2x!tpu.dma_semaphore, #tpu.memory_space<semaphore_mem>> -> memref<1x!tpu.dma_semaphore, #tpu.memory_space<semaphore_mem>>
    %dma_start3A_562 = tpu.memref_squeeze %dma_start3A_561 : memref<1x!tpu.dma_semaphore, #tpu.memory_space<semaphore_mem>> -> memref<!tpu.dma_semaphore, #tpu.memory_space<semaphore_mem>>
    %dma_start3A_563 = arith.constant 0 : i32
    %dma_start3A_564 = tpu.memref_slice %arg6[%dma_start3A_555, %dma_start3A_563] : memref<2x4096xi32, #tpu.memory_space<vmem>> -> memref<1x4096xi32, #tpu.memory_space<vmem>>
    %dma_start3A_565 = tpu.memref_squeeze %dma_start3A_564 : memref<1x4096xi32, #tpu.memory_space<vmem>> -> memref<4096xi32, #tpu.memory_space<vmem>>
    %dma_start3A_566 = tpu.memref_slice %arg3[%add3A_554] : memref<131072xi32, #tpu.memory_space<hbm>> -> memref<4096xi32, #tpu.memory_space<hbm>>
    tpu.enqueue_dma source(%dma_start3A_566 : memref<4096xi32, #tpu.memory_space<hbm>>) target(%dma_start3A_565 : memref<4096xi32, #tpu.memory_space<vmem>>) target_semaphore(%dma_start3A_562 : memref<!tpu.dma_semaphore, #tpu.memory_space<semaphore_mem>>)
    %mul3A_567 = arith.constant 8 : i32
    %mul3A_568 = arith.muli %select_n3A_9, %mul3A_567 : i32
    %dma_start3A_569 = arith.constant 0 : i32
    %dma_start3A_570 = arith.constant 0 : i32
    %dma_start3A_571 = arith.constant 1 : i32
    %dma_start3A_572 = arith.constant 1 : i32
    %dma_start3A_573 = arith.constant 0 : i32
    %dma_start3A_574 = arith.constant 0 : i32
    %dma_start3A_575 = tpu.memref_slice %arg7[%dma_start3A_571, %dma_start3A_573, %dma_start3A_574] : memref<2x8x4096xf32, #tpu.memory_space<vmem>> -> memref<1x8x4096xf32, #tpu.memory_space<vmem>>
    %dma_start3A_576 = tpu.memref_squeeze %dma_start3A_575 : memref<1x8x4096xf32, #tpu.memory_space<vmem>> -> memref<8x4096xf32, #tpu.memory_space<vmem>>
    %dma_start3A_577 = tpu.memref_slice %arg2[%mul3A_568, %dma_start3A_569, %dma_start3A_570, %add3A_554] : memref<64x1x1x131072xf32, #tpu.memory_space<hbm>> -> memref<8x1x1x4096xf32, #tpu.memory_space<hbm>>
    %dma_start3A_578 = tpu.memref_squeeze %dma_start3A_577 : memref<8x1x1x4096xf32, #tpu.memory_space<hbm>> -> memref<8x4096xf32, #tpu.memory_space<hbm>>
    %dma_start3A_579 = tpu.memref_slice %arg11[%dma_start3A_572] : memref<2x!tpu.dma_semaphore, #tpu.memory_space<semaphore_mem>> -> memref<1x!tpu.dma_semaphore, #tpu.memory_space<semaphore_mem>>
    %dma_start3A_580 = tpu.memref_squeeze %dma_start3A_579 : memref<1x!tpu.dma_semaphore, #tpu.memory_space<semaphore_mem>> -> memref<!tpu.dma_semaphore, #tpu.memory_space<semaphore_mem>>
    %dma_start3A_581 = arith.constant 0 : i32
    %dma_start3A_582 = arith.constant 0 : i32
    %dma_start3A_583 = tpu.memref_slice %arg7[%dma_start3A_571, %dma_start3A_581, %dma_start3A_582] : memref<2x8x4096xf32, #tpu.memory_space<vmem>> -> memref<1x8x4096xf32, #tpu.memory_space<vmem>>
    %dma_start3A_584 = tpu.memref_squeeze %dma_start3A_583 : memref<1x8x4096xf32, #tpu.memory_space<vmem>> -> memref<8x4096xf32, #tpu.memory_space<vmem>>
    %dma_start3A_585 = tpu.memref_slice %arg2[%mul3A_568, %dma_start3A_569, %dma_start3A_570, %add3A_554] : memref<64x1x1x131072xf32, #tpu.memory_space<hbm>> -> memref<8x1x1x4096xf32, #tpu.memory_space<hbm>>
    %dma_start3A_586 = tpu.memref_squeeze %dma_start3A_585 : memref<8x1x1x4096xf32, #tpu.memory_space<hbm>> -> memref<8x4096xf32, #tpu.memory_space<hbm>>
    tpu.enqueue_dma source(%dma_start3A_586 : memref<8x4096xf32, #tpu.memory_space<hbm>>) target(%dma_start3A_584 : memref<8x4096xf32, #tpu.memory_space<vmem>>) target_semaphore(%dma_start3A_580 : memref<!tpu.dma_semaphore, #tpu.memory_space<semaphore_mem>>)
    %mul3A_587 = arith.constant 32768 : i32
    %mul3A_588 = arith.muli %select_n3A_30, %mul3A_587 : i32
    %add3A_589 = arith.constant 24576 : i32
    %add3A_590 = arith.addi %mul3A_588, %add3A_589 : i32
    %dma_wait3A_591 = arith.constant 0 : i32
    %dma_wait3A_592 = arith.constant 0 : i32
    %dma_wait3A_593 = arith.constant 0 : i32
    %dma_wait3A_594 = tpu.memref_slice %arg6[%dma_wait3A_591, %dma_wait3A_593] : memref<2x4096xi32, #tpu.memory_space<vmem>> -> memref<1x4096xi32, #tpu.memory_space<vmem>>
    %dma_wait3A_595 = tpu.memref_squeeze %dma_wait3A_594 : memref<1x4096xi32, #tpu.memory_space<vmem>> -> memref<4096xi32, #tpu.memory_space<vmem>>
    %dma_wait3A_596 = tpu.memref_slice %arg3[%add3A_590] : memref<131072xi32, #tpu.memory_space<hbm>> -> memref<4096xi32, #tpu.memory_space<hbm>>
    %dma_wait3A_597 = tpu.memref_slice %arg10[%dma_wait3A_592] : memref<2x!tpu.dma_semaphore, #tpu.memory_space<semaphore_mem>> -> memref<1x!tpu.dma_semaphore, #tpu.memory_space<semaphore_mem>>
    %dma_wait3A_598 = tpu.memref_squeeze %dma_wait3A_597 : memref<1x!tpu.dma_semaphore, #tpu.memory_space<semaphore_mem>> -> memref<!tpu.dma_semaphore, #tpu.memory_space<semaphore_mem>>
    %dma_wait3A_599 = arith.constant 0 : i32
    %dma_wait3A_600 = tpu.memref_slice %arg6[%dma_wait3A_591, %dma_wait3A_599] : memref<2x4096xi32, #tpu.memory_space<vmem>> -> memref<1x4096xi32, #tpu.memory_space<vmem>>
    %dma_wait3A_601 = tpu.memref_squeeze %dma_wait3A_600 : memref<1x4096xi32, #tpu.memory_space<vmem>> -> memref<4096xi32, #tpu.memory_space<vmem>>
    %dma_wait3A_602 = tpu.memref_slice %arg3[%add3A_590] : memref<131072xi32, #tpu.memory_space<hbm>> -> memref<4096xi32, #tpu.memory_space<hbm>>
    tpu.wait_dma2 semaphore(%dma_wait3A_598 : memref<!tpu.dma_semaphore, #tpu.memory_space<semaphore_mem>>) src(%dma_wait3A_602 : memref<4096xi32, #tpu.memory_space<hbm>>) dst(%dma_wait3A_601 : memref<4096xi32, #tpu.memory_space<vmem>>)
    %mul3A_603 = arith.constant 8 : i32
    %mul3A_604 = arith.muli %select_n3A_9, %mul3A_603 : i32
    %dma_wait3A_605 = arith.constant 0 : i32
    %dma_wait3A_606 = arith.constant 0 : i32
    %dma_wait3A_607 = arith.constant 0 : i32
    %dma_wait3A_608 = arith.constant 0 : i32
    %dma_wait3A_609 = arith.constant 0 : i32
    %dma_wait3A_610 = arith.constant 0 : i32
    %dma_wait3A_611 = tpu.memref_slice %arg7[%dma_wait3A_607, %dma_wait3A_609, %dma_wait3A_610] : memref<2x8x4096xf32, #tpu.memory_space<vmem>> -> memref<1x8x4096xf32, #tpu.memory_space<vmem>>
    %dma_wait3A_612 = tpu.memref_squeeze %dma_wait3A_611 : memref<1x8x4096xf32, #tpu.memory_space<vmem>> -> memref<8x4096xf32, #tpu.memory_space<vmem>>
    %dma_wait3A_613 = tpu.memref_slice %arg2[%mul3A_604, %dma_wait3A_605, %dma_wait3A_606, %add3A_590] : memref<64x1x1x131072xf32, #tpu.memory_space<hbm>> -> memref<8x1x1x4096xf32, #tpu.memory_space<hbm>>
    %dma_wait3A_614 = tpu.memref_squeeze %dma_wait3A_613 : memref<8x1x1x4096xf32, #tpu.memory_space<hbm>> -> memref<8x4096xf32, #tpu.memory_space<hbm>>
    %dma_wait3A_615 = tpu.memref_slice %arg11[%dma_wait3A_608] : memref<2x!tpu.dma_semaphore, #tpu.memory_space<semaphore_mem>> -> memref<1x!tpu.dma_semaphore, #tpu.memory_space<semaphore_mem>>
    %dma_wait3A_616 = tpu.memref_squeeze %dma_wait3A_615 : memref<1x!tpu.dma_semaphore, #tpu.memory_space<semaphore_mem>> -> memref<!tpu.dma_semaphore, #tpu.memory_space<semaphore_mem>>
    %dma_wait3A_617 = arith.constant 0 : i32
    %dma_wait3A_618 = arith.constant 0 : i32
    %dma_wait3A_619 = tpu.memref_slice %arg7[%dma_wait3A_607, %dma_wait3A_617, %dma_wait3A_618] : memref<2x8x4096xf32, #tpu.memory_space<vmem>> -> memref<1x8x4096xf32, #tpu.memory_space<vmem>>
    %dma_wait3A_620 = tpu.memref_squeeze %dma_wait3A_619 : memref<1x8x4096xf32, #tpu.memory_space<vmem>> -> memref<8x4096xf32, #tpu.memory_space<vmem>>
    %dma_wait3A_621 = tpu.memref_slice %arg2[%mul3A_604, %dma_wait3A_605, %dma_wait3A_606, %add3A_590] : memref<64x1x1x131072xf32, #tpu.memory_space<hbm>> -> memref<8x1x1x4096xf32, #tpu.memory_space<hbm>>
    %dma_wait3A_622 = tpu.memref_squeeze %dma_wait3A_621 : memref<8x1x1x4096xf32, #tpu.memory_space<hbm>> -> memref<8x4096xf32, #tpu.memory_space<hbm>>
    tpu.wait_dma2 semaphore(%dma_wait3A_616 : memref<!tpu.dma_semaphore, #tpu.memory_space<semaphore_mem>>) src(%dma_wait3A_622 : memref<8x4096xf32, #tpu.memory_space<hbm>>) dst(%dma_wait3A_620 : memref<8x4096xf32, #tpu.memory_space<vmem>>)
    %parallel_loop3A_623 = arith.constant 0 : i32
    %parallel_loop3A_624 = arith.constant 4096 : i32
    %parallel_loop3A_625 = arith.constant 16 : i32
    scf.for %parallel_loop3A_879 = %parallel_loop3A_623 to %parallel_loop3A_624 step %parallel_loop3A_625  : i32 {
      %parallel_loop3A_880 = arith.constant 0 : i32
      %parallel_loop3A_881 = arith.index_cast %parallel_loop3A_880 : i32 to index
      %parallel_loop3A_882 = arith.index_cast %parallel_loop3A_879 : i32 to index
      %parallel_loop3A_883 = tpu.vector_load %arg6[%parallel_loop3A_881, %parallel_loop3A_882] {strides = array<i32>} : memref<2x4096xi32, #tpu.memory_space<vmem>>, vector<16xi32>,
      %parallel_loop3A_884 = arith.constant 0 : i32
      %parallel_loop3A_885 = arith.constant 0 : i32
      %parallel_loop3A_886 = arith.index_cast %parallel_loop3A_884 : i32 to index
      %parallel_loop3A_887 = arith.index_cast %parallel_loop3A_885 : i32 to index
      %parallel_loop3A_888 = arith.index_cast %parallel_loop3A_879 : i32 to index
      %parallel_loop3A_889 = tpu.vector_load %arg7[%parallel_loop3A_886, %parallel_loop3A_887, %parallel_loop3A_888] {strides = array<i32>} : memref<2x8x4096xf32, #tpu.memory_space<vmem>>, vector<16xf32>,
      %parallel_loop3A_890 = arith.constant 0 : i32
      %parallel_loop3A_891 = vector.broadcast %parallel_loop3A_890 : i32 to vector<16xi32>
      %parallel_loop3A_892 = arith.addi %parallel_loop3A_883, %parallel_loop3A_891 : vector<16xi32>
      tpu.vector_store_idx %arg8[%parallel_loop3A_892], %parallel_loop3A_889 {add = true} : memref<16384xf32, #tpu.memory_space<vmem>>[vector<16xi32>], vector<16xf32>,
      %parallel_loop3A_893 = arith.constant 0 : i32
      %parallel_loop3A_894 = arith.constant 1 : i32
      %parallel_loop3A_895 = arith.index_cast %parallel_loop3A_893 : i32 to index
      %parallel_loop3A_896 = arith.index_cast %parallel_loop3A_894 : i32 to index
      %parallel_loop3A_897 = arith.index_cast %parallel_loop3A_879 : i32 to index
      %parallel_loop3A_898 = tpu.vector_load %arg7[%parallel_loop3A_895, %parallel_loop3A_896, %parallel_loop3A_897] {strides = array<i32>} : memref<2x8x4096xf32, #tpu.memory_space<vmem>>, vector<16xf32>,
      %parallel_loop3A_899 = arith.constant 2048 : i32
      %parallel_loop3A_900 = vector.broadcast %parallel_loop3A_899 : i32 to vector<16xi32>
      %parallel_loop3A_901 = arith.addi %parallel_loop3A_883, %parallel_loop3A_900 : vector<16xi32>
      tpu.vector_store_idx %arg8[%parallel_loop3A_901], %parallel_loop3A_898 {add = true} : memref<16384xf32, #tpu.memory_space<vmem>>[vector<16xi32>], vector<16xf32>,
      %parallel_loop3A_902 = arith.constant 0 : i32
      %parallel_loop3A_903 = arith.constant 2 : i32
      %parallel_loop3A_904 = arith.index_cast %parallel_loop3A_902 : i32 to index
      %parallel_loop3A_905 = arith.index_cast %parallel_loop3A_903 : i32 to index
      %parallel_loop3A_906 = arith.index_cast %parallel_loop3A_879 : i32 to index
      %parallel_loop3A_907 = tpu.vector_load %arg7[%parallel_loop3A_904, %parallel_loop3A_905, %parallel_loop3A_906] {strides = array<i32>} : memref<2x8x4096xf32, #tpu.memory_space<vmem>>, vector<16xf32>,
      %parallel_loop3A_908 = arith.constant 4096 : i32
      %parallel_loop3A_909 = vector.broadcast %parallel_loop3A_908 : i32 to vector<16xi32>
      %parallel_loop3A_910 = arith.addi %parallel_loop3A_883, %parallel_loop3A_909 : vector<16xi32>
      tpu.vector_store_idx %arg8[%parallel_loop3A_910], %parallel_loop3A_907 {add = true} : memref<16384xf32, #tpu.memory_space<vmem>>[vector<16xi32>], vector<16xf32>,
      %parallel_loop3A_911 = arith.constant 0 : i32
      %parallel_loop3A_912 = arith.constant 3 : i32
      %parallel_loop3A_913 = arith.index_cast %parallel_loop3A_911 : i32 to index
      %parallel_loop3A_914 = arith.index_cast %parallel_loop3A_912 : i32 to index
      %parallel_loop3A_915 = arith.index_cast %parallel_loop3A_879 : i32 to index
      %parallel_loop3A_916 = tpu.vector_load %arg7[%parallel_loop3A_913, %parallel_loop3A_914, %parallel_loop3A_915] {strides = array<i32>} : memref<2x8x4096xf32, #tpu.memory_space<vmem>>, vector<16xf32>,
      %parallel_loop3A_917 = arith.constant 6144 : i32
      %parallel_loop3A_918 = vector.broadcast %parallel_loop3A_917 : i32 to vector<16xi32>
      %parallel_loop3A_919 = arith.addi %parallel_loop3A_883, %parallel_loop3A_918 : vector<16xi32>
      tpu.vector_store_idx %arg8[%parallel_loop3A_919], %parallel_loop3A_916 {add = true} : memref<16384xf32, #tpu.memory_space<vmem>>[vector<16xi32>], vector<16xf32>,
      %parallel_loop3A_920 = arith.constant 0 : i32
      %parallel_loop3A_921 = arith.constant 4 : i32
      %parallel_loop3A_922 = arith.index_cast %parallel_loop3A_920 : i32 to index
      %parallel_loop3A_923 = arith.index_cast %parallel_loop3A_921 : i32 to index
      %parallel_loop3A_924 = arith.index_cast %parallel_loop3A_879 : i32 to index
      %parallel_loop3A_925 = tpu.vector_load %arg7[%parallel_loop3A_922, %parallel_loop3A_923, %parallel_loop3A_924] {strides = array<i32>} : memref<2x8x4096xf32, #tpu.memory_space<vmem>>, vector<16xf32>,
      %parallel_loop3A_926 = arith.constant 8192 : i32
      %parallel_loop3A_927 = vector.broadcast %parallel_loop3A_926 : i32 to vector<16xi32>
      %parallel_loop3A_928 = arith.addi %parallel_loop3A_883, %parallel_loop3A_927 : vector<16xi32>
      tpu.vector_store_idx %arg8[%parallel_loop3A_928], %parallel_loop3A_925 {add = true} : memref<16384xf32, #tpu.memory_space<vmem>>[vector<16xi32>], vector<16xf32>,
      %parallel_loop3A_929 = arith.constant 0 : i32
      %parallel_loop3A_930 = arith.constant 5 : i32
      %parallel_loop3A_931 = arith.index_cast %parallel_loop3A_929 : i32 to index
      %parallel_loop3A_932 = arith.index_cast %parallel_loop3A_930 : i32 to index
      %parallel_loop3A_933 = arith.index_cast %parallel_loop3A_879 : i32 to index
      %parallel_loop3A_934 = tpu.vector_load %arg7[%parallel_loop3A_931, %parallel_loop3A_932, %parallel_loop3A_933] {strides = array<i32>} : memref<2x8x4096xf32, #tpu.memory_space<vmem>>, vector<16xf32>,
      %parallel_loop3A_935 = arith.constant 10240 : i32
      %parallel_loop3A_936 = vector.broadcast %parallel_loop3A_935 : i32 to vector<16xi32>
      %parallel_loop3A_937 = arith.addi %parallel_loop3A_883, %parallel_loop3A_936 : vector<16xi32>
      tpu.vector_store_idx %arg8[%parallel_loop3A_937], %parallel_loop3A_934 {add = true} : memref<16384xf32, #tpu.memory_space<vmem>>[vector<16xi32>], vector<16xf32>,
      %parallel_loop3A_938 = arith.constant 0 : i32
      %parallel_loop3A_939 = arith.constant 6 : i32
      %parallel_loop3A_940 = arith.index_cast %parallel_loop3A_938 : i32 to index
      %parallel_loop3A_941 = arith.index_cast %parallel_loop3A_939 : i32 to index
      %parallel_loop3A_942 = arith.index_cast %parallel_loop3A_879 : i32 to index
      %parallel_loop3A_943 = tpu.vector_load %arg7[%parallel_loop3A_940, %parallel_loop3A_941, %parallel_loop3A_942] {strides = array<i32>} : memref<2x8x4096xf32, #tpu.memory_space<vmem>>, vector<16xf32>,
      %parallel_loop3A_944 = arith.constant 12288 : i32
      %parallel_loop3A_945 = vector.broadcast %parallel_loop3A_944 : i32 to vector<16xi32>
      %parallel_loop3A_946 = arith.addi %parallel_loop3A_883, %parallel_loop3A_945 : vector<16xi32>
      tpu.vector_store_idx %arg8[%parallel_loop3A_946], %parallel_loop3A_943 {add = true} : memref<16384xf32, #tpu.memory_space<vmem>>[vector<16xi32>], vector<16xf32>,
      %parallel_loop3A_947 = arith.constant 0 : i32
      %parallel_loop3A_948 = arith.constant 7 : i32
      %parallel_loop3A_949 = arith.index_cast %parallel_loop3A_947 : i32 to index
      %parallel_loop3A_950 = arith.index_cast %parallel_loop3A_948 : i32 to index
      %parallel_loop3A_951 = arith.index_cast %parallel_loop3A_879 : i32 to index
      %parallel_loop3A_952 = tpu.vector_load %arg7[%parallel_loop3A_949, %parallel_loop3A_950, %parallel_loop3A_951] {strides = array<i32>} : memref<2x8x4096xf32, #tpu.memory_space<vmem>>, vector<16xf32>,
      %parallel_loop3A_953 = arith.constant 14336 : i32
      %parallel_loop3A_954 = vector.broadcast %parallel_loop3A_953 : i32 to vector<16xi32>
      %parallel_loop3A_955 = arith.addi %parallel_loop3A_883, %parallel_loop3A_954 : vector<16xi32>
      tpu.vector_store_idx %arg8[%parallel_loop3A_955], %parallel_loop3A_952 {add = true} : memref<16384xf32, #tpu.memory_space<vmem>>[vector<16xi32>], vector<16xf32>,
    } {sc.loop_unroll_factor = 4 : i64, sc.parallel_access}
    %eq3A_626 = arith.constant 6 : i32
    %eq3A_627 = arith.cmpi eq, %select_n3A_9, %eq3A_626 : i32
    %convert_element_type3A_628 = arith.extui %eq3A_627 : i1 to i32
    %cond3A_629 = arith.constant 0 : i32
    %cond3A_630 = arith.cmpi ne, %convert_element_type3A_628, %cond3A_629 : i32
    scf.if %cond3A_630 {
      %parallel_loop3A_879 = arith.constant 0 : i32
      %parallel_loop3A_880 = arith.constant 4096 : i32
      %parallel_loop3A_881 = arith.constant 16 : i32
      scf.for %parallel_loop3A_882 = %parallel_loop3A_879 to %parallel_loop3A_880 step %parallel_loop3A_881  : i32 {
        %parallel_loop3A_883 = arith.constant 0 : i32
        %parallel_loop3A_884 = arith.index_cast %parallel_loop3A_883 : i32 to index
        %parallel_loop3A_885 = arith.index_cast %parallel_loop3A_882 : i32 to index
        %parallel_loop3A_886 = tpu.vector_load %arg6[%parallel_loop3A_884, %parallel_loop3A_885] {strides = array<i32>} : memref<2x4096xi32, #tpu.memory_space<vmem>>, vector<16xi32>,
        tpu.vector_store_idx %arg9[%parallel_loop3A_886], %broadcast_in_dim3A_38 {add = true} : memref<2048xf32, #tpu.memory_space<vmem>>[vector<16xi32>], vector<16xf32>,
      } {sc.loop_unroll_factor = 4 : i64, sc.parallel_access}
    } else {
    }
    %mul3A_631 = arith.constant 32768 : i32
    %mul3A_632 = arith.muli %select_n3A_30, %mul3A_631 : i32
    %add3A_633 = arith.constant 28672 : i32
    %add3A_634 = arith.addi %mul3A_632, %add3A_633 : i32
    %dma_wait3A_635 = arith.constant 1 : i32
    %dma_wait3A_636 = arith.constant 1 : i32
    %dma_wait3A_637 = arith.constant 0 : i32
    %dma_wait3A_638 = tpu.memref_slice %arg6[%dma_wait3A_635, %dma_wait3A_637] : memref<2x4096xi32, #tpu.memory_space<vmem>> -> memref<1x4096xi32, #tpu.memory_space<vmem>>
    %dma_wait3A_639 = tpu.memref_squeeze %dma_wait3A_638 : memref<1x4096xi32, #tpu.memory_space<vmem>> -> memref<4096xi32, #tpu.memory_space<vmem>>
    %dma_wait3A_640 = tpu.memref_slice %arg3[%add3A_634] : memref<131072xi32, #tpu.memory_space<hbm>> -> memref<4096xi32, #tpu.memory_space<hbm>>
    %dma_wait3A_641 = tpu.memref_slice %arg10[%dma_wait3A_636] : memref<2x!tpu.dma_semaphore, #tpu.memory_space<semaphore_mem>> -> memref<1x!tpu.dma_semaphore, #tpu.memory_space<semaphore_mem>>
    %dma_wait3A_642 = tpu.memref_squeeze %dma_wait3A_641 : memref<1x!tpu.dma_semaphore, #tpu.memory_space<semaphore_mem>> -> memref<!tpu.dma_semaphore, #tpu.memory_space<semaphore_mem>>
    %dma_wait3A_643 = arith.constant 0 : i32
    %dma_wait3A_644 = tpu.memref_slice %arg6[%dma_wait3A_635, %dma_wait3A_643] : memref<2x4096xi32, #tpu.memory_space<vmem>> -> memref<1x4096xi32, #tpu.memory_space<vmem>>
    %dma_wait3A_645 = tpu.memref_squeeze %dma_wait3A_644 : memref<1x4096xi32, #tpu.memory_space<vmem>> -> memref<4096xi32, #tpu.memory_space<vmem>>
    %dma_wait3A_646 = tpu.memref_slice %arg3[%add3A_634] : memref<131072xi32, #tpu.memory_space<hbm>> -> memref<4096xi32, #tpu.memory_space<hbm>>
    tpu.wait_dma2 semaphore(%dma_wait3A_642 : memref<!tpu.dma_semaphore, #tpu.memory_space<semaphore_mem>>) src(%dma_wait3A_646 : memref<4096xi32, #tpu.memory_space<hbm>>) dst(%dma_wait3A_645 : memref<4096xi32, #tpu.memory_space<vmem>>)
    %mul3A_647 = arith.constant 8 : i32
    %mul3A_648 = arith.muli %select_n3A_9, %mul3A_647 : i32
    %dma_wait3A_649 = arith.constant 0 : i32
    %dma_wait3A_650 = arith.constant 0 : i32
    %dma_wait3A_651 = arith.constant 1 : i32
    %dma_wait3A_652 = arith.constant 1 : i32
    %dma_wait3A_653 = arith.constant 0 : i32
    %dma_wait3A_654 = arith.constant 0 : i32
    %dma_wait3A_655 = tpu.memref_slice %arg7[%dma_wait3A_651, %dma_wait3A_653, %dma_wait3A_654] : memref<2x8x4096xf32, #tpu.memory_space<vmem>> -> memref<1x8x4096xf32, #tpu.memory_space<vmem>>
    %dma_wait3A_656 = tpu.memref_squeeze %dma_wait3A_655 : memref<1x8x4096xf32, #tpu.memory_space<vmem>> -> memref<8x4096xf32, #tpu.memory_space<vmem>>
    %dma_wait3A_657 = tpu.memref_slice %arg2[%mul3A_648, %dma_wait3A_649, %dma_wait3A_650, %add3A_634] : memref<64x1x1x131072xf32, #tpu.memory_space<hbm>> -> memref<8x1x1x4096xf32, #tpu.memory_space<hbm>>
    %dma_wait3A_658 = tpu.memref_squeeze %dma_wait3A_657 : memref<8x1x1x4096xf32, #tpu.memory_space<hbm>> -> memref<8x4096xf32, #tpu.memory_space<hbm>>
    %dma_wait3A_659 = tpu.memref_slice %arg11[%dma_wait3A_652] : memref<2x!tpu.dma_semaphore, #tpu.memory_space<semaphore_mem>> -> memref<1x!tpu.dma_semaphore, #tpu.memory_space<semaphore_mem>>
    %dma_wait3A_660 = tpu.memref_squeeze %dma_wait3A_659 : memref<1x!tpu.dma_semaphore, #tpu.memory_space<semaphore_mem>> -> memref<!tpu.dma_semaphore, #tpu.memory_space<semaphore_mem>>
    %dma_wait3A_661 = arith.constant 0 : i32
    %dma_wait3A_662 = arith.constant 0 : i32
    %dma_wait3A_663 = tpu.memref_slice %arg7[%dma_wait3A_651, %dma_wait3A_661, %dma_wait3A_662] : memref<2x8x4096xf32, #tpu.memory_space<vmem>> -> memref<1x8x4096xf32, #tpu.memory_space<vmem>>
    %dma_wait3A_664 = tpu.memref_squeeze %dma_wait3A_663 : memref<1x8x4096xf32, #tpu.memory_space<vmem>> -> memref<8x4096xf32, #tpu.memory_space<vmem>>
    %dma_wait3A_665 = tpu.memref_slice %arg2[%mul3A_648, %dma_wait3A_649, %dma_wait3A_650, %add3A_634] : memref<64x1x1x131072xf32, #tpu.memory_space<hbm>> -> memref<8x1x1x4096xf32, #tpu.memory_space<hbm>>
    %dma_wait3A_666 = tpu.memref_squeeze %dma_wait3A_665 : memref<8x1x1x4096xf32, #tpu.memory_space<hbm>> -> memref<8x4096xf32, #tpu.memory_space<hbm>>
    tpu.wait_dma2 semaphore(%dma_wait3A_660 : memref<!tpu.dma_semaphore, #tpu.memory_space<semaphore_mem>>) src(%dma_wait3A_666 : memref<8x4096xf32, #tpu.memory_space<hbm>>) dst(%dma_wait3A_664 : memref<8x4096xf32, #tpu.memory_space<vmem>>)
    %parallel_loop3A_667 = arith.constant 0 : i32
    %parallel_loop3A_668 = arith.constant 4096 : i32
    %parallel_loop3A_669 = arith.constant 16 : i32
    scf.for %parallel_loop3A_879 = %parallel_loop3A_667 to %parallel_loop3A_668 step %parallel_loop3A_669  : i32 {
      %parallel_loop3A_880 = arith.constant 1 : i32
      %parallel_loop3A_881 = arith.index_cast %parallel_loop3A_880 : i32 to index
      %parallel_loop3A_882 = arith.index_cast %parallel_loop3A_879 : i32 to index
      %parallel_loop3A_883 = tpu.vector_load %arg6[%parallel_loop3A_881, %parallel_loop3A_882] {strides = array<i32>} : memref<2x4096xi32, #tpu.memory_space<vmem>>, vector<16xi32>,
      %parallel_loop3A_884 = arith.constant 1 : i32
      %parallel_loop3A_885 = arith.constant 0 : i32
      %parallel_loop3A_886 = arith.index_cast %parallel_loop3A_884 : i32 to index
      %parallel_loop3A_887 = arith.index_cast %parallel_loop3A_885 : i32 to index
      %parallel_loop3A_888 = arith.index_cast %parallel_loop3A_879 : i32 to index
      %parallel_loop3A_889 = tpu.vector_load %arg7[%parallel_loop3A_886, %parallel_loop3A_887, %parallel_loop3A_888] {strides = array<i32>} : memref<2x8x4096xf32, #tpu.memory_space<vmem>>, vector<16xf32>,
      %parallel_loop3A_890 = arith.constant 0 : i32
      %parallel_loop3A_891 = vector.broadcast %parallel_loop3A_890 : i32 to vector<16xi32>
      %parallel_loop3A_892 = arith.addi %parallel_loop3A_883, %parallel_loop3A_891 : vector<16xi32>
      tpu.vector_store_idx %arg8[%parallel_loop3A_892], %parallel_loop3A_889 {add = true} : memref<16384xf32, #tpu.memory_space<vmem>>[vector<16xi32>], vector<16xf32>,
      %parallel_loop3A_893 = arith.constant 1 : i32
      %parallel_loop3A_894 = arith.constant 1 : i32
      %parallel_loop3A_895 = arith.index_cast %parallel_loop3A_893 : i32 to index
      %parallel_loop3A_896 = arith.index_cast %parallel_loop3A_894 : i32 to index
      %parallel_loop3A_897 = arith.index_cast %parallel_loop3A_879 : i32 to index
      %parallel_loop3A_898 = tpu.vector_load %arg7[%parallel_loop3A_895, %parallel_loop3A_896, %parallel_loop3A_897] {strides = array<i32>} : memref<2x8x4096xf32, #tpu.memory_space<vmem>>, vector<16xf32>,
      %parallel_loop3A_899 = arith.constant 2048 : i32
      %parallel_loop3A_900 = vector.broadcast %parallel_loop3A_899 : i32 to vector<16xi32>
      %parallel_loop3A_901 = arith.addi %parallel_loop3A_883, %parallel_loop3A_900 : vector<16xi32>
      tpu.vector_store_idx %arg8[%parallel_loop3A_901], %parallel_loop3A_898 {add = true} : memref<16384xf32, #tpu.memory_space<vmem>>[vector<16xi32>], vector<16xf32>,
      %parallel_loop3A_902 = arith.constant 1 : i32
      %parallel_loop3A_903 = arith.constant 2 : i32
      %parallel_loop3A_904 = arith.index_cast %parallel_loop3A_902 : i32 to index
      %parallel_loop3A_905 = arith.index_cast %parallel_loop3A_903 : i32 to index
      %parallel_loop3A_906 = arith.index_cast %parallel_loop3A_879 : i32 to index
      %parallel_loop3A_907 = tpu.vector_load %arg7[%parallel_loop3A_904, %parallel_loop3A_905, %parallel_loop3A_906] {strides = array<i32>} : memref<2x8x4096xf32, #tpu.memory_space<vmem>>, vector<16xf32>,
      %parallel_loop3A_908 = arith.constant 4096 : i32
      %parallel_loop3A_909 = vector.broadcast %parallel_loop3A_908 : i32 to vector<16xi32>
      %parallel_loop3A_910 = arith.addi %parallel_loop3A_883, %parallel_loop3A_909 : vector<16xi32>
      tpu.vector_store_idx %arg8[%parallel_loop3A_910], %parallel_loop3A_907 {add = true} : memref<16384xf32, #tpu.memory_space<vmem>>[vector<16xi32>], vector<16xf32>,
      %parallel_loop3A_911 = arith.constant 1 : i32
      %parallel_loop3A_912 = arith.constant 3 : i32
      %parallel_loop3A_913 = arith.index_cast %parallel_loop3A_911 : i32 to index
      %parallel_loop3A_914 = arith.index_cast %parallel_loop3A_912 : i32 to index
      %parallel_loop3A_915 = arith.index_cast %parallel_loop3A_879 : i32 to index
      %parallel_loop3A_916 = tpu.vector_load %arg7[%parallel_loop3A_913, %parallel_loop3A_914, %parallel_loop3A_915] {strides = array<i32>} : memref<2x8x4096xf32, #tpu.memory_space<vmem>>, vector<16xf32>,
      %parallel_loop3A_917 = arith.constant 6144 : i32
      %parallel_loop3A_918 = vector.broadcast %parallel_loop3A_917 : i32 to vector<16xi32>
      %parallel_loop3A_919 = arith.addi %parallel_loop3A_883, %parallel_loop3A_918 : vector<16xi32>
      tpu.vector_store_idx %arg8[%parallel_loop3A_919], %parallel_loop3A_916 {add = true} : memref<16384xf32, #tpu.memory_space<vmem>>[vector<16xi32>], vector<16xf32>,
      %parallel_loop3A_920 = arith.constant 1 : i32
      %parallel_loop3A_921 = arith.constant 4 : i32
      %parallel_loop3A_922 = arith.index_cast %parallel_loop3A_920 : i32 to index
      %parallel_loop3A_923 = arith.index_cast %parallel_loop3A_921 : i32 to index
      %parallel_loop3A_924 = arith.index_cast %parallel_loop3A_879 : i32 to index
      %parallel_loop3A_925 = tpu.vector_load %arg7[%parallel_loop3A_922, %parallel_loop3A_923, %parallel_loop3A_924] {strides = array<i32>} : memref<2x8x4096xf32, #tpu.memory_space<vmem>>, vector<16xf32>,
      %parallel_loop3A_926 = arith.constant 8192 : i32
      %parallel_loop3A_927 = vector.broadcast %parallel_loop3A_926 : i32 to vector<16xi32>
      %parallel_loop3A_928 = arith.addi %parallel_loop3A_883, %parallel_loop3A_927 : vector<16xi32>
      tpu.vector_store_idx %arg8[%parallel_loop3A_928], %parallel_loop3A_925 {add = true} : memref<16384xf32, #tpu.memory_space<vmem>>[vector<16xi32>], vector<16xf32>,
      %parallel_loop3A_929 = arith.constant 1 : i32
      %parallel_loop3A_930 = arith.constant 5 : i32
      %parallel_loop3A_931 = arith.index_cast %parallel_loop3A_929 : i32 to index
      %parallel_loop3A_932 = arith.index_cast %parallel_loop3A_930 : i32 to index
      %parallel_loop3A_933 = arith.index_cast %parallel_loop3A_879 : i32 to index
      %parallel_loop3A_934 = tpu.vector_load %arg7[%parallel_loop3A_931, %parallel_loop3A_932, %parallel_loop3A_933] {strides = array<i32>} : memref<2x8x4096xf32, #tpu.memory_space<vmem>>, vector<16xf32>,
      %parallel_loop3A_935 = arith.constant 10240 : i32
      %parallel_loop3A_936 = vector.broadcast %parallel_loop3A_935 : i32 to vector<16xi32>
      %parallel_loop3A_937 = arith.addi %parallel_loop3A_883, %parallel_loop3A_936 : vector<16xi32>
      tpu.vector_store_idx %arg8[%parallel_loop3A_937], %parallel_loop3A_934 {add = true} : memref<16384xf32, #tpu.memory_space<vmem>>[vector<16xi32>], vector<16xf32>,
      %parallel_loop3A_938 = arith.constant 1 : i32
      %parallel_loop3A_939 = arith.constant 6 : i32
      %parallel_loop3A_940 = arith.index_cast %parallel_loop3A_938 : i32 to index
      %parallel_loop3A_941 = arith.index_cast %parallel_loop3A_939 : i32 to index
      %parallel_loop3A_942 = arith.index_cast %parallel_loop3A_879 : i32 to index
      %parallel_loop3A_943 = tpu.vector_load %arg7[%parallel_loop3A_940, %parallel_loop3A_941, %parallel_loop3A_942] {strides = array<i32>} : memref<2x8x4096xf32, #tpu.memory_space<vmem>>, vector<16xf32>,
      %parallel_loop3A_944 = arith.constant 12288 : i32
      %parallel_loop3A_945 = vector.broadcast %parallel_loop3A_944 : i32 to vector<16xi32>
      %parallel_loop3A_946 = arith.addi %parallel_loop3A_883, %parallel_loop3A_945 : vector<16xi32>
      tpu.vector_store_idx %arg8[%parallel_loop3A_946], %parallel_loop3A_943 {add = true} : memref<16384xf32, #tpu.memory_space<vmem>>[vector<16xi32>], vector<16xf32>,
      %parallel_loop3A_947 = arith.constant 1 : i32
      %parallel_loop3A_948 = arith.constant 7 : i32
      %parallel_loop3A_949 = arith.index_cast %parallel_loop3A_947 : i32 to index
      %parallel_loop3A_950 = arith.index_cast %parallel_loop3A_948 : i32 to index
      %parallel_loop3A_951 = arith.index_cast %parallel_loop3A_879 : i32 to index
      %parallel_loop3A_952 = tpu.vector_load %arg7[%parallel_loop3A_949, %parallel_loop3A_950, %parallel_loop3A_951] {strides = array<i32>} : memref<2x8x4096xf32, #tpu.memory_space<vmem>>, vector<16xf32>,
      %parallel_loop3A_953 = arith.constant 14336 : i32
      %parallel_loop3A_954 = vector.broadcast %parallel_loop3A_953 : i32 to vector<16xi32>
      %parallel_loop3A_955 = arith.addi %parallel_loop3A_883, %parallel_loop3A_954 : vector<16xi32>
      tpu.vector_store_idx %arg8[%parallel_loop3A_955], %parallel_loop3A_952 {add = true} : memref<16384xf32, #tpu.memory_space<vmem>>[vector<16xi32>], vector<16xf32>,
    } {sc.loop_unroll_factor = 4 : i64, sc.parallel_access}
    %eq3A_670 = arith.constant 7 : i32
    %eq3A_671 = arith.cmpi eq, %select_n3A_9, %eq3A_670 : i32
    %convert_element_type3A_672 = arith.extui %eq3A_671 : i1 to i32
    %cond3A_673 = arith.constant 0 : i32
    %cond3A_674 = arith.cmpi ne, %convert_element_type3A_672, %cond3A_673 : i32
    scf.if %cond3A_674 {
      %parallel_loop3A_879 = arith.constant 0 : i32
      %parallel_loop3A_880 = arith.constant 4096 : i32
      %parallel_loop3A_881 = arith.constant 16 : i32
      scf.for %parallel_loop3A_882 = %parallel_loop3A_879 to %parallel_loop3A_880 step %parallel_loop3A_881  : i32 {
        %parallel_loop3A_883 = arith.constant 1 : i32
        %parallel_loop3A_884 = arith.index_cast %parallel_loop3A_883 : i32 to index
        %parallel_loop3A_885 = arith.index_cast %parallel_loop3A_882 : i32 to index
        %parallel_loop3A_886 = tpu.vector_load %arg6[%parallel_loop3A_884, %parallel_loop3A_885] {strides = array<i32>} : memref<2x4096xi32, #tpu.memory_space<vmem>>, vector<16xi32>,
        tpu.vector_store_idx %arg9[%parallel_loop3A_886], %broadcast_in_dim3A_38 {add = true} : memref<2048xf32, #tpu.memory_space<vmem>>[vector<16xi32>], vector<16xf32>,
      } {sc.loop_unroll_factor = 4 : i64, sc.parallel_access}
    } else {
    }
    %mul3A_675 = arith.constant 8 : i32
    %mul3A_676 = arith.muli %select_n3A_9, %mul3A_675 : i32
    %add3A_677 = arith.constant 0 : i32
    %add3A_678 = arith.addi %mul3A_676, %add3A_677 : i32
    %mul3A_679 = arith.constant 8 : i32
    %mul3A_680 = arith.muli %select_n3A_9, %mul3A_679 : i32
    %add3A_681 = arith.constant 1 : i32
    %add3A_682 = arith.addi %mul3A_680, %add3A_681 : i32
    %mul3A_683 = arith.constant 8 : i32
    %mul3A_684 = arith.muli %select_n3A_9, %mul3A_683 : i32
    %add3A_685 = arith.constant 2 : i32
    %add3A_686 = arith.addi %mul3A_684, %add3A_685 : i32
    %mul3A_687 = arith.constant 8 : i32
    %mul3A_688 = arith.muli %select_n3A_9, %mul3A_687 : i32
    %add3A_689 = arith.constant 3 : i32
    %add3A_690 = arith.addi %mul3A_688, %add3A_689 : i32
    %mul3A_691 = arith.constant 8 : i32
    %mul3A_692 = arith.muli %select_n3A_9, %mul3A_691 : i32
    %add3A_693 = arith.constant 4 : i32
    %add3A_694 = arith.addi %mul3A_692, %add3A_693 : i32
    %mul3A_695 = arith.constant 8 : i32
    %mul3A_696 = arith.muli %select_n3A_9, %mul3A_695 : i32
    %add3A_697 = arith.constant 5 : i32
    %add3A_698 = arith.addi %mul3A_696, %add3A_697 : i32
    %mul3A_699 = arith.constant 8 : i32
    %mul3A_700 = arith.muli %select_n3A_9, %mul3A_699 : i32
    %add3A_701 = arith.constant 6 : i32
    %add3A_702 = arith.addi %mul3A_700, %add3A_701 : i32
    %mul3A_703 = arith.constant 8 : i32
    %mul3A_704 = arith.muli %select_n3A_9, %mul3A_703 : i32
    %add3A_705 = arith.constant 7 : i32
    %add3A_706 = arith.addi %mul3A_704, %add3A_705 : i32
    %dma_start3A_707 = arith.constant 0 : i32
    %dma_start3A_708 = tpu.memref_slice %arg8[%dma_start3A_707] : memref<16384xf32, #tpu.memory_space<vmem>> -> memref<2048xf32, #tpu.memory_space<vmem>>
    %dma_start3A_709 = arith.constant 0 : i32
    %dma_start3A_710 = tpu.memref_slice %arg4[%add3A_678, %select_n3A_30, %dma_start3A_709] : memref<64x4x2048xf32, #tpu.memory_space<hbm>> -> memref<1x1x2048xf32, #tpu.memory_space<hbm>>
    %dma_start3A_711 = tpu.memref_squeeze %dma_start3A_710 : memref<1x1x2048xf32, #tpu.memory_space<hbm>> -> memref<2048xf32, #tpu.memory_space<hbm>>
    %dma_start3A_712 = arith.constant 0 : i32
    %dma_start3A_713 = tpu.memref_slice %arg4[%add3A_678, %select_n3A_30, %dma_start3A_712] : memref<64x4x2048xf32, #tpu.memory_space<hbm>> -> memref<1x1x2048xf32, #tpu.memory_space<hbm>>
    %dma_start3A_714 = tpu.memref_squeeze %dma_start3A_713 : memref<1x1x2048xf32, #tpu.memory_space<hbm>> -> memref<2048xf32, #tpu.memory_space<hbm>>
    %dma_start3A_715 = arith.constant 0 : i32
    %dma_start3A_716 = tpu.memref_slice %arg8[%dma_start3A_715] : memref<16384xf32, #tpu.memory_space<vmem>> -> memref<2048xf32, #tpu.memory_space<vmem>>
    tpu.enqueue_dma source(%dma_start3A_716 : memref<2048xf32, #tpu.memory_space<vmem>>) target(%dma_start3A_714 : memref<2048xf32, #tpu.memory_space<hbm>>) target_semaphore(%arg12 : memref<!tpu.dma_semaphore, #tpu.memory_space<semaphore_mem>>)
    %dma_start3A_717 = arith.constant 2048 : i32
    %dma_start3A_718 = tpu.memref_slice %arg8[%dma_start3A_717] : memref<16384xf32, #tpu.memory_space<vmem>> -> memref<2048xf32, #tpu.memory_space<vmem>>
    %dma_start3A_719 = arith.constant 0 : i32
    %dma_start3A_720 = tpu.memref_slice %arg4[%add3A_682, %select_n3A_30, %dma_start3A_719] : memref<64x4x2048xf32, #tpu.memory_space<hbm>> -> memref<1x1x2048xf32, #tpu.memory_space<hbm>>
    %dma_start3A_721 = tpu.memref_squeeze %dma_start3A_720 : memref<1x1x2048xf32, #tpu.memory_space<hbm>> -> memref<2048xf32, #tpu.memory_space<hbm>>
    %dma_start3A_722 = arith.constant 0 : i32
    %dma_start3A_723 = tpu.memref_slice %arg4[%add3A_682, %select_n3A_30, %dma_start3A_722] : memref<64x4x2048xf32, #tpu.memory_space<hbm>> -> memref<1x1x2048xf32, #tpu.memory_space<hbm>>
    %dma_start3A_724 = tpu.memref_squeeze %dma_start3A_723 : memref<1x1x2048xf32, #tpu.memory_space<hbm>> -> memref<2048xf32, #tpu.memory_space<hbm>>
    %dma_start3A_725 = arith.constant 2048 : i32
    %dma_start3A_726 = tpu.memref_slice %arg8[%dma_start3A_725] : memref<16384xf32, #tpu.memory_space<vmem>> -> memref<2048xf32, #tpu.memory_space<vmem>>
    tpu.enqueue_dma source(%dma_start3A_726 : memref<2048xf32, #tpu.memory_space<vmem>>) target(%dma_start3A_724 : memref<2048xf32, #tpu.memory_space<hbm>>) target_semaphore(%arg12 : memref<!tpu.dma_semaphore, #tpu.memory_space<semaphore_mem>>)
    %dma_start3A_727 = arith.constant 4096 : i32
    %dma_start3A_728 = tpu.memref_slice %arg8[%dma_start3A_727] : memref<16384xf32, #tpu.memory_space<vmem>> -> memref<2048xf32, #tpu.memory_space<vmem>>
    %dma_start3A_729 = arith.constant 0 : i32
    %dma_start3A_730 = tpu.memref_slice %arg4[%add3A_686, %select_n3A_30, %dma_start3A_729] : memref<64x4x2048xf32, #tpu.memory_space<hbm>> -> memref<1x1x2048xf32, #tpu.memory_space<hbm>>
    %dma_start3A_731 = tpu.memref_squeeze %dma_start3A_730 : memref<1x1x2048xf32, #tpu.memory_space<hbm>> -> memref<2048xf32, #tpu.memory_space<hbm>>
    %dma_start3A_732 = arith.constant 0 : i32
    %dma_start3A_733 = tpu.memref_slice %arg4[%add3A_686, %select_n3A_30, %dma_start3A_732] : memref<64x4x2048xf32, #tpu.memory_space<hbm>> -> memref<1x1x2048xf32, #tpu.memory_space<hbm>>
    %dma_start3A_734 = tpu.memref_squeeze %dma_start3A_733 : memref<1x1x2048xf32, #tpu.memory_space<hbm>> -> memref<2048xf32, #tpu.memory_space<hbm>>
    %dma_start3A_735 = arith.constant 4096 : i32
    %dma_start3A_736 = tpu.memref_slice %arg8[%dma_start3A_735] : memref<16384xf32, #tpu.memory_space<vmem>> -> memref<2048xf32, #tpu.memory_space<vmem>>
    tpu.enqueue_dma source(%dma_start3A_736 : memref<2048xf32, #tpu.memory_space<vmem>>) target(%dma_start3A_734 : memref<2048xf32, #tpu.memory_space<hbm>>) target_semaphore(%arg12 : memref<!tpu.dma_semaphore, #tpu.memory_space<semaphore_mem>>)
    %dma_start3A_737 = arith.constant 6144 : i32
    %dma_start3A_738 = tpu.memref_slice %arg8[%dma_start3A_737] : memref<16384xf32, #tpu.memory_space<vmem>> -> memref<2048xf32, #tpu.memory_space<vmem>>
    %dma_start3A_739 = arith.constant 0 : i32
    %dma_start3A_740 = tpu.memref_slice %arg4[%add3A_690, %select_n3A_30, %dma_start3A_739] : memref<64x4x2048xf32, #tpu.memory_space<hbm>> -> memref<1x1x2048xf32, #tpu.memory_space<hbm>>
    %dma_start3A_741 = tpu.memref_squeeze %dma_start3A_740 : memref<1x1x2048xf32, #tpu.memory_space<hbm>> -> memref<2048xf32, #tpu.memory_space<hbm>>
    %dma_start3A_742 = arith.constant 0 : i32
    %dma_start3A_743 = tpu.memref_slice %arg4[%add3A_690, %select_n3A_30, %dma_start3A_742] : memref<64x4x2048xf32, #tpu.memory_space<hbm>> -> memref<1x1x2048xf32, #tpu.memory_space<hbm>>
    %dma_start3A_744 = tpu.memref_squeeze %dma_start3A_743 : memref<1x1x2048xf32, #tpu.memory_space<hbm>> -> memref<2048xf32, #tpu.memory_space<hbm>>
    %dma_start3A_745 = arith.constant 6144 : i32
    %dma_start3A_746 = tpu.memref_slice %arg8[%dma_start3A_745] : memref<16384xf32, #tpu.memory_space<vmem>> -> memref<2048xf32, #tpu.memory_space<vmem>>
    tpu.enqueue_dma source(%dma_start3A_746 : memref<2048xf32, #tpu.memory_space<vmem>>) target(%dma_start3A_744 : memref<2048xf32, #tpu.memory_space<hbm>>) target_semaphore(%arg12 : memref<!tpu.dma_semaphore, #tpu.memory_space<semaphore_mem>>)
    %dma_start3A_747 = arith.constant 8192 : i32
    %dma_start3A_748 = tpu.memref_slice %arg8[%dma_start3A_747] : memref<16384xf32, #tpu.memory_space<vmem>> -> memref<2048xf32, #tpu.memory_space<vmem>>
    %dma_start3A_749 = arith.constant 0 : i32
    %dma_start3A_750 = tpu.memref_slice %arg4[%add3A_694, %select_n3A_30, %dma_start3A_749] : memref<64x4x2048xf32, #tpu.memory_space<hbm>> -> memref<1x1x2048xf32, #tpu.memory_space<hbm>>
    %dma_start3A_751 = tpu.memref_squeeze %dma_start3A_750 : memref<1x1x2048xf32, #tpu.memory_space<hbm>> -> memref<2048xf32, #tpu.memory_space<hbm>>
    %dma_start3A_752 = arith.constant 0 : i32
    %dma_start3A_753 = tpu.memref_slice %arg4[%add3A_694, %select_n3A_30, %dma_start3A_752] : memref<64x4x2048xf32, #tpu.memory_space<hbm>> -> memref<1x1x2048xf32, #tpu.memory_space<hbm>>
    %dma_start3A_754 = tpu.memref_squeeze %dma_start3A_753 : memref<1x1x2048xf32, #tpu.memory_space<hbm>> -> memref<2048xf32, #tpu.memory_space<hbm>>
    %dma_start3A_755 = arith.constant 8192 : i32
    %dma_start3A_756 = tpu.memref_slice %arg8[%dma_start3A_755] : memref<16384xf32, #tpu.memory_space<vmem>> -> memref<2048xf32, #tpu.memory_space<vmem>>
    tpu.enqueue_dma source(%dma_start3A_756 : memref<2048xf32, #tpu.memory_space<vmem>>) target(%dma_start3A_754 : memref<2048xf32, #tpu.memory_space<hbm>>) target_semaphore(%arg12 : memref<!tpu.dma_semaphore, #tpu.memory_space<semaphore_mem>>)
    %dma_start3A_757 = arith.constant 10240 : i32
    %dma_start3A_758 = tpu.memref_slice %arg8[%dma_start3A_757] : memref<16384xf32, #tpu.memory_space<vmem>> -> memref<2048xf32, #tpu.memory_space<vmem>>
    %dma_start3A_759 = arith.constant 0 : i32
    %dma_start3A_760 = tpu.memref_slice %arg4[%add3A_698, %select_n3A_30, %dma_start3A_759] : memref<64x4x2048xf32, #tpu.memory_space<hbm>> -> memref<1x1x2048xf32, #tpu.memory_space<hbm>>
    %dma_start3A_761 = tpu.memref_squeeze %dma_start3A_760 : memref<1x1x2048xf32, #tpu.memory_space<hbm>> -> memref<2048xf32, #tpu.memory_space<hbm>>
    %dma_start3A_762 = arith.constant 0 : i32
    %dma_start3A_763 = tpu.memref_slice %arg4[%add3A_698, %select_n3A_30, %dma_start3A_762] : memref<64x4x2048xf32, #tpu.memory_space<hbm>> -> memref<1x1x2048xf32, #tpu.memory_space<hbm>>
    %dma_start3A_764 = tpu.memref_squeeze %dma_start3A_763 : memref<1x1x2048xf32, #tpu.memory_space<hbm>> -> memref<2048xf32, #tpu.memory_space<hbm>>
    %dma_start3A_765 = arith.constant 10240 : i32
    %dma_start3A_766 = tpu.memref_slice %arg8[%dma_start3A_765] : memref<16384xf32, #tpu.memory_space<vmem>> -> memref<2048xf32, #tpu.memory_space<vmem>>
    tpu.enqueue_dma source(%dma_start3A_766 : memref<2048xf32, #tpu.memory_space<vmem>>) target(%dma_start3A_764 : memref<2048xf32, #tpu.memory_space<hbm>>) target_semaphore(%arg12 : memref<!tpu.dma_semaphore, #tpu.memory_space<semaphore_mem>>)
    %dma_start3A_767 = arith.constant 12288 : i32
    %dma_start3A_768 = tpu.memref_slice %arg8[%dma_start3A_767] : memref<16384xf32, #tpu.memory_space<vmem>> -> memref<2048xf32, #tpu.memory_space<vmem>>
    %dma_start3A_769 = arith.constant 0 : i32
    %dma_start3A_770 = tpu.memref_slice %arg4[%add3A_702, %select_n3A_30, %dma_start3A_769] : memref<64x4x2048xf32, #tpu.memory_space<hbm>> -> memref<1x1x2048xf32, #tpu.memory_space<hbm>>
    %dma_start3A_771 = tpu.memref_squeeze %dma_start3A_770 : memref<1x1x2048xf32, #tpu.memory_space<hbm>> -> memref<2048xf32, #tpu.memory_space<hbm>>
    %dma_start3A_772 = arith.constant 0 : i32
    %dma_start3A_773 = tpu.memref_slice %arg4[%add3A_702, %select_n3A_30, %dma_start3A_772] : memref<64x4x2048xf32, #tpu.memory_space<hbm>> -> memref<1x1x2048xf32, #tpu.memory_space<hbm>>
    %dma_start3A_774 = tpu.memref_squeeze %dma_start3A_773 : memref<1x1x2048xf32, #tpu.memory_space<hbm>> -> memref<2048xf32, #tpu.memory_space<hbm>>
    %dma_start3A_775 = arith.constant 12288 : i32
    %dma_start3A_776 = tpu.memref_slice %arg8[%dma_start3A_775] : memref<16384xf32, #tpu.memory_space<vmem>> -> memref<2048xf32, #tpu.memory_space<vmem>>
    tpu.enqueue_dma source(%dma_start3A_776 : memref<2048xf32, #tpu.memory_space<vmem>>) target(%dma_start3A_774 : memref<2048xf32, #tpu.memory_space<hbm>>) target_semaphore(%arg12 : memref<!tpu.dma_semaphore, #tpu.memory_space<semaphore_mem>>)
    %dma_start3A_777 = arith.constant 14336 : i32
    %dma_start3A_778 = tpu.memref_slice %arg8[%dma_start3A_777] : memref<16384xf32, #tpu.memory_space<vmem>> -> memref<2048xf32, #tpu.memory_space<vmem>>
    %dma_start3A_779 = arith.constant 0 : i32
    %dma_start3A_780 = tpu.memref_slice %arg4[%add3A_706, %select_n3A_30, %dma_start3A_779] : memref<64x4x2048xf32, #tpu.memory_space<hbm>> -> memref<1x1x2048xf32, #tpu.memory_space<hbm>>
    %dma_start3A_781 = tpu.memref_squeeze %dma_start3A_780 : memref<1x1x2048xf32, #tpu.memory_space<hbm>> -> memref<2048xf32, #tpu.memory_space<hbm>>
    %dma_start3A_782 = arith.constant 0 : i32
    %dma_start3A_783 = tpu.memref_slice %arg4[%add3A_706, %select_n3A_30, %dma_start3A_782] : memref<64x4x2048xf32, #tpu.memory_space<hbm>> -> memref<1x1x2048xf32, #tpu.memory_space<hbm>>
    %dma_start3A_784 = tpu.memref_squeeze %dma_start3A_783 : memref<1x1x2048xf32, #tpu.memory_space<hbm>> -> memref<2048xf32, #tpu.memory_space<hbm>>
    %dma_start3A_785 = arith.constant 14336 : i32
    %dma_start3A_786 = tpu.memref_slice %arg8[%dma_start3A_785] : memref<16384xf32, #tpu.memory_space<vmem>> -> memref<2048xf32, #tpu.memory_space<vmem>>
    tpu.enqueue_dma source(%dma_start3A_786 : memref<2048xf32, #tpu.memory_space<vmem>>) target(%dma_start3A_784 : memref<2048xf32, #tpu.memory_space<hbm>>) target_semaphore(%arg12 : memref<!tpu.dma_semaphore, #tpu.memory_space<semaphore_mem>>)
    %dma_start3A_787 = arith.constant 0 : i32
    %dma_start3A_788 = tpu.memref_slice %arg5[%add3A, %dma_start3A_787] : memref<32x2048xf32, #tpu.memory_space<hbm>> -> memref<1x2048xf32, #tpu.memory_space<hbm>>
    %dma_start3A_789 = tpu.memref_squeeze %dma_start3A_788 : memref<1x2048xf32, #tpu.memory_space<hbm>> -> memref<2048xf32, #tpu.memory_space<hbm>>
    %dma_start3A_790 = arith.constant 0 : i32
    %dma_start3A_791 = tpu.memref_slice %arg5[%add3A, %dma_start3A_790] : memref<32x2048xf32, #tpu.memory_space<hbm>> -> memref<1x2048xf32, #tpu.memory_space<hbm>>
    %dma_start3A_792 = tpu.memref_squeeze %dma_start3A_791 : memref<1x2048xf32, #tpu.memory_space<hbm>> -> memref<2048xf32, #tpu.memory_space<hbm>>
    tpu.enqueue_dma source(%arg9 : memref<2048xf32, #tpu.memory_space<vmem>>) target(%dma_start3A_792 : memref<2048xf32, #tpu.memory_space<hbm>>) target_semaphore(%arg12 : memref<!tpu.dma_semaphore, #tpu.memory_space<semaphore_mem>>)
    %dma_wait3A_793 = arith.constant 0 : i32
    %dma_wait3A_794 = tpu.memref_slice %arg8[%dma_wait3A_793] : memref<16384xf32, #tpu.memory_space<vmem>> -> memref<2048xf32, #tpu.memory_space<vmem>>
    %dma_wait3A_795 = arith.constant 0 : i32
    %dma_wait3A_796 = tpu.memref_slice %arg4[%add3A_678, %select_n3A_30, %dma_wait3A_795] : memref<64x4x2048xf32, #tpu.memory_space<hbm>> -> memref<1x1x2048xf32, #tpu.memory_space<hbm>>
    %dma_wait3A_797 = tpu.memref_squeeze %dma_wait3A_796 : memref<1x1x2048xf32, #tpu.memory_space<hbm>> -> memref<2048xf32, #tpu.memory_space<hbm>>
    %dma_wait3A_798 = arith.constant 0 : i32
    %dma_wait3A_799 = tpu.memref_slice %arg4[%add3A_678, %select_n3A_30, %dma_wait3A_798] : memref<64x4x2048xf32, #tpu.memory_space<hbm>> -> memref<1x1x2048xf32, #tpu.memory_space<hbm>>
    %dma_wait3A_800 = tpu.memref_squeeze %dma_wait3A_799 : memref<1x1x2048xf32, #tpu.memory_space<hbm>> -> memref<2048xf32, #tpu.memory_space<hbm>>
    %dma_wait3A_801 = arith.constant 0 : i32
    %dma_wait3A_802 = tpu.memref_slice %arg8[%dma_wait3A_801] : memref<16384xf32, #tpu.memory_space<vmem>> -> memref<2048xf32, #tpu.memory_space<vmem>>
    tpu.wait_dma2 semaphore(%arg12 : memref<!tpu.dma_semaphore, #tpu.memory_space<semaphore_mem>>) src(%dma_wait3A_802 : memref<2048xf32, #tpu.memory_space<vmem>>) dst(%dma_wait3A_800 : memref<2048xf32, #tpu.memory_space<hbm>>)
    %dma_wait3A_803 = arith.constant 2048 : i32
    %dma_wait3A_804 = tpu.memref_slice %arg8[%dma_wait3A_803] : memref<16384xf32, #tpu.memory_space<vmem>> -> memref<2048xf32, #tpu.memory_space<vmem>>
    %dma_wait3A_805 = arith.constant 0 : i32
    %dma_wait3A_806 = tpu.memref_slice %arg4[%add3A_682, %select_n3A_30, %dma_wait3A_805] : memref<64x4x2048xf32, #tpu.memory_space<hbm>> -> memref<1x1x2048xf32, #tpu.memory_space<hbm>>
    %dma_wait3A_807 = tpu.memref_squeeze %dma_wait3A_806 : memref<1x1x2048xf32, #tpu.memory_space<hbm>> -> memref<2048xf32, #tpu.memory_space<hbm>>
    %dma_wait3A_808 = arith.constant 0 : i32
    %dma_wait3A_809 = tpu.memref_slice %arg4[%add3A_682, %select_n3A_30, %dma_wait3A_808] : memref<64x4x2048xf32, #tpu.memory_space<hbm>> -> memref<1x1x2048xf32, #tpu.memory_space<hbm>>
    %dma_wait3A_810 = tpu.memref_squeeze %dma_wait3A_809 : memref<1x1x2048xf32, #tpu.memory_space<hbm>> -> memref<2048xf32, #tpu.memory_space<hbm>>
    %dma_wait3A_811 = arith.constant 2048 : i32
    %dma_wait3A_812 = tpu.memref_slice %arg8[%dma_wait3A_811] : memref<16384xf32, #tpu.memory_space<vmem>> -> memref<2048xf32, #tpu.memory_space<vmem>>
    tpu.wait_dma2 semaphore(%arg12 : memref<!tpu.dma_semaphore, #tpu.memory_space<semaphore_mem>>) src(%dma_wait3A_812 : memref<2048xf32, #tpu.memory_space<vmem>>) dst(%dma_wait3A_810 : memref<2048xf32, #tpu.memory_space<hbm>>)
    %dma_wait3A_813 = arith.constant 4096 : i32
    %dma_wait3A_814 = tpu.memref_slice %arg8[%dma_wait3A_813] : memref<16384xf32, #tpu.memory_space<vmem>> -> memref<2048xf32, #tpu.memory_space<vmem>>
    %dma_wait3A_815 = arith.constant 0 : i32
    %dma_wait3A_816 = tpu.memref_slice %arg4[%add3A_686, %select_n3A_30, %dma_wait3A_815] : memref<64x4x2048xf32, #tpu.memory_space<hbm>> -> memref<1x1x2048xf32, #tpu.memory_space<hbm>>
    %dma_wait3A_817 = tpu.memref_squeeze %dma_wait3A_816 : memref<1x1x2048xf32, #tpu.memory_space<hbm>> -> memref<2048xf32, #tpu.memory_space<hbm>>
    %dma_wait3A_818 = arith.constant 0 : i32
    %dma_wait3A_819 = tpu.memref_slice %arg4[%add3A_686, %select_n3A_30, %dma_wait3A_818] : memref<64x4x2048xf32, #tpu.memory_space<hbm>> -> memref<1x1x2048xf32, #tpu.memory_space<hbm>>
    %dma_wait3A_820 = tpu.memref_squeeze %dma_wait3A_819 : memref<1x1x2048xf32, #tpu.memory_space<hbm>> -> memref<2048xf32, #tpu.memory_space<hbm>>
    %dma_wait3A_821 = arith.constant 4096 : i32
    %dma_wait3A_822 = tpu.memref_slice %arg8[%dma_wait3A_821] : memref<16384xf32, #tpu.memory_space<vmem>> -> memref<2048xf32, #tpu.memory_space<vmem>>
    tpu.wait_dma2 semaphore(%arg12 : memref<!tpu.dma_semaphore, #tpu.memory_space<semaphore_mem>>) src(%dma_wait3A_822 : memref<2048xf32, #tpu.memory_space<vmem>>) dst(%dma_wait3A_820 : memref<2048xf32, #tpu.memory_space<hbm>>)
    %dma_wait3A_823 = arith.constant 6144 : i32
    %dma_wait3A_824 = tpu.memref_slice %arg8[%dma_wait3A_823] : memref<16384xf32, #tpu.memory_space<vmem>> -> memref<2048xf32, #tpu.memory_space<vmem>>
    %dma_wait3A_825 = arith.constant 0 : i32
    %dma_wait3A_826 = tpu.memref_slice %arg4[%add3A_690, %select_n3A_30, %dma_wait3A_825] : memref<64x4x2048xf32, #tpu.memory_space<hbm>> -> memref<1x1x2048xf32, #tpu.memory_space<hbm>>
    %dma_wait3A_827 = tpu.memref_squeeze %dma_wait3A_826 : memref<1x1x2048xf32, #tpu.memory_space<hbm>> -> memref<2048xf32, #tpu.memory_space<hbm>>
    %dma_wait3A_828 = arith.constant 0 : i32
    %dma_wait3A_829 = tpu.memref_slice %arg4[%add3A_690, %select_n3A_30, %dma_wait3A_828] : memref<64x4x2048xf32, #tpu.memory_space<hbm>> -> memref<1x1x2048xf32, #tpu.memory_space<hbm>>
    %dma_wait3A_830 = tpu.memref_squeeze %dma_wait3A_829 : memref<1x1x2048xf32, #tpu.memory_space<hbm>> -> memref<2048xf32, #tpu.memory_space<hbm>>
    %dma_wait3A_831 = arith.constant 6144 : i32
    %dma_wait3A_832 = tpu.memref_slice %arg8[%dma_wait3A_831] : memref<16384xf32, #tpu.memory_space<vmem>> -> memref<2048xf32, #tpu.memory_space<vmem>>
    tpu.wait_dma2 semaphore(%arg12 : memref<!tpu.dma_semaphore, #tpu.memory_space<semaphore_mem>>) src(%dma_wait3A_832 : memref<2048xf32, #tpu.memory_space<vmem>>) dst(%dma_wait3A_830 : memref<2048xf32, #tpu.memory_space<hbm>>)
    %dma_wait3A_833 = arith.constant 8192 : i32
    %dma_wait3A_834 = tpu.memref_slice %arg8[%dma_wait3A_833] : memref<16384xf32, #tpu.memory_space<vmem>> -> memref<2048xf32, #tpu.memory_space<vmem>>
    %dma_wait3A_835 = arith.constant 0 : i32
    %dma_wait3A_836 = tpu.memref_slice %arg4[%add3A_694, %select_n3A_30, %dma_wait3A_835] : memref<64x4x2048xf32, #tpu.memory_space<hbm>> -> memref<1x1x2048xf32, #tpu.memory_space<hbm>>
    %dma_wait3A_837 = tpu.memref_squeeze %dma_wait3A_836 : memref<1x1x2048xf32, #tpu.memory_space<hbm>> -> memref<2048xf32, #tpu.memory_space<hbm>>
    %dma_wait3A_838 = arith.constant 0 : i32
    %dma_wait3A_839 = tpu.memref_slice %arg4[%add3A_694, %select_n3A_30, %dma_wait3A_838] : memref<64x4x2048xf32, #tpu.memory_space<hbm>> -> memref<1x1x2048xf32, #tpu.memory_space<hbm>>
    %dma_wait3A_840 = tpu.memref_squeeze %dma_wait3A_839 : memref<1x1x2048xf32, #tpu.memory_space<hbm>> -> memref<2048xf32, #tpu.memory_space<hbm>>
    %dma_wait3A_841 = arith.constant 8192 : i32
    %dma_wait3A_842 = tpu.memref_slice %arg8[%dma_wait3A_841] : memref<16384xf32, #tpu.memory_space<vmem>> -> memref<2048xf32, #tpu.memory_space<vmem>>
    tpu.wait_dma2 semaphore(%arg12 : memref<!tpu.dma_semaphore, #tpu.memory_space<semaphore_mem>>) src(%dma_wait3A_842 : memref<2048xf32, #tpu.memory_space<vmem>>) dst(%dma_wait3A_840 : memref<2048xf32, #tpu.memory_space<hbm>>)
    %dma_wait3A_843 = arith.constant 10240 : i32
    %dma_wait3A_844 = tpu.memref_slice %arg8[%dma_wait3A_843] : memref<16384xf32, #tpu.memory_space<vmem>> -> memref<2048xf32, #tpu.memory_space<vmem>>
    %dma_wait3A_845 = arith.constant 0 : i32
    %dma_wait3A_846 = tpu.memref_slice %arg4[%add3A_698, %select_n3A_30, %dma_wait3A_845] : memref<64x4x2048xf32, #tpu.memory_space<hbm>> -> memref<1x1x2048xf32, #tpu.memory_space<hbm>>
    %dma_wait3A_847 = tpu.memref_squeeze %dma_wait3A_846 : memref<1x1x2048xf32, #tpu.memory_space<hbm>> -> memref<2048xf32, #tpu.memory_space<hbm>>
    %dma_wait3A_848 = arith.constant 0 : i32
    %dma_wait3A_849 = tpu.memref_slice %arg4[%add3A_698, %select_n3A_30, %dma_wait3A_848] : memref<64x4x2048xf32, #tpu.memory_space<hbm>> -> memref<1x1x2048xf32, #tpu.memory_space<hbm>>
    %dma_wait3A_850 = tpu.memref_squeeze %dma_wait3A_849 : memref<1x1x2048xf32, #tpu.memory_space<hbm>> -> memref<2048xf32, #tpu.memory_space<hbm>>
    %dma_wait3A_851 = arith.constant 10240 : i32
    %dma_wait3A_852 = tpu.memref_slice %arg8[%dma_wait3A_851] : memref<16384xf32, #tpu.memory_space<vmem>> -> memref<2048xf32, #tpu.memory_space<vmem>>
    tpu.wait_dma2 semaphore(%arg12 : memref<!tpu.dma_semaphore, #tpu.memory_space<semaphore_mem>>) src(%dma_wait3A_852 : memref<2048xf32, #tpu.memory_space<vmem>>) dst(%dma_wait3A_850 : memref<2048xf32, #tpu.memory_space<hbm>>)
    %dma_wait3A_853 = arith.constant 12288 : i32
    %dma_wait3A_854 = tpu.memref_slice %arg8[%dma_wait3A_853] : memref<16384xf32, #tpu.memory_space<vmem>> -> memref<2048xf32, #tpu.memory_space<vmem>>
    %dma_wait3A_855 = arith.constant 0 : i32
    %dma_wait3A_856 = tpu.memref_slice %arg4[%add3A_702, %select_n3A_30, %dma_wait3A_855] : memref<64x4x2048xf32, #tpu.memory_space<hbm>> -> memref<1x1x2048xf32, #tpu.memory_space<hbm>>
    %dma_wait3A_857 = tpu.memref_squeeze %dma_wait3A_856 : memref<1x1x2048xf32, #tpu.memory_space<hbm>> -> memref<2048xf32, #tpu.memory_space<hbm>>
    %dma_wait3A_858 = arith.constant 0 : i32
    %dma_wait3A_859 = tpu.memref_slice %arg4[%add3A_702, %select_n3A_30, %dma_wait3A_858] : memref<64x4x2048xf32, #tpu.memory_space<hbm>> -> memref<1x1x2048xf32, #tpu.memory_space<hbm>>
    %dma_wait3A_860 = tpu.memref_squeeze %dma_wait3A_859 : memref<1x1x2048xf32, #tpu.memory_space<hbm>> -> memref<2048xf32, #tpu.memory_space<hbm>>
    %dma_wait3A_861 = arith.constant 12288 : i32
    %dma_wait3A_862 = tpu.memref_slice %arg8[%dma_wait3A_861] : memref<16384xf32, #tpu.memory_space<vmem>> -> memref<2048xf32, #tpu.memory_space<vmem>>
    tpu.wait_dma2 semaphore(%arg12 : memref<!tpu.dma_semaphore, #tpu.memory_space<semaphore_mem>>) src(%dma_wait3A_862 : memref<2048xf32, #tpu.memory_space<vmem>>) dst(%dma_wait3A_860 : memref<2048xf32, #tpu.memory_space<hbm>>)
    %dma_wait3A_863 = arith.constant 14336 : i32
    %dma_wait3A_864 = tpu.memref_slice %arg8[%dma_wait3A_863] : memref<16384xf32, #tpu.memory_space<vmem>> -> memref<2048xf32, #tpu.memory_space<vmem>>
    %dma_wait3A_865 = arith.constant 0 : i32
    %dma_wait3A_866 = tpu.memref_slice %arg4[%add3A_706, %select_n3A_30, %dma_wait3A_865] : memref<64x4x2048xf32, #tpu.memory_space<hbm>> -> memref<1x1x2048xf32, #tpu.memory_space<hbm>>
    %dma_wait3A_867 = tpu.memref_squeeze %dma_wait3A_866 : memref<1x1x2048xf32, #tpu.memory_space<hbm>> -> memref<2048xf32, #tpu.memory_space<hbm>>
    %dma_wait3A_868 = arith.constant 0 : i32
    %dma_wait3A_869 = tpu.memref_slice %arg4[%add3A_706, %select_n3A_30, %dma_wait3A_868] : memref<64x4x2048xf32, #tpu.memory_space<hbm>> -> memref<1x1x2048xf32, #tpu.memory_space<hbm>>
    %dma_wait3A_870 = tpu.memref_squeeze %dma_wait3A_869 : memref<1x1x2048xf32, #tpu.memory_space<hbm>> -> memref<2048xf32, #tpu.memory_space<hbm>>
    %dma_wait3A_871 = arith.constant 14336 : i32
    %dma_wait3A_872 = tpu.memref_slice %arg8[%dma_wait3A_871] : memref<16384xf32, #tpu.memory_space<vmem>> -> memref<2048xf32, #tpu.memory_space<vmem>>
    tpu.wait_dma2 semaphore(%arg12 : memref<!tpu.dma_semaphore, #tpu.memory_space<semaphore_mem>>) src(%dma_wait3A_872 : memref<2048xf32, #tpu.memory_space<vmem>>) dst(%dma_wait3A_870 : memref<2048xf32, #tpu.memory_space<hbm>>)
    %dma_wait3A_873 = arith.constant 0 : i32
    %dma_wait3A_874 = tpu.memref_slice %arg5[%add3A, %dma_wait3A_873] : memref<32x2048xf32, #tpu.memory_space<hbm>> -> memref<1x2048xf32, #tpu.memory_space<hbm>>
    %dma_wait3A_875 = tpu.memref_squeeze %dma_wait3A_874 : memref<1x2048xf32, #tpu.memory_space<hbm>> -> memref<2048xf32, #tpu.memory_space<hbm>>
    %dma_wait3A_876 = arith.constant 0 : i32
    %dma_wait3A_877 = tpu.memref_slice %arg5[%add3A, %dma_wait3A_876] : memref<32x2048xf32, #tpu.memory_space<hbm>> -> memref<1x2048xf32, #tpu.memory_space<hbm>>
    %dma_wait3A_878 = tpu.memref_squeeze %dma_wait3A_877 : memref<1x2048xf32, #tpu.memory_space<hbm>> -> memref<2048xf32, #tpu.memory_space<hbm>>
    tpu.wait_dma2 semaphore(%arg12 : memref<!tpu.dma_semaphore, #tpu.memory_space<semaphore_mem>>) src(%arg9 : memref<2048xf32, #tpu.memory_space<vmem>>) dst(%dma_wait3A_878 : memref<2048xf32, #tpu.memory_space<hbm>>)
    return
  }
}

module attributes {stable_mosaic.version = 14 : i64} {
  func.func @_tc_body(%arg0: i32, %arg1: memref<16x4x2048xf32, #tpu.memory_space<vmem>>, %arg2: memref<32x2048xf32, #tpu.memory_space<vmem>>, %arg3: memref<8x2048xi32, #tpu.memory_space<vmem>>, %arg4: memref<16x64x2048xf32, #tpu.memory_space<vmem>>) attributes {dimension_semantics = [#tpu.dimension_semantics<arbitrary>], iteration_bounds = array<i64: 4>, scalar_prefetch = 0 : i64, scratch_operands = 0 : i64, tpu.core_type = #tpu.core_type<tc>, window_params = [{transform_indices = @transform_0, window_bounds = array<i64: 16, 4, 2048>}, {pipeline_mode = #tpu.pipeline_mode<synchronous>, transform_indices = @transform_1, window_bounds = array<i64: 32, 2048>}, {pipeline_mode = #tpu.pipeline_mode<synchronous>, transform_indices = @transform_2, window_bounds = array<i64: 8, 2048>}, {transform_indices = @transform_3, window_bounds = array<i64: 16, 64, 2048>}]} {
    %get3A = arith.constant 0 : index
    %get3A_0 = arith.constant 0 : index
    %get3A_1 = vector.load %arg2[%get3A, %get3A_0] : memref<32x2048xf32, #tpu.memory_space<vmem>>, vector<32x2048xf32>
    %reduce_sum3A = arith.constant dense<0.000000e+00> : vector<2048xf32>
    %reduce_sum3A_2 = vector.multi_reduction <add>, %get3A_1, %reduce_sum3A [0] : vector<32x2048xf32> to vector<2048xf32>
    %broadcast_in_dim3A = vector.shape_cast %reduce_sum3A_2 : vector<2048xf32> to vector<1x2048xf32>
    %max3A = arith.constant 1.000000e+00 : f32
    %max3A_3 = vector.broadcast %max3A : f32 to vector<1x2048xf32>
    %max3A_4 = arith.maximumf %broadcast_in_dim3A, %max3A_3 : vector<1x2048xf32>
    %div3A = arith.constant 1.000000e+00 : f32
    %div3A_5 = vector.broadcast %div3A : f32 to vector<1x2048xf32>
    %div3A_6 = arith.divf %div3A_5, %max3A_4 : vector<1x2048xf32>
    %get3A_7 = arith.constant 0 : index
    %get3A_8 = arith.constant 0 : index
    %get3A_9 = vector.load %arg3[%get3A_7, %get3A_8] : memref<8x2048xi32, #tpu.memory_space<vmem>>, vector<1x2048xi32>
    %iota3A = tpu.iota {dimensions = array<i32: 0>} : vector<64x2048xi32>
    %eq3A = vector.broadcast %get3A_9 : vector<1x2048xi32> to vector<64x2048xi32>
    %eq3A_10 = arith.cmpi eq, %iota3A, %eq3A : vector<64x2048xi32>
    %get3A_11 = arith.constant 0 : index
    %get3A_12 = arith.constant 0 : index
    %get3A_13 = arith.constant 0 : index
    %get3A_14 = vector.load %arg1[%get3A_11, %get3A_12, %get3A_13] : memref<16x4x2048xf32, #tpu.memory_space<vmem>>, vector<1x4x2048xf32>
    %get3A_15 = vector.shape_cast %get3A_14 : vector<1x4x2048xf32> to vector<4x2048xf32>
    %reduce_sum3A_16 = arith.constant dense<0.000000e+00> : vector<2048xf32>
    %reduce_sum3A_17 = vector.multi_reduction <add>, %get3A_15, %reduce_sum3A_16 [0] : vector<4x2048xf32> to vector<2048xf32>
    %broadcast_in_dim3A_18 = vector.shape_cast %reduce_sum3A_17 : vector<2048xf32> to vector<1x2048xf32>
    %mul3A = arith.mulf %broadcast_in_dim3A_18, %div3A_6 : vector<1x2048xf32>
    %jit3A = arith.constant 0.000000e+00 : f32
    %broadcast_in_dim3A_19 = vector.shape_cast %mul3A : vector<1x2048xf32> to vector<1x2048xf32>
    %broadcast_in_dim3A_20 = vector.broadcast %broadcast_in_dim3A_19 : vector<1x2048xf32> to vector<64x2048xf32>
    %broadcast_in_dim3A_21 = vector.broadcast %jit3A : f32 to vector<64x2048xf32>
    %select_n3A = arith.select %eq3A_10, %broadcast_in_dim3A_20, %broadcast_in_dim3A_21 : vector<64x2048xi1>, vector<64x2048xf32>
    %swap3A = arith.constant 0 : index
    %swap3A_22 = arith.constant 0 : index
    %swap3A_23 = arith.constant 0 : index
    %swap3A_24 = vector.load %arg4[%swap3A, %swap3A_22, %swap3A_23] : memref<16x64x2048xf32, #tpu.memory_space<vmem>>, vector<1x64x2048xf32>
    %swap3A_25 = vector.shape_cast %swap3A_24 : vector<1x64x2048xf32> to vector<64x2048xf32>
    %swap3A_26 = vector.shape_cast %select_n3A : vector<64x2048xf32> to vector<1x64x2048xf32>
    tpu.vector_store %arg4[%swap3A, %swap3A_22, %swap3A_23], %swap3A_26 {strides = array<i32>} : memref<16x64x2048xf32, #tpu.memory_space<vmem>>, vector<1x64x2048xf32>,
    %get3A_27 = arith.constant 1 : index
    %get3A_28 = arith.constant 0 : index
    %get3A_29 = arith.constant 0 : index
    %get3A_30 = vector.load %arg1[%get3A_27, %get3A_28, %get3A_29] : memref<16x4x2048xf32, #tpu.memory_space<vmem>>, vector<1x4x2048xf32>
    %get3A_31 = vector.shape_cast %get3A_30 : vector<1x4x2048xf32> to vector<4x2048xf32>
    %reduce_sum3A_32 = arith.constant dense<0.000000e+00> : vector<2048xf32>
    %reduce_sum3A_33 = vector.multi_reduction <add>, %get3A_31, %reduce_sum3A_32 [0] : vector<4x2048xf32> to vector<2048xf32>
    %broadcast_in_dim3A_34 = vector.shape_cast %reduce_sum3A_33 : vector<2048xf32> to vector<1x2048xf32>
    %mul3A_35 = arith.mulf %broadcast_in_dim3A_34, %div3A_6 : vector<1x2048xf32>
    %jit3A_36 = arith.constant 0.000000e+00 : f32
    %broadcast_in_dim3A_37 = vector.shape_cast %mul3A_35 : vector<1x2048xf32> to vector<1x2048xf32>
    %broadcast_in_dim3A_38 = vector.broadcast %broadcast_in_dim3A_37 : vector<1x2048xf32> to vector<64x2048xf32>
    %broadcast_in_dim3A_39 = vector.broadcast %jit3A_36 : f32 to vector<64x2048xf32>
    %select_n3A_40 = arith.select %eq3A_10, %broadcast_in_dim3A_38, %broadcast_in_dim3A_39 : vector<64x2048xi1>, vector<64x2048xf32>
    %swap3A_41 = arith.constant 1 : index
    %swap3A_42 = arith.constant 0 : index
    %swap3A_43 = arith.constant 0 : index
    %swap3A_44 = vector.load %arg4[%swap3A_41, %swap3A_42, %swap3A_43] : memref<16x64x2048xf32, #tpu.memory_space<vmem>>, vector<1x64x2048xf32>
    %swap3A_45 = vector.shape_cast %swap3A_44 : vector<1x64x2048xf32> to vector<64x2048xf32>
    %swap3A_46 = vector.shape_cast %select_n3A_40 : vector<64x2048xf32> to vector<1x64x2048xf32>
    tpu.vector_store %arg4[%swap3A_41, %swap3A_42, %swap3A_43], %swap3A_46 {strides = array<i32>} : memref<16x64x2048xf32, #tpu.memory_space<vmem>>, vector<1x64x2048xf32>,
    %get3A_47 = arith.constant 2 : index
    %get3A_48 = arith.constant 0 : index
    %get3A_49 = arith.constant 0 : index
    %get3A_50 = vector.load %arg1[%get3A_47, %get3A_48, %get3A_49] : memref<16x4x2048xf32, #tpu.memory_space<vmem>>, vector<1x4x2048xf32>
    %get3A_51 = vector.shape_cast %get3A_50 : vector<1x4x2048xf32> to vector<4x2048xf32>
    %reduce_sum3A_52 = arith.constant dense<0.000000e+00> : vector<2048xf32>
    %reduce_sum3A_53 = vector.multi_reduction <add>, %get3A_51, %reduce_sum3A_52 [0] : vector<4x2048xf32> to vector<2048xf32>
    %broadcast_in_dim3A_54 = vector.shape_cast %reduce_sum3A_53 : vector<2048xf32> to vector<1x2048xf32>
    %mul3A_55 = arith.mulf %broadcast_in_dim3A_54, %div3A_6 : vector<1x2048xf32>
    %jit3A_56 = arith.constant 0.000000e+00 : f32
    %broadcast_in_dim3A_57 = vector.shape_cast %mul3A_55 : vector<1x2048xf32> to vector<1x2048xf32>
    %broadcast_in_dim3A_58 = vector.broadcast %broadcast_in_dim3A_57 : vector<1x2048xf32> to vector<64x2048xf32>
    %broadcast_in_dim3A_59 = vector.broadcast %jit3A_56 : f32 to vector<64x2048xf32>
    %select_n3A_60 = arith.select %eq3A_10, %broadcast_in_dim3A_58, %broadcast_in_dim3A_59 : vector<64x2048xi1>, vector<64x2048xf32>
    %swap3A_61 = arith.constant 2 : index
    %swap3A_62 = arith.constant 0 : index
    %swap3A_63 = arith.constant 0 : index
    %swap3A_64 = vector.load %arg4[%swap3A_61, %swap3A_62, %swap3A_63] : memref<16x64x2048xf32, #tpu.memory_space<vmem>>, vector<1x64x2048xf32>
    %swap3A_65 = vector.shape_cast %swap3A_64 : vector<1x64x2048xf32> to vector<64x2048xf32>
    %swap3A_66 = vector.shape_cast %select_n3A_60 : vector<64x2048xf32> to vector<1x64x2048xf32>
    tpu.vector_store %arg4[%swap3A_61, %swap3A_62, %swap3A_63], %swap3A_66 {strides = array<i32>} : memref<16x64x2048xf32, #tpu.memory_space<vmem>>, vector<1x64x2048xf32>,
    %get3A_67 = arith.constant 3 : index
    %get3A_68 = arith.constant 0 : index
    %get3A_69 = arith.constant 0 : index
    %get3A_70 = vector.load %arg1[%get3A_67, %get3A_68, %get3A_69] : memref<16x4x2048xf32, #tpu.memory_space<vmem>>, vector<1x4x2048xf32>
    %get3A_71 = vector.shape_cast %get3A_70 : vector<1x4x2048xf32> to vector<4x2048xf32>
    %reduce_sum3A_72 = arith.constant dense<0.000000e+00> : vector<2048xf32>
    %reduce_sum3A_73 = vector.multi_reduction <add>, %get3A_71, %reduce_sum3A_72 [0] : vector<4x2048xf32> to vector<2048xf32>
    %broadcast_in_dim3A_74 = vector.shape_cast %reduce_sum3A_73 : vector<2048xf32> to vector<1x2048xf32>
    %mul3A_75 = arith.mulf %broadcast_in_dim3A_74, %div3A_6 : vector<1x2048xf32>
    %jit3A_76 = arith.constant 0.000000e+00 : f32
    %broadcast_in_dim3A_77 = vector.shape_cast %mul3A_75 : vector<1x2048xf32> to vector<1x2048xf32>
    %broadcast_in_dim3A_78 = vector.broadcast %broadcast_in_dim3A_77 : vector<1x2048xf32> to vector<64x2048xf32>
    %broadcast_in_dim3A_79 = vector.broadcast %jit3A_76 : f32 to vector<64x2048xf32>
    %select_n3A_80 = arith.select %eq3A_10, %broadcast_in_dim3A_78, %broadcast_in_dim3A_79 : vector<64x2048xi1>, vector<64x2048xf32>
    %swap3A_81 = arith.constant 3 : index
    %swap3A_82 = arith.constant 0 : index
    %swap3A_83 = arith.constant 0 : index
    %swap3A_84 = vector.load %arg4[%swap3A_81, %swap3A_82, %swap3A_83] : memref<16x64x2048xf32, #tpu.memory_space<vmem>>, vector<1x64x2048xf32>
    %swap3A_85 = vector.shape_cast %swap3A_84 : vector<1x64x2048xf32> to vector<64x2048xf32>
    %swap3A_86 = vector.shape_cast %select_n3A_80 : vector<64x2048xf32> to vector<1x64x2048xf32>
    tpu.vector_store %arg4[%swap3A_81, %swap3A_82, %swap3A_83], %swap3A_86 {strides = array<i32>} : memref<16x64x2048xf32, #tpu.memory_space<vmem>>, vector<1x64x2048xf32>,
    %get3A_87 = arith.constant 4 : index
    %get3A_88 = arith.constant 0 : index
    %get3A_89 = arith.constant 0 : index
    %get3A_90 = vector.load %arg1[%get3A_87, %get3A_88, %get3A_89] : memref<16x4x2048xf32, #tpu.memory_space<vmem>>, vector<1x4x2048xf32>
    %get3A_91 = vector.shape_cast %get3A_90 : vector<1x4x2048xf32> to vector<4x2048xf32>
    %reduce_sum3A_92 = arith.constant dense<0.000000e+00> : vector<2048xf32>
    %reduce_sum3A_93 = vector.multi_reduction <add>, %get3A_91, %reduce_sum3A_92 [0] : vector<4x2048xf32> to vector<2048xf32>
    %broadcast_in_dim3A_94 = vector.shape_cast %reduce_sum3A_93 : vector<2048xf32> to vector<1x2048xf32>
    %mul3A_95 = arith.mulf %broadcast_in_dim3A_94, %div3A_6 : vector<1x2048xf32>
    %jit3A_96 = arith.constant 0.000000e+00 : f32
    %broadcast_in_dim3A_97 = vector.shape_cast %mul3A_95 : vector<1x2048xf32> to vector<1x2048xf32>
    %broadcast_in_dim3A_98 = vector.broadcast %broadcast_in_dim3A_97 : vector<1x2048xf32> to vector<64x2048xf32>
    %broadcast_in_dim3A_99 = vector.broadcast %jit3A_96 : f32 to vector<64x2048xf32>
    %select_n3A_100 = arith.select %eq3A_10, %broadcast_in_dim3A_98, %broadcast_in_dim3A_99 : vector<64x2048xi1>, vector<64x2048xf32>
    %swap3A_101 = arith.constant 4 : index
    %swap3A_102 = arith.constant 0 : index
    %swap3A_103 = arith.constant 0 : index
    %swap3A_104 = vector.load %arg4[%swap3A_101, %swap3A_102, %swap3A_103] : memref<16x64x2048xf32, #tpu.memory_space<vmem>>, vector<1x64x2048xf32>
    %swap3A_105 = vector.shape_cast %swap3A_104 : vector<1x64x2048xf32> to vector<64x2048xf32>
    %swap3A_106 = vector.shape_cast %select_n3A_100 : vector<64x2048xf32> to vector<1x64x2048xf32>
    tpu.vector_store %arg4[%swap3A_101, %swap3A_102, %swap3A_103], %swap3A_106 {strides = array<i32>} : memref<16x64x2048xf32, #tpu.memory_space<vmem>>, vector<1x64x2048xf32>,
    %get3A_107 = arith.constant 5 : index
    %get3A_108 = arith.constant 0 : index
    %get3A_109 = arith.constant 0 : index
    %get3A_110 = vector.load %arg1[%get3A_107, %get3A_108, %get3A_109] : memref<16x4x2048xf32, #tpu.memory_space<vmem>>, vector<1x4x2048xf32>
    %get3A_111 = vector.shape_cast %get3A_110 : vector<1x4x2048xf32> to vector<4x2048xf32>
    %reduce_sum3A_112 = arith.constant dense<0.000000e+00> : vector<2048xf32>
    %reduce_sum3A_113 = vector.multi_reduction <add>, %get3A_111, %reduce_sum3A_112 [0] : vector<4x2048xf32> to vector<2048xf32>
    %broadcast_in_dim3A_114 = vector.shape_cast %reduce_sum3A_113 : vector<2048xf32> to vector<1x2048xf32>
    %mul3A_115 = arith.mulf %broadcast_in_dim3A_114, %div3A_6 : vector<1x2048xf32>
    %jit3A_116 = arith.constant 0.000000e+00 : f32
    %broadcast_in_dim3A_117 = vector.shape_cast %mul3A_115 : vector<1x2048xf32> to vector<1x2048xf32>
    %broadcast_in_dim3A_118 = vector.broadcast %broadcast_in_dim3A_117 : vector<1x2048xf32> to vector<64x2048xf32>
    %broadcast_in_dim3A_119 = vector.broadcast %jit3A_116 : f32 to vector<64x2048xf32>
    %select_n3A_120 = arith.select %eq3A_10, %broadcast_in_dim3A_118, %broadcast_in_dim3A_119 : vector<64x2048xi1>, vector<64x2048xf32>
    %swap3A_121 = arith.constant 5 : index
    %swap3A_122 = arith.constant 0 : index
    %swap3A_123 = arith.constant 0 : index
    %swap3A_124 = vector.load %arg4[%swap3A_121, %swap3A_122, %swap3A_123] : memref<16x64x2048xf32, #tpu.memory_space<vmem>>, vector<1x64x2048xf32>
    %swap3A_125 = vector.shape_cast %swap3A_124 : vector<1x64x2048xf32> to vector<64x2048xf32>
    %swap3A_126 = vector.shape_cast %select_n3A_120 : vector<64x2048xf32> to vector<1x64x2048xf32>
    tpu.vector_store %arg4[%swap3A_121, %swap3A_122, %swap3A_123], %swap3A_126 {strides = array<i32>} : memref<16x64x2048xf32, #tpu.memory_space<vmem>>, vector<1x64x2048xf32>,
    %get3A_127 = arith.constant 6 : index
    %get3A_128 = arith.constant 0 : index
    %get3A_129 = arith.constant 0 : index
    %get3A_130 = vector.load %arg1[%get3A_127, %get3A_128, %get3A_129] : memref<16x4x2048xf32, #tpu.memory_space<vmem>>, vector<1x4x2048xf32>
    %get3A_131 = vector.shape_cast %get3A_130 : vector<1x4x2048xf32> to vector<4x2048xf32>
    %reduce_sum3A_132 = arith.constant dense<0.000000e+00> : vector<2048xf32>
    %reduce_sum3A_133 = vector.multi_reduction <add>, %get3A_131, %reduce_sum3A_132 [0] : vector<4x2048xf32> to vector<2048xf32>
    %broadcast_in_dim3A_134 = vector.shape_cast %reduce_sum3A_133 : vector<2048xf32> to vector<1x2048xf32>
    %mul3A_135 = arith.mulf %broadcast_in_dim3A_134, %div3A_6 : vector<1x2048xf32>
    %jit3A_136 = arith.constant 0.000000e+00 : f32
    %broadcast_in_dim3A_137 = vector.shape_cast %mul3A_135 : vector<1x2048xf32> to vector<1x2048xf32>
    %broadcast_in_dim3A_138 = vector.broadcast %broadcast_in_dim3A_137 : vector<1x2048xf32> to vector<64x2048xf32>
    %broadcast_in_dim3A_139 = vector.broadcast %jit3A_136 : f32 to vector<64x2048xf32>
    %select_n3A_140 = arith.select %eq3A_10, %broadcast_in_dim3A_138, %broadcast_in_dim3A_139 : vector<64x2048xi1>, vector<64x2048xf32>
    %swap3A_141 = arith.constant 6 : index
    %swap3A_142 = arith.constant 0 : index
    %swap3A_143 = arith.constant 0 : index
    %swap3A_144 = vector.load %arg4[%swap3A_141, %swap3A_142, %swap3A_143] : memref<16x64x2048xf32, #tpu.memory_space<vmem>>, vector<1x64x2048xf32>
    %swap3A_145 = vector.shape_cast %swap3A_144 : vector<1x64x2048xf32> to vector<64x2048xf32>
    %swap3A_146 = vector.shape_cast %select_n3A_140 : vector<64x2048xf32> to vector<1x64x2048xf32>
    tpu.vector_store %arg4[%swap3A_141, %swap3A_142, %swap3A_143], %swap3A_146 {strides = array<i32>} : memref<16x64x2048xf32, #tpu.memory_space<vmem>>, vector<1x64x2048xf32>,
    %get3A_147 = arith.constant 7 : index
    %get3A_148 = arith.constant 0 : index
    %get3A_149 = arith.constant 0 : index
    %get3A_150 = vector.load %arg1[%get3A_147, %get3A_148, %get3A_149] : memref<16x4x2048xf32, #tpu.memory_space<vmem>>, vector<1x4x2048xf32>
    %get3A_151 = vector.shape_cast %get3A_150 : vector<1x4x2048xf32> to vector<4x2048xf32>
    %reduce_sum3A_152 = arith.constant dense<0.000000e+00> : vector<2048xf32>
    %reduce_sum3A_153 = vector.multi_reduction <add>, %get3A_151, %reduce_sum3A_152 [0] : vector<4x2048xf32> to vector<2048xf32>
    %broadcast_in_dim3A_154 = vector.shape_cast %reduce_sum3A_153 : vector<2048xf32> to vector<1x2048xf32>
    %mul3A_155 = arith.mulf %broadcast_in_dim3A_154, %div3A_6 : vector<1x2048xf32>
    %jit3A_156 = arith.constant 0.000000e+00 : f32
    %broadcast_in_dim3A_157 = vector.shape_cast %mul3A_155 : vector<1x2048xf32> to vector<1x2048xf32>
    %broadcast_in_dim3A_158 = vector.broadcast %broadcast_in_dim3A_157 : vector<1x2048xf32> to vector<64x2048xf32>
    %broadcast_in_dim3A_159 = vector.broadcast %jit3A_156 : f32 to vector<64x2048xf32>
    %select_n3A_160 = arith.select %eq3A_10, %broadcast_in_dim3A_158, %broadcast_in_dim3A_159 : vector<64x2048xi1>, vector<64x2048xf32>
    %swap3A_161 = arith.constant 7 : index
    %swap3A_162 = arith.constant 0 : index
    %swap3A_163 = arith.constant 0 : index
    %swap3A_164 = vector.load %arg4[%swap3A_161, %swap3A_162, %swap3A_163] : memref<16x64x2048xf32, #tpu.memory_space<vmem>>, vector<1x64x2048xf32>
    %swap3A_165 = vector.shape_cast %swap3A_164 : vector<1x64x2048xf32> to vector<64x2048xf32>
    %swap3A_166 = vector.shape_cast %select_n3A_160 : vector<64x2048xf32> to vector<1x64x2048xf32>
    tpu.vector_store %arg4[%swap3A_161, %swap3A_162, %swap3A_163], %swap3A_166 {strides = array<i32>} : memref<16x64x2048xf32, #tpu.memory_space<vmem>>, vector<1x64x2048xf32>,
    %get3A_167 = arith.constant 8 : index
    %get3A_168 = arith.constant 0 : index
    %get3A_169 = arith.constant 0 : index
    %get3A_170 = vector.load %arg1[%get3A_167, %get3A_168, %get3A_169] : memref<16x4x2048xf32, #tpu.memory_space<vmem>>, vector<1x4x2048xf32>
    %get3A_171 = vector.shape_cast %get3A_170 : vector<1x4x2048xf32> to vector<4x2048xf32>
    %reduce_sum3A_172 = arith.constant dense<0.000000e+00> : vector<2048xf32>
    %reduce_sum3A_173 = vector.multi_reduction <add>, %get3A_171, %reduce_sum3A_172 [0] : vector<4x2048xf32> to vector<2048xf32>
    %broadcast_in_dim3A_174 = vector.shape_cast %reduce_sum3A_173 : vector<2048xf32> to vector<1x2048xf32>
    %mul3A_175 = arith.mulf %broadcast_in_dim3A_174, %div3A_6 : vector<1x2048xf32>
    %jit3A_176 = arith.constant 0.000000e+00 : f32
    %broadcast_in_dim3A_177 = vector.shape_cast %mul3A_175 : vector<1x2048xf32> to vector<1x2048xf32>
    %broadcast_in_dim3A_178 = vector.broadcast %broadcast_in_dim3A_177 : vector<1x2048xf32> to vector<64x2048xf32>
    %broadcast_in_dim3A_179 = vector.broadcast %jit3A_176 : f32 to vector<64x2048xf32>
    %select_n3A_180 = arith.select %eq3A_10, %broadcast_in_dim3A_178, %broadcast_in_dim3A_179 : vector<64x2048xi1>, vector<64x2048xf32>
    %swap3A_181 = arith.constant 8 : index
    %swap3A_182 = arith.constant 0 : index
    %swap3A_183 = arith.constant 0 : index
    %swap3A_184 = vector.load %arg4[%swap3A_181, %swap3A_182, %swap3A_183] : memref<16x64x2048xf32, #tpu.memory_space<vmem>>, vector<1x64x2048xf32>
    %swap3A_185 = vector.shape_cast %swap3A_184 : vector<1x64x2048xf32> to vector<64x2048xf32>
    %swap3A_186 = vector.shape_cast %select_n3A_180 : vector<64x2048xf32> to vector<1x64x2048xf32>
    tpu.vector_store %arg4[%swap3A_181, %swap3A_182, %swap3A_183], %swap3A_186 {strides = array<i32>} : memref<16x64x2048xf32, #tpu.memory_space<vmem>>, vector<1x64x2048xf32>,
    %get3A_187 = arith.constant 9 : index
    %get3A_188 = arith.constant 0 : index
    %get3A_189 = arith.constant 0 : index
    %get3A_190 = vector.load %arg1[%get3A_187, %get3A_188, %get3A_189] : memref<16x4x2048xf32, #tpu.memory_space<vmem>>, vector<1x4x2048xf32>
    %get3A_191 = vector.shape_cast %get3A_190 : vector<1x4x2048xf32> to vector<4x2048xf32>
    %reduce_sum3A_192 = arith.constant dense<0.000000e+00> : vector<2048xf32>
    %reduce_sum3A_193 = vector.multi_reduction <add>, %get3A_191, %reduce_sum3A_192 [0] : vector<4x2048xf32> to vector<2048xf32>
    %broadcast_in_dim3A_194 = vector.shape_cast %reduce_sum3A_193 : vector<2048xf32> to vector<1x2048xf32>
    %mul3A_195 = arith.mulf %broadcast_in_dim3A_194, %div3A_6 : vector<1x2048xf32>
    %jit3A_196 = arith.constant 0.000000e+00 : f32
    %broadcast_in_dim3A_197 = vector.shape_cast %mul3A_195 : vector<1x2048xf32> to vector<1x2048xf32>
    %broadcast_in_dim3A_198 = vector.broadcast %broadcast_in_dim3A_197 : vector<1x2048xf32> to vector<64x2048xf32>
    %broadcast_in_dim3A_199 = vector.broadcast %jit3A_196 : f32 to vector<64x2048xf32>
    %select_n3A_200 = arith.select %eq3A_10, %broadcast_in_dim3A_198, %broadcast_in_dim3A_199 : vector<64x2048xi1>, vector<64x2048xf32>
    %swap3A_201 = arith.constant 9 : index
    %swap3A_202 = arith.constant 0 : index
    %swap3A_203 = arith.constant 0 : index
    %swap3A_204 = vector.load %arg4[%swap3A_201, %swap3A_202, %swap3A_203] : memref<16x64x2048xf32, #tpu.memory_space<vmem>>, vector<1x64x2048xf32>
    %swap3A_205 = vector.shape_cast %swap3A_204 : vector<1x64x2048xf32> to vector<64x2048xf32>
    %swap3A_206 = vector.shape_cast %select_n3A_200 : vector<64x2048xf32> to vector<1x64x2048xf32>
    tpu.vector_store %arg4[%swap3A_201, %swap3A_202, %swap3A_203], %swap3A_206 {strides = array<i32>} : memref<16x64x2048xf32, #tpu.memory_space<vmem>>, vector<1x64x2048xf32>,
    %get3A_207 = arith.constant 10 : index
    %get3A_208 = arith.constant 0 : index
    %get3A_209 = arith.constant 0 : index
    %get3A_210 = vector.load %arg1[%get3A_207, %get3A_208, %get3A_209] : memref<16x4x2048xf32, #tpu.memory_space<vmem>>, vector<1x4x2048xf32>
    %get3A_211 = vector.shape_cast %get3A_210 : vector<1x4x2048xf32> to vector<4x2048xf32>
    %reduce_sum3A_212 = arith.constant dense<0.000000e+00> : vector<2048xf32>
    %reduce_sum3A_213 = vector.multi_reduction <add>, %get3A_211, %reduce_sum3A_212 [0] : vector<4x2048xf32> to vector<2048xf32>
    %broadcast_in_dim3A_214 = vector.shape_cast %reduce_sum3A_213 : vector<2048xf32> to vector<1x2048xf32>
    %mul3A_215 = arith.mulf %broadcast_in_dim3A_214, %div3A_6 : vector<1x2048xf32>
    %jit3A_216 = arith.constant 0.000000e+00 : f32
    %broadcast_in_dim3A_217 = vector.shape_cast %mul3A_215 : vector<1x2048xf32> to vector<1x2048xf32>
    %broadcast_in_dim3A_218 = vector.broadcast %broadcast_in_dim3A_217 : vector<1x2048xf32> to vector<64x2048xf32>
    %broadcast_in_dim3A_219 = vector.broadcast %jit3A_216 : f32 to vector<64x2048xf32>
    %select_n3A_220 = arith.select %eq3A_10, %broadcast_in_dim3A_218, %broadcast_in_dim3A_219 : vector<64x2048xi1>, vector<64x2048xf32>
    %swap3A_221 = arith.constant 10 : index
    %swap3A_222 = arith.constant 0 : index
    %swap3A_223 = arith.constant 0 : index
    %swap3A_224 = vector.load %arg4[%swap3A_221, %swap3A_222, %swap3A_223] : memref<16x64x2048xf32, #tpu.memory_space<vmem>>, vector<1x64x2048xf32>
    %swap3A_225 = vector.shape_cast %swap3A_224 : vector<1x64x2048xf32> to vector<64x2048xf32>
    %swap3A_226 = vector.shape_cast %select_n3A_220 : vector<64x2048xf32> to vector<1x64x2048xf32>
    tpu.vector_store %arg4[%swap3A_221, %swap3A_222, %swap3A_223], %swap3A_226 {strides = array<i32>} : memref<16x64x2048xf32, #tpu.memory_space<vmem>>, vector<1x64x2048xf32>,
    %get3A_227 = arith.constant 11 : index
    %get3A_228 = arith.constant 0 : index
    %get3A_229 = arith.constant 0 : index
    %get3A_230 = vector.load %arg1[%get3A_227, %get3A_228, %get3A_229] : memref<16x4x2048xf32, #tpu.memory_space<vmem>>, vector<1x4x2048xf32>
    %get3A_231 = vector.shape_cast %get3A_230 : vector<1x4x2048xf32> to vector<4x2048xf32>
    %reduce_sum3A_232 = arith.constant dense<0.000000e+00> : vector<2048xf32>
    %reduce_sum3A_233 = vector.multi_reduction <add>, %get3A_231, %reduce_sum3A_232 [0] : vector<4x2048xf32> to vector<2048xf32>
    %broadcast_in_dim3A_234 = vector.shape_cast %reduce_sum3A_233 : vector<2048xf32> to vector<1x2048xf32>
    %mul3A_235 = arith.mulf %broadcast_in_dim3A_234, %div3A_6 : vector<1x2048xf32>
    %jit3A_236 = arith.constant 0.000000e+00 : f32
    %broadcast_in_dim3A_237 = vector.shape_cast %mul3A_235 : vector<1x2048xf32> to vector<1x2048xf32>
    %broadcast_in_dim3A_238 = vector.broadcast %broadcast_in_dim3A_237 : vector<1x2048xf32> to vector<64x2048xf32>
    %broadcast_in_dim3A_239 = vector.broadcast %jit3A_236 : f32 to vector<64x2048xf32>
    %select_n3A_240 = arith.select %eq3A_10, %broadcast_in_dim3A_238, %broadcast_in_dim3A_239 : vector<64x2048xi1>, vector<64x2048xf32>
    %swap3A_241 = arith.constant 11 : index
    %swap3A_242 = arith.constant 0 : index
    %swap3A_243 = arith.constant 0 : index
    %swap3A_244 = vector.load %arg4[%swap3A_241, %swap3A_242, %swap3A_243] : memref<16x64x2048xf32, #tpu.memory_space<vmem>>, vector<1x64x2048xf32>
    %swap3A_245 = vector.shape_cast %swap3A_244 : vector<1x64x2048xf32> to vector<64x2048xf32>
    %swap3A_246 = vector.shape_cast %select_n3A_240 : vector<64x2048xf32> to vector<1x64x2048xf32>
    tpu.vector_store %arg4[%swap3A_241, %swap3A_242, %swap3A_243], %swap3A_246 {strides = array<i32>} : memref<16x64x2048xf32, #tpu.memory_space<vmem>>, vector<1x64x2048xf32>,
    %get3A_247 = arith.constant 12 : index
    %get3A_248 = arith.constant 0 : index
    %get3A_249 = arith.constant 0 : index
    %get3A_250 = vector.load %arg1[%get3A_247, %get3A_248, %get3A_249] : memref<16x4x2048xf32, #tpu.memory_space<vmem>>, vector<1x4x2048xf32>
    %get3A_251 = vector.shape_cast %get3A_250 : vector<1x4x2048xf32> to vector<4x2048xf32>
    %reduce_sum3A_252 = arith.constant dense<0.000000e+00> : vector<2048xf32>
    %reduce_sum3A_253 = vector.multi_reduction <add>, %get3A_251, %reduce_sum3A_252 [0] : vector<4x2048xf32> to vector<2048xf32>
    %broadcast_in_dim3A_254 = vector.shape_cast %reduce_sum3A_253 : vector<2048xf32> to vector<1x2048xf32>
    %mul3A_255 = arith.mulf %broadcast_in_dim3A_254, %div3A_6 : vector<1x2048xf32>
    %jit3A_256 = arith.constant 0.000000e+00 : f32
    %broadcast_in_dim3A_257 = vector.shape_cast %mul3A_255 : vector<1x2048xf32> to vector<1x2048xf32>
    %broadcast_in_dim3A_258 = vector.broadcast %broadcast_in_dim3A_257 : vector<1x2048xf32> to vector<64x2048xf32>
    %broadcast_in_dim3A_259 = vector.broadcast %jit3A_256 : f32 to vector<64x2048xf32>
    %select_n3A_260 = arith.select %eq3A_10, %broadcast_in_dim3A_258, %broadcast_in_dim3A_259 : vector<64x2048xi1>, vector<64x2048xf32>
    %swap3A_261 = arith.constant 12 : index
    %swap3A_262 = arith.constant 0 : index
    %swap3A_263 = arith.constant 0 : index
    %swap3A_264 = vector.load %arg4[%swap3A_261, %swap3A_262, %swap3A_263] : memref<16x64x2048xf32, #tpu.memory_space<vmem>>, vector<1x64x2048xf32>
    %swap3A_265 = vector.shape_cast %swap3A_264 : vector<1x64x2048xf32> to vector<64x2048xf32>
    %swap3A_266 = vector.shape_cast %select_n3A_260 : vector<64x2048xf32> to vector<1x64x2048xf32>
    tpu.vector_store %arg4[%swap3A_261, %swap3A_262, %swap3A_263], %swap3A_266 {strides = array<i32>} : memref<16x64x2048xf32, #tpu.memory_space<vmem>>, vector<1x64x2048xf32>,
    %get3A_267 = arith.constant 13 : index
    %get3A_268 = arith.constant 0 : index
    %get3A_269 = arith.constant 0 : index
    %get3A_270 = vector.load %arg1[%get3A_267, %get3A_268, %get3A_269] : memref<16x4x2048xf32, #tpu.memory_space<vmem>>, vector<1x4x2048xf32>
    %get3A_271 = vector.shape_cast %get3A_270 : vector<1x4x2048xf32> to vector<4x2048xf32>
    %reduce_sum3A_272 = arith.constant dense<0.000000e+00> : vector<2048xf32>
    %reduce_sum3A_273 = vector.multi_reduction <add>, %get3A_271, %reduce_sum3A_272 [0] : vector<4x2048xf32> to vector<2048xf32>
    %broadcast_in_dim3A_274 = vector.shape_cast %reduce_sum3A_273 : vector<2048xf32> to vector<1x2048xf32>
    %mul3A_275 = arith.mulf %broadcast_in_dim3A_274, %div3A_6 : vector<1x2048xf32>
    %jit3A_276 = arith.constant 0.000000e+00 : f32
    %broadcast_in_dim3A_277 = vector.shape_cast %mul3A_275 : vector<1x2048xf32> to vector<1x2048xf32>
    %broadcast_in_dim3A_278 = vector.broadcast %broadcast_in_dim3A_277 : vector<1x2048xf32> to vector<64x2048xf32>
    %broadcast_in_dim3A_279 = vector.broadcast %jit3A_276 : f32 to vector<64x2048xf32>
    %select_n3A_280 = arith.select %eq3A_10, %broadcast_in_dim3A_278, %broadcast_in_dim3A_279 : vector<64x2048xi1>, vector<64x2048xf32>
    %swap3A_281 = arith.constant 13 : index
    %swap3A_282 = arith.constant 0 : index
    %swap3A_283 = arith.constant 0 : index
    %swap3A_284 = vector.load %arg4[%swap3A_281, %swap3A_282, %swap3A_283] : memref<16x64x2048xf32, #tpu.memory_space<vmem>>, vector<1x64x2048xf32>
    %swap3A_285 = vector.shape_cast %swap3A_284 : vector<1x64x2048xf32> to vector<64x2048xf32>
    %swap3A_286 = vector.shape_cast %select_n3A_280 : vector<64x2048xf32> to vector<1x64x2048xf32>
    tpu.vector_store %arg4[%swap3A_281, %swap3A_282, %swap3A_283], %swap3A_286 {strides = array<i32>} : memref<16x64x2048xf32, #tpu.memory_space<vmem>>, vector<1x64x2048xf32>,
    %get3A_287 = arith.constant 14 : index
    %get3A_288 = arith.constant 0 : index
    %get3A_289 = arith.constant 0 : index
    %get3A_290 = vector.load %arg1[%get3A_287, %get3A_288, %get3A_289] : memref<16x4x2048xf32, #tpu.memory_space<vmem>>, vector<1x4x2048xf32>
    %get3A_291 = vector.shape_cast %get3A_290 : vector<1x4x2048xf32> to vector<4x2048xf32>
    %reduce_sum3A_292 = arith.constant dense<0.000000e+00> : vector<2048xf32>
    %reduce_sum3A_293 = vector.multi_reduction <add>, %get3A_291, %reduce_sum3A_292 [0] : vector<4x2048xf32> to vector<2048xf32>
    %broadcast_in_dim3A_294 = vector.shape_cast %reduce_sum3A_293 : vector<2048xf32> to vector<1x2048xf32>
    %mul3A_295 = arith.mulf %broadcast_in_dim3A_294, %div3A_6 : vector<1x2048xf32>
    %jit3A_296 = arith.constant 0.000000e+00 : f32
    %broadcast_in_dim3A_297 = vector.shape_cast %mul3A_295 : vector<1x2048xf32> to vector<1x2048xf32>
    %broadcast_in_dim3A_298 = vector.broadcast %broadcast_in_dim3A_297 : vector<1x2048xf32> to vector<64x2048xf32>
    %broadcast_in_dim3A_299 = vector.broadcast %jit3A_296 : f32 to vector<64x2048xf32>
    %select_n3A_300 = arith.select %eq3A_10, %broadcast_in_dim3A_298, %broadcast_in_dim3A_299 : vector<64x2048xi1>, vector<64x2048xf32>
    %swap3A_301 = arith.constant 14 : index
    %swap3A_302 = arith.constant 0 : index
    %swap3A_303 = arith.constant 0 : index
    %swap3A_304 = vector.load %arg4[%swap3A_301, %swap3A_302, %swap3A_303] : memref<16x64x2048xf32, #tpu.memory_space<vmem>>, vector<1x64x2048xf32>
    %swap3A_305 = vector.shape_cast %swap3A_304 : vector<1x64x2048xf32> to vector<64x2048xf32>
    %swap3A_306 = vector.shape_cast %select_n3A_300 : vector<64x2048xf32> to vector<1x64x2048xf32>
    tpu.vector_store %arg4[%swap3A_301, %swap3A_302, %swap3A_303], %swap3A_306 {strides = array<i32>} : memref<16x64x2048xf32, #tpu.memory_space<vmem>>, vector<1x64x2048xf32>,
    %get3A_307 = arith.constant 15 : index
    %get3A_308 = arith.constant 0 : index
    %get3A_309 = arith.constant 0 : index
    %get3A_310 = vector.load %arg1[%get3A_307, %get3A_308, %get3A_309] : memref<16x4x2048xf32, #tpu.memory_space<vmem>>, vector<1x4x2048xf32>
    %get3A_311 = vector.shape_cast %get3A_310 : vector<1x4x2048xf32> to vector<4x2048xf32>
    %reduce_sum3A_312 = arith.constant dense<0.000000e+00> : vector<2048xf32>
    %reduce_sum3A_313 = vector.multi_reduction <add>, %get3A_311, %reduce_sum3A_312 [0] : vector<4x2048xf32> to vector<2048xf32>
    %broadcast_in_dim3A_314 = vector.shape_cast %reduce_sum3A_313 : vector<2048xf32> to vector<1x2048xf32>
    %mul3A_315 = arith.mulf %broadcast_in_dim3A_314, %div3A_6 : vector<1x2048xf32>
    %jit3A_316 = arith.constant 0.000000e+00 : f32
    %broadcast_in_dim3A_317 = vector.shape_cast %mul3A_315 : vector<1x2048xf32> to vector<1x2048xf32>
    %broadcast_in_dim3A_318 = vector.broadcast %broadcast_in_dim3A_317 : vector<1x2048xf32> to vector<64x2048xf32>
    %broadcast_in_dim3A_319 = vector.broadcast %jit3A_316 : f32 to vector<64x2048xf32>
    %select_n3A_320 = arith.select %eq3A_10, %broadcast_in_dim3A_318, %broadcast_in_dim3A_319 : vector<64x2048xi1>, vector<64x2048xf32>
    %swap3A_321 = arith.constant 15 : index
    %swap3A_322 = arith.constant 0 : index
    %swap3A_323 = arith.constant 0 : index
    %swap3A_324 = vector.load %arg4[%swap3A_321, %swap3A_322, %swap3A_323] : memref<16x64x2048xf32, #tpu.memory_space<vmem>>, vector<1x64x2048xf32>
    %swap3A_325 = vector.shape_cast %swap3A_324 : vector<1x64x2048xf32> to vector<64x2048xf32>
    %swap3A_326 = vector.shape_cast %select_n3A_320 : vector<64x2048xf32> to vector<1x64x2048xf32>
    tpu.vector_store %arg4[%swap3A_321, %swap3A_322, %swap3A_323], %swap3A_326 {strides = array<i32>} : memref<16x64x2048xf32, #tpu.memory_space<vmem>>, vector<1x64x2048xf32>,
    return
  }
  func.func @transform_0(%arg0: i32) -> (i32, i32, i32) {
    %c0_i32 = arith.constant 0 : i32
    %c0_i32_0 = arith.constant 0 : i32
    %c0_i32_1 = arith.constant 0 : i32
    return %arg0, %c0_i32, %c0_i32_0 : i32, i32, i32
  }
  func.func @transform_1(%arg0: i32) -> (i32, i32) {
    %c0_i32 = arith.constant 0 : i32
    %c0_i32_0 = arith.constant 0 : i32
    %c0_i32_1 = arith.constant 0 : i32
    return %c0_i32, %c0_i32_0 : i32, i32
  }
  func.func @transform_2(%arg0: i32) -> (i32, i32) {
    %c0_i32 = arith.constant 0 : i32
    %c0_i32_0 = arith.constant 0 : i32
    %c0_i32_1 = arith.constant 0 : i32
    return %c0_i32, %c0_i32_0 : i32, i32
  }
  func.func @transform_3(%arg0: i32) -> (i32, i32, i32) {
    %c0_i32 = arith.constant 0 : i32
    %c0_i32_0 = arith.constant 0 : i32
    %c0_i32_1 = arith.constant 0 : i32
    return %arg0, %c0_i32, %c0_i32_0 : i32, i32, i32
  }
}

</mosaic_0001>

<sc_bundles>
// kernel: kernel.4.cloned.1.call-start
scs
__scs_entry_jumppad:
0x0: {  	(pc) =	sbr.rel $0x88, $3  }
0x1: {  	(tag) =	ssettag $0x0;
	lr =	simm.s32 $0x1  }
0x2: {  	[smem:$0x3F9E] =	sst lr;
	_ =	strace $0xD0000000  }
0x3: {  	_ = 	snop  }
0x4: {  	_ = 	snop  }
0x5: {  	_ = 	snop  }
0x6: {  	_ = 	snop  }
0x7: {  	_ = 	snop  }
__scs_overlays_trampoline_lowered:
0x8: {  	[smem:$0x3FAD] =	sst s0  }
0x9: {  	[smem:$0x3FAE] =	sst s1  }
0xa: {  	[smem:$0x3FAF] =	sst s2  }
0xb: {  	[smem:$0x3FB0] =	sst s3  }
0xc: {  	[smem:$0x3FB1] =	sst s4  }
0xd: {  	[smem:$0x3FB2] =	sst s5  }
0xe: {  	[smem:$0x3FB3] =	sst s6  }
0xf: {  	[smem:$0x3FB4] =	sst s7  }
0x10: {  	[smem:$0x3FB5] =	sst s8  }
0x11: {  	[smem:$0x3FB6] =	sst s9;
	s0 =	simm.s32 @!p0 $0x0  }
0x12: {  	s1 =	sld [smem:$0x3F9C];
	s0 =	simm.s32 @p0 $0x1  }
0x13: {  	[smem:$0x3FB7] =	sst s0;
	s0 =	simm.s32 @!p1 $0x0  }
0x14: {  	s2 =	sld [smem:$0x3F9B];
	s0 =	simm.s32 @p1 $0x1  }
0x15: {  	[smem:$0x3FB8] =	sst s0;
	s0 =	simm.s32 @!p2 $0x0  }
0x16: {  	s3 =	sld [smem:$0x3FDB];
	s0 =	simm.s32 @p2 $0x1  }
0x17: {  	s4 =	simm.s32 $0x1BF5;
	[smem:$0x3FBA] =	sst s0  }
0x18: {  	s0 =	sld [smem:$0x3F9D];
	_ =	swait.ge [sflag:s4], $0x0  }
0x19: {  	s7 =	sld [smem:$0x3F9E]  }
0x1a: {  	s8 =	sadd.s32 $0xFFFFE003, lr  }
0x1b: {  	s9 =	sadd.s32 $0xFFFFFEF7, lr;
	s5 =	simm.s32 $0xFFFFFFFF;
	p2 =	slt.u32 s8, $0xFFFFF086  }
0x1c: {  	p1 =	slt.u32 s9, $0xF7A;
	s5 =	simm.s32 @!p2 $0x0  }
0x1d: {  	s5 =	simm.s32 @p1 $0x1;
	p0 =	seq.s32 s7, s2  }
0x1e: {  	s7 =	smul.u32 @!p0 $0xF7A, s2;
	p2 =	seq.s32 @!p0 s5, $0x0  }
0x1f: {  	s9 =	smul.u32 $0xF7A, s1;
	s8 =	simm.s32 @!p0 $0x1BF5;
	p2 =	por !p2, p0  }
0x20: {  	[sflag:s8] =	ssyncset.s32 @!p0 $0xFFFFF086;
	s6 =	sadd.s32 @!p0 s3, s7;
	s7 =	simm.s32 @!p0 $0x108  }
0x21: {  	s3 =	sadd.s32 s3, s9;
	s6 =	sadd.s32 @!p0 $0x88, s6;
	s7 =	simm.s32 @p2 $0x1082  }
0x22: {  	[simem:s7], [sflag:s8] =	dma.local @!p0 [hbm:s6], $0xF7A  }
0x23: {  	s9 =	sor.u32 $0xD0000000, s2;
	s6 =	simm.s32 $0x108;
	_ =	swait.ge @!p0 [sflag:s8], $0x0  }
0x24: {  	s3 =	sadd.s32 $0x88, s3;
	s6 =	simm.s32 @!p1 $0x1082;
	[sflag:s4] =	ssyncset.s32 $0xFFFFF086  }
0x25: {  	[simem:s6], [sflag:s4] =	dma.local [hbm:s3], $0xF7A  }
0x26: {  	[smem:$0x3F9E] =	sst s1;
	(tag) =	ssettag s2;
	_ =	strace s9  }
0x27: {  	s1 =	sld [smem:$0x3FAE]  }
0x28: {  	s2 =	sld [smem:$0x3FAF]  }
0x29: {  	s4 =	sld [smem:$0x3FB1]  }
0x2a: {  	p0 =	seq.s32 s5, $0x0;
	s5 =	sld [smem:$0x3FB2]  }
0x2b: {  	s6 =	sld [smem:$0x3FB3]  }
0x2c: {  	s7 =	sld [smem:$0x3FB4]  }
0x2d: {  	s3 =	simm.s32 $0x108;
	s8 =	sld [smem:$0x3FB5]  }
0x2e: {  	s3 =	simm.s32 @!p0 $0x1082;
	s9 =	sld [smem:$0x3FB6]  }
0x2f: {  	lr =	sadd.s32 s0, s3;
	s0 =	sld [smem:$0x3FAD]  }
0x30: {  	s3 =	sld [smem:$0x3FB0]  }
0x31: {  	[smem:$0x3FB9] =	sst s10  }
0x32: {  	s10 =	sld [smem:$0x3FB7];
	_ =	sdelay $0x3  }
0x33: {  	p0 =	seq.s32 s10, $0x1;
	s10 =	sld [smem:$0x3FB9];
	_ =	sdelay $0x3  }
0x34: {  	[smem:$0x3FB9] =	sst s10  }
0x35: {  	s10 =	sld [smem:$0x3FB8];
	_ =	sdelay $0x3  }
0x36: {  	p1 =	seq.s32 s10, $0x1;
	s10 =	sld [smem:$0x3FB9];
	_ =	sdelay $0x3  }
0x37: {  	[smem:$0x3FB9] =	sst s10  }
0x38: {  	s10 =	sld [smem:$0x3FBA]  }
0x39: {  	_ = 	snop;
	(pc) =	sbr.ind lr, $3  }
0x3a: {  	_ = 	snop  }
0x3b: {  	_ = 	snop  }
0x3c: {  	p2 =	seq.s32 s10, $0x1;
	s10 =	sld [smem:$0x3FB9]  }
0x3d: {  	_ =	shalt  }
0x3e: {  	_ =	shalt  }
0x3f: {  	_ =	shalt  }
0x40: {  	_ =	shalt  }
0x41: {  	_ =	shalt  }
0x42: {  	_ =	shalt  }
0x43: {  	_ =	shalt  }
0x44: {  	_ =	shalt  }
0x45: {  	_ =	shalt  }
0x46: {  	_ =	shalt  }
0x47: {  	_ =	shalt  }
0x48: {  	_ =	shalt  }
0x49: {  	_ =	shalt  }
0x4a: {  	_ =	shalt  }
0x4b: {  	_ =	shalt  }
0x4c: {  	_ =	shalt  }
0x4d: {  	_ =	shalt  }
0x4e: {  	_ =	shalt  }
0x4f: {  	_ =	shalt  }
0x50: {  	_ =	shalt  }
0x51: {  	_ =	shalt  }
0x52: {  	_ =	shalt  }
0x53: {  	_ =	shalt  }
0x54: {  	_ =	shalt  }
0x55: {  	_ =	shalt  }
0x56: {  	_ =	shalt  }
0x57: {  	_ =	shalt  }
0x58: {  	_ =	shalt  }
0x59: {  	_ =	shalt  }
0x5a: {  	_ =	shalt  }
0x5b: {  	_ =	shalt  }
0x5c: {  	_ =	shalt  }
0x5d: {  	_ =	shalt  }
0x5e: {  	_ =	shalt  }
0x5f: {  	_ =	shalt  }
0x60: {  	_ =	shalt  }
0x61: {  	_ =	shalt  }
0x62: {  	_ =	shalt  }
0x63: {  	_ =	shalt  }
0x64: {  	_ =	shalt  }
0x65: {  	_ =	shalt  }
0x66: {  	_ =	shalt  }
0x67: {  	_ =	shalt  }
0x68: {  	_ =	shalt  }
0x69: {  	_ =	shalt  }
0x6a: {  	_ =	shalt  }
0x6b: {  	_ =	shalt  }
0x6c: {  	_ =	shalt  }
0x6d: {  	_ =	shalt  }
0x6e: {  	_ =	shalt  }
0x6f: {  	_ =	shalt  }
0x70: {  	_ =	shalt  }
0x71: {  	_ =	shalt  }
0x72: {  	_ =	shalt  }
0x73: {  	_ =	shalt  }
0x74: {  	_ =	shalt  }
0x75: {  	_ =	shalt  }
0x76: {  	_ =	shalt  }
0x77: {  	_ =	shalt  }
0x78: {  	_ =	shalt  }
0x79: {  	_ =	shalt  }
0x7a: {  	_ =	shalt  }
0x7b: {  	_ =	shalt  }
0x7c: {  	_ =	shalt  }
0x7d: {  	_ =	shalt  }
0x7e: {  	_ =	shalt  }
0x7f: {  	_ =	shalt  }
0x80: {  	_ =	shalt  }
0x81: {  	_ =	shalt  }
0x82: {  	_ =	shalt  }
0x83: {  	_ =	shalt  }
0x84: {  	_ =	shalt  }
0x85: {  	_ =	shalt  }
0x86: {  	_ =	shalt  }
0x87: {  	_ =	shalt  }
.Lfunc_end0:
.L_simem_size_0:
called_computation_lowered:
.L_overlay_start_0:
0x88: {  	s2 =	sld [smem:$0x3FD9]  }
0x89: {  	s3 =	sld [smem:$0x3FFE];
	_ =	sdelay $0x1  }
0x8a: {  	s1 =	srdreg.scid  }
0x8b: {  	s0 =	sand.u32 $0x1, s1  }
0x8c: {  	s17 =	sshll.u32 s0, $0xA;
	s2 =	sadd.s32 s3, s2  }
0x8d: {  	s2 =	sadd.s32 s2, s17  }
0x8e: {  	[smem:$0x3FC5] =	sst s2  }
0x8f: {  	_ = 	snop  }
0x90: {  	s2 =	sld [smem:$0x3FC9]  }
0x91: {  	s18 =	sld [smem:$0x3FC8]  }
0x92: {  	s4 =	sld [smem:$0x3FD0];
	(tm) =	ssettm $0x1  }
0x93: {  	s5 =	sld [smem:$0x3FFB];
	_ =	sdelay $0x3  }
0x94: {  	_ =	strace s5  }
0x95: {  	s5 =	sld [smem:$0x3FFC];
	_ =	sdelay $0x3  }
0x96: {  	_ =	strace s5  }
0x97: {  	s5 =	sld [smem:$0x3FFD];
	_ =	sdelay $0x3  }
0x98: {  	_ =	strace s5  }
0x99: {  	_ =	strace $0x8FFFFFFF  }
0x9a: {  	s19 =	sld [smem:$0x3FDB];
	_ =	sdelay $0x1  }
0x9b: {  	s6 =	simm.s32 $_scs_section_size  }
0x9c: {  	s7 =	simm.s32 $_size__tile_overlayer_lowered;
	s8 =	simm.s32 $_tile_overlayer_lowered  }
0x9d: {  	s22 =	simm.s32 $0x1BFF;
	s21 =	sshll.u32 s8, $0x1;
	s5 =	sadd.s32 s6, s19  }
0x9e: {  	s9 =	simm.s32 $0x0;
	s20 =	sshll.u32 s7, $0x1;
	s7 =	sadd.s32 s21, s5  }
0x9f: {  	[timem:s9], [sflag:s22] =	dma.local [hbm:s7], s20  }
0xa0: {  	_ =	swait.ge [sflag:s22], s20  }
0xa1: {  	s6 =	ssub.s32 $0x0, s20;
	[sflag:s22] =	ssyncset.done $0x0  }
0xa2: {  	[sflag:s22] =	ssyncadd.s32 s6;
	_ =	sdelay $0x1  }
0xa3: {  	s23 =	simm.s32 $0x1B8B  }
0xa4: {  	_ =	swait.ge [sflag:s23], $0x1  }
0xa5: {  	[sflag:s23] =	ssyncset.done $0x0  }
0xa6: {  	s25 =	simm.s32 $0x1B8E;
	s24 =	sld [smem:$0x3FFE];
	[sflag:s23] =	ssyncadd.s32 $0xFFFFFFFF  }
0xa7: {  	s26 =	simm.s32 $execute0_lowered;
	[smem:$0x3FD2] =	sst s25  }
0xa8: {  	s7 =	sshll.u32 s26, $0x1;
	_ =	strace $0x80000046;
	[dreg:$0x1] =	wrdreg $0xFFFFFFFF  }
0xa9: {  	s28 =	simm.s32 $_size_execute0_lowered;
	s5 =	sadd.s32 s5, s7;
	[dreg:$0x0] =	wrdreg $0x0  }
0xaa: {  	s7 =	sshll.u32 s28, $0x1;
	[dreg:$0x2] =	wrdreg s5  }
0xab: {  	[dreg:$0x3] =	wrdreg s7  }
0xac: {  	[dreg:$0x4] =	wrdreg $0xC0  }
0xad: {  	_ =	task [dreg:s9], $0x5FFFF  }
0xae: {  	[dreg:$0x1] =	wrdreg $0xFFFFFFFF  }
0xaf: {  	[dreg:$0x0] =	wrdreg $0x60  }
0xb0: {  	[dreg:$0x2] =	wrdreg s2  }
0xb1: {  	[dreg:$0x3] =	wrdreg s18  }
0xb2: {  	[dreg:$0x4] =	wrdreg s4  }
0xb3: {  	[dreg:$0x5] =	wrdreg s24  }
0xb4: {  	[dreg:$0x6] =	wrdreg $0x9  }
0xb5: {  	_ =	task.clear_ibuf [dreg:s9], $0x7FFFF;
	_ =	strace $0x90000046  }
0xb6: {  	s29 =	simm.s32 $0x9;
	_ =	strace $0x80000048  }
0xb7: {  	_ =	swait.ge [sflag:s29], $0x1  }
0xb8: {  	[sflag:s29] =	ssyncadd.s32 $0xFFFFFFFF  }
0xb9: {  	_ =	strace $0x90000048  }
0xba: {  	_ =	sfence  }
0xbb: {  	s30 =	sld [smem:$0x0];
	_ =	sdelay $0x2  }
0xbc: {  	s31 =	sshll.u32 s1, $0xD;
	s1 =	sshrl.u32 s1, $0x2  }
0xbd: {  	s3 =	sand.u32 $0x4000, s31;
	s1 =	sadd.s32 s1, s30  }
0xbe: {  	s0 =	sor.u32 s3, s0;
	s1 =	sshll.u32 s1, $0x11  }
0xbf: {  	s0 =	sor.u32 s1, s0  }
0xc0: {  	s0 =	sadd.s32 $0x8F2B, s0  }
0xc1: {  	[sflag:s0] =	ssyncadd.remote.s32 $0x1  }
0xc2: {  	_ =	sfence.sel $0xFFFF  }
0xc3: {  	[dreg:$0x0] =	wrdreg $0xFFFFFFFF;
	(pc) =	sbr.abs _section_cstart, $3  }
0xc4: {  	[dreg:$0x1] =	wrdreg $0xFFFFFFFF  }
0xc5: {  	_ =	task.clear_ibuf [dreg:s9], $0x2FFFF;
	_ =	strace $0x9FFFFFFF  }
0xc6: {  	(tm) =	ssettm $0x7FFFFFFF  }
0xc7: {  	_ =	shalt  }
tec
execute0_lowered:
.L_overlay_start_1:
0x0: {  	(tag) =	ssettag $0x1  }
0x1: {  	s6 =	rddreg [dreg:$0x0]  }
0x2: {  	s4 =	stileid.u32;
	s9 =	rddreg [dreg:$0x1]  }
0x3: {  	s1 =	srdreg.scid;
	s2 =	rddreg [dreg:$0x3]  }
0x4: {  	s19 =	rddreg [dreg:$0x2];
	s30 =	simm.s32 $0x80;
	s31 =	simm.s32 $0x20000  }
0x5: {  	s0 =	sshll.u32 s4, $0x9;
	s1 =	sand.u32 $0x1, s1;
	s3 =	sshll.u32 s4, $0x1  }
0x6: {  	s11 =	sshrl.u32 s4, $0x2;
	s0 =	sand.u32 $0x1800, s0;
	s21 =	ssub.s32 $0x2, s1  }
0x7: {  	s10 =	sshll.u32 s11, $0xF;
	s23 =	sshll.u32 s11, $0xC;
	s11 =	sshll.u32 s11, $0x4  }
0x8: {  	s20 =	sadd.s32 s0, s2;
	s22 =	sshrl.u32 s21, $0x1;
	s12 =	sor.u32 $0x1000, s10  }
0x9: {  	s14 =	sor.u32 $0x2000, s10;
	s15 =	sor.u32 $0x3000, s10;
	s16 =	sor.u32 $0x4000, s10  }
0xa: {  	s17 =	sor.u32 $0x5000, s10;
	s0 =	ssub.s32 s21, s22;
	s21 =	sor.u32 s1, s3  }
0xb: {  	s1 =	sadd.s32 s9, s23;
	s24 =	sshrl.u32 s12, $0x3;
	s25 =	sshrl.u32 s14, $0x3  }
0xc: {  	s26 =	sshrl.u32 s15, $0x3;
	s5 =	sshrl.u32 s16, $0x3;
	s22 =	sor.u32 $0x6000, s10  }
0xd: {  	s7 =	sshrl.u32 s17, $0x3;
	s23 =	sor.u32 $0x7000, s10;
	s18 =	sand.u32 $0x7, s21  }
0xe: {  	s2 =	sadd.s32 s9, s24;
	s3 =	sadd.s32 s9, s25;
	s4 =	sadd.s32 s9, s26  }
0xf: {  	s28 =	sadd.s32 s9, s5;
	s8 =	sshrl.u32 s22, $0x3;
	s26 =	sadd.s32 s9, s7  }
0x10: {  	s24 =	sshrl.u32 s23, $0x3;
	s21 =	sshll.u32 s21, $0x4;
	[dreg:$0x8] =	wrdreg s4  }
0x11: {  	s0 =	smax.u32 s0, $0x1;
	s13 =	sshll.u32 s18, $0x14;
	[dreg:$0x9] =	wrdreg s28  }
0x12: {  	s29 =	sadd.s32 s9, s8;
	s9 =	sadd.s32 s9, s24;
	s8 =	sshll.u32 s18, $0xD  }
0x13: {  	p0 =	sne.s32 s18, $0x0;
	p3 =	sne.s32 s18, $0x3;
	p4 =	sne.s32 s18, $0x4  }
0x14: {  	p5 =	sne.s32 s18, $0x5;
	p6 =	sne.s32 s18, $0x6;
	s4 =	simm.s32 $0x0  }
0x15: {  	[dreg:$0xb] =	wrdreg s29;
	s5 =	sor.u32 s10, s13;
	s12 =	sor.u32 s12, s13  }
0x16: {  	s14 =	sor.u32 s14, s13;
	s15 =	sor.u32 s15, s13;
	s16 =	sor.u32 s16, s13  }
0x17: {  	s17 =	sor.u32 s17, s13;
	s10 =	simm.s32 $0x0;
	s22 =	sor.u32 s22, s13  }
0x18: {  	s23 =	sor.u32 s23, s13;
	s24 =	sor.u32 s11, s8;
	s8 =	sand.u32 $0x70, s21  }
0x19: {  	[smem:$0x7FF] =	sst s10;
	s7 =	sshrl.u32 s5, $0x3;
	s12 =	sshrl.u32 s12, $0x3  }
0x1a: {  	s14 =	sshrl.u32 s14, $0x3;
	s15 =	sshrl.u32 s15, $0x3;
	s16 =	sshrl.u32 s16, $0x3  }
0x1b: {  	s29 =	sadd.s32 s19, s24;
	_ =	strace $0x80000047;
	[dreg:$0x12] =	wrdreg s0  }
0x1c: {  	s17 =	sshrl.u32 s17, $0x3;
	s25 =	sshrl.u32 s22, $0x3;
	[dreg:$0xc] =	wrdreg s29  }
0x1d: {  	s28 =	sshrl.u32 s23, $0x3;
	s5 =	simm.s32 @!p0 $0x0;
	[dreg:$0x5] =	wrdreg s1  }
0x1e: {  	s11 =	sadd.s32 s6, s7;
	s12 =	sadd.s32 s6, s12;
	[dreg:$0x6] =	wrdreg s2  }
0x1f: {  	s13 =	sadd.s32 s6, s14;
	s14 =	sadd.s32 s6, s15;
	[dreg:$0x7] =	wrdreg s3  }
0x20: {  	s15 =	sadd.s32 s6, s16;
	s7 =	sadd.s32 $0x400, s29;
	[dreg:$0xa] =	wrdreg s26  }
0x21: {  	s16 =	sadd.s32 s6, s17;
	s21 =	sadd.s32 $0x800, s29;
	[dreg:$0xd] =	wrdreg s7  }
0x22: {  	s17 =	sadd.s32 s6, s25;
	s22 =	sadd.s32 $0xC00, s29;
	[dreg:$0xe] =	wrdreg s21  }
0x23: {  	s19 =	sadd.s32 s6, s28;
	s5 =	simm.s32 @p0 $0x1;
	[dreg:$0xf] =	wrdreg s22  }
0x24: {  	s6 =	sadd.s32 s8, s20;
	s23 =	sadd.s32 $0x1000, s29;
	[smem:$0x7FB] =	sst s5  }
0x25: {  	p0 =	sne.s32 s18, $0x1;
	s25 =	sadd.s32 $0x1400, s29;
	[dreg:$0x10] =	wrdreg s23  }
0x26: {  	s28 =	sadd.s32 $0x1800, s29;
	s29 =	sadd.s32 $0x1C00, s29;
	[dreg:$0x13] =	wrdreg s25  }
.Ltmp0:
0x27: {  	s5 =	simm.s32 @!p0 $0x0;
	[dreg:$0x14] =	wrdreg s28;
	(pc) =	sbr.rel .LBB2_1-.Ltmp0, $4  }
0x28: {  	[dreg:$0x15] =	wrdreg s29;
	s5 =	simm.s32 @p0 $0x1;
	p0 =	sne.s32 s18, $0x2  }
0x29: {  	s24 =	sadd.s32 $0xE00, s6;
	[smem:$0x7FC] =	sst s5;
	s5 =	simm.s32 @!p0 $0x0  }
0x2a: {  	s20 =	simm.s32 $0x12000;
	[dreg:$0x11] =	wrdreg s24;
	s5 =	simm.s32 @p0 $0x1  }
0x2b: {  	v0 =	vimm.f32 $0.0e+00;
	v1 =	vimm.f32 $1.000000000e+00;
	s21 =	simm.s32 $0x16000;
	p0 =	sne.s32 s18, $0x7;
	[smem:$0x7FD] =	sst s5  }
.LBB2_84:
0x2c: {  	_ =	sdelay $0x3  }
0x2d: {  	[tilespmem:v2+s21+$0x0] =	vst.idx.add.f32.msk $0xffff, v1  }
0x2e: {  	[tilespmem:v4+s21+$0x0] =	vst.idx.add.f32.msk $0xffff, v1  }
0x2f: {  	[tilespmem:v3+s21+$0x0] =	vst.idx.add.f32.msk $0xffff, v1  }
0x30: {  	[tilespmem:v6+s21+$0x0] =	vst.idx.add.f32.msk $0xffff, v1  }
0x31: {  	[tilespmem:v7+s21+$0x0] =	vst.idx.add.f32.msk $0xffff, v1  }
0x32: {  	[tilespmem:v5+s21+$0x0] =	vst.idx.add.f32.msk $0xffff, v1  }
0x33: {  	s4 =	rddreg [dreg:$0x16]  }
.LBB2_85:
0x34: {  	s0 =	rddreg [dreg:$0xc];
	s1 =	simm.s32 $0x200  }
0x35: {  	[hbm4b:s0+s30] =	stream.strided.scatter [tilespmem:s20], [sflag:$0x5], $0x800, s1, s30, $0x38;
	[tilespmem:$0x16800] =	vst v63  }
0x36: {  	s26 =	rddreg [dreg:$0xd];
	s2 =	simm.s32 $0x12800  }
0x37: {  	[hbm4b:s26+s30] =	stream.strided.scatter [tilespmem:s2], [sflag:$0x5], $0x800, s1, s30, $0x38;
	[tilespmem:$0x16800] =	vst v63  }
0x38: {  	s28 =	rddreg [dreg:$0xe];
	s29 =	simm.s32 $0x13000  }
0x39: {  	[hbm4b:s28+s30] =	stream.strided.scatter [tilespmem:s29], [sflag:$0x5], $0x800, s1, s30, $0x38;
	[tilespmem:$0x16800] =	vst v63  }
0x3a: {  	s3 =	simm.s32 $0x13800;
	s2 =	rddreg [dreg:$0xf]  }
0x3b: {  	[hbm4b:s2+s30] =	stream.strided.scatter [tilespmem:s3], [sflag:$0x5], $0x800, s1, s30, $0x38;
	[tilespmem:$0x16800] =	vst v63  }
0x3c: {  	s5 =	rddreg [dreg:$0x10];
	s6 =	simm.s32 $0x14000  }
0x3d: {  	[hbm4b:s5+s30] =	stream.strided.scatter [tilespmem:s6], [sflag:$0x5], $0x800, s1, s30, $0x38;
	[tilespmem:$0x16800] =	vst v63  }
0x3e: {  	s7 =	rddreg [dreg:$0x13];
	s8 =	simm.s32 $0x14800  }
0x3f: {  	[hbm4b:s7+s30] =	stream.strided.scatter [tilespmem:s8], [sflag:$0x5], $0x800, s1, s30, $0x38;
	[tilespmem:$0x16800] =	vst v63  }
0x40: {  	s18 =	rddreg [dreg:$0x14];
	s22 =	simm.s32 $0x15000  }
0x41: {  	[hbm4b:s18+s30] =	stream.strided.scatter [tilespmem:s22], [sflag:$0x5], $0x800, s1, s30, $0x38;
	[tilespmem:$0x16800] =	vst v63  }
0x42: {  	s23 =	rddreg [dreg:$0x15];
	s24 =	simm.s32 $0x15800  }
0x43: {  	[hbm4b:s23+s30] =	stream.strided.scatter [tilespmem:s24], [sflag:$0x5], $0x800, s1, s30, $0x38;
	[tilespmem:$0x16800] =	vst v63  }
0x44: {  	s25 =	rddreg [dreg:$0x11];
	s26 =	simm.s32 $0x400;
	s28 =	simm.s32 $0x5  }
0x45: {  	[hbm4b:s25+s30] =	stream.strided.scatter [tilespmem:s21], [sflag:$0x5], $0x800, s26, s30, $0x38;
	[tilespmem:$0x16800] =	vst v63  }
0x46: {  	_ =	swait.ge [sflag:s28], $0x800  }
0x47: {  	[sflag:s28] =	ssyncset.done $0x0  }
0x48: {  	[sflag:s28] =	ssyncadd.s32 $0xFFFFF800  }
0x49: {  	_ =	swait.ge [sflag:s28], $0x800  }
0x4a: {  	[sflag:s28] =	ssyncset.done $0x0  }
0x4b: {  	[sflag:s28] =	ssyncadd.s32 $0xFFFFF800  }
0x4c: {  	_ =	swait.ge [sflag:s28], $0x800  }
0x4d: {  	[sflag:s28] =	ssyncset.done $0x0  }
0x4e: {  	[sflag:s28] =	ssyncadd.s32 $0xFFFFF800  }
0x4f: {  	_ =	swait.ge [sflag:s28], $0x800  }
0x50: {  	[sflag:s28] =	ssyncset.done $0x0  }
0x51: {  	[sflag:s28] =	ssyncadd.s32 $0xFFFFF800  }
0x52: {  	_ =	swait.ge [sflag:s28], $0x800  }
0x53: {  	[sflag:s28] =	ssyncset.done $0x0  }
0x54: {  	[sflag:s28] =	ssyncadd.s32 $0xFFFFF800  }
0x55: {  	_ =	swait.ge [sflag:s28], $0x800  }
0x56: {  	[sflag:s28] =	ssyncset.done $0x0  }
0x57: {  	[sflag:s28] =	ssyncadd.s32 $0xFFFFF800  }
0x58: {  	_ =	swait.ge [sflag:s28], $0x800  }
0x59: {  	[sflag:s28] =	ssyncset.done $0x0  }
0x5a: {  	[sflag:s28] =	ssyncadd.s32 $0xFFFFF800  }
0x5b: {  	_ =	swait.ge [sflag:s28], $0x800  }
0x5c: {  	[sflag:s28] =	ssyncset.done $0x0  }
0x5d: {  	[sflag:s28] =	ssyncadd.s32 $0xFFFFF800  }
0x5e: {  	_ =	swait.ge [sflag:s28], $0x800  }
0x5f: {  	s4 =	sadd.s32 $0x1, s4;
	s29 =	rddreg [dreg:$0x12]  }
0x60: {  	p1 =	sne.s32 s4, s29  }
.Ltmp1:
0x61: {  	_ = 	snop;
	(pc) =	sbr.rel @!p1 .LBB2_86-.Ltmp1, $4  }
0x62: {  	_ = 	snop  }
0x63: {  	s1 =	rddreg [dreg:$0x5]  }
0x64: {  	[sflag:s28] =	ssyncset.done $0x0;
	s2 =	rddreg [dreg:$0x6]  }
0x65: {  	s3 =	rddreg [dreg:$0x7];
	[sflag:s28] =	ssyncadd.s32 $0xFFFFF800  }
.LBB2_1:
0x66: {  	s6 =	simm.s32 $0x16040  }
0x67: {  	[tilespmem:s6+$0xFFFFFFC0] =	vst v0  }
0x68: {  	[tilespmem:s6+$0x30] =	vst v0  }
0x69: {  	[tilespmem:s6+$0x20] =	vst v0  }
0x6a: {  	[tilespmem:s6+$0x10] =	vst v0  }
0x6b: {  	[tilespmem:s6+$0x0] =	vst v0  }
0x6c: {  	[tilespmem:s6+$0xFFFFFFF0] =	vst v0  }
0x6d: {  	s18 =	simm.s32 $0x0;
	[tilespmem:s6+$0xFFFFFFE0] =	vst v0  }
.LBB2_2:
0x6e: {  	s18 =	sadd.s32 $0x80, s18;
	[tilespmem:s6+$0xFFFFFFD0] =	vst v0;
	s6 =	sadd.s32 $0x80, s6;
	s0 =	simm.s32 $0x12040  }
0x6f: {  	[tilespmem:s6+$0xFFFFFFC0] =	vst v0;
	p1 =	slt.u32 s18, $0x780  }
0x70: {  	[tilespmem:s6+$0x30] =	vst v0  }
.Ltmp2:
0x71: {  	[tilespmem:s6+$0x20] =	vst v0;
	(pc) =	sbr.rel @p1 .LBB2_2-.Ltmp2, $4  }
0x72: {  	[tilespmem:s6+$0x10] =	vst v0  }
0x73: {  	[tilespmem:s6+$0x0] =	vst v0  }
0x74: {  	[tilespmem:s6+$0xFFFFFFF0] =	vst v0  }
0x75: {  	[tilespmem:s6+$0xFFFFFFE0] =	vst v0  }
0x76: {  	[tilespmem:s6+$0xFFFFFFD0] =	vst v0  }
0x77: {  	[tilespmem:s0+$0xFFFFFFC0] =	vst v0  }
0x78: {  	[tilespmem:s0+$0x30] =	vst v0  }
0x79: {  	[tilespmem:s0+$0x20] =	vst v0  }
0x7a: {  	[tilespmem:s0+$0x10] =	vst v0  }
0x7b: {  	[tilespmem:s0+$0x0] =	vst v0  }
0x7c: {  	[tilespmem:s0+$0xFFFFFFF0] =	vst v0  }
0x7d: {  	s6 =	simm.s32 $0x0;
	[tilespmem:s0+$0xFFFFFFE0] =	vst v0  }
.LBB2_4:
0x7e: {  	s6 =	sadd.s32 $0x80, s6;
	[tilespmem:s0+$0xFFFFFFD0] =	vst v0;
	s0 =	sadd.s32 $0x80, s0  }
0x7f: {  	[tilespmem:s0+$0xFFFFFFC0] =	vst v0;
	p1 =	slt.u32 s6, $0x3F80  }
0x80: {  	[tilespmem:s0+$0x30] =	vst v0  }
.Ltmp3:
0x81: {  	[tilespmem:s0+$0x20] =	vst v0;
	(pc) =	sbr.rel @p1 .LBB2_4-.Ltmp3, $4  }
0x82: {  	[tilespmem:s0+$0x10] =	vst v0  }
0x83: {  	[tilespmem:s0+$0x0] =	vst v0  }
0x84: {  	[tilespmem:s0+$0xFFFFFFF0] =	vst v0  }
0x85: {  	[tilespmem:s0+$0xFFFFFFE0] =	vst v0  }
0x86: {  	s6 =	simm.s32 $0x0  }
0x87: {  	[tilespmem:s0+$0xFFFFFFD0] =	vst v0;
	s0 =	simm.s32 $0x10;
	s22 =	sadd.s32 $0x0, s1;
	s18 =	simm.s32 $0x100  }
.LBB2_6:
0x88: {  	[tilespmem:s6], [sflag:$0x1] =	stream.linear.gather [hbm4b:s22+s10], $0x80, $0x38;
	[tilespmem:$0x16800] =	vst v63  }
0x89: {  	s22 =	smov.u32 s0;
	s6 =	smov.u32 s18;
	p1 =	sne.s32 s0, $0x1F0  }
.Ltmp4:
0x8a: {  	s0 =	sadd.s32 $0x10, s0;
	(pc) =	sbr.rel @p1 .LBB2_6-.Ltmp4, $2  }
0x8b: {  	_ =	sdelay $0x2  }
0x8c: {  	s18 =	sadd.s32 $0x100, s18;
	s22 =	sadd.s32 s22, s1  }
0x8d: {  	[tilespmem:s6], [sflag:$0x1] =	stream.linear.gather [hbm4b:s22+s10], $0x80, $0x38;
	[tilespmem:$0x16800] =	vst v63  }
0x8e: {  	s0 =	simm.s32 $0x2000  }
0x8f: {  	s6 =	simm.s32 $0x10;
	s22 =	sadd.s32 $0x0, s11;
	s18 =	simm.s32 $0x2400  }
.LBB2_8:
0x90: {  	[tilespmem:s0], [sflag:$0x3] =	stream.strided.gather [hbm4b:s22+s30], $0x400, s31, s30, $0x38;
	[tilespmem:$0x16800] =	vst v63  }
0x91: {  	s22 =	smov.u32 s6;
	s0 =	smov.u32 s18;
	p1 =	sne.s32 s6, $0x1F0  }
.Ltmp5:
0x92: {  	s6 =	sadd.s32 $0x10, s6;
	(pc) =	sbr.rel @p1 .LBB2_8-.Ltmp5, $2  }
0x93: {  	_ =	sdelay $0x2  }
0x94: {  	s18 =	sadd.s32 $0x400, s18;
	s22 =	sadd.s32 s22, s11  }
0x95: {  	[tilespmem:s0], [sflag:$0x3] =	stream.strided.gather [hbm4b:s22+s30], $0x400, s31, s30, $0x38;
	[tilespmem:$0x16800] =	vst v63  }
0x96: {  	s0 =	simm.s32 $0x80  }
0x97: {  	s6 =	simm.s32 $0x10;
	s22 =	sadd.s32 $0x0, s2;
	s18 =	simm.s32 $0x180  }
.LBB2_10:
0x98: {  	[tilespmem:s0], [sflag:$0x2] =	stream.linear.gather [hbm4b:s22+s10], $0x80, $0x38;
	[tilespmem:$0x16800] =	vst v63  }
0x99: {  	s22 =	smov.u32 s6;
	s0 =	smov.u32 s18;
	p1 =	sne.s32 s6, $0x1F0  }
.Ltmp6:
0x9a: {  	s6 =	sadd.s32 $0x10, s6;
	(pc) =	sbr.rel @p1 .LBB2_10-.Ltmp6, $2  }
0x9b: {  	_ =	sdelay $0x2  }
0x9c: {  	s18 =	sadd.s32 $0x100, s18;
	s22 =	sadd.s32 s22, s2  }
0x9d: {  	[tilespmem:s0], [sflag:$0x2] =	stream.linear.gather [hbm4b:s22+s10], $0x80, $0x38;
	[tilespmem:$0x16800] =	vst v63  }
0x9e: {  	s0 =	simm.s32 $0xA000  }
0x9f: {  	s6 =	simm.s32 $0x10;
	s22 =	sadd.s32 $0x0, s12;
	s18 =	simm.s32 $0xA400  }
.LBB2_12:
0xa0: {  	[tilespmem:s0], [sflag:$0x4] =	stream.strided.gather [hbm4b:s22+s30], $0x400, s31, s30, $0x38;
	[tilespmem:$0x16800] =	vst v63  }
0xa1: {  	s22 =	smov.u32 s6;
	s0 =	smov.u32 s18;
	p1 =	sne.s32 s6, $0x1F0  }
.Ltmp7:
0xa2: {  	s6 =	sadd.s32 $0x10, s6;
	(pc) =	sbr.rel @p1 .LBB2_12-.Ltmp7, $2  }
0xa3: {  	_ =	sdelay $0x2  }
0xa4: {  	s18 =	sadd.s32 $0x400, s18;
	s22 =	sadd.s32 s22, s12  }
0xa5: {  	[tilespmem:s0], [sflag:$0x4] =	stream.strided.gather [hbm4b:s22+s30], $0x400, s31, s30, $0x38;
	[tilespmem:$0x16800] =	vst v63  }
0xa6: {  	s2 =	simm.s32 $0x1  }
0xa7: {  	_ =	swait.ge [sflag:s2], $0x1000  }
0xa8: {  	s28 =	simm.s32 $0x0;
	[sflag:s2] =	ssyncset.done $0x0  }
0xa9: {  	s29 =	simm.s32 $0x0;
	s1 =	simm.s32 $0x3;
	[sflag:s2] =	ssyncadd.s32 $0xFFFFF000  }
0xaa: {  	s18 =	sand.u32 $0x40, s29;
	s5 =	sand.u32 $0x7C00, s28;
	_ =	swait.ge [sflag:s1], $0x8000  }
0xab: {  	s7 =	sshrl.u32 s5, $0x2;
	s6 =	sor.u32 $0x30, s18;
	[sflag:s1] =	ssyncset.done $0x0  }
0xac: {  	s23 =	sor.u32 $0x10, s18;
	s24 =	sor.u32 s6, s7;
	[sflag:s1] =	ssyncadd.s32 $0xFFFF8000  }
0xad: {  	s25 =	sor.u32 $0x20, s18;
	s26 =	sor.u32 s23, s7;
	v2 =	vld [tilespmem:s24+$0x0]  }
0xae: {  	s0 =	sadd.s32 $0x2000, s5;
	s8 =	sor.u32 s25, s7;
	v3 =	vld [tilespmem:s26+$0x0]  }
0xaf: {  	s6 =	sor.u32 s6, s0;
	v4 =	vld [tilespmem:s8+$0x0]  }
0xb0: {  	s22 =	sor.u32 s18, s7;
	v5 =	vld [tilespmem:s6+$0x0]  }
0xb1: {  	s26 =	sor.u32 s23, s0;
	v9 =	vld [tilespmem:s22+$0x0]  }
0xb2: {  	v6 =	vld [tilespmem:s26+$0x0]  }
0xb3: {  	s24 =	sor.u32 s25, s0  }
0xb4: {  	s18 =	sor.u32 s18, s0;
	v7 =	vld [tilespmem:s24+$0x0]  }
0xb5: {  	v8 =	vld [tilespmem:s18+$0x0]  }
0xb6: {  	[tilespmem:v2+s20+$0x0] =	vst.idx.add.f32.msk $0xffff, v5  }
0xb7: {  	[tilespmem:v3+s20+$0x0] =	vst.idx.add.f32.msk $0xffff, v6  }
0xb8: {  	v10 =	vadd.s32 $0x800, v2;
	v5 =	vld [tilespmem:s6+$0x80]  }
0xb9: {  	[tilespmem:v4+s20+$0x0] =	vst.idx.add.f32.msk $0xffff, v7  }
0xba: {  	[tilespmem:v9+s20+$0x0] =	vst.idx.add.f32.msk $0xffff, v8  }
0xbb: {  	v6 =	vadd.s32 $0x800, v3;
	v7 =	vld [tilespmem:s26+$0x80]  }
0xbc: {  	v13 =	vadd.s32 $0x800, v9;
	v12 =	vld [tilespmem:s18+$0x80]  }
0xbd: {  	[tilespmem:v10+s20+$0x0] =	vst.idx.add.f32.msk $0xffff, v5  }
0xbe: {  	v8 =	vadd.s32 $0x1000, v2;
	v5 =	vld [tilespmem:s6+$0x100]  }
0xbf: {  	v10 =	vld [tilespmem:s24+$0x80]  }
0xc0: {  	[tilespmem:v6+s20+$0x0] =	vst.idx.add.f32.msk $0xffff, v7  }
0xc1: {  	v11 =	vadd.s32 $0x800, v4;
	[tilespmem:v13+s20+$0x0] =	vst.idx.add.f32.msk $0xffff, v12  }
0xc2: {  	v13 =	vld [tilespmem:s18+$0x100]  }
0xc3: {  	v61 =	vadd.s32 $0x1000, v9;
	[tilespmem:v8+s20+$0x0] =	vst.idx.add.f32.msk $0xffff, v5  }
0xc4: {  	v7 =	vadd.s32 $0x1800, v2;
	v5 =	vld [tilespmem:s6+$0x180]  }
0xc5: {  	v6 =	vld [tilespmem:s26+$0x100]  }
0xc6: {  	[tilespmem:v11+s20+$0x0] =	vst.idx.add.f32.msk $0xffff, v10  }
0xc7: {  	v8 =	vadd.s32 $0x1000, v3;
	v11 =	vld [tilespmem:s24+$0x100]  }
0xc8: {  	v10 =	vadd.s32 $0x1000, v4;
	[tilespmem:v61+s20+$0x0] =	vst.idx.add.f32.msk $0xffff, v13  }
0xc9: {  	[tilespmem:v7+s20+$0x0] =	vst.idx.add.f32.msk $0xffff, v5  }
0xca: {  	v7 =	vadd.s32 $0x2000, v2;
	v5 =	vld [tilespmem:s6+$0x200]  }
0xcb: {  	v12 =	vld [tilespmem:s18+$0x180]  }
0xcc: {  	[tilespmem:v8+s20+$0x0] =	vst.idx.add.f32.msk $0xffff, v6  }
0xcd: {  	v62 =	vadd.s32 $0x1800, v9;
	[tilespmem:v10+s20+$0x0] =	vst.idx.add.f32.msk $0xffff, v11  }
0xce: {  	v6 =	vadd.s32 $0x1800, v3;
	v8 =	vld [tilespmem:s26+$0x180]  }
0xcf: {  	[tilespmem:v7+s20+$0x0] =	vst.idx.add.f32.msk $0xffff, v5  }
0xd0: {  	v7 =	vadd.s32 $0x2800, v2;
	v5 =	vld [tilespmem:s6+$0x280]  }
0xd1: {  	v10 =	vld [tilespmem:s24+$0x180]  }
0xd2: {  	[tilespmem:v62+s20+$0x0] =	vst.idx.add.f32.msk $0xffff, v12  }
0xd3: {  	v11 =	vadd.s32 $0x1800, v4;
	[tilespmem:v6+s20+$0x0] =	vst.idx.add.f32.msk $0xffff, v8  }
0xd4: {  	v6 =	vld [tilespmem:s26+$0x200]  }
0xd5: {  	v8 =	vadd.s32 $0x2000, v3;
	[tilespmem:v7+s20+$0x0] =	vst.idx.add.f32.msk $0xffff, v5  }
0xd6: {  	v7 =	vadd.s32 $0x3000, v2;
	v5 =	vld [tilespmem:s6+$0x300]  }
0xd7: {  	v12 =	vld [tilespmem:s18+$0x200]  }
0xd8: {  	[tilespmem:v11+s20+$0x0] =	vst.idx.add.f32.msk $0xffff, v10  }
0xd9: {  	v63 =	vadd.s32 $0x2000, v9;
	v11 =	vld [tilespmem:s24+$0x200]  }
0xda: {  	v10 =	vadd.s32 $0x2000, v4;
	[tilespmem:v8+s20+$0x0] =	vst.idx.add.f32.msk $0xffff, v6  }
0xdb: {  	[tilespmem:v7+s20+$0x0] =	vst.idx.add.f32.msk $0xffff, v5  }
0xdc: {  	v6 =	vadd.s32 $0x2800, v3;
	v7 =	vld [tilespmem:s26+$0x280]  }
0xdd: {  	v2 =	vadd.s32 $0x3800, v2;
	v5 =	vld [tilespmem:s6+$0x380]  }
0xde: {  	[tilespmem:v63+s20+$0x0] =	vst.idx.add.f32.msk $0xffff, v12  }
0xdf: {  	[tilespmem:v10+s20+$0x0] =	vst.idx.add.f32.msk $0xffff, v11  }
0xe0: {  	v10 =	vld [tilespmem:s24+$0x280]  }
0xe1: {  	v8 =	vadd.s32 $0x2800, v4;
	[tilespmem:v6+s20+$0x0] =	vst.idx.add.f32.msk $0xffff, v7  }
0xe2: {  	[tilespmem:v2+s20+$0x0] =	vst.idx.add.f32.msk $0xffff, v5  }
0xe3: {  	v2 =	vadd.s32 $0x2800, v9;
	v5 =	vld [tilespmem:s18+$0x280]  }
0xe4: {  	v6 =	vadd.s32 $0x3000, v3;
	v7 =	vld [tilespmem:s26+$0x300];
	_ =	sdelay $0x1  }
0xe5: {  	[tilespmem:v8+s20+$0x0] =	vst.idx.add.f32.msk $0xffff, v10  }
0xe6: {  	v11 =	vld [tilespmem:s24+$0x300]  }
0xe7: {  	[tilespmem:v2+s20+$0x0] =	vst.idx.add.f32.msk $0xffff, v5  }
0xe8: {  	v10 =	vadd.s32 $0x3000, v4;
	[tilespmem:v6+s20+$0x0] =	vst.idx.add.f32.msk $0xffff, v7  }
0xe9: {  	v7 =	vadd.s32 $0x3000, v9;
	v5 =	vld [tilespmem:s18+$0x300];
	_ =	sdelay $0x2  }
0xea: {  	v6 =	vadd.s32 $0x3800, v3;
	v8 =	vld [tilespmem:s26+$0x380]  }
0xeb: {  	[tilespmem:v10+s20+$0x0] =	vst.idx.add.f32.msk $0xffff, v11;
	v2 =	vadd.s32 $0x3800, v4;
	v3 =	vadd.s32 $0x3800, v9  }
.LBB2_14:
0xec: {  	s29 =	sadd.s32 $0x40, s29;
	[tilespmem:v7+s20+$0x0] =	vst.idx.add.f32.msk $0xffff, v5;
	s28 =	sadd.s32 $0x200, s28  }
0xed: {  	s22 =	sand.u32 $0x40, s29;
	s0 =	sand.u32 $0x7C00, s28;
	p1 =	slt.u32 s29, $0xFC0;
	v5 =	vld [tilespmem:s24+$0x380]  }
0xee: {  	s6 =	sshrl.u32 s0, $0x2;
	s23 =	sor.u32 $0x10, s22;
	s25 =	sor.u32 $0x30, s22;
	v4 =	vld [tilespmem:s18+$0x380]  }
0xef: {  	s24 =	sor.u32 $0x20, s22;
	s18 =	sor.u32 s23, s6;
	s26 =	sor.u32 s25, s6;
	[tilespmem:v6+s20+$0x0] =	vst.idx.add.f32.msk $0xffff, v8  }
0xf0: {  	s1 =	sor.u32 s22, s6;
	s6 =	sor.u32 s24, s6;
	v8 =	vld [tilespmem:s26+$0x0]  }
0xf1: {  	s26 =	sadd.s32 $0x2000, s0;
	v6 =	vld [tilespmem:s18+$0x0]  }
0xf2: {  	s0 =	sor.u32 s23, s26;
	s24 =	sor.u32 s24, s26;
	v9 =	vld [tilespmem:s6+$0x0];
	s6 =	sor.u32 s25, s26  }
0xf3: {  	s18 =	sor.u32 s22, s26;
	v7 =	vld [tilespmem:s6+$0x0]  }
0xf4: {  	v10 =	vld [tilespmem:s1+$0x0]  }
0xf5: {  	v11 =	vld [tilespmem:s0+$0x0]  }
0xf6: {  	v12 =	vadd.s32 $0x800, v6;
	v13 =	vadd.s32 $0x1000, v6;
	v14 =	vadd.s32 $0x1800, v6;
	v15 =	vld [tilespmem:s24+$0x0]  }
0xf7: {  	v16 =	vld [tilespmem:s18+$0x0];
	v17 =	vadd.s32 $0x800, v9;
	v18 =	vadd.s32 $0x1000, v9;
	v19 =	vadd.s32 $0x1800, v9  }
0xf8: {  	v20 =	vadd.s32 $0x2000, v6;
	v21 =	vadd.s32 $0x2800, v6;
	v22 =	vadd.s32 $0x2000, v9;
	[tilespmem:v8+s20+$0x0] =	vst.idx.add.f32.msk $0xffff, v7  }
0xf9: {  	v26 =	vadd.s32 $0x800, v8;
	v23 =	vadd.s32 $0x800, v10;
	v24 =	vadd.s32 $0x1000, v10;
	v25 =	vld [tilespmem:s6+$0x80]  }
0xfa: {  	v27 =	vadd.s32 $0x1800, v10;
	v28 =	vadd.s32 $0x2000, v10;
	[tilespmem:v6+s20+$0x0] =	vst.idx.add.f32.msk $0xffff, v11;
	v11 =	vadd.s32 $0x2800, v9  }
0xfb: {  	v30 =	vadd.s32 $0x3000, v6;
	v29 =	vadd.s32 $0x2800, v10;
	[tilespmem:v9+s20+$0x0] =	vst.idx.add.f32.msk $0xffff, v15;
	v15 =	vadd.s32 $0x3000, v9  }
0xfc: {  	v7 =	vadd.s32 $0x3000, v10;
	v6 =	vadd.s32 $0x3800, v6;
	v9 =	vadd.s32 $0x3800, v9;
	[tilespmem:v10+s20+$0x0] =	vst.idx.add.f32.msk $0xffff, v16  }
0xfd: {  	v10 =	vadd.s32 $0x3800, v10;
	v16 =	vld [tilespmem:s0+$0x80]  }
0xfe: {  	[tilespmem:v26+s20+$0x0] =	vst.idx.add.f32.msk $0xffff, v25  }
0xff: {  	v26 =	vadd.s32 $0x1000, v8;
	v25 =	vld [tilespmem:s6+$0x100]  }
0x100: {  	v31 =	vld [tilespmem:s24+$0x80]  }
0x101: {  	v32 =	vld [tilespmem:s18+$0x80]  }
0x102: {  	[tilespmem:v12+s20+$0x0] =	vst.idx.add.f32.msk $0xffff, v16  }
0x103: {  	v12 =	vld [tilespmem:s0+$0x100]  }
0x104: {  	[tilespmem:v26+s20+$0x0] =	vst.idx.add.f32.msk $0xffff, v25  }
0x105: {  	v25 =	vadd.s32 $0x1800, v8;
	v16 =	vld [tilespmem:s6+$0x180]  }
0x106: {  	[tilespmem:v17+s20+$0x0] =	vst.idx.add.f32.msk $0xffff, v31  }
0x107: {  	[tilespmem:v23+s20+$0x0] =	vst.idx.add.f32.msk $0xffff, v32  }
0x108: {  	v17 =	vld [tilespmem:s24+$0x100]  }
0x109: {  	v23 =	vld [tilespmem:s18+$0x100]  }
0x10a: {  	[tilespmem:v25+s20+$0x0] =	vst.idx.add.f32.msk $0xffff, v16  }
0x10b: {  	v25 =	vadd.s32 $0x2000, v8;
	v16 =	vld [tilespmem:s6+$0x200]  }
0x10c: {  	[tilespmem:v13+s20+$0x0] =	vst.idx.add.f32.msk $0xffff, v12  }
0x10d: {  	[tilespmem:v18+s20+$0x0] =	vst.idx.add.f32.msk $0xffff, v17  }
0x10e: {  	[tilespmem:v24+s20+$0x0] =	vst.idx.add.f32.msk $0xffff, v23  }
0x10f: {  	v12 =	vld [tilespmem:s0+$0x180]  }
0x110: {  	[tilespmem:v25+s20+$0x0] =	vst.idx.add.f32.msk $0xffff, v16  }
0x111: {  	v16 =	vadd.s32 $0x2800, v8;
	v13 =	vld [tilespmem:s6+$0x280]  }
0x112: {  	v17 =	vld [tilespmem:s24+$0x180]  }
0x113: {  	v18 =	vld [tilespmem:s18+$0x180]  }
0x114: {  	[tilespmem:v14+s20+$0x0] =	vst.idx.add.f32.msk $0xffff, v12  }
0x115: {  	v12 =	vld [tilespmem:s0+$0x200]  }
0x116: {  	[tilespmem:v16+s20+$0x0] =	vst.idx.add.f32.msk $0xffff, v13  }
0x117: {  	v14 =	vadd.s32 $0x3000, v8;
	v13 =	vld [tilespmem:s6+$0x300]  }
0x118: {  	[tilespmem:v19+s20+$0x0] =	vst.idx.add.f32.msk $0xffff, v17  }
0x119: {  	[tilespmem:v27+s20+$0x0] =	vst.idx.add.f32.msk $0xffff, v18  }
0x11a: {  	v16 =	vld [tilespmem:s24+$0x200]  }
0x11b: {  	v17 =	vld [tilespmem:s18+$0x200]  }
0x11c: {  	[tilespmem:v14+s20+$0x0] =	vst.idx.add.f32.msk $0xffff, v13  }
0x11d: {  	v8 =	vadd.s32 $0x3800, v8;
	v13 =	vld [tilespmem:s6+$0x380]  }
0x11e: {  	[tilespmem:v20+s20+$0x0] =	vst.idx.add.f32.msk $0xffff, v12  }
0x11f: {  	[tilespmem:v22+s20+$0x0] =	vst.idx.add.f32.msk $0xffff, v16  }
0x120: {  	[tilespmem:v28+s20+$0x0] =	vst.idx.add.f32.msk $0xffff, v17  }
0x121: {  	v12 =	vld [tilespmem:s0+$0x280]  }
0x122: {  	[tilespmem:v8+s20+$0x0] =	vst.idx.add.f32.msk $0xffff, v13  }
0x123: {  	v8 =	vld [tilespmem:s24+$0x280]  }
0x124: {  	v13 =	vld [tilespmem:s18+$0x280]  }
0x125: {  	[tilespmem:v2+s20+$0x0] =	vst.idx.add.f32.msk $0xffff, v5;
	v2 =	vmov v9  }
0x126: {  	[tilespmem:v21+s20+$0x0] =	vst.idx.add.f32.msk $0xffff, v12  }
0x127: {  	v9 =	vld [tilespmem:s0+$0x300]  }
0x128: {  	[tilespmem:v11+s20+$0x0] =	vst.idx.add.f32.msk $0xffff, v8  }
0x129: {  	[tilespmem:v29+s20+$0x0] =	vst.idx.add.f32.msk $0xffff, v13  }
0x12a: {  	v11 =	vld [tilespmem:s24+$0x300]  }
.Ltmp8:
0x12b: {  	v5 =	vld [tilespmem:s18+$0x300];
	(pc) =	sbr.rel @p1 .LBB2_14-.Ltmp8, $4  }
0x12c: {  	[tilespmem:v30+s20+$0x0] =	vst.idx.add.f32.msk $0xffff, v9  }
0x12d: {  	v8 =	vld [tilespmem:s0+$0x380]  }
0x12e: {  	[tilespmem:v3+s20+$0x0] =	vst.idx.add.f32.msk $0xffff, v4;
	v3 =	vmov v10  }
0x12f: {  	[tilespmem:v15+s20+$0x0] =	vst.idx.add.f32.msk $0xffff, v11  }
0x130: {  	_ =	sdelay $0x3  }
0x131: {  	[tilespmem:v7+s20+$0x0] =	vst.idx.add.f32.msk $0xffff, v5  }
0x132: {  	v4 =	vld [tilespmem:s24+$0x380]  }
0x133: {  	v5 =	vld [tilespmem:s18+$0x380];
	_ =	sdelay $0x2  }
0x134: {  	[tilespmem:v6+s20+$0x0] =	vst.idx.add.f32.msk $0xffff, v8  }
0x135: {  	[tilespmem:v2+s20+$0x0] =	vst.idx.add.f32.msk $0xffff, v4  }
0x136: {  	[tilespmem:v3+s20+$0x0] =	vst.idx.add.f32.msk $0xffff, v5  }
0x137: {  	s0 =	sld [smem:$0x7FB];
	_ =	sdelay $0x2  }
0x138: {  	p1 =	seq.s32 s0, $0x1  }
.Ltmp9:
0x139: {  	_ = 	snop;
	(pc) =	sbr.rel @p1 .LBB2_19-.Ltmp9, $1  }
0x13a: {  	_ =	sdelay $0x3  }
0x13b: {  	s0 =	simm.s32 $0x0;
	s1 =	simm.s32 $0x0  }
0x13c: {  	s1 =	sand.u32 $0x40, s1;
	s0 =	sand.u32 $0x1F00, s0  }
0x13d: {  	s1 =	sor.u32 s1, s0  }
0x13e: {  	v2 =	vld [tilespmem:s1+$0x30];
	_ =	sdelay $0x4  }
0x13f: {  	v7 =	vld [tilespmem:s1+$0x0]  }
0x140: {  	s6 =	simm.s32 $0x80;
	s0 =	simm.s32 $0x40;
	v8 =	vld [tilespmem:s1+$0x10]  }
0x141: {  	s18 =	sand.u32 $0x1F00, s6;
	v3 =	vld [tilespmem:s1+$0x20];
	s29 =	sand.u32 $0x40, s0  }
0x142: {  	s1 =	sor.u32 s29, s18;
	[tilespmem:v2+s21+$0x0] =	vst.idx.add.f32.msk $0xffff, v1  }
0x143: {  	v2 =	vld [tilespmem:s1+$0x30]  }
0x144: {  	v6 =	vld [tilespmem:s1+$0x0]  }
0x145: {  	v5 =	vld [tilespmem:s1+$0x10]  }
0x146: {  	v4 =	vld [tilespmem:s1+$0x20]  }
0x147: {  	[tilespmem:v7+s21+$0x0] =	vst.idx.add.f32.msk $0xffff, v1  }
0x148: {  	[tilespmem:v8+s21+$0x0] =	vst.idx.add.f32.msk $0xffff, v1  }
.LBB2_17:
0x149: {  	s0 =	sadd.s32 $0x40, s0;
	s6 =	sadd.s32 $0x80, s6;
	[tilespmem:v3+s21+$0x0] =	vst.idx.add.f32.msk $0xffff, v1;
	v7 =	vmov v6  }
0x14a: {  	s1 =	sand.u32 $0x40, s0;
	s18 =	sand.u32 $0x1F00, s6;
	p1 =	slt.u32 s0, $0xFC0;
	v8 =	vmov v5  }
0x14b: {  	s1 =	sor.u32 s1, s18;
	[tilespmem:v2+s21+$0x0] =	vst.idx.add.f32.msk $0xffff, v1;
	v3 =	vmov v4  }
0x14c: {  	v2 =	vld [tilespmem:s1+$0x30]  }
.Ltmp10:
0x14d: {  	v6 =	vld [tilespmem:s1+$0x0];
	(pc) =	sbr.rel @p1 .LBB2_17-.Ltmp10, $4  }
0x14e: {  	v5 =	vld [tilespmem:s1+$0x10]  }
0x14f: {  	v4 =	vld [tilespmem:s1+$0x20]  }
0x150: {  	[tilespmem:v7+s21+$0x0] =	vst.idx.add.f32.msk $0xffff, v1  }
0x151: {  	[tilespmem:v8+s21+$0x0] =	vst.idx.add.f32.msk $0xffff, v1  }
0x152: {  	_ =	sdelay $0x3  }
0x153: {  	[tilespmem:v3+s21+$0x0] =	vst.idx.add.f32.msk $0xffff, v1  }
0x154: {  	[tilespmem:v2+s21+$0x0] =	vst.idx.add.f32.msk $0xffff, v1  }
0x155: {  	[tilespmem:v6+s21+$0x0] =	vst.idx.add.f32.msk $0xffff, v1  }
0x156: {  	[tilespmem:v5+s21+$0x0] =	vst.idx.add.f32.msk $0xffff, v1  }
0x157: {  	[tilespmem:v4+s21+$0x0] =	vst.idx.add.f32.msk $0xffff, v1  }
.LBB2_19:
0x158: {  	s0 =	simm.s32 $0x0  }
0x159: {  	s6 =	simm.s32 $0x10;
	s22 =	sadd.s32 $0x0, s3;
	s18 =	simm.s32 $0x100  }
.LBB2_20:
0x15a: {  	[tilespmem:s0], [sflag:$0x1] =	stream.linear.gather [hbm4b:s22+s10], $0x80, $0x38;
	[tilespmem:$0x16800] =	vst v63  }
0x15b: {  	s1 =	smov.u32 s6;
	s0 =	smov.u32 s18;
	p1 =	sne.s32 s6, $0x1F0  }
.Ltmp11:
0x15c: {  	s6 =	sadd.s32 $0x10, s6;
	(pc) =	sbr.rel @p1 .LBB2_20-.Ltmp11, $2  }
0x15d: {  	_ =	sdelay $0x2  }
0x15e: {  	s18 =	sadd.s32 $0x100, s18;
	s22 =	sadd.s32 s1, s3  }
0x15f: {  	[tilespmem:s0], [sflag:$0x1] =	stream.linear.gather [hbm4b:s22+s10], $0x80, $0x38;
	[tilespmem:$0x16800] =	vst v63  }
0x160: {  	[dreg:$0x16] =	wrdreg s4;
	s0 =	simm.s32 $0x2000  }
0x161: {  	s6 =	simm.s32 $0x10;
	s22 =	sadd.s32 $0x0, s13;
	s18 =	simm.s32 $0x2400  }
.LBB2_22:
0x162: {  	[tilespmem:s0], [sflag:$0x3] =	stream.strided.gather [hbm4b:s22+s30], $0x400, s31, s30, $0x38;
	[tilespmem:$0x16800] =	vst v63  }
0x163: {  	s1 =	smov.u32 s6;
	s0 =	smov.u32 s18;
	p1 =	sne.s32 s6, $0x1F0  }
.Ltmp12:
0x164: {  	s6 =	sadd.s32 $0x10, s6;
	(pc) =	sbr.rel @p1 .LBB2_22-.Ltmp12, $2  }
0x165: {  	_ =	sdelay $0x2  }
0x166: {  	s18 =	sadd.s32 $0x400, s18;
	s22 =	sadd.s32 s1, s13  }
0x167: {  	[tilespmem:s0], [sflag:$0x3] =	stream.strided.gather [hbm4b:s22+s30], $0x400, s31, s30, $0x38;
	[tilespmem:$0x16800] =	vst v63  }
0x168: {  	s2 =	simm.s32 $0x2  }
0x169: {  	_ =	swait.ge [sflag:s2], $0x1000  }
0x16a: {  	s28 =	simm.s32 $0x0;
	[sflag:s2] =	ssyncset.done $0x0  }
0x16b: {  	s29 =	simm.s32 $0x0;
	[sflag:s2] =	ssyncadd.s32 $0xFFFFF000;
	s2 =	simm.s32 $0x4  }
0x16c: {  	s0 =	sand.u32 $0x40, s29;
	s22 =	sand.u32 $0x7C00, s28;
	_ =	swait.ge [sflag:s2], $0x8000  }
0x16d: {  	s1 =	sshrl.u32 s22, $0x2;
	s24 =	sor.u32 $0x30, s0;
	[sflag:s2] =	ssyncset.done $0x0  }
0x16e: {  	s18 =	sor.u32 $0x10, s0;
	s23 =	sor.u32 s24, s1;
	[sflag:s2] =	ssyncadd.s32 $0xFFFF8000  }
0x16f: {  	s26 =	sadd.s32 $0xA000, s22;
	s25 =	sor.u32 s18, s1;
	v2 =	vld [tilespmem:s23+$0x80]  }
0x170: {  	s4 =	sor.u32 s24, s26;
	v3 =	vld [tilespmem:s25+$0x80]  }
0x171: {  	s5 =	sor.u32 s18, s26;
	s2 =	sor.u32 $0x20, s0;
	v5 =	vld [tilespmem:s4+$0x0]  }
0x172: {  	s3 =	sor.u32 s2, s1;
	v6 =	vld [tilespmem:s5+$0x0]  }
0x173: {  	s1 =	sor.u32 s0, s1;
	v4 =	vld [tilespmem:s3+$0x80]  }
0x174: {  	v9 =	vld [tilespmem:s1+$0x80]  }
0x175: {  	s6 =	sor.u32 s2, s26  }
0x176: {  	s7 =	sor.u32 s0, s26;
	v7 =	vld [tilespmem:s6+$0x0]  }
0x177: {  	v8 =	vld [tilespmem:s7+$0x0]  }
0x178: {  	s8 =	sadd.s32 $0xA080, s22;
	[tilespmem:v2+s20+$0x0] =	vst.idx.add.f32.msk $0xffff, v5  }
0x179: {  	s25 =	sor.u32 s24, s8;
	[tilespmem:v3+s20+$0x0] =	vst.idx.add.f32.msk $0xffff, v6  }
0x17a: {  	v10 =	vadd.s32 $0x800, v2;
	v5 =	vld [tilespmem:s25+$0x0]  }
0x17b: {  	[tilespmem:v4+s20+$0x0] =	vst.idx.add.f32.msk $0xffff, v7  }
0x17c: {  	s26 =	sor.u32 s18, s8;
	[tilespmem:v9+s20+$0x0] =	vst.idx.add.f32.msk $0xffff, v8  }
0x17d: {  	s1 =	sor.u32 s0, s8;
	v6 =	vadd.s32 $0x800, v3;
	v7 =	vld [tilespmem:s26+$0x0]  }
0x17e: {  	s3 =	sadd.s32 $0xA100, s22;
	v13 =	vadd.s32 $0x800, v9;
	v12 =	vld [tilespmem:s1+$0x0]  }
0x17f: {  	s4 =	sor.u32 s24, s3;
	[tilespmem:v10+s20+$0x0] =	vst.idx.add.f32.msk $0xffff, v5  }
0x180: {  	s5 =	sor.u32 s2, s8;
	v8 =	vadd.s32 $0x1000, v2;
	v5 =	vld [tilespmem:s4+$0x0]  }
0x181: {  	v10 =	vld [tilespmem:s5+$0x0]  }
0x182: {  	[tilespmem:v6+s20+$0x0] =	vst.idx.add.f32.msk $0xffff, v7  }
0x183: {  	v11 =	vadd.s32 $0x800, v4;
	s25 =	sor.u32 s0, s3;
	[tilespmem:v13+s20+$0x0] =	vst.idx.add.f32.msk $0xffff, v12  }
0x184: {  	s7 =	sadd.s32 $0xA180, s22;
	v13 =	vld [tilespmem:s25+$0x0]  }
0x185: {  	s8 =	sor.u32 s24, s7;
	v61 =	vadd.s32 $0x1000, v9;
	[tilespmem:v8+s20+$0x0] =	vst.idx.add.f32.msk $0xffff, v5  }
0x186: {  	s6 =	sor.u32 s18, s3;
	v7 =	vadd.s32 $0x1800, v2;
	v5 =	vld [tilespmem:s8+$0x0]  }
0x187: {  	v6 =	vld [tilespmem:s6+$0x0]  }
0x188: {  	s26 =	sor.u32 s2, s3;
	[tilespmem:v11+s20+$0x0] =	vst.idx.add.f32.msk $0xffff, v10  }
0x189: {  	v8 =	vadd.s32 $0x1000, v3;
	v11 =	vld [tilespmem:s26+$0x0]  }
0x18a: {  	s1 =	sadd.s32 $0xA200, s22;
	v10 =	vadd.s32 $0x1000, v4;
	[tilespmem:v61+s20+$0x0] =	vst.idx.add.f32.msk $0xffff, v13  }
0x18b: {  	s3 =	sor.u32 s24, s1;
	[tilespmem:v7+s20+$0x0] =	vst.idx.add.f32.msk $0xffff, v5  }
0x18c: {  	s23 =	sor.u32 s0, s7;
	v7 =	vadd.s32 $0x2000, v2;
	v5 =	vld [tilespmem:s3+$0x0]  }
0x18d: {  	v12 =	vld [tilespmem:s23+$0x0]  }
0x18e: {  	[tilespmem:v8+s20+$0x0] =	vst.idx.add.f32.msk $0xffff, v6  }
0x18f: {  	v62 =	vadd.s32 $0x1800, v9;
	s4 =	sor.u32 s18, s7;
	[tilespmem:v10+s20+$0x0] =	vst.idx.add.f32.msk $0xffff, v11  }
0x190: {  	s26 =	sadd.s32 $0xA280, s22;
	v6 =	vadd.s32 $0x1800, v3;
	v8 =	vld [tilespmem:s4+$0x0]  }
0x191: {  	s5 =	sor.u32 s24, s26;
	[tilespmem:v7+s20+$0x0] =	vst.idx.add.f32.msk $0xffff, v5  }
0x192: {  	s6 =	sor.u32 s2, s7;
	v7 =	vadd.s32 $0x2800, v2;
	v5 =	vld [tilespmem:s5+$0x0]  }
0x193: {  	v10 =	vld [tilespmem:s6+$0x0]  }
0x194: {  	v11 =	vadd.s32 $0x1800, v4;
	[tilespmem:v62+s20+$0x0] =	vst.idx.add.f32.msk $0xffff, v12  }
0x195: {  	s7 =	sor.u32 s18, s1;
	[tilespmem:v6+s20+$0x0] =	vst.idx.add.f32.msk $0xffff, v8  }
0x196: {  	s23 =	sadd.s32 $0xA300, s22;
	v6 =	vld [tilespmem:s7+$0x0]  }
0x197: {  	s8 =	sor.u32 s24, s23;
	v8 =	vadd.s32 $0x2000, v3;
	[tilespmem:v7+s20+$0x0] =	vst.idx.add.f32.msk $0xffff, v5  }
0x198: {  	v7 =	vadd.s32 $0x3000, v2;
	v5 =	vld [tilespmem:s8+$0x0]  }
0x199: {  	s25 =	sor.u32 s2, s1;
	[tilespmem:v11+s20+$0x0] =	vst.idx.add.f32.msk $0xffff, v10  }
0x19a: {  	s1 =	sor.u32 s0, s1;
	v10 =	vadd.s32 $0x2000, v4;
	v11 =	vld [tilespmem:s25+$0x0]  }
0x19b: {  	v12 =	vld [tilespmem:s1+$0x0]  }
0x19c: {  	s3 =	sadd.s32 $0xA380, s22;
	[tilespmem:v8+s20+$0x0] =	vst.idx.add.f32.msk $0xffff, v6  }
0x19d: {  	v63 =	vadd.s32 $0x2000, v9;
	s4 =	sor.u32 s24, s3;
	[tilespmem:v7+s20+$0x0] =	vst.idx.add.f32.msk $0xffff, v5  }
0x19e: {  	v2 =	vadd.s32 $0x3800, v2;
	v5 =	vld [tilespmem:s4+$0x0]  }
0x19f: {  	s7 =	sor.u32 s2, s26;
	[tilespmem:v10+s20+$0x0] =	vst.idx.add.f32.msk $0xffff, v11  }
0x1a0: {  	s5 =	sor.u32 s18, s26;
	v8 =	vadd.s32 $0x2800, v4;
	v10 =	vld [tilespmem:s7+$0x0]  }
0x1a1: {  	v6 =	vadd.s32 $0x2800, v3;
	v7 =	vld [tilespmem:s5+$0x0]  }
0x1a2: {  	[tilespmem:v63+s20+$0x0] =	vst.idx.add.f32.msk $0xffff, v12  }
0x1a3: {  	s8 =	sor.u32 s0, s26;
	[tilespmem:v2+s20+$0x0] =	vst.idx.add.f32.msk $0xffff, v5  }
0x1a4: {  	v2 =	vadd.s32 $0x2800, v9;
	v5 =	vld [tilespmem:s8+$0x0]  }
0x1a5: {  	[tilespmem:v8+s20+$0x0] =	vst.idx.add.f32.msk $0xffff, v10  }
0x1a6: {  	s22 =	sor.u32 s18, s23;
	[tilespmem:v6+s20+$0x0] =	vst.idx.add.f32.msk $0xffff, v7  }
0x1a7: {  	s24 =	sor.u32 s2, s23;
	v6 =	vadd.s32 $0x3000, v3;
	v7 =	vld [tilespmem:s22+$0x0]  }
0x1a8: {  	v11 =	vld [tilespmem:s24+$0x0]  }
0x1a9: {  	s25 =	sor.u32 s0, s23;
	v10 =	vadd.s32 $0x3000, v4;
	[tilespmem:v2+s20+$0x0] =	vst.idx.add.f32.msk $0xffff, v5  }
0x1aa: {  	v8 =	vadd.s32 $0x3000, v9;
	v5 =	vld [tilespmem:s25+$0x0];
	_ =	sdelay $0x1  }
0x1ab: {  	s26 =	sor.u32 s18, s3;
	[tilespmem:v6+s20+$0x0] =	vst.idx.add.f32.msk $0xffff, v7  }
0x1ac: {  	v6 =	vadd.s32 $0x3800, v3;
	v7 =	vld [tilespmem:s26+$0x0]  }
0x1ad: {  	s23 =	sor.u32 s2, s3;
	[tilespmem:v10+s20+$0x0] =	vst.idx.add.f32.msk $0xffff, v11;
	s22 =	sor.u32 s0, s3;
	v2 =	vadd.s32 $0x3800, v4;
	v3 =	vadd.s32 $0x3800, v9  }
.LBB2_24:
0x1ae: {  	s29 =	sadd.s32 $0x40, s29;
	[tilespmem:v8+s20+$0x0] =	vst.idx.add.f32.msk $0xffff, v5;
	s28 =	sadd.s32 $0x200, s28  }
0x1af: {  	s18 =	sand.u32 $0x40, s29;
	s24 =	sand.u32 $0x7C00, s28;
	p1 =	slt.u32 s29, $0xFC0;
	v5 =	vld [tilespmem:s23+$0x0]  }
0x1b0: {  	s1 =	sshrl.u32 s24, $0x2;
	s0 =	sor.u32 $0x10, s18;
	s6 =	sor.u32 $0x30, s18;
	v4 =	vld [tilespmem:s22+$0x0]  }
0x1b1: {  	s22 =	sor.u32 $0x20, s18;
	s23 =	sor.u32 s0, s1;
	s25 =	sor.u32 s6, s1;
	[tilespmem:v6+s20+$0x0] =	vst.idx.add.f32.msk $0xffff, v7  }
0x1b2: {  	s26 =	sor.u32 s18, s1;
	s1 =	sor.u32 s22, s1;
	v7 =	vld [tilespmem:s25+$0x80]  }
0x1b3: {  	s25 =	sadd.s32 $0xA000, s24;
	v6 =	vld [tilespmem:s23+$0x80]  }
0x1b4: {  	s23 =	sor.u32 s0, s25;
	s2 =	sor.u32 s6, s25;
	v13 =	vld [tilespmem:s1+$0x80];
	s1 =	sor.u32 s22, s25  }
0x1b5: {  	s25 =	sor.u32 s18, s25;
	v8 =	vld [tilespmem:s2+$0x0]  }
0x1b6: {  	v17 =	vld [tilespmem:s26+$0x80]  }
0x1b7: {  	v10 =	vld [tilespmem:s23+$0x0]  }
0x1b8: {  	v18 =	vadd.s32 $0x800, v6;
	v19 =	vadd.s32 $0x1000, v6;
	v20 =	vadd.s32 $0x1800, v6;
	v21 =	vld [tilespmem:s1+$0x0]  }
0x1b9: {  	s1 =	sadd.s32 $0xA080, s24;
	v22 =	vld [tilespmem:s25+$0x0];
	v23 =	vadd.s32 $0x800, v13;
	v24 =	vadd.s32 $0x1000, v13;
	v25 =	vadd.s32 $0x1800, v13  }
0x1ba: {  	v15 =	vadd.s32 $0x2000, v6;
	v9 =	vadd.s32 $0x2800, v6;
	s2 =	sor.u32 s0, s1;
	s23 =	sor.u32 s22, s1;
	v16 =	vadd.s32 $0x2000, v13;
	s25 =	sor.u32 s6, s1;
	[tilespmem:v7+s20+$0x0] =	vst.idx.add.f32.msk $0xffff, v8  }
0x1bb: {  	v29 =	vadd.s32 $0x800, v7;
	s1 =	sor.u32 s18, s1;
	v26 =	vadd.s32 $0x800, v17;
	v27 =	vadd.s32 $0x1000, v17;
	v28 =	vld [tilespmem:s25+$0x0]  }
0x1bc: {  	v14 =	vadd.s32 $0x2800, v13;
	v30 =	vadd.s32 $0x1800, v17;
	v31 =	vadd.s32 $0x2000, v17;
	[tilespmem:v6+s20+$0x0] =	vst.idx.add.f32.msk $0xffff, v10  }
0x1bd: {  	v11 =	vadd.s32 $0x3000, v6;
	v12 =	vadd.s32 $0x2800, v17;
	v10 =	vadd.s32 $0x3000, v13;
	[tilespmem:v13+s20+$0x0] =	vst.idx.add.f32.msk $0xffff, v21  }
0x1be: {  	v8 =	vadd.s32 $0x3000, v17;
	v6 =	vadd.s32 $0x3800, v6;
	v21 =	vadd.s32 $0x3800, v13;
	[tilespmem:v17+s20+$0x0] =	vst.idx.add.f32.msk $0xffff, v22  }
0x1bf: {  	s25 =	sadd.s32 $0xA100, s24;
	v13 =	vadd.s32 $0x3800, v17;
	v17 =	vld [tilespmem:s2+$0x0]  }
0x1c0: {  	s26 =	sor.u32 s22, s25;
	s3 =	sor.u32 s6, s25;
	s2 =	sor.u32 s0, s25;
	[tilespmem:v29+s20+$0x0] =	vst.idx.add.f32.msk $0xffff, v28  }
0x1c1: {  	s25 =	sor.u32 s18, s25;
	v28 =	vadd.s32 $0x1000, v7;
	v22 =	vld [tilespmem:s3+$0x0]  }
0x1c2: {  	v29 =	vld [tilespmem:s23+$0x0]  }
0x1c3: {  	v32 =	vld [tilespmem:s1+$0x0]  }
0x1c4: {  	[tilespmem:v18+s20+$0x0] =	vst.idx.add.f32.msk $0xffff, v17  }
0x1c5: {  	s1 =	sadd.s32 $0xA180, s24;
	v17 =	vld [tilespmem:s2+$0x0]  }
0x1c6: {  	s3 =	sor.u32 s22, s1;
	s23 =	sor.u32 s6, s1;
	s2 =	sor.u32 s0, s1;
	[tilespmem:v28+s20+$0x0] =	vst.idx.add.f32.msk $0xffff, v22  }
0x1c7: {  	s1 =	sor.u32 s18, s1;
	v22 =	vadd.s32 $0x1800, v7;
	v18 =	vld [tilespmem:s23+$0x0]  }
0x1c8: {  	[tilespmem:v23+s20+$0x0] =	vst.idx.add.f32.msk $0xffff, v29  }
0x1c9: {  	[tilespmem:v26+s20+$0x0] =	vst.idx.add.f32.msk $0xffff, v32  }
0x1ca: {  	v23 =	vld [tilespmem:s26+$0x0]  }
0x1cb: {  	s23 =	sadd.s32 $0xA200, s24;
	v26 =	vld [tilespmem:s25+$0x0]  }
0x1cc: {  	s4 =	sor.u32 s6, s23;
	s26 =	sor.u32 s22, s23;
	s25 =	sor.u32 s0, s23;
	[tilespmem:v22+s20+$0x0] =	vst.idx.add.f32.msk $0xffff, v18  }
0x1cd: {  	s23 =	sor.u32 s18, s23;
	v22 =	vadd.s32 $0x2000, v7;
	v18 =	vld [tilespmem:s4+$0x0]  }
0x1ce: {  	[tilespmem:v19+s20+$0x0] =	vst.idx.add.f32.msk $0xffff, v17  }
0x1cf: {  	[tilespmem:v24+s20+$0x0] =	vst.idx.add.f32.msk $0xffff, v23  }
0x1d0: {  	[tilespmem:v27+s20+$0x0] =	vst.idx.add.f32.msk $0xffff, v26  }
0x1d1: {  	s4 =	sadd.s32 $0xA280, s24;
	v17 =	vld [tilespmem:s2+$0x0]  }
0x1d2: {  	s5 =	sor.u32 s22, s4;
	s7 =	sor.u32 s6, s4;
	s2 =	sor.u32 s0, s4;
	[tilespmem:v22+s20+$0x0] =	vst.idx.add.f32.msk $0xffff, v18  }
0x1d3: {  	v19 =	vadd.s32 $0x2800, v7;
	s4 =	sor.u32 s18, s4;
	v18 =	vld [tilespmem:s7+$0x0]  }
0x1d4: {  	v22 =	vld [tilespmem:s3+$0x0]  }
0x1d5: {  	v23 =	vld [tilespmem:s1+$0x0]  }
0x1d6: {  	[tilespmem:v20+s20+$0x0] =	vst.idx.add.f32.msk $0xffff, v17  }
0x1d7: {  	s1 =	sadd.s32 $0xA300, s24;
	v17 =	vld [tilespmem:s25+$0x0]  }
0x1d8: {  	s3 =	sor.u32 s0, s1;
	s7 =	sor.u32 s22, s1;
	s25 =	sor.u32 s6, s1;
	[tilespmem:v19+s20+$0x0] =	vst.idx.add.f32.msk $0xffff, v18  }
0x1d9: {  	s1 =	sor.u32 s18, s1;
	v19 =	vadd.s32 $0x3000, v7;
	v18 =	vld [tilespmem:s25+$0x0]  }
0x1da: {  	[tilespmem:v25+s20+$0x0] =	vst.idx.add.f32.msk $0xffff, v22  }
0x1db: {  	[tilespmem:v30+s20+$0x0] =	vst.idx.add.f32.msk $0xffff, v23  }
0x1dc: {  	v20 =	vld [tilespmem:s26+$0x0]  }
0x1dd: {  	s24 =	sadd.s32 $0xA380, s24;
	v22 =	vld [tilespmem:s23+$0x0]  }
0x1de: {  	s0 =	sor.u32 s0, s24;
	s6 =	sor.u32 s6, s24;
	s23 =	sor.u32 s22, s24;
	[tilespmem:v19+s20+$0x0] =	vst.idx.add.f32.msk $0xffff, v18  }
0x1df: {  	v7 =	vadd.s32 $0x3800, v7;
	s22 =	sor.u32 s18, s24;
	v18 =	vld [tilespmem:s6+$0x0]  }
0x1e0: {  	[tilespmem:v15+s20+$0x0] =	vst.idx.add.f32.msk $0xffff, v17  }
0x1e1: {  	[tilespmem:v16+s20+$0x0] =	vst.idx.add.f32.msk $0xffff, v20  }
0x1e2: {  	[tilespmem:v31+s20+$0x0] =	vst.idx.add.f32.msk $0xffff, v22  }
0x1e3: {  	v15 =	vld [tilespmem:s2+$0x0]  }
0x1e4: {  	[tilespmem:v7+s20+$0x0] =	vst.idx.add.f32.msk $0xffff, v18  }
0x1e5: {  	v7 =	vld [tilespmem:s5+$0x0]  }
0x1e6: {  	v16 =	vld [tilespmem:s4+$0x0]  }
0x1e7: {  	[tilespmem:v2+s20+$0x0] =	vst.idx.add.f32.msk $0xffff, v5;
	v2 =	vmov v21  }
0x1e8: {  	[tilespmem:v9+s20+$0x0] =	vst.idx.add.f32.msk $0xffff, v15  }
0x1e9: {  	v9 =	vld [tilespmem:s3+$0x0]  }
0x1ea: {  	[tilespmem:v14+s20+$0x0] =	vst.idx.add.f32.msk $0xffff, v7  }
0x1eb: {  	[tilespmem:v12+s20+$0x0] =	vst.idx.add.f32.msk $0xffff, v16  }
0x1ec: {  	v12 =	vld [tilespmem:s7+$0x0]  }
.Ltmp13:
0x1ed: {  	v5 =	vld [tilespmem:s1+$0x0];
	(pc) =	sbr.rel @p1 .LBB2_24-.Ltmp13, $4  }
0x1ee: {  	[tilespmem:v11+s20+$0x0] =	vst.idx.add.f32.msk $0xffff, v9  }
0x1ef: {  	v7 =	vld [tilespmem:s0+$0x0]  }
0x1f0: {  	[tilespmem:v3+s20+$0x0] =	vst.idx.add.f32.msk $0xffff, v4;
	v3 =	vmov v13  }
0x1f1: {  	[tilespmem:v10+s20+$0x0] =	vst.idx.add.f32.msk $0xffff, v12  }
0x1f2: {  	_ =	sdelay $0x3  }
0x1f3: {  	[tilespmem:v8+s20+$0x0] =	vst.idx.add.f32.msk $0xffff, v5  }
0x1f4: {  	v4 =	vld [tilespmem:s23+$0x0]  }
0x1f5: {  	v5 =	vld [tilespmem:s22+$0x0];
	_ =	sdelay $0x2  }
0x1f6: {  	[tilespmem:v6+s20+$0x0] =	vst.idx.add.f32.msk $0xffff, v7  }
0x1f7: {  	[tilespmem:v2+s20+$0x0] =	vst.idx.add.f32.msk $0xffff, v4  }
0x1f8: {  	[tilespmem:v3+s20+$0x0] =	vst.idx.add.f32.msk $0xffff, v5  }
0x1f9: {  	s0 =	sld [smem:$0x7FC];
	_ =	sdelay $0x2  }
0x1fa: {  	p1 =	seq.s32 s0, $0x1  }
.Ltmp14:
0x1fb: {  	_ = 	snop;
	(pc) =	sbr.rel @p1 .LBB2_29-.Ltmp14, $1  }
0x1fc: {  	_ =	sdelay $0x3  }
0x1fd: {  	p1 =	por $0x0, $0x0;
	s0 =	simm.s32 $0x1  }
0x1fe: {  	s0 =	simm.s32 @!p1 $0x0  }
0x1ff: {  	s0 =	sshll.u32 s0, $0x6  }
0x200: {  	s0 =	sadd.s32 $0x0, s0  }
0x201: {  	s1 =	sor.u32 $0xB0, s0  }
0x202: {  	v3 =	vld [tilespmem:s1+$0x0];
	_ =	sdelay $0x1  }
0x203: {  	s2 =	simm.s32 $0x1;
	p1 =	por !p1, !p1  }
0x204: {  	s2 =	simm.s32 @!p1 $0x0;
	s24 =	sor.u32 $0x80, s0  }
0x205: {  	s25 =	sshll.u32 s2, $0x6;
	s3 =	sor.u32 $0x90, s0;
	v8 =	vld [tilespmem:s24+$0x0]  }
0x206: {  	s0 =	sor.u32 $0xA0, s0;
	s26 =	sadd.s32 $0x80, s25;
	v2 =	vld [tilespmem:s3+$0x0]  }
0x207: {  	v4 =	vld [tilespmem:s0+$0x0];
	s28 =	sor.u32 $0x80, s26  }
0x208: {  	v6 =	vld [tilespmem:s28+$0x0]  }
0x209: {  	s1 =	sor.u32 $0xB0, s26;
	[tilespmem:v3+s21+$0x0] =	vst.idx.add.f32.msk $0xffff, v1  }
0x20a: {  	s29 =	sor.u32 $0x90, s26;
	v3 =	vld [tilespmem:s1+$0x0]  }
0x20b: {  	s0 =	sor.u32 $0xA0, s26;
	v7 =	vld [tilespmem:s29+$0x0]  }
0x20c: {  	v5 =	vld [tilespmem:s0+$0x0]  }
0x20d: {  	s6 =	simm.s32 $0x80;
	p1 =	por !p1, !p1;
	s0 =	simm.s32 $0x40;
	[tilespmem:v8+s21+$0x0] =	vst.idx.add.f32.msk $0xffff, v1  }
.LBB2_27:
0x20e: {  	s1 =	simm.s32 $0x1  }
0x20f: {  	s0 =	sadd.s32 $0x40, s0;
	[tilespmem:v2+s21+$0x0] =	vst.idx.add.f32.msk $0xffff, v1;
	s1 =	simm.s32 @!p1 $0x0  }
0x210: {  	s6 =	sadd.s32 $0x80, s6;
	p2 =	slt.u32 s0, $0xFC0;
	v8 =	vmov v6;
	s1 =	sshll.u32 s1, $0x6;
	[tilespmem:v4+s21+$0x0] =	vst.idx.add.f32.msk $0xffff, v1  }
0x211: {  	v2 =	vmov v7;
	s1 =	sadd.s32 s1, s6  }
0x212: {  	v4 =	vmov v5;
	s2 =	sor.u32 $0x80, s1;
	s3 =	sor.u32 $0x90, s1;
	s4 =	sor.u32 $0xB0, s1;
	[tilespmem:v3+s21+$0x0] =	vst.idx.add.f32.msk $0xffff, v1  }
.Ltmp15:
0x213: {  	s1 =	sor.u32 $0xA0, s1;
	v3 =	vld [tilespmem:s4+$0x0];
	(pc) =	sbr.rel @p2 .LBB2_27-.Ltmp15, $4  }
0x214: {  	v6 =	vld [tilespmem:s2+$0x0]  }
0x215: {  	v7 =	vld [tilespmem:s3+$0x0]  }
0x216: {  	v5 =	vld [tilespmem:s1+$0x0]  }
0x217: {  	p1 =	por !p1, !p1;
	[tilespmem:v8+s21+$0x0] =	vst.idx.add.f32.msk $0xffff, v1  }
0x218: {  	_ =	sdelay $0x3  }
0x219: {  	[tilespmem:v2+s21+$0x0] =	vst.idx.add.f32.msk $0xffff, v1  }
0x21a: {  	[tilespmem:v4+s21+$0x0] =	vst.idx.add.f32.msk $0xffff, v1  }
0x21b: {  	[tilespmem:v3+s21+$0x0] =	vst.idx.add.f32.msk $0xffff, v1  }
0x21c: {  	[tilespmem:v6+s21+$0x0] =	vst.idx.add.f32.msk $0xffff, v1  }
0x21d: {  	[tilespmem:v7+s21+$0x0] =	vst.idx.add.f32.msk $0xffff, v1  }
0x21e: {  	[tilespmem:v5+s21+$0x0] =	vst.idx.add.f32.msk $0xffff, v1  }
.LBB2_29:
0x21f: {  	s0 =	simm.s32 $0x80;
	s2 =	rddreg [dreg:$0x8]  }
0x220: {  	s6 =	simm.s32 $0x10;
	s18 =	simm.s32 $0x180;
	s22 =	sadd.s32 $0x0, s2  }
.LBB2_30:
0x221: {  	[tilespmem:s0], [sflag:$0x2] =	stream.linear.gather [hbm4b:s22+s10], $0x80, $0x38;
	[tilespmem:$0x16800] =	vst v63  }
0x222: {  	s1 =	smov.u32 s6;
	s0 =	smov.u32 s18;
	p1 =	sne.s32 s6, $0x1F0  }
.Ltmp16:
0x223: {  	s6 =	sadd.s32 $0x10, s6;
	(pc) =	sbr.rel @p1 .LBB2_30-.Ltmp16, $2  }
0x224: {  	_ =	sdelay $0x2  }
0x225: {  	s18 =	sadd.s32 $0x100, s18;
	s22 =	sadd.s32 s1, s2  }
0x226: {  	[tilespmem:s0], [sflag:$0x2] =	stream.linear.gather [hbm4b:s22+s10], $0x80, $0x38;
	[tilespmem:$0x16800] =	vst v63  }
0x227: {  	s0 =	simm.s32 $0xA000  }
0x228: {  	s6 =	simm.s32 $0x10;
	s22 =	sadd.s32 $0x0, s14;
	s18 =	simm.s32 $0xA400  }
.LBB2_32:
0x229: {  	[tilespmem:s0], [sflag:$0x4] =	stream.strided.gather [hbm4b:s22+s30], $0x400, s31, s30, $0x38;
	[tilespmem:$0x16800] =	vst v63  }
0x22a: {  	s1 =	smov.u32 s6;
	s0 =	smov.u32 s18;
	p1 =	sne.s32 s6, $0x1F0  }
.Ltmp17:
0x22b: {  	s6 =	sadd.s32 $0x10, s6;
	(pc) =	sbr.rel @p1 .LBB2_32-.Ltmp17, $2  }
0x22c: {  	_ =	sdelay $0x2  }
0x22d: {  	s18 =	sadd.s32 $0x400, s18;
	s22 =	sadd.s32 s1, s14  }
0x22e: {  	[tilespmem:s0], [sflag:$0x4] =	stream.strided.gather [hbm4b:s22+s30], $0x400, s31, s30, $0x38;
	[tilespmem:$0x16800] =	vst v63  }
0x22f: {  	s22 =	simm.s32 $0x1  }
0x230: {  	_ =	swait.ge [sflag:s22], $0x1000  }
0x231: {  	s28 =	simm.s32 $0x0;
	[sflag:s22] =	ssyncset.done $0x0  }
0x232: {  	s29 =	simm.s32 $0x0;
	s4 =	simm.s32 $0x3;
	[sflag:s22] =	ssyncadd.s32 $0xFFFFF000  }
0x233: {  	s1 =	sand.u32 $0x40, s29;
	s23 =	sand.u32 $0x7C00, s28;
	_ =	swait.ge [sflag:s4], $0x8000  }
0x234: {  	s2 =	sshrl.u32 s23, $0x2;
	s3 =	sor.u32 $0x30, s1;
	[sflag:s4] =	ssyncset.done $0x0  }
0x235: {  	s24 =	sor.u32 $0x10, s1;
	s5 =	sor.u32 s3, s2;
	[sflag:s4] =	ssyncadd.s32 $0xFFFF8000  }
0x236: {  	s7 =	sor.u32 $0x20, s1;
	s6 =	sor.u32 s24, s2;
	v2 =	vld [tilespmem:s5+$0x0]  }
0x237: {  	s18 =	sadd.s32 $0x2000, s23;
	s25 =	sor.u32 s7, s2;
	v3 =	vld [tilespmem:s6+$0x0]  }
0x238: {  	s26 =	sor.u32 s3, s18;
	v4 =	vld [tilespmem:s25+$0x0]  }
0x239: {  	s2 =	sor.u32 s1, s2;
	v5 =	vld [tilespmem:s26+$0x0]  }
0x23a: {  	s0 =	sor.u32 s24, s18;
	v9 =	vld [tilespmem:s2+$0x0]  }
0x23b: {  	v6 =	vld [tilespmem:s0+$0x0]  }
0x23c: {  	s24 =	sor.u32 s7, s18  }
0x23d: {  	s18 =	sor.u32 s1, s18;
	v7 =	vld [tilespmem:s24+$0x0]  }
0x23e: {  	v8 =	vld [tilespmem:s18+$0x0]  }
0x23f: {  	[tilespmem:v2+s20+$0x0] =	vst.idx.add.f32.msk $0xffff, v5  }
0x240: {  	[tilespmem:v3+s20+$0x0] =	vst.idx.add.f32.msk $0xffff, v6  }
0x241: {  	v10 =	vadd.s32 $0x800, v2;
	v5 =	vld [tilespmem:s26+$0x80]  }
0x242: {  	[tilespmem:v4+s20+$0x0] =	vst.idx.add.f32.msk $0xffff, v7  }
0x243: {  	[tilespmem:v9+s20+$0x0] =	vst.idx.add.f32.msk $0xffff, v8  }
0x244: {  	v6 =	vadd.s32 $0x800, v3;
	v7 =	vld [tilespmem:s0+$0x80]  }
0x245: {  	v13 =	vadd.s32 $0x800, v9;
	v12 =	vld [tilespmem:s18+$0x80]  }
0x246: {  	[tilespmem:v10+s20+$0x0] =	vst.idx.add.f32.msk $0xffff, v5  }
0x247: {  	v8 =	vadd.s32 $0x1000, v2;
	v5 =	vld [tilespmem:s26+$0x100]  }
0x248: {  	v10 =	vld [tilespmem:s24+$0x80]  }
0x249: {  	[tilespmem:v6+s20+$0x0] =	vst.idx.add.f32.msk $0xffff, v7  }
0x24a: {  	v11 =	vadd.s32 $0x800, v4;
	[tilespmem:v13+s20+$0x0] =	vst.idx.add.f32.msk $0xffff, v12  }
0x24b: {  	v13 =	vld [tilespmem:s18+$0x100]  }
0x24c: {  	v61 =	vadd.s32 $0x1000, v9;
	[tilespmem:v8+s20+$0x0] =	vst.idx.add.f32.msk $0xffff, v5  }
0x24d: {  	v7 =	vadd.s32 $0x1800, v2;
	v5 =	vld [tilespmem:s26+$0x180]  }
0x24e: {  	v6 =	vld [tilespmem:s0+$0x100]  }
0x24f: {  	[tilespmem:v11+s20+$0x0] =	vst.idx.add.f32.msk $0xffff, v10  }
0x250: {  	v8 =	vadd.s32 $0x1000, v3;
	v11 =	vld [tilespmem:s24+$0x100]  }
0x251: {  	v10 =	vadd.s32 $0x1000, v4;
	[tilespmem:v61+s20+$0x0] =	vst.idx.add.f32.msk $0xffff, v13  }
0x252: {  	[tilespmem:v7+s20+$0x0] =	vst.idx.add.f32.msk $0xffff, v5  }
0x253: {  	v7 =	vadd.s32 $0x2000, v2;
	v5 =	vld [tilespmem:s26+$0x200]  }
0x254: {  	v12 =	vld [tilespmem:s18+$0x180]  }
0x255: {  	[tilespmem:v8+s20+$0x0] =	vst.idx.add.f32.msk $0xffff, v6  }
0x256: {  	v62 =	vadd.s32 $0x1800, v9;
	[tilespmem:v10+s20+$0x0] =	vst.idx.add.f32.msk $0xffff, v11  }
0x257: {  	v6 =	vadd.s32 $0x1800, v3;
	v8 =	vld [tilespmem:s0+$0x180]  }
0x258: {  	[tilespmem:v7+s20+$0x0] =	vst.idx.add.f32.msk $0xffff, v5  }
0x259: {  	v7 =	vadd.s32 $0x2800, v2;
	v5 =	vld [tilespmem:s26+$0x280]  }
0x25a: {  	v10 =	vld [tilespmem:s24+$0x180]  }
0x25b: {  	[tilespmem:v62+s20+$0x0] =	vst.idx.add.f32.msk $0xffff, v12  }
0x25c: {  	v11 =	vadd.s32 $0x1800, v4;
	[tilespmem:v6+s20+$0x0] =	vst.idx.add.f32.msk $0xffff, v8  }
0x25d: {  	v6 =	vld [tilespmem:s0+$0x200]  }
0x25e: {  	v8 =	vadd.s32 $0x2000, v3;
	[tilespmem:v7+s20+$0x0] =	vst.idx.add.f32.msk $0xffff, v5  }
0x25f: {  	v7 =	vadd.s32 $0x3000, v2;
	v5 =	vld [tilespmem:s26+$0x300]  }
0x260: {  	v12 =	vld [tilespmem:s18+$0x200]  }
0x261: {  	[tilespmem:v11+s20+$0x0] =	vst.idx.add.f32.msk $0xffff, v10  }
0x262: {  	v63 =	vadd.s32 $0x2000, v9;
	v11 =	vld [tilespmem:s24+$0x200]  }
0x263: {  	v10 =	vadd.s32 $0x2000, v4;
	[tilespmem:v8+s20+$0x0] =	vst.idx.add.f32.msk $0xffff, v6  }
0x264: {  	[tilespmem:v7+s20+$0x0] =	vst.idx.add.f32.msk $0xffff, v5  }
0x265: {  	v6 =	vadd.s32 $0x2800, v3;
	v7 =	vld [tilespmem:s0+$0x280]  }
0x266: {  	v2 =	vadd.s32 $0x3800, v2;
	v5 =	vld [tilespmem:s26+$0x380]  }
0x267: {  	[tilespmem:v63+s20+$0x0] =	vst.idx.add.f32.msk $0xffff, v12  }
0x268: {  	[tilespmem:v10+s20+$0x0] =	vst.idx.add.f32.msk $0xffff, v11  }
0x269: {  	v10 =	vld [tilespmem:s24+$0x280]  }
0x26a: {  	v8 =	vadd.s32 $0x2800, v4;
	[tilespmem:v6+s20+$0x0] =	vst.idx.add.f32.msk $0xffff, v7  }
0x26b: {  	[tilespmem:v2+s20+$0x0] =	vst.idx.add.f32.msk $0xffff, v5  }
0x26c: {  	v2 =	vadd.s32 $0x2800, v9;
	v5 =	vld [tilespmem:s18+$0x280]  }
0x26d: {  	v6 =	vadd.s32 $0x3000, v3;
	v7 =	vld [tilespmem:s0+$0x300];
	_ =	sdelay $0x1  }
0x26e: {  	[tilespmem:v8+s20+$0x0] =	vst.idx.add.f32.msk $0xffff, v10  }
0x26f: {  	v11 =	vld [tilespmem:s24+$0x300]  }
0x270: {  	[tilespmem:v2+s20+$0x0] =	vst.idx.add.f32.msk $0xffff, v5  }
0x271: {  	v10 =	vadd.s32 $0x3000, v4;
	[tilespmem:v6+s20+$0x0] =	vst.idx.add.f32.msk $0xffff, v7  }
0x272: {  	v7 =	vadd.s32 $0x3000, v9;
	v5 =	vld [tilespmem:s18+$0x300];
	_ =	sdelay $0x2  }
0x273: {  	v6 =	vadd.s32 $0x3800, v3;
	v8 =	vld [tilespmem:s0+$0x380]  }
0x274: {  	[tilespmem:v10+s20+$0x0] =	vst.idx.add.f32.msk $0xffff, v11;
	v2 =	vadd.s32 $0x3800, v4;
	v3 =	vadd.s32 $0x3800, v9  }
.LBB2_34:
0x275: {  	s29 =	sadd.s32 $0x40, s29;
	[tilespmem:v7+s20+$0x0] =	vst.idx.add.f32.msk $0xffff, v5;
	s28 =	sadd.s32 $0x200, s28  }
0x276: {  	s1 =	sand.u32 $0x40, s29;
	s0 =	sand.u32 $0x7C00, s28;
	p1 =	slt.u32 s29, $0xFC0;
	v5 =	vld [tilespmem:s24+$0x380]  }
0x277: {  	s2 =	sshrl.u32 s0, $0x2;
	s3 =	sor.u32 $0x10, s1;
	s4 =	sor.u32 $0x30, s1;
	v4 =	vld [tilespmem:s18+$0x380]  }
0x278: {  	s6 =	sor.u32 $0x20, s1;
	s5 =	sor.u32 s3, s2;
	s7 =	sor.u32 s4, s2;
	[tilespmem:v6+s20+$0x0] =	vst.idx.add.f32.msk $0xffff, v8  }
0x279: {  	s22 =	sor.u32 s1, s2;
	s2 =	sor.u32 s6, s2;
	v8 =	vld [tilespmem:s7+$0x0]  }
0x27a: {  	s7 =	sadd.s32 $0x2000, s0;
	v6 =	vld [tilespmem:s5+$0x0]  }
0x27b: {  	s0 =	sor.u32 s3, s7;
	s24 =	sor.u32 s6, s7;
	s6 =	sor.u32 s4, s7;
	v9 =	vld [tilespmem:s2+$0x0]  }
0x27c: {  	s18 =	sor.u32 s1, s7;
	v7 =	vld [tilespmem:s6+$0x0]  }
0x27d: {  	v10 =	vld [tilespmem:s22+$0x0]  }
0x27e: {  	v11 =	vld [tilespmem:s0+$0x0]  }
0x27f: {  	v12 =	vadd.s32 $0x800, v6;
	v13 =	vadd.s32 $0x1000, v6;
	v14 =	vadd.s32 $0x1800, v6;
	v15 =	vld [tilespmem:s24+$0x0]  }
0x280: {  	v16 =	vld [tilespmem:s18+$0x0];
	v17 =	vadd.s32 $0x800, v9;
	v18 =	vadd.s32 $0x1000, v9;
	v19 =	vadd.s32 $0x1800, v9  }
0x281: {  	v20 =	vadd.s32 $0x2000, v6;
	v21 =	vadd.s32 $0x2800, v6;
	v22 =	vadd.s32 $0x2000, v9;
	[tilespmem:v8+s20+$0x0] =	vst.idx.add.f32.msk $0xffff, v7  }
0x282: {  	v26 =	vadd.s32 $0x800, v8;
	v23 =	vadd.s32 $0x800, v10;
	v24 =	vadd.s32 $0x1000, v10;
	v25 =	vld [tilespmem:s6+$0x80]  }
0x283: {  	v27 =	vadd.s32 $0x1800, v10;
	v28 =	vadd.s32 $0x2000, v10;
	[tilespmem:v6+s20+$0x0] =	vst.idx.add.f32.msk $0xffff, v11;
	v11 =	vadd.s32 $0x2800, v9  }
0x284: {  	v30 =	vadd.s32 $0x3000, v6;
	v29 =	vadd.s32 $0x2800, v10;
	[tilespmem:v9+s20+$0x0] =	vst.idx.add.f32.msk $0xffff, v15;
	v15 =	vadd.s32 $0x3000, v9  }
0x285: {  	v7 =	vadd.s32 $0x3000, v10;
	v6 =	vadd.s32 $0x3800, v6;
	v9 =	vadd.s32 $0x3800, v9;
	[tilespmem:v10+s20+$0x0] =	vst.idx.add.f32.msk $0xffff, v16  }
0x286: {  	v10 =	vadd.s32 $0x3800, v10;
	v16 =	vld [tilespmem:s0+$0x80]  }
0x287: {  	[tilespmem:v26+s20+$0x0] =	vst.idx.add.f32.msk $0xffff, v25  }
0x288: {  	v26 =	vadd.s32 $0x1000, v8;
	v25 =	vld [tilespmem:s6+$0x100]  }
0x289: {  	v31 =	vld [tilespmem:s24+$0x80]  }
0x28a: {  	v32 =	vld [tilespmem:s18+$0x80]  }
0x28b: {  	[tilespmem:v12+s20+$0x0] =	vst.idx.add.f32.msk $0xffff, v16  }
0x28c: {  	v12 =	vld [tilespmem:s0+$0x100]  }
0x28d: {  	[tilespmem:v26+s20+$0x0] =	vst.idx.add.f32.msk $0xffff, v25  }
0x28e: {  	v25 =	vadd.s32 $0x1800, v8;
	v16 =	vld [tilespmem:s6+$0x180]  }
0x28f: {  	[tilespmem:v17+s20+$0x0] =	vst.idx.add.f32.msk $0xffff, v31  }
0x290: {  	[tilespmem:v23+s20+$0x0] =	vst.idx.add.f32.msk $0xffff, v32  }
0x291: {  	v17 =	vld [tilespmem:s24+$0x100]  }
0x292: {  	v23 =	vld [tilespmem:s18+$0x100]  }
0x293: {  	[tilespmem:v25+s20+$0x0] =	vst.idx.add.f32.msk $0xffff, v16  }
0x294: {  	v25 =	vadd.s32 $0x2000, v8;
	v16 =	vld [tilespmem:s6+$0x200]  }
0x295: {  	[tilespmem:v13+s20+$0x0] =	vst.idx.add.f32.msk $0xffff, v12  }
0x296: {  	[tilespmem:v18+s20+$0x0] =	vst.idx.add.f32.msk $0xffff, v17  }
0x297: {  	[tilespmem:v24+s20+$0x0] =	vst.idx.add.f32.msk $0xffff, v23  }
0x298: {  	v12 =	vld [tilespmem:s0+$0x180]  }
0x299: {  	[tilespmem:v25+s20+$0x0] =	vst.idx.add.f32.msk $0xffff, v16  }
0x29a: {  	v16 =	vadd.s32 $0x2800, v8;
	v13 =	vld [tilespmem:s6+$0x280]  }
0x29b: {  	v17 =	vld [tilespmem:s24+$0x180]  }
0x29c: {  	v18 =	vld [tilespmem:s18+$0x180]  }
0x29d: {  	[tilespmem:v14+s20+$0x0] =	vst.idx.add.f32.msk $0xffff, v12  }
0x29e: {  	v12 =	vld [tilespmem:s0+$0x200]  }
0x29f: {  	[tilespmem:v16+s20+$0x0] =	vst.idx.add.f32.msk $0xffff, v13  }
0x2a0: {  	v14 =	vadd.s32 $0x3000, v8;
	v13 =	vld [tilespmem:s6+$0x300]  }
0x2a1: {  	[tilespmem:v19+s20+$0x0] =	vst.idx.add.f32.msk $0xffff, v17  }
0x2a2: {  	[tilespmem:v27+s20+$0x0] =	vst.idx.add.f32.msk $0xffff, v18  }
0x2a3: {  	v16 =	vld [tilespmem:s24+$0x200]  }
0x2a4: {  	v17 =	vld [tilespmem:s18+$0x200]  }
0x2a5: {  	[tilespmem:v14+s20+$0x0] =	vst.idx.add.f32.msk $0xffff, v13  }
0x2a6: {  	v8 =	vadd.s32 $0x3800, v8;
	v13 =	vld [tilespmem:s6+$0x380]  }
0x2a7: {  	[tilespmem:v20+s20+$0x0] =	vst.idx.add.f32.msk $0xffff, v12  }
0x2a8: {  	[tilespmem:v22+s20+$0x0] =	vst.idx.add.f32.msk $0xffff, v16  }
0x2a9: {  	[tilespmem:v28+s20+$0x0] =	vst.idx.add.f32.msk $0xffff, v17  }
0x2aa: {  	v12 =	vld [tilespmem:s0+$0x280]  }
0x2ab: {  	[tilespmem:v8+s20+$0x0] =	vst.idx.add.f32.msk $0xffff, v13  }
0x2ac: {  	v8 =	vld [tilespmem:s24+$0x280]  }
0x2ad: {  	v13 =	vld [tilespmem:s18+$0x280]  }
0x2ae: {  	[tilespmem:v2+s20+$0x0] =	vst.idx.add.f32.msk $0xffff, v5;
	v2 =	vmov v9  }
0x2af: {  	[tilespmem:v21+s20+$0x0] =	vst.idx.add.f32.msk $0xffff, v12  }
0x2b0: {  	v9 =	vld [tilespmem:s0+$0x300]  }
0x2b1: {  	[tilespmem:v11+s20+$0x0] =	vst.idx.add.f32.msk $0xffff, v8  }
0x2b2: {  	[tilespmem:v29+s20+$0x0] =	vst.idx.add.f32.msk $0xffff, v13  }
0x2b3: {  	v11 =	vld [tilespmem:s24+$0x300]  }
.Ltmp18:
0x2b4: {  	v5 =	vld [tilespmem:s18+$0x300];
	(pc) =	sbr.rel @p1 .LBB2_34-.Ltmp18, $4  }
0x2b5: {  	[tilespmem:v30+s20+$0x0] =	vst.idx.add.f32.msk $0xffff, v9  }
0x2b6: {  	v8 =	vld [tilespmem:s0+$0x380]  }
0x2b7: {  	[tilespmem:v3+s20+$0x0] =	vst.idx.add.f32.msk $0xffff, v4;
	v3 =	vmov v10  }
0x2b8: {  	[tilespmem:v15+s20+$0x0] =	vst.idx.add.f32.msk $0xffff, v11  }
0x2b9: {  	_ =	sdelay $0x3  }
0x2ba: {  	[tilespmem:v7+s20+$0x0] =	vst.idx.add.f32.msk $0xffff, v5  }
0x2bb: {  	v4 =	vld [tilespmem:s24+$0x380]  }
0x2bc: {  	v5 =	vld [tilespmem:s18+$0x380];
	_ =	sdelay $0x2  }
0x2bd: {  	[tilespmem:v6+s20+$0x0] =	vst.idx.add.f32.msk $0xffff, v8  }
0x2be: {  	[tilespmem:v2+s20+$0x0] =	vst.idx.add.f32.msk $0xffff, v4  }
0x2bf: {  	[tilespmem:v3+s20+$0x0] =	vst.idx.add.f32.msk $0xffff, v5  }
0x2c0: {  	s0 =	sld [smem:$0x7FD];
	_ =	sdelay $0x2  }
0x2c1: {  	p1 =	seq.s32 s0, $0x1  }
.Ltmp19:
0x2c2: {  	_ = 	snop;
	(pc) =	sbr.rel @p1 .LBB2_39-.Ltmp19, $1  }
0x2c3: {  	_ =	sdelay $0x3  }
0x2c4: {  	s0 =	simm.s32 $0x0;
	s1 =	simm.s32 $0x0  }
0x2c5: {  	s1 =	sand.u32 $0x40, s1;
	s0 =	sand.u32 $0x1F00, s0  }
0x2c6: {  	s1 =	sor.u32 s1, s0  }
0x2c7: {  	v2 =	vld [tilespmem:s1+$0x30];
	_ =	sdelay $0x4  }
0x2c8: {  	v7 =	vld [tilespmem:s1+$0x0]  }
0x2c9: {  	s6 =	simm.s32 $0x80;
	s0 =	simm.s32 $0x40;
	v8 =	vld [tilespmem:s1+$0x10]  }
0x2ca: {  	s2 =	sand.u32 $0x1F00, s6;
	v3 =	vld [tilespmem:s1+$0x20];
	s29 =	sand.u32 $0x40, s0  }
0x2cb: {  	s1 =	sor.u32 s29, s2;
	[tilespmem:v2+s21+$0x0] =	vst.idx.add.f32.msk $0xffff, v1  }
0x2cc: {  	v2 =	vld [tilespmem:s1+$0x30]  }
0x2cd: {  	v6 =	vld [tilespmem:s1+$0x0]  }
0x2ce: {  	v5 =	vld [tilespmem:s1+$0x10]  }
0x2cf: {  	v4 =	vld [tilespmem:s1+$0x20]  }
0x2d0: {  	[tilespmem:v7+s21+$0x0] =	vst.idx.add.f32.msk $0xffff, v1  }
0x2d1: {  	[tilespmem:v8+s21+$0x0] =	vst.idx.add.f32.msk $0xffff, v1  }
.LBB2_37:
0x2d2: {  	s0 =	sadd.s32 $0x40, s0;
	s6 =	sadd.s32 $0x80, s6;
	[tilespmem:v3+s21+$0x0] =	vst.idx.add.f32.msk $0xffff, v1;
	v7 =	vmov v6  }
0x2d3: {  	s1 =	sand.u32 $0x40, s0;
	s2 =	sand.u32 $0x1F00, s6;
	p1 =	slt.u32 s0, $0xFC0;
	v8 =	vmov v5  }
0x2d4: {  	s1 =	sor.u32 s1, s2;
	[tilespmem:v2+s21+$0x0] =	vst.idx.add.f32.msk $0xffff, v1;
	v3 =	vmov v4  }
0x2d5: {  	v2 =	vld [tilespmem:s1+$0x30]  }
.Ltmp20:
0x2d6: {  	v6 =	vld [tilespmem:s1+$0x0];
	(pc) =	sbr.rel @p1 .LBB2_37-.Ltmp20, $4  }
0x2d7: {  	v5 =	vld [tilespmem:s1+$0x10]  }
0x2d8: {  	v4 =	vld [tilespmem:s1+$0x20]  }
0x2d9: {  	[tilespmem:v7+s21+$0x0] =	vst.idx.add.f32.msk $0xffff, v1  }
0x2da: {  	[tilespmem:v8+s21+$0x0] =	vst.idx.add.f32.msk $0xffff, v1  }
0x2db: {  	_ =	sdelay $0x3  }
0x2dc: {  	[tilespmem:v3+s21+$0x0] =	vst.idx.add.f32.msk $0xffff, v1  }
0x2dd: {  	[tilespmem:v2+s21+$0x0] =	vst.idx.add.f32.msk $0xffff, v1  }
0x2de: {  	[tilespmem:v6+s21+$0x0] =	vst.idx.add.f32.msk $0xffff, v1  }
0x2df: {  	[tilespmem:v5+s21+$0x0] =	vst.idx.add.f32.msk $0xffff, v1  }
0x2e0: {  	[tilespmem:v4+s21+$0x0] =	vst.idx.add.f32.msk $0xffff, v1  }
.LBB2_39:
0x2e1: {  	s0 =	simm.s32 $0x0;
	s2 =	rddreg [dreg:$0x9]  }
0x2e2: {  	s6 =	simm.s32 $0x10;
	s18 =	simm.s32 $0x100;
	s22 =	sadd.s32 $0x0, s2  }
.LBB2_40:
0x2e3: {  	[tilespmem:s0], [sflag:$0x1] =	stream.linear.gather [hbm4b:s22+s10], $0x80, $0x38;
	[tilespmem:$0x16800] =	vst v63  }
0x2e4: {  	s1 =	smov.u32 s6;
	s0 =	smov.u32 s18;
	p1 =	sne.s32 s6, $0x1F0  }
.Ltmp21:
0x2e5: {  	s6 =	sadd.s32 $0x10, s6;
	(pc) =	sbr.rel @p1 .LBB2_40-.Ltmp21, $2  }
0x2e6: {  	_ =	sdelay $0x2  }
0x2e7: {  	s18 =	sadd.s32 $0x100, s18;
	s22 =	sadd.s32 s1, s2  }
0x2e8: {  	[tilespmem:s0], [sflag:$0x1] =	stream.linear.gather [hbm4b:s22+s10], $0x80, $0x38;
	[tilespmem:$0x16800] =	vst v63  }
0x2e9: {  	s0 =	simm.s32 $0x2000  }
0x2ea: {  	s6 =	simm.s32 $0x10;
	s22 =	sadd.s32 $0x0, s15;
	s18 =	simm.s32 $0x2400  }
.LBB2_42:
0x2eb: {  	[tilespmem:s0], [sflag:$0x3] =	stream.strided.gather [hbm4b:s22+s30], $0x400, s31, s30, $0x38;
	[tilespmem:$0x16800] =	vst v63  }
0x2ec: {  	s1 =	smov.u32 s6;
	s0 =	smov.u32 s18;
	p1 =	sne.s32 s6, $0x1F0  }
.Ltmp22:
0x2ed: {  	s6 =	sadd.s32 $0x10, s6;
	(pc) =	sbr.rel @p1 .LBB2_42-.Ltmp22, $2  }
0x2ee: {  	_ =	sdelay $0x2  }
0x2ef: {  	s18 =	sadd.s32 $0x400, s18;
	s22 =	sadd.s32 s1, s15  }
0x2f0: {  	[tilespmem:s0], [sflag:$0x3] =	stream.strided.gather [hbm4b:s22+s30], $0x400, s31, s30, $0x38;
	[tilespmem:$0x16800] =	vst v63  }
0x2f1: {  	s3 =	simm.s32 $0x2  }
0x2f2: {  	_ =	swait.ge [sflag:s3], $0x1000  }
0x2f3: {  	s28 =	simm.s32 $0x0;
	[sflag:s3] =	ssyncset.done $0x0  }
0x2f4: {  	s29 =	simm.s32 $0x0;
	s2 =	simm.s32 $0x4;
	[sflag:s3] =	ssyncadd.s32 $0xFFFFF000  }
0x2f5: {  	s0 =	sand.u32 $0x40, s29;
	s22 =	sand.u32 $0x7C00, s28;
	_ =	swait.ge [sflag:s2], $0x8000  }
0x2f6: {  	s1 =	sshrl.u32 s22, $0x2;
	s24 =	sor.u32 $0x30, s0;
	[sflag:s2] =	ssyncset.done $0x0  }
0x2f7: {  	s18 =	sor.u32 $0x10, s0;
	s4 =	sor.u32 s24, s1;
	[sflag:s2] =	ssyncadd.s32 $0xFFFF8000  }
0x2f8: {  	s6 =	sor.u32 $0x20, s0;
	s3 =	sor.u32 s18, s1;
	v2 =	vld [tilespmem:s4+$0x80]  }
0x2f9: {  	s5 =	sor.u32 s6, s1;
	v3 =	vld [tilespmem:s3+$0x80]  }
0x2fa: {  	s1 =	sor.u32 s0, s1;
	s4 =	sadd.s32 $0xA000, s22;
	v4 =	vld [tilespmem:s5+$0x80]  }
0x2fb: {  	v9 =	vld [tilespmem:s1+$0x80];
	s7 =	sor.u32 s24, s4  }
0x2fc: {  	s8 =	sor.u32 s18, s4;
	v5 =	vld [tilespmem:s7+$0x0]  }
0x2fd: {  	v6 =	vld [tilespmem:s8+$0x0]  }
0x2fe: {  	s23 =	sor.u32 s6, s4  }
0x2ff: {  	s25 =	sor.u32 s0, s4;
	v7 =	vld [tilespmem:s23+$0x0]  }
0x300: {  	v8 =	vld [tilespmem:s25+$0x0]  }
0x301: {  	s26 =	sadd.s32 $0xA080, s22;
	[tilespmem:v2+s20+$0x0] =	vst.idx.add.f32.msk $0xffff, v5  }
0x302: {  	s3 =	sor.u32 s24, s26;
	[tilespmem:v3+s20+$0x0] =	vst.idx.add.f32.msk $0xffff, v6  }
0x303: {  	v10 =	vadd.s32 $0x800, v2;
	v5 =	vld [tilespmem:s3+$0x0]  }
0x304: {  	[tilespmem:v4+s20+$0x0] =	vst.idx.add.f32.msk $0xffff, v7  }
0x305: {  	s4 =	sor.u32 s18, s26;
	[tilespmem:v9+s20+$0x0] =	vst.idx.add.f32.msk $0xffff, v8  }
0x306: {  	s1 =	sor.u32 s0, s26;
	v6 =	vadd.s32 $0x800, v3;
	v7 =	vld [tilespmem:s4+$0x0]  }
0x307: {  	s5 =	sadd.s32 $0xA100, s22;
	v13 =	vadd.s32 $0x800, v9;
	v12 =	vld [tilespmem:s1+$0x0]  }
0x308: {  	s7 =	sor.u32 s24, s5;
	[tilespmem:v10+s20+$0x0] =	vst.idx.add.f32.msk $0xffff, v5  }
0x309: {  	s8 =	sor.u32 s6, s26;
	v8 =	vadd.s32 $0x1000, v2;
	v5 =	vld [tilespmem:s7+$0x0]  }
0x30a: {  	v10 =	vld [tilespmem:s8+$0x0]  }
0x30b: {  	[tilespmem:v6+s20+$0x0] =	vst.idx.add.f32.msk $0xffff, v7  }
0x30c: {  	v11 =	vadd.s32 $0x800, v4;
	s3 =	sor.u32 s0, s5;
	[tilespmem:v13+s20+$0x0] =	vst.idx.add.f32.msk $0xffff, v12  }
0x30d: {  	s25 =	sadd.s32 $0xA180, s22;
	v13 =	vld [tilespmem:s3+$0x0]  }
0x30e: {  	s26 =	sor.u32 s24, s25;
	v61 =	vadd.s32 $0x1000, v9;
	[tilespmem:v8+s20+$0x0] =	vst.idx.add.f32.msk $0xffff, v5  }
0x30f: {  	s23 =	sor.u32 s18, s5;
	v7 =	vadd.s32 $0x1800, v2;
	v5 =	vld [tilespmem:s26+$0x0]  }
0x310: {  	v6 =	vld [tilespmem:s23+$0x0]  }
0x311: {  	s4 =	sor.u32 s6, s5;
	[tilespmem:v11+s20+$0x0] =	vst.idx.add.f32.msk $0xffff, v10  }
0x312: {  	v8 =	vadd.s32 $0x1000, v3;
	v11 =	vld [tilespmem:s4+$0x0]  }
0x313: {  	s1 =	sadd.s32 $0xA200, s22;
	v10 =	vadd.s32 $0x1000, v4;
	[tilespmem:v61+s20+$0x0] =	vst.idx.add.f32.msk $0xffff, v13  }
0x314: {  	s5 =	sor.u32 s24, s1;
	[tilespmem:v7+s20+$0x0] =	vst.idx.add.f32.msk $0xffff, v5  }
0x315: {  	s2 =	sor.u32 s0, s25;
	v7 =	vadd.s32 $0x2000, v2;
	v5 =	vld [tilespmem:s5+$0x0]  }
0x316: {  	v12 =	vld [tilespmem:s2+$0x0]  }
0x317: {  	v62 =	vadd.s32 $0x1800, v9;
	[tilespmem:v8+s20+$0x0] =	vst.idx.add.f32.msk $0xffff, v6  }
0x318: {  	s7 =	sor.u32 s18, s25;
	[tilespmem:v10+s20+$0x0] =	vst.idx.add.f32.msk $0xffff, v11  }
0x319: {  	s4 =	sadd.s32 $0xA280, s22;
	v6 =	vadd.s32 $0x1800, v3;
	v8 =	vld [tilespmem:s7+$0x0]  }
0x31a: {  	s8 =	sor.u32 s24, s4;
	[tilespmem:v7+s20+$0x0] =	vst.idx.add.f32.msk $0xffff, v5  }
0x31b: {  	v7 =	vadd.s32 $0x2800, v2;
	v5 =	vld [tilespmem:s8+$0x0]  }
0x31c: {  	[tilespmem:v62+s20+$0x0] =	vst.idx.add.f32.msk $0xffff, v12;
	s5 =	sor.u32 s6, s25  }
0x31d: {  	v11 =	vadd.s32 $0x1800, v4;
	v10 =	vld [tilespmem:s5+$0x0]  }
0x31e: {  	s23 =	sor.u32 s18, s1;
	[tilespmem:v6+s20+$0x0] =	vst.idx.add.f32.msk $0xffff, v8  }
0x31f: {  	s3 =	sadd.s32 $0xA300, s22;
	v6 =	vld [tilespmem:s23+$0x0]  }
0x320: {  	s25 =	sor.u32 s24, s3;
	v8 =	vadd.s32 $0x2000, v3;
	[tilespmem:v7+s20+$0x0] =	vst.idx.add.f32.msk $0xffff, v5  }
0x321: {  	v7 =	vadd.s32 $0x3000, v2;
	v5 =	vld [tilespmem:s25+$0x0]  }
0x322: {  	s26 =	sor.u32 s6, s1;
	[tilespmem:v11+s20+$0x0] =	vst.idx.add.f32.msk $0xffff, v10  }
0x323: {  	s1 =	sor.u32 s0, s1;
	v10 =	vadd.s32 $0x2000, v4;
	v11 =	vld [tilespmem:s26+$0x0]  }
0x324: {  	v12 =	vld [tilespmem:s1+$0x0]  }
0x325: {  	s1 =	sadd.s32 $0xA380, s22;
	[tilespmem:v8+s20+$0x0] =	vst.idx.add.f32.msk $0xffff, v6  }
0x326: {  	v63 =	vadd.s32 $0x2000, v9;
	s5 =	sor.u32 s24, s1;
	[tilespmem:v7+s20+$0x0] =	vst.idx.add.f32.msk $0xffff, v5  }
0x327: {  	v2 =	vadd.s32 $0x3800, v2;
	v5 =	vld [tilespmem:s5+$0x0]  }
0x328: {  	s8 =	sor.u32 s6, s4;
	[tilespmem:v10+s20+$0x0] =	vst.idx.add.f32.msk $0xffff, v11  }
0x329: {  	s7 =	sor.u32 s18, s4;
	v8 =	vadd.s32 $0x2800, v4;
	v10 =	vld [tilespmem:s8+$0x0]  }
0x32a: {  	v6 =	vadd.s32 $0x2800, v3;
	v7 =	vld [tilespmem:s7+$0x0]  }
0x32b: {  	[tilespmem:v63+s20+$0x0] =	vst.idx.add.f32.msk $0xffff, v12  }
0x32c: {  	s22 =	sor.u32 s0, s4;
	[tilespmem:v2+s20+$0x0] =	vst.idx.add.f32.msk $0xffff, v5  }
0x32d: {  	v2 =	vadd.s32 $0x2800, v9;
	v5 =	vld [tilespmem:s22+$0x0]  }
0x32e: {  	[tilespmem:v8+s20+$0x0] =	vst.idx.add.f32.msk $0xffff, v10  }
0x32f: {  	s23 =	sor.u32 s18, s3;
	[tilespmem:v6+s20+$0x0] =	vst.idx.add.f32.msk $0xffff, v7  }
0x330: {  	s24 =	sor.u32 s6, s3;
	v6 =	vadd.s32 $0x3000, v3;
	v7 =	vld [tilespmem:s23+$0x0]  }
0x331: {  	v11 =	vld [tilespmem:s24+$0x0]  }
0x332: {  	s25 =	sor.u32 s0, s3;
	v10 =	vadd.s32 $0x3000, v4;
	[tilespmem:v2+s20+$0x0] =	vst.idx.add.f32.msk $0xffff, v5  }
0x333: {  	v8 =	vadd.s32 $0x3000, v9;
	v5 =	vld [tilespmem:s25+$0x0];
	_ =	sdelay $0x1  }
0x334: {  	s26 =	sor.u32 s18, s1;
	[tilespmem:v6+s20+$0x0] =	vst.idx.add.f32.msk $0xffff, v7  }
0x335: {  	v6 =	vadd.s32 $0x3800, v3;
	v7 =	vld [tilespmem:s26+$0x0]  }
0x336: {  	s23 =	sor.u32 s6, s1;
	s22 =	sor.u32 s0, s1;
	[tilespmem:v10+s20+$0x0] =	vst.idx.add.f32.msk $0xffff, v11;
	v2 =	vadd.s32 $0x3800, v4;
	v3 =	vadd.s32 $0x3800, v9  }
.LBB2_44:
0x337: {  	s29 =	sadd.s32 $0x40, s29;
	[tilespmem:v8+s20+$0x0] =	vst.idx.add.f32.msk $0xffff, v5;
	s28 =	sadd.s32 $0x200, s28  }
0x338: {  	s18 =	sand.u32 $0x40, s29;
	s24 =	sand.u32 $0x7C00, s28;
	p1 =	slt.u32 s29, $0xFC0;
	v5 =	vld [tilespmem:s23+$0x0]  }
0x339: {  	s1 =	sshrl.u32 s24, $0x2;
	s0 =	sor.u32 $0x10, s18;
	s6 =	sor.u32 $0x30, s18;
	v4 =	vld [tilespmem:s22+$0x0]  }
0x33a: {  	s22 =	sor.u32 $0x20, s18;
	s2 =	sor.u32 s0, s1;
	s3 =	sor.u32 s6, s1;
	[tilespmem:v6+s20+$0x0] =	vst.idx.add.f32.msk $0xffff, v7  }
0x33b: {  	s4 =	sor.u32 s18, s1;
	s1 =	sor.u32 s22, s1;
	v7 =	vld [tilespmem:s3+$0x80]  }
0x33c: {  	s3 =	sadd.s32 $0xA000, s24;
	v6 =	vld [tilespmem:s2+$0x80]  }
0x33d: {  	s2 =	sor.u32 s0, s3;
	s5 =	sor.u32 s6, s3;
	v13 =	vld [tilespmem:s1+$0x80];
	s1 =	sor.u32 s22, s3  }
0x33e: {  	s3 =	sor.u32 s18, s3;
	v8 =	vld [tilespmem:s5+$0x0]  }
0x33f: {  	v17 =	vld [tilespmem:s4+$0x80]  }
0x340: {  	v10 =	vld [tilespmem:s2+$0x0]  }
0x341: {  	v18 =	vadd.s32 $0x800, v6;
	v19 =	vadd.s32 $0x1000, v6;
	v20 =	vadd.s32 $0x1800, v6;
	v21 =	vld [tilespmem:s1+$0x0]  }
0x342: {  	s1 =	sadd.s32 $0xA080, s24;
	v22 =	vld [tilespmem:s3+$0x0];
	v23 =	vadd.s32 $0x800, v13;
	v24 =	vadd.s32 $0x1000, v13;
	v25 =	vadd.s32 $0x1800, v13  }
0x343: {  	v15 =	vadd.s32 $0x2000, v6;
	v9 =	vadd.s32 $0x2800, v6;
	s2 =	sor.u32 s0, s1;
	s3 =	sor.u32 s22, s1;
	v16 =	vadd.s32 $0x2000, v13;
	s4 =	sor.u32 s6, s1;
	[tilespmem:v7+s20+$0x0] =	vst.idx.add.f32.msk $0xffff, v8  }
0x344: {  	v29 =	vadd.s32 $0x800, v7;
	s1 =	sor.u32 s18, s1;
	v26 =	vadd.s32 $0x800, v17;
	v27 =	vadd.s32 $0x1000, v17;
	v28 =	vld [tilespmem:s4+$0x0]  }
0x345: {  	v14 =	vadd.s32 $0x2800, v13;
	v30 =	vadd.s32 $0x1800, v17;
	v31 =	vadd.s32 $0x2000, v17;
	[tilespmem:v6+s20+$0x0] =	vst.idx.add.f32.msk $0xffff, v10  }
0x346: {  	v11 =	vadd.s32 $0x3000, v6;
	v12 =	vadd.s32 $0x2800, v17;
	v10 =	vadd.s32 $0x3000, v13;
	[tilespmem:v13+s20+$0x0] =	vst.idx.add.f32.msk $0xffff, v21  }
0x347: {  	v8 =	vadd.s32 $0x3000, v17;
	v6 =	vadd.s32 $0x3800, v6;
	v21 =	vadd.s32 $0x3800, v13;
	[tilespmem:v17+s20+$0x0] =	vst.idx.add.f32.msk $0xffff, v22  }
0x348: {  	s4 =	sadd.s32 $0xA100, s24;
	v13 =	vadd.s32 $0x3800, v17;
	v17 =	vld [tilespmem:s2+$0x0]  }
0x349: {  	s5 =	sor.u32 s22, s4;
	s7 =	sor.u32 s6, s4;
	s2 =	sor.u32 s0, s4;
	[tilespmem:v29+s20+$0x0] =	vst.idx.add.f32.msk $0xffff, v28  }
0x34a: {  	s4 =	sor.u32 s18, s4;
	v28 =	vadd.s32 $0x1000, v7;
	v22 =	vld [tilespmem:s7+$0x0]  }
0x34b: {  	v29 =	vld [tilespmem:s3+$0x0]  }
0x34c: {  	v32 =	vld [tilespmem:s1+$0x0]  }
0x34d: {  	[tilespmem:v18+s20+$0x0] =	vst.idx.add.f32.msk $0xffff, v17  }
0x34e: {  	s1 =	sadd.s32 $0xA180, s24;
	v17 =	vld [tilespmem:s2+$0x0]  }
0x34f: {  	s3 =	sor.u32 s22, s1;
	s7 =	sor.u32 s6, s1;
	s2 =	sor.u32 s0, s1;
	[tilespmem:v28+s20+$0x0] =	vst.idx.add.f32.msk $0xffff, v22  }
0x350: {  	s1 =	sor.u32 s18, s1;
	v22 =	vadd.s32 $0x1800, v7;
	v18 =	vld [tilespmem:s7+$0x0]  }
0x351: {  	[tilespmem:v23+s20+$0x0] =	vst.idx.add.f32.msk $0xffff, v29  }
0x352: {  	[tilespmem:v26+s20+$0x0] =	vst.idx.add.f32.msk $0xffff, v32  }
0x353: {  	v23 =	vld [tilespmem:s5+$0x0]  }
0x354: {  	v26 =	vld [tilespmem:s4+$0x0];
	s4 =	sadd.s32 $0xA200, s24  }
0x355: {  	s5 =	sor.u32 s0, s4;
	s7 =	sor.u32 s22, s4;
	[tilespmem:v22+s20+$0x0] =	vst.idx.add.f32.msk $0xffff, v18;
	s23 =	sor.u32 s6, s4  }
0x356: {  	s4 =	sor.u32 s18, s4;
	v22 =	vadd.s32 $0x2000, v7;
	v18 =	vld [tilespmem:s23+$0x0]  }
0x357: {  	[tilespmem:v19+s20+$0x0] =	vst.idx.add.f32.msk $0xffff, v17  }
0x358: {  	[tilespmem:v24+s20+$0x0] =	vst.idx.add.f32.msk $0xffff, v23  }
0x359: {  	[tilespmem:v27+s20+$0x0] =	vst.idx.add.f32.msk $0xffff, v26  }
0x35a: {  	s23 =	sadd.s32 $0xA280, s24;
	v17 =	vld [tilespmem:s2+$0x0]  }
0x35b: {  	s25 =	sor.u32 s22, s23;
	s26 =	sor.u32 s6, s23;
	s2 =	sor.u32 s0, s23;
	[tilespmem:v22+s20+$0x0] =	vst.idx.add.f32.msk $0xffff, v18  }
0x35c: {  	s8 =	sor.u32 s18, s23;
	v19 =	vadd.s32 $0x2800, v7;
	v18 =	vld [tilespmem:s26+$0x0]  }
0x35d: {  	v22 =	vld [tilespmem:s3+$0x0]  }
0x35e: {  	v23 =	vld [tilespmem:s1+$0x0]  }
0x35f: {  	[tilespmem:v20+s20+$0x0] =	vst.idx.add.f32.msk $0xffff, v17  }
0x360: {  	s1 =	sadd.s32 $0xA300, s24;
	v17 =	vld [tilespmem:s5+$0x0]  }
0x361: {  	s3 =	sor.u32 s0, s1;
	s23 =	sor.u32 s6, s1;
	s5 =	sor.u32 s22, s1;
	[tilespmem:v19+s20+$0x0] =	vst.idx.add.f32.msk $0xffff, v18  }
0x362: {  	s1 =	sor.u32 s18, s1;
	v19 =	vadd.s32 $0x3000, v7;
	v18 =	vld [tilespmem:s23+$0x0]  }
0x363: {  	[tilespmem:v25+s20+$0x0] =	vst.idx.add.f32.msk $0xffff, v22  }
0x364: {  	[tilespmem:v30+s20+$0x0] =	vst.idx.add.f32.msk $0xffff, v23  }
0x365: {  	v20 =	vld [tilespmem:s7+$0x0]  }
0x366: {  	v22 =	vld [tilespmem:s4+$0x0];
	s4 =	sadd.s32 $0xA380, s24  }
0x367: {  	s0 =	sor.u32 s0, s4;
	s23 =	sor.u32 s22, s4;
	[tilespmem:v19+s20+$0x0] =	vst.idx.add.f32.msk $0xffff, v18;
	s6 =	sor.u32 s6, s4  }
0x368: {  	v7 =	vadd.s32 $0x3800, v7;
	s22 =	sor.u32 s18, s4;
	v18 =	vld [tilespmem:s6+$0x0]  }
0x369: {  	[tilespmem:v15+s20+$0x0] =	vst.idx.add.f32.msk $0xffff, v17  }
0x36a: {  	[tilespmem:v16+s20+$0x0] =	vst.idx.add.f32.msk $0xffff, v20  }
0x36b: {  	[tilespmem:v31+s20+$0x0] =	vst.idx.add.f32.msk $0xffff, v22  }
0x36c: {  	v15 =	vld [tilespmem:s2+$0x0]  }
0x36d: {  	[tilespmem:v7+s20+$0x0] =	vst.idx.add.f32.msk $0xffff, v18  }
0x36e: {  	v7 =	vld [tilespmem:s25+$0x0]  }
0x36f: {  	v16 =	vld [tilespmem:s8+$0x0]  }
0x370: {  	[tilespmem:v2+s20+$0x0] =	vst.idx.add.f32.msk $0xffff, v5;
	v2 =	vmov v21  }
0x371: {  	[tilespmem:v9+s20+$0x0] =	vst.idx.add.f32.msk $0xffff, v15  }
0x372: {  	v9 =	vld [tilespmem:s3+$0x0]  }
0x373: {  	[tilespmem:v14+s20+$0x0] =	vst.idx.add.f32.msk $0xffff, v7  }
0x374: {  	[tilespmem:v12+s20+$0x0] =	vst.idx.add.f32.msk $0xffff, v16  }
0x375: {  	v12 =	vld [tilespmem:s5+$0x0]  }
.Ltmp23:
0x376: {  	v5 =	vld [tilespmem:s1+$0x0];
	(pc) =	sbr.rel @p1 .LBB2_44-.Ltmp23, $4  }
0x377: {  	[tilespmem:v11+s20+$0x0] =	vst.idx.add.f32.msk $0xffff, v9  }
0x378: {  	v7 =	vld [tilespmem:s0+$0x0]  }
0x379: {  	[tilespmem:v3+s20+$0x0] =	vst.idx.add.f32.msk $0xffff, v4;
	v3 =	vmov v13  }
0x37a: {  	[tilespmem:v10+s20+$0x0] =	vst.idx.add.f32.msk $0xffff, v12  }
0x37b: {  	_ =	sdelay $0x3  }
0x37c: {  	[tilespmem:v8+s20+$0x0] =	vst.idx.add.f32.msk $0xffff, v5  }
0x37d: {  	v4 =	vld [tilespmem:s23+$0x0]  }
0x37e: {  	v5 =	vld [tilespmem:s22+$0x0];
	_ =	sdelay $0x1  }
.Ltmp24:
0x37f: {  	_ = 	snop;
	(pc) =	sbr.rel @p3 .LBB2_49-.Ltmp24, $4  }
0x380: {  	[tilespmem:v6+s20+$0x0] =	vst.idx.add.f32.msk $0xffff, v7  }
0x381: {  	[tilespmem:v2+s20+$0x0] =	vst.idx.add.f32.msk $0xffff, v4  }
0x382: {  	[tilespmem:v3+s20+$0x0] =	vst.idx.add.f32.msk $0xffff, v5  }
0x383: {  	s26 =	rddreg [dreg:$0xa]  }
0x384: {  	p1 =	por $0x0, $0x0;
	s0 =	simm.s32 $0x1  }
0x385: {  	s0 =	simm.s32 @!p1 $0x0  }
0x386: {  	s0 =	sshll.u32 s0, $0x6  }
0x387: {  	s0 =	sadd.s32 $0x0, s0  }
0x388: {  	s1 =	sor.u32 $0xB0, s0  }
0x389: {  	v3 =	vld [tilespmem:s1+$0x0];
	_ =	sdelay $0x1  }
0x38a: {  	s2 =	simm.s32 $0x1;
	p1 =	por !p1, !p1  }
0x38b: {  	s2 =	simm.s32 @!p1 $0x0;
	s23 =	sor.u32 $0x80, s0  }
0x38c: {  	s24 =	sshll.u32 s2, $0x6;
	s3 =	sor.u32 $0x90, s0;
	v8 =	vld [tilespmem:s23+$0x0]  }
0x38d: {  	s0 =	sor.u32 $0xA0, s0;
	s25 =	sadd.s32 $0x80, s24;
	v2 =	vld [tilespmem:s3+$0x0]  }
0x38e: {  	v4 =	vld [tilespmem:s0+$0x0];
	s28 =	sor.u32 $0x80, s25  }
0x38f: {  	v6 =	vld [tilespmem:s28+$0x0]  }
0x390: {  	s1 =	sor.u32 $0xB0, s25;
	[tilespmem:v3+s21+$0x0] =	vst.idx.add.f32.msk $0xffff, v1  }
0x391: {  	s29 =	sor.u32 $0x90, s25;
	v3 =	vld [tilespmem:s1+$0x0]  }
0x392: {  	s0 =	sor.u32 $0xA0, s25;
	v7 =	vld [tilespmem:s29+$0x0]  }
0x393: {  	v5 =	vld [tilespmem:s0+$0x0]  }
0x394: {  	s6 =	simm.s32 $0x80;
	p1 =	por !p1, !p1;
	s0 =	simm.s32 $0x40;
	[tilespmem:v8+s21+$0x0] =	vst.idx.add.f32.msk $0xffff, v1  }
.LBB2_47:
0x395: {  	s1 =	simm.s32 $0x1  }
0x396: {  	s0 =	sadd.s32 $0x40, s0;
	[tilespmem:v2+s21+$0x0] =	vst.idx.add.f32.msk $0xffff, v1;
	s1 =	simm.s32 @!p1 $0x0  }
0x397: {  	s6 =	sadd.s32 $0x80, s6;
	p2 =	slt.u32 s0, $0xFC0;
	v8 =	vmov v6;
	s1 =	sshll.u32 s1, $0x6;
	[tilespmem:v4+s21+$0x0] =	vst.idx.add.f32.msk $0xffff, v1  }
0x398: {  	v2 =	vmov v7;
	s1 =	sadd.s32 s1, s6  }
0x399: {  	v4 =	vmov v5;
	s2 =	sor.u32 $0x80, s1;
	s3 =	sor.u32 $0x90, s1;
	s4 =	sor.u32 $0xB0, s1;
	[tilespmem:v3+s21+$0x0] =	vst.idx.add.f32.msk $0xffff, v1  }
.Ltmp25:
0x39a: {  	s1 =	sor.u32 $0xA0, s1;
	v3 =	vld [tilespmem:s4+$0x0];
	(pc) =	sbr.rel @p2 .LBB2_47-.Ltmp25, $4  }
0x39b: {  	v6 =	vld [tilespmem:s2+$0x0]  }
0x39c: {  	v7 =	vld [tilespmem:s3+$0x0]  }
0x39d: {  	v5 =	vld [tilespmem:s1+$0x0]  }
0x39e: {  	p1 =	por !p1, !p1;
	[tilespmem:v8+s21+$0x0] =	vst.idx.add.f32.msk $0xffff, v1  }
0x39f: {  	_ =	sdelay $0x3  }
0x3a0: {  	[tilespmem:v2+s21+$0x0] =	vst.idx.add.f32.msk $0xffff, v1  }
0x3a1: {  	[tilespmem:v4+s21+$0x0] =	vst.idx.add.f32.msk $0xffff, v1  }
0x3a2: {  	[tilespmem:v3+s21+$0x0] =	vst.idx.add.f32.msk $0xffff, v1  }
0x3a3: {  	[tilespmem:v6+s21+$0x0] =	vst.idx.add.f32.msk $0xffff, v1  }
0x3a4: {  	[tilespmem:v7+s21+$0x0] =	vst.idx.add.f32.msk $0xffff, v1  }
0x3a5: {  	[tilespmem:v5+s21+$0x0] =	vst.idx.add.f32.msk $0xffff, v1  }
.LBB2_49:
0x3a6: {  	s0 =	simm.s32 $0x80  }
0x3a7: {  	s6 =	simm.s32 $0x10;
	s22 =	sadd.s32 $0x0, s26;
	s18 =	simm.s32 $0x180  }
.LBB2_50:
0x3a8: {  	[tilespmem:s0], [sflag:$0x2] =	stream.linear.gather [hbm4b:s22+s10], $0x80, $0x38;
	[tilespmem:$0x16800] =	vst v63  }
0x3a9: {  	s1 =	smov.u32 s6;
	s0 =	smov.u32 s18;
	p1 =	sne.s32 s6, $0x1F0  }
.Ltmp26:
0x3aa: {  	s6 =	sadd.s32 $0x10, s6;
	(pc) =	sbr.rel @p1 .LBB2_50-.Ltmp26, $2  }
0x3ab: {  	_ =	sdelay $0x2  }
0x3ac: {  	s18 =	sadd.s32 $0x100, s18;
	s22 =	sadd.s32 s1, s26  }
0x3ad: {  	[tilespmem:s0], [sflag:$0x2] =	stream.linear.gather [hbm4b:s22+s10], $0x80, $0x38;
	[tilespmem:$0x16800] =	vst v63  }
0x3ae: {  	s0 =	simm.s32 $0xA000  }
0x3af: {  	s6 =	simm.s32 $0x10;
	s22 =	sadd.s32 $0x0, s16;
	s18 =	simm.s32 $0xA400  }
.LBB2_52:
0x3b0: {  	[tilespmem:s0], [sflag:$0x4] =	stream.strided.gather [hbm4b:s22+s30], $0x400, s31, s30, $0x38;
	[tilespmem:$0x16800] =	vst v63  }
0x3b1: {  	s1 =	smov.u32 s6;
	s0 =	smov.u32 s18;
	p1 =	sne.s32 s6, $0x1F0  }
.Ltmp27:
0x3b2: {  	s6 =	sadd.s32 $0x10, s6;
	(pc) =	sbr.rel @p1 .LBB2_52-.Ltmp27, $2  }
0x3b3: {  	_ =	sdelay $0x2  }
0x3b4: {  	s18 =	sadd.s32 $0x400, s18;
	s22 =	sadd.s32 s1, s16  }
0x3b5: {  	[tilespmem:s0], [sflag:$0x4] =	stream.strided.gather [hbm4b:s22+s30], $0x400, s31, s30, $0x38;
	[tilespmem:$0x16800] =	vst v63  }
0x3b6: {  	s22 =	simm.s32 $0x1  }
0x3b7: {  	_ =	swait.ge [sflag:s22], $0x1000  }
0x3b8: {  	s28 =	simm.s32 $0x0;
	[sflag:s22] =	ssyncset.done $0x0  }
0x3b9: {  	s29 =	simm.s32 $0x0;
	s4 =	simm.s32 $0x3;
	[sflag:s22] =	ssyncadd.s32 $0xFFFFF000  }
0x3ba: {  	s1 =	sand.u32 $0x40, s29;
	s23 =	sand.u32 $0x7C00, s28;
	_ =	swait.ge [sflag:s4], $0x8000  }
0x3bb: {  	s2 =	sshrl.u32 s23, $0x2;
	s3 =	sor.u32 $0x30, s1;
	[sflag:s4] =	ssyncset.done $0x0  }
0x3bc: {  	s24 =	sor.u32 $0x10, s1;
	s5 =	sor.u32 s3, s2;
	[sflag:s4] =	ssyncadd.s32 $0xFFFF8000  }
0x3bd: {  	s7 =	sor.u32 $0x20, s1;
	s6 =	sor.u32 s24, s2;
	v2 =	vld [tilespmem:s5+$0x0]  }
0x3be: {  	s8 =	sadd.s32 $0x2000, s23;
	s25 =	sor.u32 s7, s2;
	v3 =	vld [tilespmem:s6+$0x0]  }
0x3bf: {  	s26 =	sor.u32 s3, s8;
	v4 =	vld [tilespmem:s25+$0x0]  }
0x3c0: {  	s2 =	sor.u32 s1, s2;
	v5 =	vld [tilespmem:s26+$0x0]  }
0x3c1: {  	s0 =	sor.u32 s24, s8;
	v9 =	vld [tilespmem:s2+$0x0]  }
0x3c2: {  	v6 =	vld [tilespmem:s0+$0x0]  }
0x3c3: {  	s24 =	sor.u32 s7, s8  }
0x3c4: {  	s18 =	sor.u32 s1, s8;
	v7 =	vld [tilespmem:s24+$0x0]  }
0x3c5: {  	v8 =	vld [tilespmem:s18+$0x0]  }
0x3c6: {  	[tilespmem:v2+s20+$0x0] =	vst.idx.add.f32.msk $0xffff, v5  }
0x3c7: {  	[tilespmem:v3+s20+$0x0] =	vst.idx.add.f32.msk $0xffff, v6  }
0x3c8: {  	v10 =	vadd.s32 $0x800, v2;
	v5 =	vld [tilespmem:s26+$0x80]  }
0x3c9: {  	[tilespmem:v4+s20+$0x0] =	vst.idx.add.f32.msk $0xffff, v7  }
0x3ca: {  	[tilespmem:v9+s20+$0x0] =	vst.idx.add.f32.msk $0xffff, v8  }
0x3cb: {  	v6 =	vadd.s32 $0x800, v3;
	v7 =	vld [tilespmem:s0+$0x80]  }
0x3cc: {  	v13 =	vadd.s32 $0x800, v9;
	v12 =	vld [tilespmem:s18+$0x80]  }
0x3cd: {  	[tilespmem:v10+s20+$0x0] =	vst.idx.add.f32.msk $0xffff, v5  }
0x3ce: {  	v8 =	vadd.s32 $0x1000, v2;
	v5 =	vld [tilespmem:s26+$0x100]  }
0x3cf: {  	v10 =	vld [tilespmem:s24+$0x80]  }
0x3d0: {  	[tilespmem:v6+s20+$0x0] =	vst.idx.add.f32.msk $0xffff, v7  }
0x3d1: {  	v11 =	vadd.s32 $0x800, v4;
	[tilespmem:v13+s20+$0x0] =	vst.idx.add.f32.msk $0xffff, v12  }
0x3d2: {  	v13 =	vld [tilespmem:s18+$0x100]  }
0x3d3: {  	v61 =	vadd.s32 $0x1000, v9;
	[tilespmem:v8+s20+$0x0] =	vst.idx.add.f32.msk $0xffff, v5  }
0x3d4: {  	v7 =	vadd.s32 $0x1800, v2;
	v5 =	vld [tilespmem:s26+$0x180]  }
0x3d5: {  	v6 =	vld [tilespmem:s0+$0x100]  }
0x3d6: {  	[tilespmem:v11+s20+$0x0] =	vst.idx.add.f32.msk $0xffff, v10  }
0x3d7: {  	v8 =	vadd.s32 $0x1000, v3;
	v11 =	vld [tilespmem:s24+$0x100]  }
0x3d8: {  	v10 =	vadd.s32 $0x1000, v4;
	[tilespmem:v61+s20+$0x0] =	vst.idx.add.f32.msk $0xffff, v13  }
0x3d9: {  	[tilespmem:v7+s20+$0x0] =	vst.idx.add.f32.msk $0xffff, v5  }
0x3da: {  	v7 =	vadd.s32 $0x2000, v2;
	v5 =	vld [tilespmem:s26+$0x200]  }
0x3db: {  	v12 =	vld [tilespmem:s18+$0x180]  }
0x3dc: {  	[tilespmem:v8+s20+$0x0] =	vst.idx.add.f32.msk $0xffff, v6  }
0x3dd: {  	v62 =	vadd.s32 $0x1800, v9;
	[tilespmem:v10+s20+$0x0] =	vst.idx.add.f32.msk $0xffff, v11  }
0x3de: {  	v6 =	vadd.s32 $0x1800, v3;
	v8 =	vld [tilespmem:s0+$0x180]  }
0x3df: {  	[tilespmem:v7+s20+$0x0] =	vst.idx.add.f32.msk $0xffff, v5  }
0x3e0: {  	v7 =	vadd.s32 $0x2800, v2;
	v5 =	vld [tilespmem:s26+$0x280]  }
0x3e1: {  	v10 =	vld [tilespmem:s24+$0x180]  }
0x3e2: {  	[tilespmem:v62+s20+$0x0] =	vst.idx.add.f32.msk $0xffff, v12  }
0x3e3: {  	v11 =	vadd.s32 $0x1800, v4;
	[tilespmem:v6+s20+$0x0] =	vst.idx.add.f32.msk $0xffff, v8  }
0x3e4: {  	v6 =	vld [tilespmem:s0+$0x200]  }
0x3e5: {  	v8 =	vadd.s32 $0x2000, v3;
	[tilespmem:v7+s20+$0x0] =	vst.idx.add.f32.msk $0xffff, v5  }
0x3e6: {  	v7 =	vadd.s32 $0x3000, v2;
	v5 =	vld [tilespmem:s26+$0x300]  }
0x3e7: {  	v12 =	vld [tilespmem:s18+$0x200]  }
0x3e8: {  	[tilespmem:v11+s20+$0x0] =	vst.idx.add.f32.msk $0xffff, v10  }
0x3e9: {  	v63 =	vadd.s32 $0x2000, v9;
	v11 =	vld [tilespmem:s24+$0x200]  }
0x3ea: {  	v10 =	vadd.s32 $0x2000, v4;
	[tilespmem:v8+s20+$0x0] =	vst.idx.add.f32.msk $0xffff, v6  }
0x3eb: {  	[tilespmem:v7+s20+$0x0] =	vst.idx.add.f32.msk $0xffff, v5  }
0x3ec: {  	v6 =	vadd.s32 $0x2800, v3;
	v7 =	vld [tilespmem:s0+$0x280]  }
0x3ed: {  	v2 =	vadd.s32 $0x3800, v2;
	v5 =	vld [tilespmem:s26+$0x380]  }
0x3ee: {  	[tilespmem:v63+s20+$0x0] =	vst.idx.add.f32.msk $0xffff, v12  }
0x3ef: {  	[tilespmem:v10+s20+$0x0] =	vst.idx.add.f32.msk $0xffff, v11  }
0x3f0: {  	v10 =	vld [tilespmem:s24+$0x280]  }
0x3f1: {  	v8 =	vadd.s32 $0x2800, v4;
	[tilespmem:v6+s20+$0x0] =	vst.idx.add.f32.msk $0xffff, v7  }
0x3f2: {  	[tilespmem:v2+s20+$0x0] =	vst.idx.add.f32.msk $0xffff, v5  }
0x3f3: {  	v2 =	vadd.s32 $0x2800, v9;
	v5 =	vld [tilespmem:s18+$0x280]  }
0x3f4: {  	v6 =	vadd.s32 $0x3000, v3;
	v7 =	vld [tilespmem:s0+$0x300];
	_ =	sdelay $0x1  }
0x3f5: {  	[tilespmem:v8+s20+$0x0] =	vst.idx.add.f32.msk $0xffff, v10  }
0x3f6: {  	v11 =	vld [tilespmem:s24+$0x300]  }
0x3f7: {  	[tilespmem:v2+s20+$0x0] =	vst.idx.add.f32.msk $0xffff, v5  }
0x3f8: {  	v10 =	vadd.s32 $0x3000, v4;
	[tilespmem:v6+s20+$0x0] =	vst.idx.add.f32.msk $0xffff, v7  }
0x3f9: {  	v7 =	vadd.s32 $0x3000, v9;
	v5 =	vld [tilespmem:s18+$0x300];
	_ =	sdelay $0x2  }
0x3fa: {  	v6 =	vadd.s32 $0x3800, v3;
	v8 =	vld [tilespmem:s0+$0x380]  }
0x3fb: {  	[tilespmem:v10+s20+$0x0] =	vst.idx.add.f32.msk $0xffff, v11;
	v2 =	vadd.s32 $0x3800, v4;
	v3 =	vadd.s32 $0x3800, v9  }
.LBB2_54:
0x3fc: {  	s29 =	sadd.s32 $0x40, s29;
	[tilespmem:v7+s20+$0x0] =	vst.idx.add.f32.msk $0xffff, v5;
	s28 =	sadd.s32 $0x200, s28  }
0x3fd: {  	s1 =	sand.u32 $0x40, s29;
	s0 =	sand.u32 $0x7C00, s28;
	p1 =	slt.u32 s29, $0xFC0;
	v5 =	vld [tilespmem:s24+$0x380]  }
0x3fe: {  	s2 =	sshrl.u32 s0, $0x2;
	s3 =	sor.u32 $0x10, s1;
	s4 =	sor.u32 $0x30, s1;
	v4 =	vld [tilespmem:s18+$0x380]  }
0x3ff: {  	s6 =	sor.u32 $0x20, s1;
	s5 =	sor.u32 s3, s2;
	s7 =	sor.u32 s4, s2;
	[tilespmem:v6+s20+$0x0] =	vst.idx.add.f32.msk $0xffff, v8  }
0x400: {  	s8 =	sor.u32 s1, s2;
	s2 =	sor.u32 s6, s2;
	v8 =	vld [tilespmem:s7+$0x0]  }
0x401: {  	s7 =	sadd.s32 $0x2000, s0;
	v6 =	vld [tilespmem:s5+$0x0]  }
0x402: {  	s0 =	sor.u32 s3, s7;
	s24 =	sor.u32 s6, s7;
	s6 =	sor.u32 s4, s7;
	v9 =	vld [tilespmem:s2+$0x0]  }
0x403: {  	s18 =	sor.u32 s1, s7;
	v7 =	vld [tilespmem:s6+$0x0]  }
0x404: {  	v10 =	vld [tilespmem:s8+$0x0]  }
0x405: {  	v11 =	vld [tilespmem:s0+$0x0]  }
0x406: {  	v12 =	vadd.s32 $0x800, v6;
	v13 =	vadd.s32 $0x1000, v6;
	v14 =	vadd.s32 $0x1800, v6;
	v15 =	vld [tilespmem:s24+$0x0]  }
0x407: {  	v16 =	vld [tilespmem:s18+$0x0];
	v17 =	vadd.s32 $0x800, v9;
	v18 =	vadd.s32 $0x1000, v9;
	v19 =	vadd.s32 $0x1800, v9  }
0x408: {  	v20 =	vadd.s32 $0x2000, v6;
	v21 =	vadd.s32 $0x2800, v6;
	v22 =	vadd.s32 $0x2000, v9;
	[tilespmem:v8+s20+$0x0] =	vst.idx.add.f32.msk $0xffff, v7  }
0x409: {  	v26 =	vadd.s32 $0x800, v8;
	v23 =	vadd.s32 $0x800, v10;
	v24 =	vadd.s32 $0x1000, v10;
	v25 =	vld [tilespmem:s6+$0x80]  }
0x40a: {  	v27 =	vadd.s32 $0x1800, v10;
	v28 =	vadd.s32 $0x2000, v10;
	[tilespmem:v6+s20+$0x0] =	vst.idx.add.f32.msk $0xffff, v11;
	v11 =	vadd.s32 $0x2800, v9  }
0x40b: {  	v30 =	vadd.s32 $0x3000, v6;
	v29 =	vadd.s32 $0x2800, v10;
	[tilespmem:v9+s20+$0x0] =	vst.idx.add.f32.msk $0xffff, v15;
	v15 =	vadd.s32 $0x3000, v9  }
0x40c: {  	v7 =	vadd.s32 $0x3000, v10;
	v6 =	vadd.s32 $0x3800, v6;
	v9 =	vadd.s32 $0x3800, v9;
	[tilespmem:v10+s20+$0x0] =	vst.idx.add.f32.msk $0xffff, v16  }
0x40d: {  	v10 =	vadd.s32 $0x3800, v10;
	v16 =	vld [tilespmem:s0+$0x80]  }
0x40e: {  	[tilespmem:v26+s20+$0x0] =	vst.idx.add.f32.msk $0xffff, v25  }
0x40f: {  	v26 =	vadd.s32 $0x1000, v8;
	v25 =	vld [tilespmem:s6+$0x100]  }
0x410: {  	v31 =	vld [tilespmem:s24+$0x80]  }
0x411: {  	v32 =	vld [tilespmem:s18+$0x80]  }
0x412: {  	[tilespmem:v12+s20+$0x0] =	vst.idx.add.f32.msk $0xffff, v16  }
0x413: {  	v12 =	vld [tilespmem:s0+$0x100]  }
0x414: {  	[tilespmem:v26+s20+$0x0] =	vst.idx.add.f32.msk $0xffff, v25  }
0x415: {  	v25 =	vadd.s32 $0x1800, v8;
	v16 =	vld [tilespmem:s6+$0x180]  }
0x416: {  	[tilespmem:v17+s20+$0x0] =	vst.idx.add.f32.msk $0xffff, v31  }
0x417: {  	[tilespmem:v23+s20+$0x0] =	vst.idx.add.f32.msk $0xffff, v32  }
0x418: {  	v17 =	vld [tilespmem:s24+$0x100]  }
0x419: {  	v23 =	vld [tilespmem:s18+$0x100]  }
0x41a: {  	[tilespmem:v25+s20+$0x0] =	vst.idx.add.f32.msk $0xffff, v16  }
0x41b: {  	v25 =	vadd.s32 $0x2000, v8;
	v16 =	vld [tilespmem:s6+$0x200]  }
0x41c: {  	[tilespmem:v13+s20+$0x0] =	vst.idx.add.f32.msk $0xffff, v12  }
0x41d: {  	[tilespmem:v18+s20+$0x0] =	vst.idx.add.f32.msk $0xffff, v17  }
0x41e: {  	[tilespmem:v24+s20+$0x0] =	vst.idx.add.f32.msk $0xffff, v23  }
0x41f: {  	v12 =	vld [tilespmem:s0+$0x180]  }
0x420: {  	[tilespmem:v25+s20+$0x0] =	vst.idx.add.f32.msk $0xffff, v16  }
0x421: {  	v16 =	vadd.s32 $0x2800, v8;
	v13 =	vld [tilespmem:s6+$0x280]  }
0x422: {  	v17 =	vld [tilespmem:s24+$0x180]  }
0x423: {  	v18 =	vld [tilespmem:s18+$0x180]  }
0x424: {  	[tilespmem:v14+s20+$0x0] =	vst.idx.add.f32.msk $0xffff, v12  }
0x425: {  	v12 =	vld [tilespmem:s0+$0x200]  }
0x426: {  	[tilespmem:v16+s20+$0x0] =	vst.idx.add.f32.msk $0xffff, v13  }
0x427: {  	v14 =	vadd.s32 $0x3000, v8;
	v13 =	vld [tilespmem:s6+$0x300]  }
0x428: {  	[tilespmem:v19+s20+$0x0] =	vst.idx.add.f32.msk $0xffff, v17  }
0x429: {  	[tilespmem:v27+s20+$0x0] =	vst.idx.add.f32.msk $0xffff, v18  }
0x42a: {  	v16 =	vld [tilespmem:s24+$0x200]  }
0x42b: {  	v17 =	vld [tilespmem:s18+$0x200]  }
0x42c: {  	[tilespmem:v14+s20+$0x0] =	vst.idx.add.f32.msk $0xffff, v13  }
0x42d: {  	v8 =	vadd.s32 $0x3800, v8;
	v13 =	vld [tilespmem:s6+$0x380]  }
0x42e: {  	[tilespmem:v20+s20+$0x0] =	vst.idx.add.f32.msk $0xffff, v12  }
0x42f: {  	[tilespmem:v22+s20+$0x0] =	vst.idx.add.f32.msk $0xffff, v16  }
0x430: {  	[tilespmem:v28+s20+$0x0] =	vst.idx.add.f32.msk $0xffff, v17  }
0x431: {  	v12 =	vld [tilespmem:s0+$0x280]  }
0x432: {  	[tilespmem:v8+s20+$0x0] =	vst.idx.add.f32.msk $0xffff, v13  }
0x433: {  	v8 =	vld [tilespmem:s24+$0x280]  }
0x434: {  	v13 =	vld [tilespmem:s18+$0x280]  }
0x435: {  	[tilespmem:v2+s20+$0x0] =	vst.idx.add.f32.msk $0xffff, v5;
	v2 =	vmov v9  }
0x436: {  	[tilespmem:v21+s20+$0x0] =	vst.idx.add.f32.msk $0xffff, v12  }
0x437: {  	v9 =	vld [tilespmem:s0+$0x300]  }
0x438: {  	[tilespmem:v11+s20+$0x0] =	vst.idx.add.f32.msk $0xffff, v8  }
0x439: {  	[tilespmem:v29+s20+$0x0] =	vst.idx.add.f32.msk $0xffff, v13  }
0x43a: {  	v11 =	vld [tilespmem:s24+$0x300]  }
.Ltmp28:
0x43b: {  	v5 =	vld [tilespmem:s18+$0x300];
	(pc) =	sbr.rel @p1 .LBB2_54-.Ltmp28, $4  }
0x43c: {  	[tilespmem:v30+s20+$0x0] =	vst.idx.add.f32.msk $0xffff, v9  }
0x43d: {  	v8 =	vld [tilespmem:s0+$0x380]  }
0x43e: {  	[tilespmem:v3+s20+$0x0] =	vst.idx.add.f32.msk $0xffff, v4;
	v3 =	vmov v10  }
0x43f: {  	[tilespmem:v15+s20+$0x0] =	vst.idx.add.f32.msk $0xffff, v11  }
0x440: {  	_ =	sdelay $0x3  }
0x441: {  	[tilespmem:v7+s20+$0x0] =	vst.idx.add.f32.msk $0xffff, v5  }
0x442: {  	v4 =	vld [tilespmem:s24+$0x380]  }
0x443: {  	v5 =	vld [tilespmem:s18+$0x380]  }
.Ltmp29:
0x444: {  	_ = 	snop;
	(pc) =	sbr.rel @p4 .LBB2_59-.Ltmp29, $4  }
0x445: {  	_ = 	snop  }
0x446: {  	[tilespmem:v6+s20+$0x0] =	vst.idx.add.f32.msk $0xffff, v8  }
0x447: {  	[tilespmem:v2+s20+$0x0] =	vst.idx.add.f32.msk $0xffff, v4  }
0x448: {  	[tilespmem:v3+s20+$0x0] =	vst.idx.add.f32.msk $0xffff, v5  }
0x449: {  	s0 =	simm.s32 $0x0;
	s1 =	simm.s32 $0x0  }
0x44a: {  	s1 =	sand.u32 $0x40, s1;
	s0 =	sand.u32 $0x1F00, s0  }
0x44b: {  	s1 =	sor.u32 s1, s0  }
0x44c: {  	v2 =	vld [tilespmem:s1+$0x30];
	_ =	sdelay $0x4  }
0x44d: {  	v7 =	vld [tilespmem:s1+$0x0]  }
0x44e: {  	s6 =	simm.s32 $0x80;
	s0 =	simm.s32 $0x40;
	v8 =	vld [tilespmem:s1+$0x10]  }
0x44f: {  	s2 =	sand.u32 $0x1F00, s6;
	v3 =	vld [tilespmem:s1+$0x20];
	s29 =	sand.u32 $0x40, s0  }
0x450: {  	s1 =	sor.u32 s29, s2;
	[tilespmem:v2+s21+$0x0] =	vst.idx.add.f32.msk $0xffff, v1  }
0x451: {  	v2 =	vld [tilespmem:s1+$0x30]  }
0x452: {  	v6 =	vld [tilespmem:s1+$0x0]  }
0x453: {  	v5 =	vld [tilespmem:s1+$0x10]  }
0x454: {  	v4 =	vld [tilespmem:s1+$0x20]  }
0x455: {  	[tilespmem:v7+s21+$0x0] =	vst.idx.add.f32.msk $0xffff, v1  }
0x456: {  	[tilespmem:v8+s21+$0x0] =	vst.idx.add.f32.msk $0xffff, v1  }
.LBB2_57:
0x457: {  	s0 =	sadd.s32 $0x40, s0;
	s6 =	sadd.s32 $0x80, s6;
	[tilespmem:v3+s21+$0x0] =	vst.idx.add.f32.msk $0xffff, v1;
	v7 =	vmov v6  }
0x458: {  	s1 =	sand.u32 $0x40, s0;
	s2 =	sand.u32 $0x1F00, s6;
	p1 =	slt.u32 s0, $0xFC0;
	v8 =	vmov v5  }
0x459: {  	s1 =	sor.u32 s1, s2;
	[tilespmem:v2+s21+$0x0] =	vst.idx.add.f32.msk $0xffff, v1;
	v3 =	vmov v4  }
0x45a: {  	v2 =	vld [tilespmem:s1+$0x30]  }
.Ltmp30:
0x45b: {  	v6 =	vld [tilespmem:s1+$0x0];
	(pc) =	sbr.rel @p1 .LBB2_57-.Ltmp30, $4  }
0x45c: {  	v5 =	vld [tilespmem:s1+$0x10]  }
0x45d: {  	v4 =	vld [tilespmem:s1+$0x20]  }
0x45e: {  	[tilespmem:v7+s21+$0x0] =	vst.idx.add.f32.msk $0xffff, v1  }
0x45f: {  	[tilespmem:v8+s21+$0x0] =	vst.idx.add.f32.msk $0xffff, v1  }
0x460: {  	_ =	sdelay $0x3  }
0x461: {  	[tilespmem:v3+s21+$0x0] =	vst.idx.add.f32.msk $0xffff, v1  }
0x462: {  	[tilespmem:v2+s21+$0x0] =	vst.idx.add.f32.msk $0xffff, v1  }
0x463: {  	[tilespmem:v6+s21+$0x0] =	vst.idx.add.f32.msk $0xffff, v1  }
0x464: {  	[tilespmem:v5+s21+$0x0] =	vst.idx.add.f32.msk $0xffff, v1  }
0x465: {  	[tilespmem:v4+s21+$0x0] =	vst.idx.add.f32.msk $0xffff, v1  }
.LBB2_59:
0x466: {  	s0 =	simm.s32 $0x0;
	s2 =	rddreg [dreg:$0xb]  }
0x467: {  	s6 =	simm.s32 $0x10;
	s18 =	simm.s32 $0x100;
	s22 =	sadd.s32 $0x0, s2  }
.LBB2_60:
0x468: {  	[tilespmem:s0], [sflag:$0x1] =	stream.linear.gather [hbm4b:s22+s10], $0x80, $0x38;
	[tilespmem:$0x16800] =	vst v63  }
0x469: {  	s1 =	smov.u32 s6;
	s0 =	smov.u32 s18;
	p1 =	sne.s32 s6, $0x1F0  }
.Ltmp31:
0x46a: {  	s6 =	sadd.s32 $0x10, s6;
	(pc) =	sbr.rel @p1 .LBB2_60-.Ltmp31, $2  }
0x46b: {  	_ =	sdelay $0x2  }
0x46c: {  	s18 =	sadd.s32 $0x100, s18;
	s22 =	sadd.s32 s1, s2  }
0x46d: {  	[tilespmem:s0], [sflag:$0x1] =	stream.linear.gather [hbm4b:s22+s10], $0x80, $0x38;
	[tilespmem:$0x16800] =	vst v63  }
0x46e: {  	s0 =	simm.s32 $0x2000  }
0x46f: {  	s6 =	simm.s32 $0x10;
	s22 =	sadd.s32 $0x0, s17;
	s18 =	simm.s32 $0x2400  }
.LBB2_62:
0x470: {  	[tilespmem:s0], [sflag:$0x3] =	stream.strided.gather [hbm4b:s22+s30], $0x400, s31, s30, $0x38;
	[tilespmem:$0x16800] =	vst v63  }
0x471: {  	s1 =	smov.u32 s6;
	s0 =	smov.u32 s18;
	p1 =	sne.s32 s6, $0x1F0  }
.Ltmp32:
0x472: {  	s6 =	sadd.s32 $0x10, s6;
	(pc) =	sbr.rel @p1 .LBB2_62-.Ltmp32, $2  }
0x473: {  	_ =	sdelay $0x2  }
0x474: {  	s18 =	sadd.s32 $0x400, s18;
	s22 =	sadd.s32 s1, s17  }
0x475: {  	[tilespmem:s0], [sflag:$0x3] =	stream.strided.gather [hbm4b:s22+s30], $0x400, s31, s30, $0x38;
	[tilespmem:$0x16800] =	vst v63  }
0x476: {  	s3 =	simm.s32 $0x2  }
0x477: {  	_ =	swait.ge [sflag:s3], $0x1000  }
0x478: {  	s28 =	simm.s32 $0x0;
	[sflag:s3] =	ssyncset.done $0x0  }
0x479: {  	s29 =	simm.s32 $0x0;
	s2 =	simm.s32 $0x4;
	[sflag:s3] =	ssyncadd.s32 $0xFFFFF000  }
0x47a: {  	s0 =	sand.u32 $0x40, s29;
	s22 =	sand.u32 $0x7C00, s28;
	_ =	swait.ge [sflag:s2], $0x8000  }
0x47b: {  	s1 =	sshrl.u32 s22, $0x2;
	s24 =	sor.u32 $0x30, s0;
	[sflag:s2] =	ssyncset.done $0x0  }
0x47c: {  	s18 =	sor.u32 $0x10, s0;
	s4 =	sor.u32 s24, s1;
	[sflag:s2] =	ssyncadd.s32 $0xFFFF8000  }
0x47d: {  	s6 =	sor.u32 $0x20, s0;
	s3 =	sor.u32 s18, s1;
	v2 =	vld [tilespmem:s4+$0x80]  }
0x47e: {  	s5 =	sor.u32 s6, s1;
	v3 =	vld [tilespmem:s3+$0x80]  }
0x47f: {  	s1 =	sor.u32 s0, s1;
	s4 =	sadd.s32 $0xA000, s22;
	v4 =	vld [tilespmem:s5+$0x80]  }
0x480: {  	v9 =	vld [tilespmem:s1+$0x80];
	s7 =	sor.u32 s24, s4  }
0x481: {  	s8 =	sor.u32 s18, s4;
	v5 =	vld [tilespmem:s7+$0x0]  }
0x482: {  	v6 =	vld [tilespmem:s8+$0x0]  }
0x483: {  	s23 =	sor.u32 s6, s4  }
0x484: {  	s25 =	sor.u32 s0, s4;
	v7 =	vld [tilespmem:s23+$0x0]  }
0x485: {  	v8 =	vld [tilespmem:s25+$0x0]  }
0x486: {  	s26 =	sadd.s32 $0xA080, s22;
	[tilespmem:v2+s20+$0x0] =	vst.idx.add.f32.msk $0xffff, v5  }
0x487: {  	s3 =	sor.u32 s24, s26;
	[tilespmem:v3+s20+$0x0] =	vst.idx.add.f32.msk $0xffff, v6  }
0x488: {  	v10 =	vadd.s32 $0x800, v2;
	v5 =	vld [tilespmem:s3+$0x0]  }
0x489: {  	[tilespmem:v4+s20+$0x0] =	vst.idx.add.f32.msk $0xffff, v7  }
0x48a: {  	s4 =	sor.u32 s18, s26;
	[tilespmem:v9+s20+$0x0] =	vst.idx.add.f32.msk $0xffff, v8  }
0x48b: {  	s1 =	sor.u32 s0, s26;
	v6 =	vadd.s32 $0x800, v3;
	v7 =	vld [tilespmem:s4+$0x0]  }
0x48c: {  	s5 =	sadd.s32 $0xA100, s22;
	v13 =	vadd.s32 $0x800, v9;
	v12 =	vld [tilespmem:s1+$0x0]  }
0x48d: {  	s7 =	sor.u32 s24, s5;
	[tilespmem:v10+s20+$0x0] =	vst.idx.add.f32.msk $0xffff, v5  }
0x48e: {  	s8 =	sor.u32 s6, s26;
	v8 =	vadd.s32 $0x1000, v2;
	v5 =	vld [tilespmem:s7+$0x0]  }
0x48f: {  	v10 =	vld [tilespmem:s8+$0x0]  }
0x490: {  	[tilespmem:v6+s20+$0x0] =	vst.idx.add.f32.msk $0xffff, v7  }
0x491: {  	v11 =	vadd.s32 $0x800, v4;
	s3 =	sor.u32 s0, s5;
	[tilespmem:v13+s20+$0x0] =	vst.idx.add.f32.msk $0xffff, v12  }
0x492: {  	s25 =	sadd.s32 $0xA180, s22;
	v13 =	vld [tilespmem:s3+$0x0]  }
0x493: {  	s26 =	sor.u32 s24, s25;
	v61 =	vadd.s32 $0x1000, v9;
	[tilespmem:v8+s20+$0x0] =	vst.idx.add.f32.msk $0xffff, v5  }
0x494: {  	s23 =	sor.u32 s18, s5;
	v7 =	vadd.s32 $0x1800, v2;
	v5 =	vld [tilespmem:s26+$0x0]  }
0x495: {  	v6 =	vld [tilespmem:s23+$0x0]  }
0x496: {  	s4 =	sor.u32 s6, s5;
	[tilespmem:v11+s20+$0x0] =	vst.idx.add.f32.msk $0xffff, v10  }
0x497: {  	v8 =	vadd.s32 $0x1000, v3;
	v11 =	vld [tilespmem:s4+$0x0]  }
0x498: {  	s1 =	sadd.s32 $0xA200, s22;
	v10 =	vadd.s32 $0x1000, v4;
	[tilespmem:v61+s20+$0x0] =	vst.idx.add.f32.msk $0xffff, v13  }
0x499: {  	s5 =	sor.u32 s24, s1;
	[tilespmem:v7+s20+$0x0] =	vst.idx.add.f32.msk $0xffff, v5  }
0x49a: {  	s2 =	sor.u32 s0, s25;
	v7 =	vadd.s32 $0x2000, v2;
	v5 =	vld [tilespmem:s5+$0x0]  }
0x49b: {  	v12 =	vld [tilespmem:s2+$0x0]  }
0x49c: {  	v62 =	vadd.s32 $0x1800, v9;
	[tilespmem:v8+s20+$0x0] =	vst.idx.add.f32.msk $0xffff, v6  }
0x49d: {  	s7 =	sor.u32 s18, s25;
	[tilespmem:v10+s20+$0x0] =	vst.idx.add.f32.msk $0xffff, v11  }
0x49e: {  	s4 =	sadd.s32 $0xA280, s22;
	v6 =	vadd.s32 $0x1800, v3;
	v8 =	vld [tilespmem:s7+$0x0]  }
0x49f: {  	s8 =	sor.u32 s24, s4;
	[tilespmem:v7+s20+$0x0] =	vst.idx.add.f32.msk $0xffff, v5  }
0x4a0: {  	v7 =	vadd.s32 $0x2800, v2;
	v5 =	vld [tilespmem:s8+$0x0]  }
0x4a1: {  	[tilespmem:v62+s20+$0x0] =	vst.idx.add.f32.msk $0xffff, v12;
	s5 =	sor.u32 s6, s25  }
0x4a2: {  	v11 =	vadd.s32 $0x1800, v4;
	v10 =	vld [tilespmem:s5+$0x0]  }
0x4a3: {  	s23 =	sor.u32 s18, s1;
	[tilespmem:v6+s20+$0x0] =	vst.idx.add.f32.msk $0xffff, v8  }
0x4a4: {  	s3 =	sadd.s32 $0xA300, s22;
	v6 =	vld [tilespmem:s23+$0x0]  }
0x4a5: {  	s25 =	sor.u32 s24, s3;
	v8 =	vadd.s32 $0x2000, v3;
	[tilespmem:v7+s20+$0x0] =	vst.idx.add.f32.msk $0xffff, v5  }
0x4a6: {  	v7 =	vadd.s32 $0x3000, v2;
	v5 =	vld [tilespmem:s25+$0x0]  }
0x4a7: {  	s26 =	sor.u32 s6, s1;
	[tilespmem:v11+s20+$0x0] =	vst.idx.add.f32.msk $0xffff, v10  }
0x4a8: {  	s1 =	sor.u32 s0, s1;
	v10 =	vadd.s32 $0x2000, v4;
	v11 =	vld [tilespmem:s26+$0x0]  }
0x4a9: {  	v12 =	vld [tilespmem:s1+$0x0]  }
0x4aa: {  	s1 =	sadd.s32 $0xA380, s22;
	[tilespmem:v8+s20+$0x0] =	vst.idx.add.f32.msk $0xffff, v6  }
0x4ab: {  	v63 =	vadd.s32 $0x2000, v9;
	s5 =	sor.u32 s24, s1;
	[tilespmem:v7+s20+$0x0] =	vst.idx.add.f32.msk $0xffff, v5  }
0x4ac: {  	v2 =	vadd.s32 $0x3800, v2;
	v5 =	vld [tilespmem:s5+$0x0]  }
0x4ad: {  	s8 =	sor.u32 s6, s4;
	[tilespmem:v10+s20+$0x0] =	vst.idx.add.f32.msk $0xffff, v11  }
0x4ae: {  	s7 =	sor.u32 s18, s4;
	v8 =	vadd.s32 $0x2800, v4;
	v10 =	vld [tilespmem:s8+$0x0]  }
0x4af: {  	v6 =	vadd.s32 $0x2800, v3;
	v7 =	vld [tilespmem:s7+$0x0]  }
0x4b0: {  	[tilespmem:v63+s20+$0x0] =	vst.idx.add.f32.msk $0xffff, v12  }
0x4b1: {  	s22 =	sor.u32 s0, s4;
	[tilespmem:v2+s20+$0x0] =	vst.idx.add.f32.msk $0xffff, v5  }
0x4b2: {  	v2 =	vadd.s32 $0x2800, v9;
	v5 =	vld [tilespmem:s22+$0x0]  }
0x4b3: {  	[tilespmem:v8+s20+$0x0] =	vst.idx.add.f32.msk $0xffff, v10  }
0x4b4: {  	s23 =	sor.u32 s18, s3;
	[tilespmem:v6+s20+$0x0] =	vst.idx.add.f32.msk $0xffff, v7  }
0x4b5: {  	s24 =	sor.u32 s6, s3;
	v6 =	vadd.s32 $0x3000, v3;
	v7 =	vld [tilespmem:s23+$0x0]  }
0x4b6: {  	v11 =	vld [tilespmem:s24+$0x0]  }
0x4b7: {  	s25 =	sor.u32 s0, s3;
	v10 =	vadd.s32 $0x3000, v4;
	[tilespmem:v2+s20+$0x0] =	vst.idx.add.f32.msk $0xffff, v5  }
0x4b8: {  	v8 =	vadd.s32 $0x3000, v9;
	v5 =	vld [tilespmem:s25+$0x0];
	_ =	sdelay $0x1  }
0x4b9: {  	s26 =	sor.u32 s18, s1;
	[tilespmem:v6+s20+$0x0] =	vst.idx.add.f32.msk $0xffff, v7  }
0x4ba: {  	v6 =	vadd.s32 $0x3800, v3;
	v7 =	vld [tilespmem:s26+$0x0]  }
0x4bb: {  	s23 =	sor.u32 s6, s1;
	s22 =	sor.u32 s0, s1;
	[tilespmem:v10+s20+$0x0] =	vst.idx.add.f32.msk $0xffff, v11;
	v2 =	vadd.s32 $0x3800, v4;
	v3 =	vadd.s32 $0x3800, v9  }
.LBB2_64:
0x4bc: {  	s29 =	sadd.s32 $0x40, s29;
	[tilespmem:v8+s20+$0x0] =	vst.idx.add.f32.msk $0xffff, v5;
	s28 =	sadd.s32 $0x200, s28  }
0x4bd: {  	s18 =	sand.u32 $0x40, s29;
	s24 =	sand.u32 $0x7C00, s28;
	p1 =	slt.u32 s29, $0xFC0;
	v5 =	vld [tilespmem:s23+$0x0]  }
0x4be: {  	s1 =	sshrl.u32 s24, $0x2;
	s0 =	sor.u32 $0x10, s18;
	s6 =	sor.u32 $0x30, s18;
	v4 =	vld [tilespmem:s22+$0x0]  }
0x4bf: {  	s22 =	sor.u32 $0x20, s18;
	s2 =	sor.u32 s0, s1;
	s3 =	sor.u32 s6, s1;
	[tilespmem:v6+s20+$0x0] =	vst.idx.add.f32.msk $0xffff, v7  }
0x4c0: {  	s4 =	sor.u32 s18, s1;
	s1 =	sor.u32 s22, s1;
	v7 =	vld [tilespmem:s3+$0x80]  }
0x4c1: {  	s3 =	sadd.s32 $0xA000, s24;
	v6 =	vld [tilespmem:s2+$0x80]  }
0x4c2: {  	s2 =	sor.u32 s0, s3;
	s5 =	sor.u32 s6, s3;
	v13 =	vld [tilespmem:s1+$0x80];
	s1 =	sor.u32 s22, s3  }
0x4c3: {  	s3 =	sor.u32 s18, s3;
	v8 =	vld [tilespmem:s5+$0x0]  }
0x4c4: {  	v17 =	vld [tilespmem:s4+$0x80]  }
0x4c5: {  	v10 =	vld [tilespmem:s2+$0x0]  }
0x4c6: {  	v18 =	vadd.s32 $0x800, v6;
	v19 =	vadd.s32 $0x1000, v6;
	v20 =	vadd.s32 $0x1800, v6;
	v21 =	vld [tilespmem:s1+$0x0]  }
0x4c7: {  	s1 =	sadd.s32 $0xA080, s24;
	v22 =	vld [tilespmem:s3+$0x0];
	v23 =	vadd.s32 $0x800, v13;
	v24 =	vadd.s32 $0x1000, v13;
	v25 =	vadd.s32 $0x1800, v13  }
0x4c8: {  	v15 =	vadd.s32 $0x2000, v6;
	v9 =	vadd.s32 $0x2800, v6;
	s2 =	sor.u32 s0, s1;
	s3 =	sor.u32 s22, s1;
	v16 =	vadd.s32 $0x2000, v13;
	s4 =	sor.u32 s6, s1;
	[tilespmem:v7+s20+$0x0] =	vst.idx.add.f32.msk $0xffff, v8  }
0x4c9: {  	v29 =	vadd.s32 $0x800, v7;
	s1 =	sor.u32 s18, s1;
	v26 =	vadd.s32 $0x800, v17;
	v27 =	vadd.s32 $0x1000, v17;
	v28 =	vld [tilespmem:s4+$0x0]  }
0x4ca: {  	v14 =	vadd.s32 $0x2800, v13;
	v30 =	vadd.s32 $0x1800, v17;
	v31 =	vadd.s32 $0x2000, v17;
	[tilespmem:v6+s20+$0x0] =	vst.idx.add.f32.msk $0xffff, v10  }
0x4cb: {  	v11 =	vadd.s32 $0x3000, v6;
	v12 =	vadd.s32 $0x2800, v17;
	v10 =	vadd.s32 $0x3000, v13;
	[tilespmem:v13+s20+$0x0] =	vst.idx.add.f32.msk $0xffff, v21  }
0x4cc: {  	v8 =	vadd.s32 $0x3000, v17;
	v6 =	vadd.s32 $0x3800, v6;
	v21 =	vadd.s32 $0x3800, v13;
	[tilespmem:v17+s20+$0x0] =	vst.idx.add.f32.msk $0xffff, v22  }
0x4cd: {  	s4 =	sadd.s32 $0xA100, s24;
	v13 =	vadd.s32 $0x3800, v17;
	v17 =	vld [tilespmem:s2+$0x0]  }
0x4ce: {  	s5 =	sor.u32 s22, s4;
	s7 =	sor.u32 s6, s4;
	s2 =	sor.u32 s0, s4;
	[tilespmem:v29+s20+$0x0] =	vst.idx.add.f32.msk $0xffff, v28  }
0x4cf: {  	s4 =	sor.u32 s18, s4;
	v28 =	vadd.s32 $0x1000, v7;
	v22 =	vld [tilespmem:s7+$0x0]  }
0x4d0: {  	v29 =	vld [tilespmem:s3+$0x0]  }
0x4d1: {  	v32 =	vld [tilespmem:s1+$0x0]  }
0x4d2: {  	[tilespmem:v18+s20+$0x0] =	vst.idx.add.f32.msk $0xffff, v17  }
0x4d3: {  	s1 =	sadd.s32 $0xA180, s24;
	v17 =	vld [tilespmem:s2+$0x0]  }
0x4d4: {  	s3 =	sor.u32 s22, s1;
	s7 =	sor.u32 s6, s1;
	s2 =	sor.u32 s0, s1;
	[tilespmem:v28+s20+$0x0] =	vst.idx.add.f32.msk $0xffff, v22  }
0x4d5: {  	s1 =	sor.u32 s18, s1;
	v22 =	vadd.s32 $0x1800, v7;
	v18 =	vld [tilespmem:s7+$0x0]  }
0x4d6: {  	[tilespmem:v23+s20+$0x0] =	vst.idx.add.f32.msk $0xffff, v29  }
0x4d7: {  	[tilespmem:v26+s20+$0x0] =	vst.idx.add.f32.msk $0xffff, v32  }
0x4d8: {  	v23 =	vld [tilespmem:s5+$0x0]  }
0x4d9: {  	v26 =	vld [tilespmem:s4+$0x0];
	s4 =	sadd.s32 $0xA200, s24  }
0x4da: {  	s5 =	sor.u32 s0, s4;
	s7 =	sor.u32 s22, s4;
	[tilespmem:v22+s20+$0x0] =	vst.idx.add.f32.msk $0xffff, v18;
	s8 =	sor.u32 s6, s4  }
0x4db: {  	s4 =	sor.u32 s18, s4;
	v22 =	vadd.s32 $0x2000, v7;
	v18 =	vld [tilespmem:s8+$0x0]  }
0x4dc: {  	[tilespmem:v19+s20+$0x0] =	vst.idx.add.f32.msk $0xffff, v17  }
0x4dd: {  	[tilespmem:v24+s20+$0x0] =	vst.idx.add.f32.msk $0xffff, v23  }
0x4de: {  	[tilespmem:v27+s20+$0x0] =	vst.idx.add.f32.msk $0xffff, v26  }
0x4df: {  	s8 =	sadd.s32 $0xA280, s24;
	v17 =	vld [tilespmem:s2+$0x0]  }
0x4e0: {  	s25 =	sor.u32 s22, s8;
	s23 =	sor.u32 s6, s8;
	s2 =	sor.u32 s0, s8;
	[tilespmem:v22+s20+$0x0] =	vst.idx.add.f32.msk $0xffff, v18  }
0x4e1: {  	v19 =	vadd.s32 $0x2800, v7;
	s8 =	sor.u32 s18, s8;
	v18 =	vld [tilespmem:s23+$0x0]  }
0x4e2: {  	v22 =	vld [tilespmem:s3+$0x0]  }
0x4e3: {  	v23 =	vld [tilespmem:s1+$0x0]  }
0x4e4: {  	[tilespmem:v20+s20+$0x0] =	vst.idx.add.f32.msk $0xffff, v17  }
0x4e5: {  	s1 =	sadd.s32 $0xA300, s24;
	v17 =	vld [tilespmem:s5+$0x0]  }
0x4e6: {  	s3 =	sor.u32 s0, s1;
	s23 =	sor.u32 s6, s1;
	s5 =	sor.u32 s22, s1;
	[tilespmem:v19+s20+$0x0] =	vst.idx.add.f32.msk $0xffff, v18  }
0x4e7: {  	s1 =	sor.u32 s18, s1;
	v19 =	vadd.s32 $0x3000, v7;
	v18 =	vld [tilespmem:s23+$0x0]  }
0x4e8: {  	[tilespmem:v25+s20+$0x0] =	vst.idx.add.f32.msk $0xffff, v22  }
0x4e9: {  	[tilespmem:v30+s20+$0x0] =	vst.idx.add.f32.msk $0xffff, v23  }
0x4ea: {  	v20 =	vld [tilespmem:s7+$0x0]  }
0x4eb: {  	v22 =	vld [tilespmem:s4+$0x0];
	s4 =	sadd.s32 $0xA380, s24  }
0x4ec: {  	s0 =	sor.u32 s0, s4;
	s23 =	sor.u32 s22, s4;
	[tilespmem:v19+s20+$0x0] =	vst.idx.add.f32.msk $0xffff, v18;
	s6 =	sor.u32 s6, s4  }
0x4ed: {  	v7 =	vadd.s32 $0x3800, v7;
	s22 =	sor.u32 s18, s4;
	v18 =	vld [tilespmem:s6+$0x0]  }
0x4ee: {  	[tilespmem:v15+s20+$0x0] =	vst.idx.add.f32.msk $0xffff, v17  }
0x4ef: {  	[tilespmem:v16+s20+$0x0] =	vst.idx.add.f32.msk $0xffff, v20  }
0x4f0: {  	[tilespmem:v31+s20+$0x0] =	vst.idx.add.f32.msk $0xffff, v22  }
0x4f1: {  	v15 =	vld [tilespmem:s2+$0x0]  }
0x4f2: {  	[tilespmem:v7+s20+$0x0] =	vst.idx.add.f32.msk $0xffff, v18  }
0x4f3: {  	v7 =	vld [tilespmem:s25+$0x0]  }
0x4f4: {  	v16 =	vld [tilespmem:s8+$0x0]  }
0x4f5: {  	[tilespmem:v2+s20+$0x0] =	vst.idx.add.f32.msk $0xffff, v5;
	v2 =	vmov v21  }
0x4f6: {  	[tilespmem:v9+s20+$0x0] =	vst.idx.add.f32.msk $0xffff, v15  }
0x4f7: {  	v9 =	vld [tilespmem:s3+$0x0]  }
0x4f8: {  	[tilespmem:v14+s20+$0x0] =	vst.idx.add.f32.msk $0xffff, v7  }
0x4f9: {  	[tilespmem:v12+s20+$0x0] =	vst.idx.add.f32.msk $0xffff, v16  }
0x4fa: {  	v12 =	vld [tilespmem:s5+$0x0]  }
.Ltmp33:
0x4fb: {  	v5 =	vld [tilespmem:s1+$0x0];
	(pc) =	sbr.rel @p1 .LBB2_64-.Ltmp33, $4  }
0x4fc: {  	[tilespmem:v11+s20+$0x0] =	vst.idx.add.f32.msk $0xffff, v9  }
0x4fd: {  	v7 =	vld [tilespmem:s0+$0x0]  }
0x4fe: {  	[tilespmem:v3+s20+$0x0] =	vst.idx.add.f32.msk $0xffff, v4;
	v3 =	vmov v13  }
0x4ff: {  	[tilespmem:v10+s20+$0x0] =	vst.idx.add.f32.msk $0xffff, v12  }
0x500: {  	_ =	sdelay $0x3  }
0x501: {  	[tilespmem:v8+s20+$0x0] =	vst.idx.add.f32.msk $0xffff, v5  }
0x502: {  	v4 =	vld [tilespmem:s23+$0x0]  }
0x503: {  	v5 =	vld [tilespmem:s22+$0x0]  }
.Ltmp34:
0x504: {  	_ = 	snop;
	(pc) =	sbr.rel @p5 .LBB2_69-.Ltmp34, $4  }
0x505: {  	_ = 	snop  }
0x506: {  	[tilespmem:v6+s20+$0x0] =	vst.idx.add.f32.msk $0xffff, v7  }
0x507: {  	[tilespmem:v2+s20+$0x0] =	vst.idx.add.f32.msk $0xffff, v4  }
0x508: {  	[tilespmem:v3+s20+$0x0] =	vst.idx.add.f32.msk $0xffff, v5  }
0x509: {  	p1 =	por $0x0, $0x0;
	s0 =	simm.s32 $0x1  }
0x50a: {  	s0 =	simm.s32 @!p1 $0x0  }
0x50b: {  	s0 =	sshll.u32 s0, $0x6  }
0x50c: {  	s0 =	sadd.s32 $0x0, s0  }
0x50d: {  	s1 =	sor.u32 $0xB0, s0  }
0x50e: {  	v3 =	vld [tilespmem:s1+$0x0];
	_ =	sdelay $0x1  }
0x50f: {  	s2 =	simm.s32 $0x1;
	p1 =	por !p1, !p1  }
0x510: {  	s2 =	simm.s32 @!p1 $0x0;
	s24 =	sor.u32 $0x80, s0  }
0x511: {  	s25 =	sshll.u32 s2, $0x6;
	s3 =	sor.u32 $0x90, s0;
	v8 =	vld [tilespmem:s24+$0x0]  }
0x512: {  	s0 =	sor.u32 $0xA0, s0;
	s26 =	sadd.s32 $0x80, s25;
	v2 =	vld [tilespmem:s3+$0x0]  }
0x513: {  	v4 =	vld [tilespmem:s0+$0x0];
	s28 =	sor.u32 $0x80, s26  }
0x514: {  	v6 =	vld [tilespmem:s28+$0x0]  }
0x515: {  	s1 =	sor.u32 $0xB0, s26;
	[tilespmem:v3+s21+$0x0] =	vst.idx.add.f32.msk $0xffff, v1  }
0x516: {  	s29 =	sor.u32 $0x90, s26;
	v3 =	vld [tilespmem:s1+$0x0]  }
0x517: {  	s0 =	sor.u32 $0xA0, s26;
	v7 =	vld [tilespmem:s29+$0x0]  }
0x518: {  	v5 =	vld [tilespmem:s0+$0x0]  }
0x519: {  	s6 =	simm.s32 $0x80;
	p1 =	por !p1, !p1;
	s0 =	simm.s32 $0x40;
	[tilespmem:v8+s21+$0x0] =	vst.idx.add.f32.msk $0xffff, v1  }
.LBB2_67:
0x51a: {  	s1 =	simm.s32 $0x1  }
0x51b: {  	s0 =	sadd.s32 $0x40, s0;
	[tilespmem:v2+s21+$0x0] =	vst.idx.add.f32.msk $0xffff, v1;
	s1 =	simm.s32 @!p1 $0x0  }
0x51c: {  	s6 =	sadd.s32 $0x80, s6;
	p2 =	slt.u32 s0, $0xFC0;
	v8 =	vmov v6;
	s1 =	sshll.u32 s1, $0x6;
	[tilespmem:v4+s21+$0x0] =	vst.idx.add.f32.msk $0xffff, v1  }
0x51d: {  	v2 =	vmov v7;
	s1 =	sadd.s32 s1, s6  }
0x51e: {  	v4 =	vmov v5;
	s2 =	sor.u32 $0x80, s1;
	s3 =	sor.u32 $0x90, s1;
	s4 =	sor.u32 $0xB0, s1;
	[tilespmem:v3+s21+$0x0] =	vst.idx.add.f32.msk $0xffff, v1  }
.Ltmp35:
0x51f: {  	s1 =	sor.u32 $0xA0, s1;
	v3 =	vld [tilespmem:s4+$0x0];
	(pc) =	sbr.rel @p2 .LBB2_67-.Ltmp35, $4  }
0x520: {  	v6 =	vld [tilespmem:s2+$0x0]  }
0x521: {  	v7 =	vld [tilespmem:s3+$0x0]  }
0x522: {  	v5 =	vld [tilespmem:s1+$0x0]  }
0x523: {  	p1 =	por !p1, !p1;
	[tilespmem:v8+s21+$0x0] =	vst.idx.add.f32.msk $0xffff, v1  }
0x524: {  	_ =	sdelay $0x3  }
0x525: {  	[tilespmem:v2+s21+$0x0] =	vst.idx.add.f32.msk $0xffff, v1  }
0x526: {  	[tilespmem:v4+s21+$0x0] =	vst.idx.add.f32.msk $0xffff, v1  }
0x527: {  	[tilespmem:v3+s21+$0x0] =	vst.idx.add.f32.msk $0xffff, v1  }
0x528: {  	[tilespmem:v6+s21+$0x0] =	vst.idx.add.f32.msk $0xffff, v1  }
0x529: {  	[tilespmem:v7+s21+$0x0] =	vst.idx.add.f32.msk $0xffff, v1  }
0x52a: {  	[tilespmem:v5+s21+$0x0] =	vst.idx.add.f32.msk $0xffff, v1  }
.LBB2_69:
0x52b: {  	s0 =	simm.s32 $0x80  }
0x52c: {  	s6 =	simm.s32 $0x10;
	s22 =	sadd.s32 $0x0, s9;
	s18 =	simm.s32 $0x180  }
.LBB2_70:
0x52d: {  	[tilespmem:s0], [sflag:$0x2] =	stream.linear.gather [hbm4b:s22+s10], $0x80, $0x38;
	[tilespmem:$0x16800] =	vst v63  }
0x52e: {  	s1 =	smov.u32 s6;
	s0 =	smov.u32 s18;
	p1 =	sne.s32 s6, $0x1F0  }
.Ltmp36:
0x52f: {  	s6 =	sadd.s32 $0x10, s6;
	(pc) =	sbr.rel @p1 .LBB2_70-.Ltmp36, $2  }
0x530: {  	_ =	sdelay $0x2  }
0x531: {  	s18 =	sadd.s32 $0x100, s18;
	s22 =	sadd.s32 s1, s9  }
0x532: {  	[tilespmem:s0], [sflag:$0x2] =	stream.linear.gather [hbm4b:s22+s10], $0x80, $0x38;
	[tilespmem:$0x16800] =	vst v63  }
0x533: {  	s0 =	simm.s32 $0xA000  }
0x534: {  	s6 =	simm.s32 $0x10;
	s22 =	sadd.s32 $0x0, s19;
	s18 =	simm.s32 $0xA400  }
.LBB2_72:
0x535: {  	[tilespmem:s0], [sflag:$0x4] =	stream.strided.gather [hbm4b:s22+s30], $0x400, s31, s30, $0x38;
	[tilespmem:$0x16800] =	vst v63  }
0x536: {  	s1 =	smov.u32 s6;
	s0 =	smov.u32 s18;
	p1 =	sne.s32 s6, $0x1F0  }
.Ltmp37:
0x537: {  	s6 =	sadd.s32 $0x10, s6;
	(pc) =	sbr.rel @p1 .LBB2_72-.Ltmp37, $2  }
0x538: {  	_ =	sdelay $0x2  }
0x539: {  	s18 =	sadd.s32 $0x400, s18;
	s22 =	sadd.s32 s1, s19  }
0x53a: {  	[tilespmem:s0], [sflag:$0x4] =	stream.strided.gather [hbm4b:s22+s30], $0x400, s31, s30, $0x38;
	[tilespmem:$0x16800] =	vst v63  }
0x53b: {  	s22 =	simm.s32 $0x1  }
0x53c: {  	_ =	swait.ge [sflag:s22], $0x1000  }
0x53d: {  	s28 =	simm.s32 $0x0;
	[sflag:s22] =	ssyncset.done $0x0  }
0x53e: {  	s29 =	simm.s32 $0x0;
	s4 =	simm.s32 $0x3;
	[sflag:s22] =	ssyncadd.s32 $0xFFFFF000  }
0x53f: {  	s1 =	sand.u32 $0x40, s29;
	s23 =	sand.u32 $0x7C00, s28;
	_ =	swait.ge [sflag:s4], $0x8000  }
0x540: {  	s2 =	sshrl.u32 s23, $0x2;
	s3 =	sor.u32 $0x30, s1;
	[sflag:s4] =	ssyncset.done $0x0  }
0x541: {  	s24 =	sor.u32 $0x10, s1;
	s5 =	sor.u32 s3, s2;
	[sflag:s4] =	ssyncadd.s32 $0xFFFF8000  }
0x542: {  	s7 =	sor.u32 $0x20, s1;
	s6 =	sor.u32 s24, s2;
	v2 =	vld [tilespmem:s5+$0x0]  }
0x543: {  	s8 =	sadd.s32 $0x2000, s23;
	s25 =	sor.u32 s7, s2;
	v3 =	vld [tilespmem:s6+$0x0]  }
0x544: {  	s26 =	sor.u32 s3, s8;
	v4 =	vld [tilespmem:s25+$0x0]  }
0x545: {  	s2 =	sor.u32 s1, s2;
	v5 =	vld [tilespmem:s26+$0x0]  }
0x546: {  	s0 =	sor.u32 s24, s8;
	v9 =	vld [tilespmem:s2+$0x0]  }
0x547: {  	v6 =	vld [tilespmem:s0+$0x0]  }
0x548: {  	s24 =	sor.u32 s7, s8  }
0x549: {  	s18 =	sor.u32 s1, s8;
	v7 =	vld [tilespmem:s24+$0x0]  }
0x54a: {  	v8 =	vld [tilespmem:s18+$0x0]  }
0x54b: {  	[tilespmem:v2+s20+$0x0] =	vst.idx.add.f32.msk $0xffff, v5  }
0x54c: {  	[tilespmem:v3+s20+$0x0] =	vst.idx.add.f32.msk $0xffff, v6  }
0x54d: {  	v10 =	vadd.s32 $0x800, v2;
	v5 =	vld [tilespmem:s26+$0x80]  }
0x54e: {  	[tilespmem:v4+s20+$0x0] =	vst.idx.add.f32.msk $0xffff, v7  }
0x54f: {  	[tilespmem:v9+s20+$0x0] =	vst.idx.add.f32.msk $0xffff, v8  }
0x550: {  	v6 =	vadd.s32 $0x800, v3;
	v7 =	vld [tilespmem:s0+$0x80]  }
0x551: {  	v13 =	vadd.s32 $0x800, v9;
	v12 =	vld [tilespmem:s18+$0x80]  }
0x552: {  	[tilespmem:v10+s20+$0x0] =	vst.idx.add.f32.msk $0xffff, v5  }
0x553: {  	v8 =	vadd.s32 $0x1000, v2;
	v5 =	vld [tilespmem:s26+$0x100]  }
0x554: {  	v10 =	vld [tilespmem:s24+$0x80]  }
0x555: {  	[tilespmem:v6+s20+$0x0] =	vst.idx.add.f32.msk $0xffff, v7  }
0x556: {  	v11 =	vadd.s32 $0x800, v4;
	[tilespmem:v13+s20+$0x0] =	vst.idx.add.f32.msk $0xffff, v12  }
0x557: {  	v13 =	vld [tilespmem:s18+$0x100]  }
0x558: {  	v61 =	vadd.s32 $0x1000, v9;
	[tilespmem:v8+s20+$0x0] =	vst.idx.add.f32.msk $0xffff, v5  }
0x559: {  	v7 =	vadd.s32 $0x1800, v2;
	v5 =	vld [tilespmem:s26+$0x180]  }
0x55a: {  	v6 =	vld [tilespmem:s0+$0x100]  }
0x55b: {  	[tilespmem:v11+s20+$0x0] =	vst.idx.add.f32.msk $0xffff, v10  }
0x55c: {  	v8 =	vadd.s32 $0x1000, v3;
	v11 =	vld [tilespmem:s24+$0x100]  }
0x55d: {  	v10 =	vadd.s32 $0x1000, v4;
	[tilespmem:v61+s20+$0x0] =	vst.idx.add.f32.msk $0xffff, v13  }
0x55e: {  	[tilespmem:v7+s20+$0x0] =	vst.idx.add.f32.msk $0xffff, v5  }
0x55f: {  	v7 =	vadd.s32 $0x2000, v2;
	v5 =	vld [tilespmem:s26+$0x200]  }
0x560: {  	v12 =	vld [tilespmem:s18+$0x180]  }
0x561: {  	[tilespmem:v8+s20+$0x0] =	vst.idx.add.f32.msk $0xffff, v6  }
0x562: {  	v62 =	vadd.s32 $0x1800, v9;
	[tilespmem:v10+s20+$0x0] =	vst.idx.add.f32.msk $0xffff, v11  }
0x563: {  	v6 =	vadd.s32 $0x1800, v3;
	v8 =	vld [tilespmem:s0+$0x180]  }
0x564: {  	[tilespmem:v7+s20+$0x0] =	vst.idx.add.f32.msk $0xffff, v5  }
0x565: {  	v7 =	vadd.s32 $0x2800, v2;
	v5 =	vld [tilespmem:s26+$0x280]  }
0x566: {  	v10 =	vld [tilespmem:s24+$0x180]  }
0x567: {  	[tilespmem:v62+s20+$0x0] =	vst.idx.add.f32.msk $0xffff, v12  }
0x568: {  	v11 =	vadd.s32 $0x1800, v4;
	[tilespmem:v6+s20+$0x0] =	vst.idx.add.f32.msk $0xffff, v8  }
0x569: {  	v6 =	vld [tilespmem:s0+$0x200]  }
0x56a: {  	v8 =	vadd.s32 $0x2000, v3;
	[tilespmem:v7+s20+$0x0] =	vst.idx.add.f32.msk $0xffff, v5  }
0x56b: {  	v7 =	vadd.s32 $0x3000, v2;
	v5 =	vld [tilespmem:s26+$0x300]  }
0x56c: {  	v12 =	vld [tilespmem:s18+$0x200]  }
0x56d: {  	[tilespmem:v11+s20+$0x0] =	vst.idx.add.f32.msk $0xffff, v10  }
0x56e: {  	v63 =	vadd.s32 $0x2000, v9;
	v11 =	vld [tilespmem:s24+$0x200]  }
0x56f: {  	v10 =	vadd.s32 $0x2000, v4;
	[tilespmem:v8+s20+$0x0] =	vst.idx.add.f32.msk $0xffff, v6  }
0x570: {  	[tilespmem:v7+s20+$0x0] =	vst.idx.add.f32.msk $0xffff, v5  }
0x571: {  	v6 =	vadd.s32 $0x2800, v3;
	v7 =	vld [tilespmem:s0+$0x280]  }
0x572: {  	v2 =	vadd.s32 $0x3800, v2;
	v5 =	vld [tilespmem:s26+$0x380]  }
0x573: {  	[tilespmem:v63+s20+$0x0] =	vst.idx.add.f32.msk $0xffff, v12  }
0x574: {  	[tilespmem:v10+s20+$0x0] =	vst.idx.add.f32.msk $0xffff, v11  }
0x575: {  	v10 =	vld [tilespmem:s24+$0x280]  }
0x576: {  	v8 =	vadd.s32 $0x2800, v4;
	[tilespmem:v6+s20+$0x0] =	vst.idx.add.f32.msk $0xffff, v7  }
0x577: {  	[tilespmem:v2+s20+$0x0] =	vst.idx.add.f32.msk $0xffff, v5  }
0x578: {  	v2 =	vadd.s32 $0x2800, v9;
	v5 =	vld [tilespmem:s18+$0x280]  }
0x579: {  	v6 =	vadd.s32 $0x3000, v3;
	v7 =	vld [tilespmem:s0+$0x300];
	_ =	sdelay $0x1  }
0x57a: {  	[tilespmem:v8+s20+$0x0] =	vst.idx.add.f32.msk $0xffff, v10  }
0x57b: {  	v11 =	vld [tilespmem:s24+$0x300]  }
0x57c: {  	[tilespmem:v2+s20+$0x0] =	vst.idx.add.f32.msk $0xffff, v5  }
0x57d: {  	v10 =	vadd.s32 $0x3000, v4;
	[tilespmem:v6+s20+$0x0] =	vst.idx.add.f32.msk $0xffff, v7  }
0x57e: {  	v7 =	vadd.s32 $0x3000, v9;
	v5 =	vld [tilespmem:s18+$0x300];
	_ =	sdelay $0x2  }
0x57f: {  	v6 =	vadd.s32 $0x3800, v3;
	v8 =	vld [tilespmem:s0+$0x380]  }
0x580: {  	[tilespmem:v10+s20+$0x0] =	vst.idx.add.f32.msk $0xffff, v11;
	v2 =	vadd.s32 $0x3800, v4;
	v3 =	vadd.s32 $0x3800, v9  }
.LBB2_74:
0x581: {  	s29 =	sadd.s32 $0x40, s29;
	[tilespmem:v7+s20+$0x0] =	vst.idx.add.f32.msk $0xffff, v5;
	s28 =	sadd.s32 $0x200, s28  }
0x582: {  	s1 =	sand.u32 $0x40, s29;
	s0 =	sand.u32 $0x7C00, s28;
	p1 =	slt.u32 s29, $0xFC0;
	v5 =	vld [tilespmem:s24+$0x380]  }
0x583: {  	s2 =	sshrl.u32 s0, $0x2;
	s3 =	sor.u32 $0x10, s1;
	s4 =	sor.u32 $0x30, s1;
	v4 =	vld [tilespmem:s18+$0x380]  }
0x584: {  	s6 =	sor.u32 $0x20, s1;
	s5 =	sor.u32 s3, s2;
	s7 =	sor.u32 s4, s2;
	[tilespmem:v6+s20+$0x0] =	vst.idx.add.f32.msk $0xffff, v8  }
0x585: {  	s8 =	sor.u32 s1, s2;
	s2 =	sor.u32 s6, s2;
	v8 =	vld [tilespmem:s7+$0x0]  }
0x586: {  	s7 =	sadd.s32 $0x2000, s0;
	v6 =	vld [tilespmem:s5+$0x0]  }
0x587: {  	s0 =	sor.u32 s3, s7;
	s24 =	sor.u32 s6, s7;
	s6 =	sor.u32 s4, s7;
	v9 =	vld [tilespmem:s2+$0x0]  }
0x588: {  	s18 =	sor.u32 s1, s7;
	v7 =	vld [tilespmem:s6+$0x0]  }
0x589: {  	v10 =	vld [tilespmem:s8+$0x0]  }
0x58a: {  	v11 =	vld [tilespmem:s0+$0x0]  }
0x58b: {  	v12 =	vadd.s32 $0x800, v6;
	v13 =	vadd.s32 $0x1000, v6;
	v14 =	vadd.s32 $0x1800, v6;
	v15 =	vld [tilespmem:s24+$0x0]  }
0x58c: {  	v16 =	vld [tilespmem:s18+$0x0];
	v17 =	vadd.s32 $0x800, v9;
	v18 =	vadd.s32 $0x1000, v9;
	v19 =	vadd.s32 $0x1800, v9  }
0x58d: {  	v20 =	vadd.s32 $0x2000, v6;
	v21 =	vadd.s32 $0x2800, v6;
	v22 =	vadd.s32 $0x2000, v9;
	[tilespmem:v8+s20+$0x0] =	vst.idx.add.f32.msk $0xffff, v7  }
0x58e: {  	v26 =	vadd.s32 $0x800, v8;
	v23 =	vadd.s32 $0x800, v10;
	v24 =	vadd.s32 $0x1000, v10;
	v25 =	vld [tilespmem:s6+$0x80]  }
0x58f: {  	v27 =	vadd.s32 $0x1800, v10;
	v28 =	vadd.s32 $0x2000, v10;
	[tilespmem:v6+s20+$0x0] =	vst.idx.add.f32.msk $0xffff, v11;
	v11 =	vadd.s32 $0x2800, v9  }
0x590: {  	v30 =	vadd.s32 $0x3000, v6;
	v29 =	vadd.s32 $0x2800, v10;
	[tilespmem:v9+s20+$0x0] =	vst.idx.add.f32.msk $0xffff, v15;
	v15 =	vadd.s32 $0x3000, v9  }
0x591: {  	v7 =	vadd.s32 $0x3000, v10;
	v6 =	vadd.s32 $0x3800, v6;
	v9 =	vadd.s32 $0x3800, v9;
	[tilespmem:v10+s20+$0x0] =	vst.idx.add.f32.msk $0xffff, v16  }
0x592: {  	v10 =	vadd.s32 $0x3800, v10;
	v16 =	vld [tilespmem:s0+$0x80]  }
0x593: {  	[tilespmem:v26+s20+$0x0] =	vst.idx.add.f32.msk $0xffff, v25  }
0x594: {  	v26 =	vadd.s32 $0x1000, v8;
	v25 =	vld [tilespmem:s6+$0x100]  }
0x595: {  	v31 =	vld [tilespmem:s24+$0x80]  }
0x596: {  	v32 =	vld [tilespmem:s18+$0x80]  }
0x597: {  	[tilespmem:v12+s20+$0x0] =	vst.idx.add.f32.msk $0xffff, v16  }
0x598: {  	v12 =	vld [tilespmem:s0+$0x100]  }
0x599: {  	[tilespmem:v26+s20+$0x0] =	vst.idx.add.f32.msk $0xffff, v25  }
0x59a: {  	v25 =	vadd.s32 $0x1800, v8;
	v16 =	vld [tilespmem:s6+$0x180]  }
0x59b: {  	[tilespmem:v17+s20+$0x0] =	vst.idx.add.f32.msk $0xffff, v31  }
0x59c: {  	[tilespmem:v23+s20+$0x0] =	vst.idx.add.f32.msk $0xffff, v32  }
0x59d: {  	v17 =	vld [tilespmem:s24+$0x100]  }
0x59e: {  	v23 =	vld [tilespmem:s18+$0x100]  }
0x59f: {  	[tilespmem:v25+s20+$0x0] =	vst.idx.add.f32.msk $0xffff, v16  }
0x5a0: {  	v25 =	vadd.s32 $0x2000, v8;
	v16 =	vld [tilespmem:s6+$0x200]  }
0x5a1: {  	[tilespmem:v13+s20+$0x0] =	vst.idx.add.f32.msk $0xffff, v12  }
0x5a2: {  	[tilespmem:v18+s20+$0x0] =	vst.idx.add.f32.msk $0xffff, v17  }
0x5a3: {  	[tilespmem:v24+s20+$0x0] =	vst.idx.add.f32.msk $0xffff, v23  }
0x5a4: {  	v12 =	vld [tilespmem:s0+$0x180]  }
0x5a5: {  	[tilespmem:v25+s20+$0x0] =	vst.idx.add.f32.msk $0xffff, v16  }
0x5a6: {  	v16 =	vadd.s32 $0x2800, v8;
	v13 =	vld [tilespmem:s6+$0x280]  }
0x5a7: {  	v17 =	vld [tilespmem:s24+$0x180]  }
0x5a8: {  	v18 =	vld [tilespmem:s18+$0x180]  }
0x5a9: {  	[tilespmem:v14+s20+$0x0] =	vst.idx.add.f32.msk $0xffff, v12  }
0x5aa: {  	v12 =	vld [tilespmem:s0+$0x200]  }
0x5ab: {  	[tilespmem:v16+s20+$0x0] =	vst.idx.add.f32.msk $0xffff, v13  }
0x5ac: {  	v14 =	vadd.s32 $0x3000, v8;
	v13 =	vld [tilespmem:s6+$0x300]  }
0x5ad: {  	[tilespmem:v19+s20+$0x0] =	vst.idx.add.f32.msk $0xffff, v17  }
0x5ae: {  	[tilespmem:v27+s20+$0x0] =	vst.idx.add.f32.msk $0xffff, v18  }
0x5af: {  	v16 =	vld [tilespmem:s24+$0x200]  }
0x5b0: {  	v17 =	vld [tilespmem:s18+$0x200]  }
0x5b1: {  	[tilespmem:v14+s20+$0x0] =	vst.idx.add.f32.msk $0xffff, v13  }
0x5b2: {  	v8 =	vadd.s32 $0x3800, v8;
	v13 =	vld [tilespmem:s6+$0x380]  }
0x5b3: {  	[tilespmem:v20+s20+$0x0] =	vst.idx.add.f32.msk $0xffff, v12  }
0x5b4: {  	[tilespmem:v22+s20+$0x0] =	vst.idx.add.f32.msk $0xffff, v16  }
0x5b5: {  	[tilespmem:v28+s20+$0x0] =	vst.idx.add.f32.msk $0xffff, v17  }
0x5b6: {  	v12 =	vld [tilespmem:s0+$0x280]  }
0x5b7: {  	[tilespmem:v8+s20+$0x0] =	vst.idx.add.f32.msk $0xffff, v13  }
0x5b8: {  	v8 =	vld [tilespmem:s24+$0x280]  }
0x5b9: {  	v13 =	vld [tilespmem:s18+$0x280]  }
0x5ba: {  	[tilespmem:v2+s20+$0x0] =	vst.idx.add.f32.msk $0xffff, v5;
	v2 =	vmov v9  }
0x5bb: {  	[tilespmem:v21+s20+$0x0] =	vst.idx.add.f32.msk $0xffff, v12  }
0x5bc: {  	v9 =	vld [tilespmem:s0+$0x300]  }
0x5bd: {  	[tilespmem:v11+s20+$0x0] =	vst.idx.add.f32.msk $0xffff, v8  }
0x5be: {  	[tilespmem:v29+s20+$0x0] =	vst.idx.add.f32.msk $0xffff, v13  }
0x5bf: {  	v11 =	vld [tilespmem:s24+$0x300]  }
.Ltmp38:
0x5c0: {  	v5 =	vld [tilespmem:s18+$0x300];
	(pc) =	sbr.rel @p1 .LBB2_74-.Ltmp38, $4  }
0x5c1: {  	[tilespmem:v30+s20+$0x0] =	vst.idx.add.f32.msk $0xffff, v9  }
0x5c2: {  	v8 =	vld [tilespmem:s0+$0x380]  }
0x5c3: {  	[tilespmem:v3+s20+$0x0] =	vst.idx.add.f32.msk $0xffff, v4;
	v3 =	vmov v10  }
0x5c4: {  	[tilespmem:v15+s20+$0x0] =	vst.idx.add.f32.msk $0xffff, v11  }
0x5c5: {  	_ =	sdelay $0x3  }
0x5c6: {  	[tilespmem:v7+s20+$0x0] =	vst.idx.add.f32.msk $0xffff, v5  }
0x5c7: {  	v4 =	vld [tilespmem:s24+$0x380]  }
0x5c8: {  	v5 =	vld [tilespmem:s18+$0x380]  }
.Ltmp39:
0x5c9: {  	_ = 	snop;
	(pc) =	sbr.rel @p6 .LBB2_79-.Ltmp39, $4  }
0x5ca: {  	_ = 	snop  }
0x5cb: {  	[tilespmem:v6+s20+$0x0] =	vst.idx.add.f32.msk $0xffff, v8  }
0x5cc: {  	[tilespmem:v2+s20+$0x0] =	vst.idx.add.f32.msk $0xffff, v4  }
0x5cd: {  	[tilespmem:v3+s20+$0x0] =	vst.idx.add.f32.msk $0xffff, v5  }
0x5ce: {  	s0 =	simm.s32 $0x0;
	s1 =	simm.s32 $0x0  }
0x5cf: {  	s1 =	sand.u32 $0x40, s1;
	s0 =	sand.u32 $0x1F00, s0  }
0x5d0: {  	s1 =	sor.u32 s1, s0  }
0x5d1: {  	v2 =	vld [tilespmem:s1+$0x30];
	_ =	sdelay $0x4  }
0x5d2: {  	v7 =	vld [tilespmem:s1+$0x0]  }
0x5d3: {  	s6 =	simm.s32 $0x80;
	s0 =	simm.s32 $0x40;
	v8 =	vld [tilespmem:s1+$0x10]  }
0x5d4: {  	s2 =	sand.u32 $0x1F00, s6;
	v3 =	vld [tilespmem:s1+$0x20];
	s29 =	sand.u32 $0x40, s0  }
0x5d5: {  	s1 =	sor.u32 s29, s2;
	[tilespmem:v2+s21+$0x0] =	vst.idx.add.f32.msk $0xffff, v1  }
0x5d6: {  	v2 =	vld [tilespmem:s1+$0x30]  }
0x5d7: {  	v6 =	vld [tilespmem:s1+$0x0]  }
0x5d8: {  	v5 =	vld [tilespmem:s1+$0x10]  }
0x5d9: {  	v4 =	vld [tilespmem:s1+$0x20]  }
0x5da: {  	[tilespmem:v7+s21+$0x0] =	vst.idx.add.f32.msk $0xffff, v1  }
0x5db: {  	[tilespmem:v8+s21+$0x0] =	vst.idx.add.f32.msk $0xffff, v1  }
.LBB2_77:
0x5dc: {  	s0 =	sadd.s32 $0x40, s0;
	s6 =	sadd.s32 $0x80, s6;
	[tilespmem:v3+s21+$0x0] =	vst.idx.add.f32.msk $0xffff, v1;
	v7 =	vmov v6  }
0x5dd: {  	s1 =	sand.u32 $0x40, s0;
	s2 =	sand.u32 $0x1F00, s6;
	p1 =	slt.u32 s0, $0xFC0;
	v8 =	vmov v5  }
0x5de: {  	s1 =	sor.u32 s1, s2;
	[tilespmem:v2+s21+$0x0] =	vst.idx.add.f32.msk $0xffff, v1;
	v3 =	vmov v4  }
0x5df: {  	v2 =	vld [tilespmem:s1+$0x30]  }
.Ltmp40:
0x5e0: {  	v6 =	vld [tilespmem:s1+$0x0];
	(pc) =	sbr.rel @p1 .LBB2_77-.Ltmp40, $4  }
0x5e1: {  	v5 =	vld [tilespmem:s1+$0x10]  }
0x5e2: {  	v4 =	vld [tilespmem:s1+$0x20]  }
0x5e3: {  	[tilespmem:v7+s21+$0x0] =	vst.idx.add.f32.msk $0xffff, v1  }
0x5e4: {  	[tilespmem:v8+s21+$0x0] =	vst.idx.add.f32.msk $0xffff, v1  }
0x5e5: {  	_ =	sdelay $0x3  }
0x5e6: {  	[tilespmem:v3+s21+$0x0] =	vst.idx.add.f32.msk $0xffff, v1  }
0x5e7: {  	[tilespmem:v2+s21+$0x0] =	vst.idx.add.f32.msk $0xffff, v1  }
0x5e8: {  	[tilespmem:v6+s21+$0x0] =	vst.idx.add.f32.msk $0xffff, v1  }
0x5e9: {  	[tilespmem:v5+s21+$0x0] =	vst.idx.add.f32.msk $0xffff, v1  }
0x5ea: {  	[tilespmem:v4+s21+$0x0] =	vst.idx.add.f32.msk $0xffff, v1  }
.LBB2_79:
0x5eb: {  	s0 =	simm.s32 $0x2  }
0x5ec: {  	_ =	swait.ge [sflag:s0], $0x1000  }
0x5ed: {  	s28 =	simm.s32 $0x0;
	[sflag:s0] =	ssyncset.done $0x0  }
0x5ee: {  	s29 =	simm.s32 $0x0;
	s2 =	simm.s32 $0x4;
	[sflag:s0] =	ssyncadd.s32 $0xFFFFF000  }
0x5ef: {  	s22 =	sand.u32 $0x7C00, s28;
	s0 =	sand.u32 $0x40, s29;
	_ =	swait.ge [sflag:s2], $0x8000  }
0x5f0: {  	s1 =	sshrl.u32 s22, $0x2;
	s24 =	sor.u32 $0x30, s0;
	[sflag:s2] =	ssyncset.done $0x0  }
0x5f1: {  	s18 =	sor.u32 $0x10, s0;
	s4 =	sor.u32 s24, s1;
	[sflag:s2] =	ssyncadd.s32 $0xFFFF8000  }
0x5f2: {  	s6 =	sor.u32 $0x20, s0;
	s3 =	sor.u32 s18, s1;
	v2 =	vld [tilespmem:s4+$0x80]  }
0x5f3: {  	s5 =	sor.u32 s6, s1;
	v3 =	vld [tilespmem:s3+$0x80]  }
0x5f4: {  	s1 =	sor.u32 s0, s1;
	s4 =	sadd.s32 $0xA000, s22;
	v4 =	vld [tilespmem:s5+$0x80]  }
0x5f5: {  	v9 =	vld [tilespmem:s1+$0x80];
	s7 =	sor.u32 s24, s4  }
0x5f6: {  	s8 =	sor.u32 s18, s4;
	v5 =	vld [tilespmem:s7+$0x0]  }
0x5f7: {  	v6 =	vld [tilespmem:s8+$0x0]  }
0x5f8: {  	s23 =	sor.u32 s6, s4  }
0x5f9: {  	s25 =	sor.u32 s0, s4;
	v7 =	vld [tilespmem:s23+$0x0]  }
0x5fa: {  	v8 =	vld [tilespmem:s25+$0x0]  }
0x5fb: {  	s26 =	sadd.s32 $0xA080, s22;
	[tilespmem:v2+s20+$0x0] =	vst.idx.add.f32.msk $0xffff, v5  }
0x5fc: {  	s3 =	sor.u32 s24, s26;
	[tilespmem:v3+s20+$0x0] =	vst.idx.add.f32.msk $0xffff, v6  }
0x5fd: {  	v10 =	vadd.s32 $0x800, v2;
	v5 =	vld [tilespmem:s3+$0x0]  }
0x5fe: {  	[tilespmem:v4+s20+$0x0] =	vst.idx.add.f32.msk $0xffff, v7  }
0x5ff: {  	s4 =	sor.u32 s18, s26;
	[tilespmem:v9+s20+$0x0] =	vst.idx.add.f32.msk $0xffff, v8  }
0x600: {  	s1 =	sor.u32 s0, s26;
	v6 =	vadd.s32 $0x800, v3;
	v7 =	vld [tilespmem:s4+$0x0]  }
0x601: {  	s5 =	sadd.s32 $0xA100, s22;
	v13 =	vadd.s32 $0x800, v9;
	v12 =	vld [tilespmem:s1+$0x0]  }
0x602: {  	s7 =	sor.u32 s24, s5;
	[tilespmem:v10+s20+$0x0] =	vst.idx.add.f32.msk $0xffff, v5  }
0x603: {  	s8 =	sor.u32 s6, s26;
	v8 =	vadd.s32 $0x1000, v2;
	v5 =	vld [tilespmem:s7+$0x0]  }
0x604: {  	v10 =	vld [tilespmem:s8+$0x0]  }
0x605: {  	[tilespmem:v6+s20+$0x0] =	vst.idx.add.f32.msk $0xffff, v7  }
0x606: {  	v11 =	vadd.s32 $0x800, v4;
	s3 =	sor.u32 s0, s5;
	[tilespmem:v13+s20+$0x0] =	vst.idx.add.f32.msk $0xffff, v12  }
0x607: {  	s25 =	sadd.s32 $0xA180, s22;
	v13 =	vld [tilespmem:s3+$0x0]  }
0x608: {  	s26 =	sor.u32 s24, s25;
	v61 =	vadd.s32 $0x1000, v9;
	[tilespmem:v8+s20+$0x0] =	vst.idx.add.f32.msk $0xffff, v5  }
0x609: {  	s23 =	sor.u32 s18, s5;
	v7 =	vadd.s32 $0x1800, v2;
	v5 =	vld [tilespmem:s26+$0x0]  }
0x60a: {  	v6 =	vld [tilespmem:s23+$0x0]  }
0x60b: {  	s4 =	sor.u32 s6, s5;
	[tilespmem:v11+s20+$0x0] =	vst.idx.add.f32.msk $0xffff, v10  }
0x60c: {  	v8 =	vadd.s32 $0x1000, v3;
	v11 =	vld [tilespmem:s4+$0x0]  }
0x60d: {  	s1 =	sadd.s32 $0xA200, s22;
	v10 =	vadd.s32 $0x1000, v4;
	[tilespmem:v61+s20+$0x0] =	vst.idx.add.f32.msk $0xffff, v13  }
0x60e: {  	s5 =	sor.u32 s24, s1;
	[tilespmem:v7+s20+$0x0] =	vst.idx.add.f32.msk $0xffff, v5  }
0x60f: {  	s2 =	sor.u32 s0, s25;
	v7 =	vadd.s32 $0x2000, v2;
	v5 =	vld [tilespmem:s5+$0x0]  }
0x610: {  	v12 =	vld [tilespmem:s2+$0x0]  }
0x611: {  	v62 =	vadd.s32 $0x1800, v9;
	[tilespmem:v8+s20+$0x0] =	vst.idx.add.f32.msk $0xffff, v6  }
0x612: {  	s7 =	sor.u32 s18, s25;
	[tilespmem:v10+s20+$0x0] =	vst.idx.add.f32.msk $0xffff, v11  }
0x613: {  	s4 =	sadd.s32 $0xA280, s22;
	v6 =	vadd.s32 $0x1800, v3;
	v8 =	vld [tilespmem:s7+$0x0]  }
0x614: {  	s8 =	sor.u32 s24, s4;
	[tilespmem:v7+s20+$0x0] =	vst.idx.add.f32.msk $0xffff, v5  }
0x615: {  	v7 =	vadd.s32 $0x2800, v2;
	v5 =	vld [tilespmem:s8+$0x0]  }
0x616: {  	[tilespmem:v62+s20+$0x0] =	vst.idx.add.f32.msk $0xffff, v12;
	s5 =	sor.u32 s6, s25  }
0x617: {  	v11 =	vadd.s32 $0x1800, v4;
	v10 =	vld [tilespmem:s5+$0x0]  }
0x618: {  	s23 =	sor.u32 s18, s1;
	[tilespmem:v6+s20+$0x0] =	vst.idx.add.f32.msk $0xffff, v8  }
0x619: {  	s3 =	sadd.s32 $0xA300, s22;
	v6 =	vld [tilespmem:s23+$0x0]  }
0x61a: {  	s25 =	sor.u32 s24, s3;
	v8 =	vadd.s32 $0x2000, v3;
	[tilespmem:v7+s20+$0x0] =	vst.idx.add.f32.msk $0xffff, v5  }
0x61b: {  	v7 =	vadd.s32 $0x3000, v2;
	v5 =	vld [tilespmem:s25+$0x0]  }
0x61c: {  	s26 =	sor.u32 s6, s1;
	[tilespmem:v11+s20+$0x0] =	vst.idx.add.f32.msk $0xffff, v10  }
0x61d: {  	s1 =	sor.u32 s0, s1;
	v10 =	vadd.s32 $0x2000, v4;
	v11 =	vld [tilespmem:s26+$0x0]  }
0x61e: {  	v12 =	vld [tilespmem:s1+$0x0]  }
0x61f: {  	s1 =	sadd.s32 $0xA380, s22;
	[tilespmem:v8+s20+$0x0] =	vst.idx.add.f32.msk $0xffff, v6  }
0x620: {  	v63 =	vadd.s32 $0x2000, v9;
	s5 =	sor.u32 s24, s1;
	[tilespmem:v7+s20+$0x0] =	vst.idx.add.f32.msk $0xffff, v5  }
0x621: {  	v2 =	vadd.s32 $0x3800, v2;
	v5 =	vld [tilespmem:s5+$0x0]  }
0x622: {  	s8 =	sor.u32 s6, s4;
	[tilespmem:v10+s20+$0x0] =	vst.idx.add.f32.msk $0xffff, v11  }
0x623: {  	s7 =	sor.u32 s18, s4;
	v8 =	vadd.s32 $0x2800, v4;
	v10 =	vld [tilespmem:s8+$0x0]  }
0x624: {  	v6 =	vadd.s32 $0x2800, v3;
	v7 =	vld [tilespmem:s7+$0x0]  }
0x625: {  	[tilespmem:v63+s20+$0x0] =	vst.idx.add.f32.msk $0xffff, v12  }
0x626: {  	s22 =	sor.u32 s0, s4;
	[tilespmem:v2+s20+$0x0] =	vst.idx.add.f32.msk $0xffff, v5  }
0x627: {  	v2 =	vadd.s32 $0x2800, v9;
	v5 =	vld [tilespmem:s22+$0x0]  }
0x628: {  	[tilespmem:v8+s20+$0x0] =	vst.idx.add.f32.msk $0xffff, v10  }
0x629: {  	s23 =	sor.u32 s18, s3;
	[tilespmem:v6+s20+$0x0] =	vst.idx.add.f32.msk $0xffff, v7  }
0x62a: {  	s24 =	sor.u32 s6, s3;
	v6 =	vadd.s32 $0x3000, v3;
	v7 =	vld [tilespmem:s23+$0x0]  }
0x62b: {  	v11 =	vld [tilespmem:s24+$0x0]  }
0x62c: {  	s25 =	sor.u32 s0, s3;
	v10 =	vadd.s32 $0x3000, v4;
	[tilespmem:v2+s20+$0x0] =	vst.idx.add.f32.msk $0xffff, v5  }
0x62d: {  	v8 =	vadd.s32 $0x3000, v9;
	v5 =	vld [tilespmem:s25+$0x0];
	_ =	sdelay $0x1  }
0x62e: {  	s26 =	sor.u32 s18, s1;
	[tilespmem:v6+s20+$0x0] =	vst.idx.add.f32.msk $0xffff, v7  }
0x62f: {  	v6 =	vadd.s32 $0x3800, v3;
	v7 =	vld [tilespmem:s26+$0x0]  }
0x630: {  	s23 =	sor.u32 s6, s1;
	s22 =	sor.u32 s0, s1;
	[tilespmem:v10+s20+$0x0] =	vst.idx.add.f32.msk $0xffff, v11;
	v2 =	vadd.s32 $0x3800, v4;
	v3 =	vadd.s32 $0x3800, v9  }
.LBB2_80:
0x631: {  	s29 =	sadd.s32 $0x40, s29;
	[tilespmem:v8+s20+$0x0] =	vst.idx.add.f32.msk $0xffff, v5;
	s28 =	sadd.s32 $0x200, s28  }
0x632: {  	s18 =	sand.u32 $0x40, s29;
	s24 =	sand.u32 $0x7C00, s28;
	p1 =	slt.u32 s29, $0xFC0;
	v5 =	vld [tilespmem:s23+$0x0]  }
0x633: {  	s1 =	sshrl.u32 s24, $0x2;
	s0 =	sor.u32 $0x10, s18;
	s6 =	sor.u32 $0x30, s18;
	v4 =	vld [tilespmem:s22+$0x0]  }
0x634: {  	s22 =	sor.u32 $0x20, s18;
	s2 =	sor.u32 s0, s1;
	s3 =	sor.u32 s6, s1;
	[tilespmem:v6+s20+$0x0] =	vst.idx.add.f32.msk $0xffff, v7  }
0x635: {  	s4 =	sor.u32 s18, s1;
	s1 =	sor.u32 s22, s1;
	v7 =	vld [tilespmem:s3+$0x80]  }
0x636: {  	s3 =	sadd.s32 $0xA000, s24;
	v6 =	vld [tilespmem:s2+$0x80]  }
0x637: {  	s2 =	sor.u32 s0, s3;
	s5 =	sor.u32 s6, s3;
	v13 =	vld [tilespmem:s1+$0x80];
	s1 =	sor.u32 s22, s3  }
0x638: {  	s3 =	sor.u32 s18, s3;
	v8 =	vld [tilespmem:s5+$0x0]  }
0x639: {  	v17 =	vld [tilespmem:s4+$0x80]  }
0x63a: {  	v10 =	vld [tilespmem:s2+$0x0]  }
0x63b: {  	v18 =	vadd.s32 $0x800, v6;
	v19 =	vadd.s32 $0x1000, v6;
	v20 =	vadd.s32 $0x1800, v6;
	v21 =	vld [tilespmem:s1+$0x0]  }
0x63c: {  	s1 =	sadd.s32 $0xA080, s24;
	v22 =	vld [tilespmem:s3+$0x0];
	v23 =	vadd.s32 $0x800, v13;
	v24 =	vadd.s32 $0x1000, v13;
	v25 =	vadd.s32 $0x1800, v13  }
0x63d: {  	v15 =	vadd.s32 $0x2000, v6;
	v9 =	vadd.s32 $0x2800, v6;
	s2 =	sor.u32 s0, s1;
	s3 =	sor.u32 s22, s1;
	v16 =	vadd.s32 $0x2000, v13;
	s4 =	sor.u32 s6, s1;
	[tilespmem:v7+s20+$0x0] =	vst.idx.add.f32.msk $0xffff, v8  }
0x63e: {  	v29 =	vadd.s32 $0x800, v7;
	s1 =	sor.u32 s18, s1;
	v26 =	vadd.s32 $0x800, v17;
	v27 =	vadd.s32 $0x1000, v17;
	v28 =	vld [tilespmem:s4+$0x0]  }
0x63f: {  	v14 =	vadd.s32 $0x2800, v13;
	v30 =	vadd.s32 $0x1800, v17;
	v31 =	vadd.s32 $0x2000, v17;
	[tilespmem:v6+s20+$0x0] =	vst.idx.add.f32.msk $0xffff, v10  }
0x640: {  	v11 =	vadd.s32 $0x3000, v6;
	v12 =	vadd.s32 $0x2800, v17;
	v10 =	vadd.s32 $0x3000, v13;
	[tilespmem:v13+s20+$0x0] =	vst.idx.add.f32.msk $0xffff, v21  }
0x641: {  	v8 =	vadd.s32 $0x3000, v17;
	v6 =	vadd.s32 $0x3800, v6;
	v21 =	vadd.s32 $0x3800, v13;
	[tilespmem:v17+s20+$0x0] =	vst.idx.add.f32.msk $0xffff, v22  }
0x642: {  	s4 =	sadd.s32 $0xA100, s24;
	v13 =	vadd.s32 $0x3800, v17;
	v17 =	vld [tilespmem:s2+$0x0]  }
0x643: {  	s5 =	sor.u32 s22, s4;
	s7 =	sor.u32 s6, s4;
	s2 =	sor.u32 s0, s4;
	[tilespmem:v29+s20+$0x0] =	vst.idx.add.f32.msk $0xffff, v28  }
0x644: {  	s4 =	sor.u32 s18, s4;
	v28 =	vadd.s32 $0x1000, v7;
	v22 =	vld [tilespmem:s7+$0x0]  }
0x645: {  	v29 =	vld [tilespmem:s3+$0x0]  }
0x646: {  	v32 =	vld [tilespmem:s1+$0x0]  }
0x647: {  	[tilespmem:v18+s20+$0x0] =	vst.idx.add.f32.msk $0xffff, v17  }
0x648: {  	s1 =	sadd.s32 $0xA180, s24;
	v17 =	vld [tilespmem:s2+$0x0]  }
0x649: {  	s3 =	sor.u32 s22, s1;
	s7 =	sor.u32 s6, s1;
	s2 =	sor.u32 s0, s1;
	[tilespmem:v28+s20+$0x0] =	vst.idx.add.f32.msk $0xffff, v22  }
0x64a: {  	s1 =	sor.u32 s18, s1;
	v22 =	vadd.s32 $0x1800, v7;
	v18 =	vld [tilespmem:s7+$0x0]  }
0x64b: {  	[tilespmem:v23+s20+$0x0] =	vst.idx.add.f32.msk $0xffff, v29  }
0x64c: {  	[tilespmem:v26+s20+$0x0] =	vst.idx.add.f32.msk $0xffff, v32  }
0x64d: {  	v23 =	vld [tilespmem:s5+$0x0]  }
0x64e: {  	v26 =	vld [tilespmem:s4+$0x0];
	s4 =	sadd.s32 $0xA200, s24  }
0x64f: {  	s5 =	sor.u32 s0, s4;
	s7 =	sor.u32 s22, s4;
	[tilespmem:v22+s20+$0x0] =	vst.idx.add.f32.msk $0xffff, v18;
	s8 =	sor.u32 s6, s4  }
0x650: {  	s4 =	sor.u32 s18, s4;
	v22 =	vadd.s32 $0x2000, v7;
	v18 =	vld [tilespmem:s8+$0x0]  }
0x651: {  	[tilespmem:v19+s20+$0x0] =	vst.idx.add.f32.msk $0xffff, v17  }
0x652: {  	[tilespmem:v24+s20+$0x0] =	vst.idx.add.f32.msk $0xffff, v23  }
0x653: {  	[tilespmem:v27+s20+$0x0] =	vst.idx.add.f32.msk $0xffff, v26  }
0x654: {  	s8 =	sadd.s32 $0xA280, s24;
	v17 =	vld [tilespmem:s2+$0x0]  }
0x655: {  	s25 =	sor.u32 s22, s8;
	s23 =	sor.u32 s6, s8;
	s2 =	sor.u32 s0, s8;
	[tilespmem:v22+s20+$0x0] =	vst.idx.add.f32.msk $0xffff, v18  }
0x656: {  	v19 =	vadd.s32 $0x2800, v7;
	s8 =	sor.u32 s18, s8;
	v18 =	vld [tilespmem:s23+$0x0]  }
0x657: {  	v22 =	vld [tilespmem:s3+$0x0]  }
0x658: {  	v23 =	vld [tilespmem:s1+$0x0]  }
0x659: {  	[tilespmem:v20+s20+$0x0] =	vst.idx.add.f32.msk $0xffff, v17  }
0x65a: {  	s1 =	sadd.s32 $0xA300, s24;
	v17 =	vld [tilespmem:s5+$0x0]  }
0x65b: {  	s3 =	sor.u32 s0, s1;
	s23 =	sor.u32 s6, s1;
	s5 =	sor.u32 s22, s1;
	[tilespmem:v19+s20+$0x0] =	vst.idx.add.f32.msk $0xffff, v18  }
0x65c: {  	s1 =	sor.u32 s18, s1;
	v19 =	vadd.s32 $0x3000, v7;
	v18 =	vld [tilespmem:s23+$0x0]  }
0x65d: {  	[tilespmem:v25+s20+$0x0] =	vst.idx.add.f32.msk $0xffff, v22  }
0x65e: {  	[tilespmem:v30+s20+$0x0] =	vst.idx.add.f32.msk $0xffff, v23  }
0x65f: {  	v20 =	vld [tilespmem:s7+$0x0]  }
0x660: {  	v22 =	vld [tilespmem:s4+$0x0];
	s4 =	sadd.s32 $0xA380, s24  }
0x661: {  	s0 =	sor.u32 s0, s4;
	s23 =	sor.u32 s22, s4;
	[tilespmem:v19+s20+$0x0] =	vst.idx.add.f32.msk $0xffff, v18;
	s6 =	sor.u32 s6, s4  }
0x662: {  	v7 =	vadd.s32 $0x3800, v7;
	s22 =	sor.u32 s18, s4;
	v18 =	vld [tilespmem:s6+$0x0]  }
0x663: {  	[tilespmem:v15+s20+$0x0] =	vst.idx.add.f32.msk $0xffff, v17  }
0x664: {  	[tilespmem:v16+s20+$0x0] =	vst.idx.add.f32.msk $0xffff, v20  }
0x665: {  	[tilespmem:v31+s20+$0x0] =	vst.idx.add.f32.msk $0xffff, v22  }
0x666: {  	v15 =	vld [tilespmem:s2+$0x0]  }
0x667: {  	[tilespmem:v7+s20+$0x0] =	vst.idx.add.f32.msk $0xffff, v18  }
0x668: {  	v7 =	vld [tilespmem:s25+$0x0]  }
0x669: {  	v16 =	vld [tilespmem:s8+$0x0]  }
0x66a: {  	[tilespmem:v2+s20+$0x0] =	vst.idx.add.f32.msk $0xffff, v5;
	v2 =	vmov v21  }
0x66b: {  	[tilespmem:v9+s20+$0x0] =	vst.idx.add.f32.msk $0xffff, v15  }
0x66c: {  	v9 =	vld [tilespmem:s3+$0x0]  }
0x66d: {  	[tilespmem:v14+s20+$0x0] =	vst.idx.add.f32.msk $0xffff, v7  }
0x66e: {  	[tilespmem:v12+s20+$0x0] =	vst.idx.add.f32.msk $0xffff, v16  }
0x66f: {  	v12 =	vld [tilespmem:s5+$0x0]  }
.Ltmp41:
0x670: {  	v5 =	vld [tilespmem:s1+$0x0];
	(pc) =	sbr.rel @p1 .LBB2_80-.Ltmp41, $4  }
0x671: {  	[tilespmem:v11+s20+$0x0] =	vst.idx.add.f32.msk $0xffff, v9  }
0x672: {  	v7 =	vld [tilespmem:s0+$0x0]  }
0x673: {  	[tilespmem:v3+s20+$0x0] =	vst.idx.add.f32.msk $0xffff, v4;
	v3 =	vmov v13  }
0x674: {  	[tilespmem:v10+s20+$0x0] =	vst.idx.add.f32.msk $0xffff, v12  }
0x675: {  	_ =	sdelay $0x3  }
0x676: {  	[tilespmem:v8+s20+$0x0] =	vst.idx.add.f32.msk $0xffff, v5  }
0x677: {  	v4 =	vld [tilespmem:s23+$0x0]  }
0x678: {  	v5 =	vld [tilespmem:s22+$0x0];
	_ =	sdelay $0x1  }
.Ltmp42:
0x679: {  	_ = 	snop;
	(pc) =	sbr.rel @p0 .LBB2_85-.Ltmp42, $4  }
0x67a: {  	[tilespmem:v6+s20+$0x0] =	vst.idx.add.f32.msk $0xffff, v7  }
0x67b: {  	[tilespmem:v2+s20+$0x0] =	vst.idx.add.f32.msk $0xffff, v4  }
0x67c: {  	[tilespmem:v3+s20+$0x0] =	vst.idx.add.f32.msk $0xffff, v5  }
0x67d: {  	s4 =	rddreg [dreg:$0x16]  }
0x67e: {  	p1 =	por $0x0, $0x0;
	s0 =	simm.s32 $0x1  }
0x67f: {  	s0 =	simm.s32 @!p1 $0x0  }
0x680: {  	s0 =	sshll.u32 s0, $0x6  }
0x681: {  	s0 =	sadd.s32 $0x0, s0  }
0x682: {  	s1 =	sor.u32 $0xB0, s0  }
0x683: {  	v3 =	vld [tilespmem:s1+$0x0];
	_ =	sdelay $0x1  }
0x684: {  	s2 =	simm.s32 $0x1;
	p1 =	por !p1, !p1  }
0x685: {  	s2 =	simm.s32 @!p1 $0x0;
	s24 =	sor.u32 $0x80, s0  }
0x686: {  	s25 =	sshll.u32 s2, $0x6;
	s3 =	sor.u32 $0x90, s0;
	v8 =	vld [tilespmem:s24+$0x0]  }
0x687: {  	s0 =	sor.u32 $0xA0, s0;
	s26 =	sadd.s32 $0x80, s25;
	v2 =	vld [tilespmem:s3+$0x0]  }
0x688: {  	v4 =	vld [tilespmem:s0+$0x0];
	s28 =	sor.u32 $0x80, s26  }
0x689: {  	v6 =	vld [tilespmem:s28+$0x0]  }
0x68a: {  	s1 =	sor.u32 $0xB0, s26;
	[tilespmem:v3+s21+$0x0] =	vst.idx.add.f32.msk $0xffff, v1  }
0x68b: {  	s29 =	sor.u32 $0x90, s26;
	v3 =	vld [tilespmem:s1+$0x0]  }
0x68c: {  	s0 =	sor.u32 $0xA0, s26;
	v7 =	vld [tilespmem:s29+$0x0]  }
0x68d: {  	v5 =	vld [tilespmem:s0+$0x0]  }
0x68e: {  	s6 =	simm.s32 $0x80;
	p1 =	por !p1, !p1;
	s0 =	simm.s32 $0x40;
	[tilespmem:v8+s21+$0x0] =	vst.idx.add.f32.msk $0xffff, v1  }
.LBB2_83:
0x68f: {  	s1 =	simm.s32 $0x1  }
0x690: {  	s0 =	sadd.s32 $0x40, s0;
	[tilespmem:v2+s21+$0x0] =	vst.idx.add.f32.msk $0xffff, v1;
	s1 =	simm.s32 @!p1 $0x0  }
0x691: {  	s6 =	sadd.s32 $0x80, s6;
	v8 =	vmov v6;
	p2 =	slt.u32 s0, $0xFC0;
	s1 =	sshll.u32 s1, $0x6;
	[tilespmem:v4+s21+$0x0] =	vst.idx.add.f32.msk $0xffff, v1  }
0x692: {  	v2 =	vmov v7;
	s1 =	sadd.s32 s1, s6  }
0x693: {  	v4 =	vmov v5;
	s2 =	sor.u32 $0x80, s1;
	s3 =	sor.u32 $0x90, s1;
	s4 =	sor.u32 $0xB0, s1;
	[tilespmem:v3+s21+$0x0] =	vst.idx.add.f32.msk $0xffff, v1  }
.Ltmp43:
0x694: {  	s1 =	sor.u32 $0xA0, s1;
	v3 =	vld [tilespmem:s4+$0x0];
	(pc) =	sbr.rel @p2 .LBB2_83-.Ltmp43, $4  }
0x695: {  	v6 =	vld [tilespmem:s2+$0x0]  }
0x696: {  	v7 =	vld [tilespmem:s3+$0x0]  }
0x697: {  	v5 =	vld [tilespmem:s1+$0x0]  }
0x698: {  	p1 =	por !p1, !p1;
	[tilespmem:v8+s21+$0x0] =	vst.idx.add.f32.msk $0xffff, v1  }
.Ltmp44:
0x699: {  	_ = 	snop;
	(pc) =	sbr.rel .LBB2_84-.Ltmp44, $1  }
0x69a: {  	_ =	sdelay $0x3  }
.LBB2_86:
0x69b: {  	_ =	sfence.sel $0x180000  }
0x69c: {  	[bflag:$0x0] =	sbarrier.arrive $0xFFFF  }
0x69d: {  	_ =	strace $0x90000047  }
0x69e: {  	s0 =	stileid.u32;
	[bflag:$0x2] =	sbarrier.arrive $0xFFFF  }
0x69f: {  	p0 =	sne.s32 s0, $0x0;
	s0 =	rddreg [dreg:$0x4]  }
0x6a0: {  	s0 =	sadd.s32 @!p0 $0x100000, s0  }
0x6a1: {  	[sflag:s0] =	ssyncadd.tile.s32 @!p0 $0x1;
	_ =	shalt  }
.Lfunc_end2:
_tile_overlayer_lowered:
.L_overlay_start_2:
0x6a2: {  	(tag) =	ssettag $0x2  }
0x6a3: {  	s0 =	rddreg [dreg:$0x0];
	s2 =	stileid.u32  }
0x6a4: {  	s1 =	rddreg [dreg:$0x1];
	p0 =	sne.s32 s2, $0x0  }
0x6a5: {  	s3 =	rddreg [dreg:$0x2];
	[bflag:$0x3] =	sbarrier.arrive $0xFFFF;
	s2 =	simm.s32 @!p0 $0x1C06  }
0x6a6: {  	[timem:s3], [sflag:s2] =	dma.local @!p0 [hbm:s0], s1  }
0x6a7: {  	s0 =	simm.s32 @!p0 $0x6  }
0x6a8: {  	_ =	swait.ge @!p0 [sflag:s0], s1  }
0x6a9: {  	s1 =	ssub.s32 @!p0 $0x0, s1;
	[sflag:s0] =	ssyncset.done @!p0 $0x0  }
0x6aa: {  	[sflag:s0] =	ssyncadd.s32 @!p0 s1  }
0x6ab: {  	[bflag:$0x3] =	sbarrier.arrive $0xFFFF  }
0x6ac: {  	_ =	shalt  }

</sc_bundles>
